<compile_context>
chip_gen: v7x
topology: tpu7x:2x2x1
jax: 0.10.2.dev20260603
libtpu: 0.0.44.dev20260713+nightly
codegen_flags: <defaults>
</compile_context>

<pallas_src>
import functools

import jax
import jax.numpy as jnp
from jax import lax
from jax.experimental import pallas as pl
from jax.experimental.pallas import tpu as pltpu
from jax.experimental.pallas import tpu_sc as plsc


def kernel(x_user, x_track_pos, x_track_neg, user_mat, track_mat):
    B = x_user.shape[0]
    V, D = user_mat.shape
    info = plsc.get_sparse_core_info()
    NW = info.num_cores * info.num_subcores
    L = info.num_lanes
    b = B // NW
    K = 8

    ut = user_mat.T
    tt = track_mat.T

    mesh = plsc.VectorSubcoreMesh(core_axis_name="c", subcore_axis_name="s")
    out_sds = jax.ShapeDtypeStruct((D, B), jnp.float32)

    @functools.partial(
        pl.kernel,
        mesh=mesh,
        out_type=(out_sds, out_sds, out_sds),
        scratch_types=(
            [pltpu.VMEM((b,), jnp.int32),
             pltpu.VMEM((K * D, 128), jnp.float32),
             pltpu.VMEM((D, b), jnp.float32)]
            + [pltpu.SemaphoreType.DMA for _ in range(K + 1)]
        ),
        compiler_params=pltpu.CompilerParams(needs_layout_passes=False),
    )
    def gather3(xu, xp, xn, ut_r, tt_r, out_u, out_p, out_n,
                idx_v, ring, vals, *sems):
        wid = lax.axis_index("s") * info.num_cores + lax.axis_index("c")
        base = wid * b
        lanes = lax.iota(jnp.int32, L)

        sem_o = sems[K]

        def one(x_hbm, tf, out_hbm, wb_prev):
            pltpu.sync_copy(x_hbm.at[pl.ds(base, b)], idx_v)

            def fire(xi, slot):
                blk = pl.multiple_of((xi >> 7) * 128, 128)
                pltpu.async_copy(
                    tf.at[pl.ds(0, D), pl.ds(blk, 128)],
                    ring.at[pl.ds(slot * D, D), pl.ds(0, 128)],
                    sems[slot])

            def drain_extract(xi, i_dst, slot):
                pltpu.make_async_copy(
                    tf.at[pl.ds(0, D), pl.ds(0, 128)],
                    ring.at[pl.ds(slot * D, D), pl.ds(0, 128)],
                    sems[slot]).wait()
                col = jnp.broadcast_to(xi & 127, (L,))
                dst = jnp.broadcast_to(i_dst, (L,))
                for t in range(D // L):
                    row = slot * D + t * L + lanes
                    v = plsc.load_gather(ring, [row, col])
                    plsc.store_scatter(vals, [t * L + lanes, dst], v)

            first = idx_v[pl.ds(0, L)]
            for s in range(K):
                fire(first[s], s)
            if wb_prev is not None:
                wb_prev.wait()

            def body(g, _):
                ch = idx_v[pl.ds(g * K, 2 * K)]
                for s in range(K):
                    drain_extract(ch[s], g * K + s, s)
                    fire(ch[K + s], s)
                return 0

            lax.fori_loop(0, b // K - 1, body, 0)
            last = idx_v[pl.ds(b - 2 * K, 2 * K)]
            for s in range(K):
                drain_extract(last[K + s], b - K + s, s)
            return pltpu.async_copy(
                vals, out_hbm.at[pl.ds(0, D), pl.ds(base, b)], sem_o)

        wb = one(xu, ut_r, out_u, None)
        wb = one(xp, tt_r, out_p, wb)
        wb = one(xn, tt_r, out_n, wb)
        wb.wait()

    u_t, p_t, n_t = gather3(x_user, x_track_pos, x_track_neg, ut, tt)
    return (u_t.T, p_t.T, n_t.T)

# --- scband reference (transcript-rebuilt; emitter-appended) ---
"""Pipeline reference for scband-contrastive-model-27539330302021 (READ-ONLY COPY).

The authoritative reference and input builder live on the scoring server;
editing this copy changes nothing except your own understanding.
"""

import jax, jax.numpy as jnp
import numpy as np

USER_SIZE = 1000000
TRACK_SIZE = 1000000
N_DIM = 64
BATCH = 16384

def setup_inputs(seed: int = 0) -> dict:
    key = jax.random.key(seed)
    k_u, k_p, k_n, k_um, k_tm = jax.random.split(key, 5)
    x_user = jax.random.randint(k_u, (BATCH,), 0, USER_SIZE, dtype=jnp.int64 if jax.config.jax_enable_x64 else jnp.int32)
    x_track_pos = jax.random.randint(k_p, (BATCH,), 0, TRACK_SIZE, dtype=jnp.int64 if jax.config.jax_enable_x64 else jnp.int32)
    x_track_neg = jax.random.randint(k_n, (BATCH,), 0, TRACK_SIZE, dtype=jnp.int64 if jax.config.jax_enable_x64 else jnp.int32)
    ku = 1.0 / USER_SIZE ** 0.5
    kt = 1.0 / TRACK_SIZE ** 0.5
    user_mat = jax.random.uniform(k_um, (USER_SIZE, N_DIM), dtype=jnp.float32, minval=-ku, maxval=ku)
    track_mat = jax.random.uniform(k_tm, (TRACK_SIZE, N_DIM), dtype=jnp.float32, minval=-kt, maxval=kt)
    return {"x_user": x_user, "x_track_pos": x_track_pos, "x_track_neg": x_track_neg, "user_mat": user_mat, "track_mat": track_mat}

def reference(x_user, x_track_pos, x_track_neg, user_mat, track_mat):
    # UserEncoder.forward: self.mat[x.flatten()]
    u = jnp.take(user_mat, x_user.reshape(-1), axis=0)
    # TrackEncoder.forward for positive and negative tracks
    p = jnp.take(track_mat, x_track_pos.reshape(-1), axis=0)
    n = jnp.take(track_mat, x_track_neg.reshape(-1), axis=0)
    return (u, p, n)

if __name__ == "__main__":
    import jax
    _d = setup_inputs()
    print(jax.jit(kernel)(*tuple(_d.values())))

</pallas_src>

<mosaic_0001>
#map = affine_map<(d0, d1) -> (0)>
#map1 = affine_map<(d0, d1) -> (0, 0)>
module attributes {stable_mosaic.version = 14 : i64} {
  func.func @gather3(%arg0: i32, %arg1: i32, %arg2: memref<16384xi32, #tpu.memory_space<hbm>>, %arg3: memref<16384xi32, #tpu.memory_space<hbm>>, %arg4: memref<16384xi32, #tpu.memory_space<hbm>>, %arg5: memref<64x1000000xf32, #tpu.memory_space<hbm>>, %arg6: memref<64x1000000xf32, #tpu.memory_space<hbm>>, %arg7: memref<64x16384xf32, #tpu.memory_space<hbm>>, %arg8: memref<64x16384xf32, #tpu.memory_space<hbm>>, %arg9: memref<64x16384xf32, #tpu.memory_space<hbm>>, %arg10: memref<512xi32, #tpu.memory_space<vmem>>, %arg11: memref<512x128xf32, #tpu.memory_space<vmem>>, %arg12: memref<64x512xf32, #tpu.memory_space<vmem>>, %arg13: memref<!tpu.dma_semaphore, #tpu.memory_space<semaphore_mem>>, %arg14: memref<!tpu.dma_semaphore, #tpu.memory_space<semaphore_mem>>, %arg15: memref<!tpu.dma_semaphore, #tpu.memory_space<semaphore_mem>>, %arg16: memref<!tpu.dma_semaphore, #tpu.memory_space<semaphore_mem>>, %arg17: memref<!tpu.dma_semaphore, #tpu.memory_space<semaphore_mem>>, %arg18: memref<!tpu.dma_semaphore, #tpu.memory_space<semaphore_mem>>, %arg19: memref<!tpu.dma_semaphore, #tpu.memory_space<semaphore_mem>>, %arg20: memref<!tpu.dma_semaphore, #tpu.memory_space<semaphore_mem>>, %arg21: memref<!tpu.dma_semaphore, #tpu.memory_space<semaphore_mem>>) attributes {dimension_semantics = [#tpu.dimension_semantics<core_parallel>, #tpu.dimension_semantics<subcore_parallel>], iteration_bounds = array<i64: 2, 16>, scalar_prefetch = 0 : i64, scratch_operands = 12 : i64, tpu.core_type = #tpu.core_type<sc_vector_subcore>, window_params = [{transform_indices = #map}, {transform_indices = #map}, {transform_indices = #map}, {transform_indices = #map1}, {transform_indices = #map1}, {transform_indices = #map1}, {transform_indices = #map1}, {transform_indices = #map1}]} {
    %mul3A = arith.constant 2 : i32
    %mul3A_0 = arith.muli %arg1, %mul3A : i32
    %add3A = arith.addi %mul3A_0, %arg0 : i32
    %mul3A_1 = arith.constant 512 : i32
    %mul3A_2 = arith.muli %add3A, %mul3A_1 : i32
    %iota3A = tpu.iota {dimensions = array<i32: 0>} : vector<16xi32>
    "tpu.region"() ({
      %run_scoped3A = tpu.sem_alloc : memref<!tpu.dma_semaphore, #tpu.memory_space<semaphore_mem>>
      %dma_start3A_1585 = tpu.memref_slice %arg2[%mul3A_2] : memref<16384xi32, #tpu.memory_space<hbm>> -> memref<512xi32, #tpu.memory_space<hbm>>
      %dma_start3A_1586 = tpu.memref_slice %arg2[%mul3A_2] : memref<16384xi32, #tpu.memory_space<hbm>> -> memref<512xi32, #tpu.memory_space<hbm>>
      tpu.enqueue_dma source(%dma_start3A_1586 : memref<512xi32, #tpu.memory_space<hbm>>) target(%arg10 : memref<512xi32, #tpu.memory_space<vmem>>) target_semaphore(%run_scoped3A : memref<!tpu.dma_semaphore, #tpu.memory_space<semaphore_mem>>)
      %dma_wait3A_1587 = tpu.memref_slice %arg2[%mul3A_2] : memref<16384xi32, #tpu.memory_space<hbm>> -> memref<512xi32, #tpu.memory_space<hbm>>
      %dma_wait3A_1588 = tpu.memref_slice %arg2[%mul3A_2] : memref<16384xi32, #tpu.memory_space<hbm>> -> memref<512xi32, #tpu.memory_space<hbm>>
      tpu.wait_dma2 semaphore(%run_scoped3A : memref<!tpu.dma_semaphore, #tpu.memory_space<semaphore_mem>>) src(%dma_wait3A_1588 : memref<512xi32, #tpu.memory_space<hbm>>) dst(%arg10 : memref<512xi32, #tpu.memory_space<vmem>>)
      tpu.yield
    }) : () -> ()
    %get3A = arith.constant 0 : index
    %get3A_3 = tpu.vector_load %arg10[%get3A] {strides = array<i32>} : memref<512xi32, #tpu.memory_space<vmem>>, vector<16xi32>,
    %slice3A = vector.extract_strided_slice %get3A_3 {offsets = [0], sizes = [1], strides = [1]} : vector<16xi32> to vector<1xi32>
    %squeeze3A = vector.extract %slice3A[0] : i32 from vector<1xi32>
    %shift_right_arithmetic3A = arith.constant 7 : i32
    %shift_right_arithmetic3A_4 = arith.shrsi %squeeze3A, %shift_right_arithmetic3A : i32
    %mul3A_5 = arith.constant 128 : i32
    %mul3A_6 = arith.muli %shift_right_arithmetic3A_4, %mul3A_5 : i32
    %multiple_of3A = tpu.assume_multiple %mul3A_6, 128 : i32
    %dma_start3A = arith.constant 0 : i32
    %dma_start3A_7 = arith.constant 0 : i32
    %dma_start3A_8 = tpu.memref_slice %arg11[%dma_start3A, %dma_start3A_7] : memref<512x128xf32, #tpu.memory_space<vmem>> -> memref<64x128xf32, #tpu.memory_space<vmem>>
    %dma_start3A_9 = arith.constant 0 : i32
    %dma_start3A_10 = tpu.memref_slice %arg5[%dma_start3A_9, %multiple_of3A] : memref<64x1000000xf32, #tpu.memory_space<hbm>> -> memref<64x128xf32, #tpu.memory_space<hbm>>
    %dma_start3A_11 = arith.constant 0 : i32
    %dma_start3A_12 = arith.constant 0 : i32
    %dma_start3A_13 = tpu.memref_slice %arg11[%dma_start3A_11, %dma_start3A_12] : memref<512x128xf32, #tpu.memory_space<vmem>> -> memref<64x128xf32, #tpu.memory_space<vmem>>
    %dma_start3A_14 = arith.constant 0 : i32
    %dma_start3A_15 = tpu.memref_slice %arg5[%dma_start3A_14, %multiple_of3A] : memref<64x1000000xf32, #tpu.memory_space<hbm>> -> memref<64x128xf32, #tpu.memory_space<hbm>>
    tpu.enqueue_dma source(%dma_start3A_15 : memref<64x128xf32, #tpu.memory_space<hbm>>) target(%dma_start3A_13 : memref<64x128xf32, #tpu.memory_space<vmem>>) target_semaphore(%arg13 : memref<!tpu.dma_semaphore, #tpu.memory_space<semaphore_mem>>)
    %slice3A_16 = vector.extract_strided_slice %get3A_3 {offsets = [1], sizes = [1], strides = [1]} : vector<16xi32> to vector<1xi32>
    %squeeze3A_17 = vector.extract %slice3A_16[0] : i32 from vector<1xi32>
    %shift_right_arithmetic3A_18 = arith.constant 7 : i32
    %shift_right_arithmetic3A_19 = arith.shrsi %squeeze3A_17, %shift_right_arithmetic3A_18 : i32
    %mul3A_20 = arith.constant 128 : i32
    %mul3A_21 = arith.muli %shift_right_arithmetic3A_19, %mul3A_20 : i32
    %multiple_of3A_22 = tpu.assume_multiple %mul3A_21, 128 : i32
    %dma_start3A_23 = arith.constant 64 : i32
    %dma_start3A_24 = arith.constant 0 : i32
    %dma_start3A_25 = tpu.memref_slice %arg11[%dma_start3A_23, %dma_start3A_24] : memref<512x128xf32, #tpu.memory_space<vmem>> -> memref<64x128xf32, #tpu.memory_space<vmem>>
    %dma_start3A_26 = arith.constant 0 : i32
    %dma_start3A_27 = tpu.memref_slice %arg5[%dma_start3A_26, %multiple_of3A_22] : memref<64x1000000xf32, #tpu.memory_space<hbm>> -> memref<64x128xf32, #tpu.memory_space<hbm>>
    %dma_start3A_28 = arith.constant 64 : i32
    %dma_start3A_29 = arith.constant 0 : i32
    %dma_start3A_30 = tpu.memref_slice %arg11[%dma_start3A_28, %dma_start3A_29] : memref<512x128xf32, #tpu.memory_space<vmem>> -> memref<64x128xf32, #tpu.memory_space<vmem>>
    %dma_start3A_31 = arith.constant 0 : i32
    %dma_start3A_32 = tpu.memref_slice %arg5[%dma_start3A_31, %multiple_of3A_22] : memref<64x1000000xf32, #tpu.memory_space<hbm>> -> memref<64x128xf32, #tpu.memory_space<hbm>>
    tpu.enqueue_dma source(%dma_start3A_32 : memref<64x128xf32, #tpu.memory_space<hbm>>) target(%dma_start3A_30 : memref<64x128xf32, #tpu.memory_space<vmem>>) target_semaphore(%arg14 : memref<!tpu.dma_semaphore, #tpu.memory_space<semaphore_mem>>)
    %slice3A_33 = vector.extract_strided_slice %get3A_3 {offsets = [2], sizes = [1], strides = [1]} : vector<16xi32> to vector<1xi32>
    %squeeze3A_34 = vector.extract %slice3A_33[0] : i32 from vector<1xi32>
    %shift_right_arithmetic3A_35 = arith.constant 7 : i32
    %shift_right_arithmetic3A_36 = arith.shrsi %squeeze3A_34, %shift_right_arithmetic3A_35 : i32
    %mul3A_37 = arith.constant 128 : i32
    %mul3A_38 = arith.muli %shift_right_arithmetic3A_36, %mul3A_37 : i32
    %multiple_of3A_39 = tpu.assume_multiple %mul3A_38, 128 : i32
    %dma_start3A_40 = arith.constant 128 : i32
    %dma_start3A_41 = arith.constant 0 : i32
    %dma_start3A_42 = tpu.memref_slice %arg11[%dma_start3A_40, %dma_start3A_41] : memref<512x128xf32, #tpu.memory_space<vmem>> -> memref<64x128xf32, #tpu.memory_space<vmem>>
    %dma_start3A_43 = arith.constant 0 : i32
    %dma_start3A_44 = tpu.memref_slice %arg5[%dma_start3A_43, %multiple_of3A_39] : memref<64x1000000xf32, #tpu.memory_space<hbm>> -> memref<64x128xf32, #tpu.memory_space<hbm>>
    %dma_start3A_45 = arith.constant 128 : i32
    %dma_start3A_46 = arith.constant 0 : i32
    %dma_start3A_47 = tpu.memref_slice %arg11[%dma_start3A_45, %dma_start3A_46] : memref<512x128xf32, #tpu.memory_space<vmem>> -> memref<64x128xf32, #tpu.memory_space<vmem>>
    %dma_start3A_48 = arith.constant 0 : i32
    %dma_start3A_49 = tpu.memref_slice %arg5[%dma_start3A_48, %multiple_of3A_39] : memref<64x1000000xf32, #tpu.memory_space<hbm>> -> memref<64x128xf32, #tpu.memory_space<hbm>>
    tpu.enqueue_dma source(%dma_start3A_49 : memref<64x128xf32, #tpu.memory_space<hbm>>) target(%dma_start3A_47 : memref<64x128xf32, #tpu.memory_space<vmem>>) target_semaphore(%arg15 : memref<!tpu.dma_semaphore, #tpu.memory_space<semaphore_mem>>)
    %slice3A_50 = vector.extract_strided_slice %get3A_3 {offsets = [3], sizes = [1], strides = [1]} : vector<16xi32> to vector<1xi32>
    %squeeze3A_51 = vector.extract %slice3A_50[0] : i32 from vector<1xi32>
    %shift_right_arithmetic3A_52 = arith.constant 7 : i32
    %shift_right_arithmetic3A_53 = arith.shrsi %squeeze3A_51, %shift_right_arithmetic3A_52 : i32
    %mul3A_54 = arith.constant 128 : i32
    %mul3A_55 = arith.muli %shift_right_arithmetic3A_53, %mul3A_54 : i32
    %multiple_of3A_56 = tpu.assume_multiple %mul3A_55, 128 : i32
    %dma_start3A_57 = arith.constant 192 : i32
    %dma_start3A_58 = arith.constant 0 : i32
    %dma_start3A_59 = tpu.memref_slice %arg11[%dma_start3A_57, %dma_start3A_58] : memref<512x128xf32, #tpu.memory_space<vmem>> -> memref<64x128xf32, #tpu.memory_space<vmem>>
    %dma_start3A_60 = arith.constant 0 : i32
    %dma_start3A_61 = tpu.memref_slice %arg5[%dma_start3A_60, %multiple_of3A_56] : memref<64x1000000xf32, #tpu.memory_space<hbm>> -> memref<64x128xf32, #tpu.memory_space<hbm>>
    %dma_start3A_62 = arith.constant 192 : i32
    %dma_start3A_63 = arith.constant 0 : i32
    %dma_start3A_64 = tpu.memref_slice %arg11[%dma_start3A_62, %dma_start3A_63] : memref<512x128xf32, #tpu.memory_space<vmem>> -> memref<64x128xf32, #tpu.memory_space<vmem>>
    %dma_start3A_65 = arith.constant 0 : i32
    %dma_start3A_66 = tpu.memref_slice %arg5[%dma_start3A_65, %multiple_of3A_56] : memref<64x1000000xf32, #tpu.memory_space<hbm>> -> memref<64x128xf32, #tpu.memory_space<hbm>>
    tpu.enqueue_dma source(%dma_start3A_66 : memref<64x128xf32, #tpu.memory_space<hbm>>) target(%dma_start3A_64 : memref<64x128xf32, #tpu.memory_space<vmem>>) target_semaphore(%arg16 : memref<!tpu.dma_semaphore, #tpu.memory_space<semaphore_mem>>)
    %slice3A_67 = vector.extract_strided_slice %get3A_3 {offsets = [4], sizes = [1], strides = [1]} : vector<16xi32> to vector<1xi32>
    %squeeze3A_68 = vector.extract %slice3A_67[0] : i32 from vector<1xi32>
    %shift_right_arithmetic3A_69 = arith.constant 7 : i32
    %shift_right_arithmetic3A_70 = arith.shrsi %squeeze3A_68, %shift_right_arithmetic3A_69 : i32
    %mul3A_71 = arith.constant 128 : i32
    %mul3A_72 = arith.muli %shift_right_arithmetic3A_70, %mul3A_71 : i32
    %multiple_of3A_73 = tpu.assume_multiple %mul3A_72, 128 : i32
    %dma_start3A_74 = arith.constant 256 : i32
    %dma_start3A_75 = arith.constant 0 : i32
    %dma_start3A_76 = tpu.memref_slice %arg11[%dma_start3A_74, %dma_start3A_75] : memref<512x128xf32, #tpu.memory_space<vmem>> -> memref<64x128xf32, #tpu.memory_space<vmem>>
    %dma_start3A_77 = arith.constant 0 : i32
    %dma_start3A_78 = tpu.memref_slice %arg5[%dma_start3A_77, %multiple_of3A_73] : memref<64x1000000xf32, #tpu.memory_space<hbm>> -> memref<64x128xf32, #tpu.memory_space<hbm>>
    %dma_start3A_79 = arith.constant 256 : i32
    %dma_start3A_80 = arith.constant 0 : i32
    %dma_start3A_81 = tpu.memref_slice %arg11[%dma_start3A_79, %dma_start3A_80] : memref<512x128xf32, #tpu.memory_space<vmem>> -> memref<64x128xf32, #tpu.memory_space<vmem>>
    %dma_start3A_82 = arith.constant 0 : i32
    %dma_start3A_83 = tpu.memref_slice %arg5[%dma_start3A_82, %multiple_of3A_73] : memref<64x1000000xf32, #tpu.memory_space<hbm>> -> memref<64x128xf32, #tpu.memory_space<hbm>>
    tpu.enqueue_dma source(%dma_start3A_83 : memref<64x128xf32, #tpu.memory_space<hbm>>) target(%dma_start3A_81 : memref<64x128xf32, #tpu.memory_space<vmem>>) target_semaphore(%arg17 : memref<!tpu.dma_semaphore, #tpu.memory_space<semaphore_mem>>)
    %slice3A_84 = vector.extract_strided_slice %get3A_3 {offsets = [5], sizes = [1], strides = [1]} : vector<16xi32> to vector<1xi32>
    %squeeze3A_85 = vector.extract %slice3A_84[0] : i32 from vector<1xi32>
    %shift_right_arithmetic3A_86 = arith.constant 7 : i32
    %shift_right_arithmetic3A_87 = arith.shrsi %squeeze3A_85, %shift_right_arithmetic3A_86 : i32
    %mul3A_88 = arith.constant 128 : i32
    %mul3A_89 = arith.muli %shift_right_arithmetic3A_87, %mul3A_88 : i32
    %multiple_of3A_90 = tpu.assume_multiple %mul3A_89, 128 : i32
    %dma_start3A_91 = arith.constant 320 : i32
    %dma_start3A_92 = arith.constant 0 : i32
    %dma_start3A_93 = tpu.memref_slice %arg11[%dma_start3A_91, %dma_start3A_92] : memref<512x128xf32, #tpu.memory_space<vmem>> -> memref<64x128xf32, #tpu.memory_space<vmem>>
    %dma_start3A_94 = arith.constant 0 : i32
    %dma_start3A_95 = tpu.memref_slice %arg5[%dma_start3A_94, %multiple_of3A_90] : memref<64x1000000xf32, #tpu.memory_space<hbm>> -> memref<64x128xf32, #tpu.memory_space<hbm>>
    %dma_start3A_96 = arith.constant 320 : i32
    %dma_start3A_97 = arith.constant 0 : i32
    %dma_start3A_98 = tpu.memref_slice %arg11[%dma_start3A_96, %dma_start3A_97] : memref<512x128xf32, #tpu.memory_space<vmem>> -> memref<64x128xf32, #tpu.memory_space<vmem>>
    %dma_start3A_99 = arith.constant 0 : i32
    %dma_start3A_100 = tpu.memref_slice %arg5[%dma_start3A_99, %multiple_of3A_90] : memref<64x1000000xf32, #tpu.memory_space<hbm>> -> memref<64x128xf32, #tpu.memory_space<hbm>>
    tpu.enqueue_dma source(%dma_start3A_100 : memref<64x128xf32, #tpu.memory_space<hbm>>) target(%dma_start3A_98 : memref<64x128xf32, #tpu.memory_space<vmem>>) target_semaphore(%arg18 : memref<!tpu.dma_semaphore, #tpu.memory_space<semaphore_mem>>)
    %slice3A_101 = vector.extract_strided_slice %get3A_3 {offsets = [6], sizes = [1], strides = [1]} : vector<16xi32> to vector<1xi32>
    %squeeze3A_102 = vector.extract %slice3A_101[0] : i32 from vector<1xi32>
    %shift_right_arithmetic3A_103 = arith.constant 7 : i32
    %shift_right_arithmetic3A_104 = arith.shrsi %squeeze3A_102, %shift_right_arithmetic3A_103 : i32
    %mul3A_105 = arith.constant 128 : i32
    %mul3A_106 = arith.muli %shift_right_arithmetic3A_104, %mul3A_105 : i32
    %multiple_of3A_107 = tpu.assume_multiple %mul3A_106, 128 : i32
    %dma_start3A_108 = arith.constant 384 : i32
    %dma_start3A_109 = arith.constant 0 : i32
    %dma_start3A_110 = tpu.memref_slice %arg11[%dma_start3A_108, %dma_start3A_109] : memref<512x128xf32, #tpu.memory_space<vmem>> -> memref<64x128xf32, #tpu.memory_space<vmem>>
    %dma_start3A_111 = arith.constant 0 : i32
    %dma_start3A_112 = tpu.memref_slice %arg5[%dma_start3A_111, %multiple_of3A_107] : memref<64x1000000xf32, #tpu.memory_space<hbm>> -> memref<64x128xf32, #tpu.memory_space<hbm>>
    %dma_start3A_113 = arith.constant 384 : i32
    %dma_start3A_114 = arith.constant 0 : i32
    %dma_start3A_115 = tpu.memref_slice %arg11[%dma_start3A_113, %dma_start3A_114] : memref<512x128xf32, #tpu.memory_space<vmem>> -> memref<64x128xf32, #tpu.memory_space<vmem>>
    %dma_start3A_116 = arith.constant 0 : i32
    %dma_start3A_117 = tpu.memref_slice %arg5[%dma_start3A_116, %multiple_of3A_107] : memref<64x1000000xf32, #tpu.memory_space<hbm>> -> memref<64x128xf32, #tpu.memory_space<hbm>>
    tpu.enqueue_dma source(%dma_start3A_117 : memref<64x128xf32, #tpu.memory_space<hbm>>) target(%dma_start3A_115 : memref<64x128xf32, #tpu.memory_space<vmem>>) target_semaphore(%arg19 : memref<!tpu.dma_semaphore, #tpu.memory_space<semaphore_mem>>)
    %slice3A_118 = vector.extract_strided_slice %get3A_3 {offsets = [7], sizes = [1], strides = [1]} : vector<16xi32> to vector<1xi32>
    %squeeze3A_119 = vector.extract %slice3A_118[0] : i32 from vector<1xi32>
    %shift_right_arithmetic3A_120 = arith.constant 7 : i32
    %shift_right_arithmetic3A_121 = arith.shrsi %squeeze3A_119, %shift_right_arithmetic3A_120 : i32
    %mul3A_122 = arith.constant 128 : i32
    %mul3A_123 = arith.muli %shift_right_arithmetic3A_121, %mul3A_122 : i32
    %multiple_of3A_124 = tpu.assume_multiple %mul3A_123, 128 : i32
    %dma_start3A_125 = arith.constant 448 : i32
    %dma_start3A_126 = arith.constant 0 : i32
    %dma_start3A_127 = tpu.memref_slice %arg11[%dma_start3A_125, %dma_start3A_126] : memref<512x128xf32, #tpu.memory_space<vmem>> -> memref<64x128xf32, #tpu.memory_space<vmem>>
    %dma_start3A_128 = arith.constant 0 : i32
    %dma_start3A_129 = tpu.memref_slice %arg5[%dma_start3A_128, %multiple_of3A_124] : memref<64x1000000xf32, #tpu.memory_space<hbm>> -> memref<64x128xf32, #tpu.memory_space<hbm>>
    %dma_start3A_130 = arith.constant 448 : i32
    %dma_start3A_131 = arith.constant 0 : i32
    %dma_start3A_132 = tpu.memref_slice %arg11[%dma_start3A_130, %dma_start3A_131] : memref<512x128xf32, #tpu.memory_space<vmem>> -> memref<64x128xf32, #tpu.memory_space<vmem>>
    %dma_start3A_133 = arith.constant 0 : i32
    %dma_start3A_134 = tpu.memref_slice %arg5[%dma_start3A_133, %multiple_of3A_124] : memref<64x1000000xf32, #tpu.memory_space<hbm>> -> memref<64x128xf32, #tpu.memory_space<hbm>>
    tpu.enqueue_dma source(%dma_start3A_134 : memref<64x128xf32, #tpu.memory_space<hbm>>) target(%dma_start3A_132 : memref<64x128xf32, #tpu.memory_space<vmem>>) target_semaphore(%arg20 : memref<!tpu.dma_semaphore, #tpu.memory_space<semaphore_mem>>)
    %scan3A = arith.constant 0 : i32
    %scan3A_135 = arith.constant 0 : i32
    %scan3A_136 = arith.constant 63 : i32
    %scan3A_137 = arith.addi %scan3A_135, %scan3A_136 : i32
    %scan3A_138 = arith.constant 1 : i32
    %scan3A_139 = scf.for %scan3A_1585 = %scan3A_135 to %scan3A_137 step %scan3A_138 iter_args(%scan3A_1586 = %scan3A) -> (i32)  : i32 {
      %mul3A_1587 = arith.constant 8 : i32
      %mul3A_1588 = arith.muli %scan3A_1585, %mul3A_1587 : i32
      %get3A_1589 = arith.index_cast %mul3A_1588 : i32 to index
      %get3A_1590 = tpu.vector_load %arg10[%get3A_1589] {strides = array<i32>} : memref<512xi32, #tpu.memory_space<vmem>>, vector<16xi32>,
      %slice3A_1591 = vector.extract_strided_slice %get3A_1590 {offsets = [0], sizes = [1], strides = [1]} : vector<16xi32> to vector<1xi32>
      %squeeze3A_1592 = vector.extract %slice3A_1591[0] : i32 from vector<1xi32>
      %mul3A_1593 = arith.constant 8 : i32
      %mul3A_1594 = arith.muli %scan3A_1585, %mul3A_1593 : i32
      %add3A_1595 = arith.constant 0 : i32
      %add3A_1596 = arith.addi %mul3A_1594, %add3A_1595 : i32
      %dma_wait3A_1597 = arith.constant 0 : i32
      %dma_wait3A_1598 = arith.constant 0 : i32
      %dma_wait3A_1599 = tpu.memref_slice %arg11[%dma_wait3A_1597, %dma_wait3A_1598] : memref<512x128xf32, #tpu.memory_space<vmem>> -> memref<64x128xf32, #tpu.memory_space<vmem>>
      %dma_wait3A_1600 = arith.constant 0 : i32
      %dma_wait3A_1601 = arith.constant 0 : i32
      %dma_wait3A_1602 = tpu.memref_slice %arg5[%dma_wait3A_1600, %dma_wait3A_1601] : memref<64x1000000xf32, #tpu.memory_space<hbm>> -> memref<64x128xf32, #tpu.memory_space<hbm>>
      %dma_wait3A_1603 = arith.constant 0 : i32
      %dma_wait3A_1604 = arith.constant 0 : i32
      %dma_wait3A_1605 = tpu.memref_slice %arg11[%dma_wait3A_1603, %dma_wait3A_1604] : memref<512x128xf32, #tpu.memory_space<vmem>> -> memref<64x128xf32, #tpu.memory_space<vmem>>
      %dma_wait3A_1606 = arith.constant 0 : i32
      %dma_wait3A_1607 = arith.constant 0 : i32
      %dma_wait3A_1608 = tpu.memref_slice %arg5[%dma_wait3A_1606, %dma_wait3A_1607] : memref<64x1000000xf32, #tpu.memory_space<hbm>> -> memref<64x128xf32, #tpu.memory_space<hbm>>
      tpu.wait_dma2 semaphore(%arg13 : memref<!tpu.dma_semaphore, #tpu.memory_space<semaphore_mem>>) src(%dma_wait3A_1608 : memref<64x128xf32, #tpu.memory_space<hbm>>) dst(%dma_wait3A_1605 : memref<64x128xf32, #tpu.memory_space<vmem>>)
      %and3A_1609 = arith.constant 127 : i32
      %and3A_1610 = arith.andi %squeeze3A_1592, %and3A_1609 : i32
      %broadcast_in_dim3A_1611 = vector.broadcast %and3A_1610 : i32 to vector<16xi32>
      %broadcast_in_dim3A_1612 = vector.broadcast %add3A_1596 : i32 to vector<16xi32>
      %add3A_1613 = arith.constant 0 : i32
      %add3A_1614 = vector.broadcast %add3A_1613 : i32 to vector<16xi32>
      %add3A_1615 = arith.addi %add3A_1614, %iota3A : vector<16xi32>
      %gather3A_1616 = tpu.vector_load_idx %arg11[%add3A_1615, %broadcast_in_dim3A_1611] : memref<512x128xf32, #tpu.memory_space<vmem>>[vector<16xi32>, vector<16xi32>], vector<16xf32>,
      %add3A_1617 = arith.constant 0 : i32
      %add3A_1618 = vector.broadcast %add3A_1617 : i32 to vector<16xi32>
      %add3A_1619 = arith.addi %add3A_1618, %iota3A : vector<16xi32>
      tpu.vector_store_idx %arg12[%add3A_1619, %broadcast_in_dim3A_1612], %gather3A_1616 : memref<64x512xf32, #tpu.memory_space<vmem>>[vector<16xi32>, vector<16xi32>], vector<16xf32>,
      %add3A_1620 = arith.constant 16 : i32
      %add3A_1621 = vector.broadcast %add3A_1620 : i32 to vector<16xi32>
      %add3A_1622 = arith.addi %add3A_1621, %iota3A : vector<16xi32>
      %gather3A_1623 = tpu.vector_load_idx %arg11[%add3A_1622, %broadcast_in_dim3A_1611] : memref<512x128xf32, #tpu.memory_space<vmem>>[vector<16xi32>, vector<16xi32>], vector<16xf32>,
      %add3A_1624 = arith.constant 16 : i32
      %add3A_1625 = vector.broadcast %add3A_1624 : i32 to vector<16xi32>
      %add3A_1626 = arith.addi %add3A_1625, %iota3A : vector<16xi32>
      tpu.vector_store_idx %arg12[%add3A_1626, %broadcast_in_dim3A_1612], %gather3A_1623 : memref<64x512xf32, #tpu.memory_space<vmem>>[vector<16xi32>, vector<16xi32>], vector<16xf32>,
      %add3A_1627 = arith.constant 32 : i32
      %add3A_1628 = vector.broadcast %add3A_1627 : i32 to vector<16xi32>
      %add3A_1629 = arith.addi %add3A_1628, %iota3A : vector<16xi32>
      %gather3A_1630 = tpu.vector_load_idx %arg11[%add3A_1629, %broadcast_in_dim3A_1611] : memref<512x128xf32, #tpu.memory_space<vmem>>[vector<16xi32>, vector<16xi32>], vector<16xf32>,
      %add3A_1631 = arith.constant 32 : i32
      %add3A_1632 = vector.broadcast %add3A_1631 : i32 to vector<16xi32>
      %add3A_1633 = arith.addi %add3A_1632, %iota3A : vector<16xi32>
      tpu.vector_store_idx %arg12[%add3A_1633, %broadcast_in_dim3A_1612], %gather3A_1630 : memref<64x512xf32, #tpu.memory_space<vmem>>[vector<16xi32>, vector<16xi32>], vector<16xf32>,
      %add3A_1634 = arith.constant 48 : i32
      %add3A_1635 = vector.broadcast %add3A_1634 : i32 to vector<16xi32>
      %add3A_1636 = arith.addi %add3A_1635, %iota3A : vector<16xi32>
      %gather3A_1637 = tpu.vector_load_idx %arg11[%add3A_1636, %broadcast_in_dim3A_1611] : memref<512x128xf32, #tpu.memory_space<vmem>>[vector<16xi32>, vector<16xi32>], vector<16xf32>,
      %add3A_1638 = arith.constant 48 : i32
      %add3A_1639 = vector.broadcast %add3A_1638 : i32 to vector<16xi32>
      %add3A_1640 = arith.addi %add3A_1639, %iota3A : vector<16xi32>
      tpu.vector_store_idx %arg12[%add3A_1640, %broadcast_in_dim3A_1612], %gather3A_1637 : memref<64x512xf32, #tpu.memory_space<vmem>>[vector<16xi32>, vector<16xi32>], vector<16xf32>,
      %slice3A_1641 = vector.extract_strided_slice %get3A_1590 {offsets = [8], sizes = [1], strides = [1]} : vector<16xi32> to vector<1xi32>
      %squeeze3A_1642 = vector.extract %slice3A_1641[0] : i32 from vector<1xi32>
      %shift_right_arithmetic3A_1643 = arith.constant 7 : i32
      %shift_right_arithmetic3A_1644 = arith.shrsi %squeeze3A_1642, %shift_right_arithmetic3A_1643 : i32
      %mul3A_1645 = arith.constant 128 : i32
      %mul3A_1646 = arith.muli %shift_right_arithmetic3A_1644, %mul3A_1645 : i32
      %multiple_of3A_1647 = tpu.assume_multiple %mul3A_1646, 128 : i32
      %dma_start3A_1648 = arith.constant 0 : i32
      %dma_start3A_1649 = arith.constant 0 : i32
      %dma_start3A_1650 = tpu.memref_slice %arg11[%dma_start3A_1648, %dma_start3A_1649] : memref<512x128xf32, #tpu.memory_space<vmem>> -> memref<64x128xf32, #tpu.memory_space<vmem>>
      %dma_start3A_1651 = arith.constant 0 : i32
      %dma_start3A_1652 = tpu.memref_slice %arg5[%dma_start3A_1651, %multiple_of3A_1647] : memref<64x1000000xf32, #tpu.memory_space<hbm>> -> memref<64x128xf32, #tpu.memory_space<hbm>>
      %dma_start3A_1653 = arith.constant 0 : i32
      %dma_start3A_1654 = arith.constant 0 : i32
      %dma_start3A_1655 = tpu.memref_slice %arg11[%dma_start3A_1653, %dma_start3A_1654] : memref<512x128xf32, #tpu.memory_space<vmem>> -> memref<64x128xf32, #tpu.memory_space<vmem>>
      %dma_start3A_1656 = arith.constant 0 : i32
      %dma_start3A_1657 = tpu.memref_slice %arg5[%dma_start3A_1656, %multiple_of3A_1647] : memref<64x1000000xf32, #tpu.memory_space<hbm>> -> memref<64x128xf32, #tpu.memory_space<hbm>>
      tpu.enqueue_dma source(%dma_start3A_1657 : memref<64x128xf32, #tpu.memory_space<hbm>>) target(%dma_start3A_1655 : memref<64x128xf32, #tpu.memory_space<vmem>>) target_semaphore(%arg13 : memref<!tpu.dma_semaphore, #tpu.memory_space<semaphore_mem>>)
      %slice3A_1658 = vector.extract_strided_slice %get3A_1590 {offsets = [1], sizes = [1], strides = [1]} : vector<16xi32> to vector<1xi32>
      %squeeze3A_1659 = vector.extract %slice3A_1658[0] : i32 from vector<1xi32>
      %mul3A_1660 = arith.constant 8 : i32
      %mul3A_1661 = arith.muli %scan3A_1585, %mul3A_1660 : i32
      %add3A_1662 = arith.constant 1 : i32
      %add3A_1663 = arith.addi %mul3A_1661, %add3A_1662 : i32
      %dma_wait3A_1664 = arith.constant 64 : i32
      %dma_wait3A_1665 = arith.constant 0 : i32
      %dma_wait3A_1666 = tpu.memref_slice %arg11[%dma_wait3A_1664, %dma_wait3A_1665] : memref<512x128xf32, #tpu.memory_space<vmem>> -> memref<64x128xf32, #tpu.memory_space<vmem>>
      %dma_wait3A_1667 = arith.constant 0 : i32
      %dma_wait3A_1668 = arith.constant 0 : i32
      %dma_wait3A_1669 = tpu.memref_slice %arg5[%dma_wait3A_1667, %dma_wait3A_1668] : memref<64x1000000xf32, #tpu.memory_space<hbm>> -> memref<64x128xf32, #tpu.memory_space<hbm>>
      %dma_wait3A_1670 = arith.constant 64 : i32
      %dma_wait3A_1671 = arith.constant 0 : i32
      %dma_wait3A_1672 = tpu.memref_slice %arg11[%dma_wait3A_1670, %dma_wait3A_1671] : memref<512x128xf32, #tpu.memory_space<vmem>> -> memref<64x128xf32, #tpu.memory_space<vmem>>
      %dma_wait3A_1673 = arith.constant 0 : i32
      %dma_wait3A_1674 = arith.constant 0 : i32
      %dma_wait3A_1675 = tpu.memref_slice %arg5[%dma_wait3A_1673, %dma_wait3A_1674] : memref<64x1000000xf32, #tpu.memory_space<hbm>> -> memref<64x128xf32, #tpu.memory_space<hbm>>
      tpu.wait_dma2 semaphore(%arg14 : memref<!tpu.dma_semaphore, #tpu.memory_space<semaphore_mem>>) src(%dma_wait3A_1675 : memref<64x128xf32, #tpu.memory_space<hbm>>) dst(%dma_wait3A_1672 : memref<64x128xf32, #tpu.memory_space<vmem>>)
      %and3A_1676 = arith.constant 127 : i32
      %and3A_1677 = arith.andi %squeeze3A_1659, %and3A_1676 : i32
      %broadcast_in_dim3A_1678 = vector.broadcast %and3A_1677 : i32 to vector<16xi32>
      %broadcast_in_dim3A_1679 = vector.broadcast %add3A_1663 : i32 to vector<16xi32>
      %add3A_1680 = arith.constant 64 : i32
      %add3A_1681 = vector.broadcast %add3A_1680 : i32 to vector<16xi32>
      %add3A_1682 = arith.addi %add3A_1681, %iota3A : vector<16xi32>
      %gather3A_1683 = tpu.vector_load_idx %arg11[%add3A_1682, %broadcast_in_dim3A_1678] : memref<512x128xf32, #tpu.memory_space<vmem>>[vector<16xi32>, vector<16xi32>], vector<16xf32>,
      %add3A_1684 = arith.constant 0 : i32
      %add3A_1685 = vector.broadcast %add3A_1684 : i32 to vector<16xi32>
      %add3A_1686 = arith.addi %add3A_1685, %iota3A : vector<16xi32>
      tpu.vector_store_idx %arg12[%add3A_1686, %broadcast_in_dim3A_1679], %gather3A_1683 : memref<64x512xf32, #tpu.memory_space<vmem>>[vector<16xi32>, vector<16xi32>], vector<16xf32>,
      %add3A_1687 = arith.constant 80 : i32
      %add3A_1688 = vector.broadcast %add3A_1687 : i32 to vector<16xi32>
      %add3A_1689 = arith.addi %add3A_1688, %iota3A : vector<16xi32>
      %gather3A_1690 = tpu.vector_load_idx %arg11[%add3A_1689, %broadcast_in_dim3A_1678] : memref<512x128xf32, #tpu.memory_space<vmem>>[vector<16xi32>, vector<16xi32>], vector<16xf32>,
      %add3A_1691 = arith.constant 16 : i32
      %add3A_1692 = vector.broadcast %add3A_1691 : i32 to vector<16xi32>
      %add3A_1693 = arith.addi %add3A_1692, %iota3A : vector<16xi32>
      tpu.vector_store_idx %arg12[%add3A_1693, %broadcast_in_dim3A_1679], %gather3A_1690 : memref<64x512xf32, #tpu.memory_space<vmem>>[vector<16xi32>, vector<16xi32>], vector<16xf32>,
      %add3A_1694 = arith.constant 96 : i32
      %add3A_1695 = vector.broadcast %add3A_1694 : i32 to vector<16xi32>
      %add3A_1696 = arith.addi %add3A_1695, %iota3A : vector<16xi32>
      %gather3A_1697 = tpu.vector_load_idx %arg11[%add3A_1696, %broadcast_in_dim3A_1678] : memref<512x128xf32, #tpu.memory_space<vmem>>[vector<16xi32>, vector<16xi32>], vector<16xf32>,
      %add3A_1698 = arith.constant 32 : i32
      %add3A_1699 = vector.broadcast %add3A_1698 : i32 to vector<16xi32>
      %add3A_1700 = arith.addi %add3A_1699, %iota3A : vector<16xi32>
      tpu.vector_store_idx %arg12[%add3A_1700, %broadcast_in_dim3A_1679], %gather3A_1697 : memref<64x512xf32, #tpu.memory_space<vmem>>[vector<16xi32>, vector<16xi32>], vector<16xf32>,
      %add3A_1701 = arith.constant 112 : i32
      %add3A_1702 = vector.broadcast %add3A_1701 : i32 to vector<16xi32>
      %add3A_1703 = arith.addi %add3A_1702, %iota3A : vector<16xi32>
      %gather3A_1704 = tpu.vector_load_idx %arg11[%add3A_1703, %broadcast_in_dim3A_1678] : memref<512x128xf32, #tpu.memory_space<vmem>>[vector<16xi32>, vector<16xi32>], vector<16xf32>,
      %add3A_1705 = arith.constant 48 : i32
      %add3A_1706 = vector.broadcast %add3A_1705 : i32 to vector<16xi32>
      %add3A_1707 = arith.addi %add3A_1706, %iota3A : vector<16xi32>
      tpu.vector_store_idx %arg12[%add3A_1707, %broadcast_in_dim3A_1679], %gather3A_1704 : memref<64x512xf32, #tpu.memory_space<vmem>>[vector<16xi32>, vector<16xi32>], vector<16xf32>,
      %slice3A_1708 = vector.extract_strided_slice %get3A_1590 {offsets = [9], sizes = [1], strides = [1]} : vector<16xi32> to vector<1xi32>
      %squeeze3A_1709 = vector.extract %slice3A_1708[0] : i32 from vector<1xi32>
      %shift_right_arithmetic3A_1710 = arith.constant 7 : i32
      %shift_right_arithmetic3A_1711 = arith.shrsi %squeeze3A_1709, %shift_right_arithmetic3A_1710 : i32
      %mul3A_1712 = arith.constant 128 : i32
      %mul3A_1713 = arith.muli %shift_right_arithmetic3A_1711, %mul3A_1712 : i32
      %multiple_of3A_1714 = tpu.assume_multiple %mul3A_1713, 128 : i32
      %dma_start3A_1715 = arith.constant 64 : i32
      %dma_start3A_1716 = arith.constant 0 : i32
      %dma_start3A_1717 = tpu.memref_slice %arg11[%dma_start3A_1715, %dma_start3A_1716] : memref<512x128xf32, #tpu.memory_space<vmem>> -> memref<64x128xf32, #tpu.memory_space<vmem>>
      %dma_start3A_1718 = arith.constant 0 : i32
      %dma_start3A_1719 = tpu.memref_slice %arg5[%dma_start3A_1718, %multiple_of3A_1714] : memref<64x1000000xf32, #tpu.memory_space<hbm>> -> memref<64x128xf32, #tpu.memory_space<hbm>>
      %dma_start3A_1720 = arith.constant 64 : i32
      %dma_start3A_1721 = arith.constant 0 : i32
      %dma_start3A_1722 = tpu.memref_slice %arg11[%dma_start3A_1720, %dma_start3A_1721] : memref<512x128xf32, #tpu.memory_space<vmem>> -> memref<64x128xf32, #tpu.memory_space<vmem>>
      %dma_start3A_1723 = arith.constant 0 : i32
      %dma_start3A_1724 = tpu.memref_slice %arg5[%dma_start3A_1723, %multiple_of3A_1714] : memref<64x1000000xf32, #tpu.memory_space<hbm>> -> memref<64x128xf32, #tpu.memory_space<hbm>>
      tpu.enqueue_dma source(%dma_start3A_1724 : memref<64x128xf32, #tpu.memory_space<hbm>>) target(%dma_start3A_1722 : memref<64x128xf32, #tpu.memory_space<vmem>>) target_semaphore(%arg14 : memref<!tpu.dma_semaphore, #tpu.memory_space<semaphore_mem>>)
      %slice3A_1725 = vector.extract_strided_slice %get3A_1590 {offsets = [2], sizes = [1], strides = [1]} : vector<16xi32> to vector<1xi32>
      %squeeze3A_1726 = vector.extract %slice3A_1725[0] : i32 from vector<1xi32>
      %mul3A_1727 = arith.constant 8 : i32
      %mul3A_1728 = arith.muli %scan3A_1585, %mul3A_1727 : i32
      %add3A_1729 = arith.constant 2 : i32
      %add3A_1730 = arith.addi %mul3A_1728, %add3A_1729 : i32
      %dma_wait3A_1731 = arith.constant 128 : i32
      %dma_wait3A_1732 = arith.constant 0 : i32
      %dma_wait3A_1733 = tpu.memref_slice %arg11[%dma_wait3A_1731, %dma_wait3A_1732] : memref<512x128xf32, #tpu.memory_space<vmem>> -> memref<64x128xf32, #tpu.memory_space<vmem>>
      %dma_wait3A_1734 = arith.constant 0 : i32
      %dma_wait3A_1735 = arith.constant 0 : i32
      %dma_wait3A_1736 = tpu.memref_slice %arg5[%dma_wait3A_1734, %dma_wait3A_1735] : memref<64x1000000xf32, #tpu.memory_space<hbm>> -> memref<64x128xf32, #tpu.memory_space<hbm>>
      %dma_wait3A_1737 = arith.constant 128 : i32
      %dma_wait3A_1738 = arith.constant 0 : i32
      %dma_wait3A_1739 = tpu.memref_slice %arg11[%dma_wait3A_1737, %dma_wait3A_1738] : memref<512x128xf32, #tpu.memory_space<vmem>> -> memref<64x128xf32, #tpu.memory_space<vmem>>
      %dma_wait3A_1740 = arith.constant 0 : i32
      %dma_wait3A_1741 = arith.constant 0 : i32
      %dma_wait3A_1742 = tpu.memref_slice %arg5[%dma_wait3A_1740, %dma_wait3A_1741] : memref<64x1000000xf32, #tpu.memory_space<hbm>> -> memref<64x128xf32, #tpu.memory_space<hbm>>
      tpu.wait_dma2 semaphore(%arg15 : memref<!tpu.dma_semaphore, #tpu.memory_space<semaphore_mem>>) src(%dma_wait3A_1742 : memref<64x128xf32, #tpu.memory_space<hbm>>) dst(%dma_wait3A_1739 : memref<64x128xf32, #tpu.memory_space<vmem>>)
      %and3A_1743 = arith.constant 127 : i32
      %and3A_1744 = arith.andi %squeeze3A_1726, %and3A_1743 : i32
      %broadcast_in_dim3A_1745 = vector.broadcast %and3A_1744 : i32 to vector<16xi32>
      %broadcast_in_dim3A_1746 = vector.broadcast %add3A_1730 : i32 to vector<16xi32>
      %add3A_1747 = arith.constant 128 : i32
      %add3A_1748 = vector.broadcast %add3A_1747 : i32 to vector<16xi32>
      %add3A_1749 = arith.addi %add3A_1748, %iota3A : vector<16xi32>
      %gather3A_1750 = tpu.vector_load_idx %arg11[%add3A_1749, %broadcast_in_dim3A_1745] : memref<512x128xf32, #tpu.memory_space<vmem>>[vector<16xi32>, vector<16xi32>], vector<16xf32>,
      %add3A_1751 = arith.constant 0 : i32
      %add3A_1752 = vector.broadcast %add3A_1751 : i32 to vector<16xi32>
      %add3A_1753 = arith.addi %add3A_1752, %iota3A : vector<16xi32>
      tpu.vector_store_idx %arg12[%add3A_1753, %broadcast_in_dim3A_1746], %gather3A_1750 : memref<64x512xf32, #tpu.memory_space<vmem>>[vector<16xi32>, vector<16xi32>], vector<16xf32>,
      %add3A_1754 = arith.constant 144 : i32
      %add3A_1755 = vector.broadcast %add3A_1754 : i32 to vector<16xi32>
      %add3A_1756 = arith.addi %add3A_1755, %iota3A : vector<16xi32>
      %gather3A_1757 = tpu.vector_load_idx %arg11[%add3A_1756, %broadcast_in_dim3A_1745] : memref<512x128xf32, #tpu.memory_space<vmem>>[vector<16xi32>, vector<16xi32>], vector<16xf32>,
      %add3A_1758 = arith.constant 16 : i32
      %add3A_1759 = vector.broadcast %add3A_1758 : i32 to vector<16xi32>
      %add3A_1760 = arith.addi %add3A_1759, %iota3A : vector<16xi32>
      tpu.vector_store_idx %arg12[%add3A_1760, %broadcast_in_dim3A_1746], %gather3A_1757 : memref<64x512xf32, #tpu.memory_space<vmem>>[vector<16xi32>, vector<16xi32>], vector<16xf32>,
      %add3A_1761 = arith.constant 160 : i32
      %add3A_1762 = vector.broadcast %add3A_1761 : i32 to vector<16xi32>
      %add3A_1763 = arith.addi %add3A_1762, %iota3A : vector<16xi32>
      %gather3A_1764 = tpu.vector_load_idx %arg11[%add3A_1763, %broadcast_in_dim3A_1745] : memref<512x128xf32, #tpu.memory_space<vmem>>[vector<16xi32>, vector<16xi32>], vector<16xf32>,
      %add3A_1765 = arith.constant 32 : i32
      %add3A_1766 = vector.broadcast %add3A_1765 : i32 to vector<16xi32>
      %add3A_1767 = arith.addi %add3A_1766, %iota3A : vector<16xi32>
      tpu.vector_store_idx %arg12[%add3A_1767, %broadcast_in_dim3A_1746], %gather3A_1764 : memref<64x512xf32, #tpu.memory_space<vmem>>[vector<16xi32>, vector<16xi32>], vector<16xf32>,
      %add3A_1768 = arith.constant 176 : i32
      %add3A_1769 = vector.broadcast %add3A_1768 : i32 to vector<16xi32>
      %add3A_1770 = arith.addi %add3A_1769, %iota3A : vector<16xi32>
      %gather3A_1771 = tpu.vector_load_idx %arg11[%add3A_1770, %broadcast_in_dim3A_1745] : memref<512x128xf32, #tpu.memory_space<vmem>>[vector<16xi32>, vector<16xi32>], vector<16xf32>,
      %add3A_1772 = arith.constant 48 : i32
      %add3A_1773 = vector.broadcast %add3A_1772 : i32 to vector<16xi32>
      %add3A_1774 = arith.addi %add3A_1773, %iota3A : vector<16xi32>
      tpu.vector_store_idx %arg12[%add3A_1774, %broadcast_in_dim3A_1746], %gather3A_1771 : memref<64x512xf32, #tpu.memory_space<vmem>>[vector<16xi32>, vector<16xi32>], vector<16xf32>,
      %slice3A_1775 = vector.extract_strided_slice %get3A_1590 {offsets = [10], sizes = [1], strides = [1]} : vector<16xi32> to vector<1xi32>
      %squeeze3A_1776 = vector.extract %slice3A_1775[0] : i32 from vector<1xi32>
      %shift_right_arithmetic3A_1777 = arith.constant 7 : i32
      %shift_right_arithmetic3A_1778 = arith.shrsi %squeeze3A_1776, %shift_right_arithmetic3A_1777 : i32
      %mul3A_1779 = arith.constant 128 : i32
      %mul3A_1780 = arith.muli %shift_right_arithmetic3A_1778, %mul3A_1779 : i32
      %multiple_of3A_1781 = tpu.assume_multiple %mul3A_1780, 128 : i32
      %dma_start3A_1782 = arith.constant 128 : i32
      %dma_start3A_1783 = arith.constant 0 : i32
      %dma_start3A_1784 = tpu.memref_slice %arg11[%dma_start3A_1782, %dma_start3A_1783] : memref<512x128xf32, #tpu.memory_space<vmem>> -> memref<64x128xf32, #tpu.memory_space<vmem>>
      %dma_start3A_1785 = arith.constant 0 : i32
      %dma_start3A_1786 = tpu.memref_slice %arg5[%dma_start3A_1785, %multiple_of3A_1781] : memref<64x1000000xf32, #tpu.memory_space<hbm>> -> memref<64x128xf32, #tpu.memory_space<hbm>>
      %dma_start3A_1787 = arith.constant 128 : i32
      %dma_start3A_1788 = arith.constant 0 : i32
      %dma_start3A_1789 = tpu.memref_slice %arg11[%dma_start3A_1787, %dma_start3A_1788] : memref<512x128xf32, #tpu.memory_space<vmem>> -> memref<64x128xf32, #tpu.memory_space<vmem>>
      %dma_start3A_1790 = arith.constant 0 : i32
      %dma_start3A_1791 = tpu.memref_slice %arg5[%dma_start3A_1790, %multiple_of3A_1781] : memref<64x1000000xf32, #tpu.memory_space<hbm>> -> memref<64x128xf32, #tpu.memory_space<hbm>>
      tpu.enqueue_dma source(%dma_start3A_1791 : memref<64x128xf32, #tpu.memory_space<hbm>>) target(%dma_start3A_1789 : memref<64x128xf32, #tpu.memory_space<vmem>>) target_semaphore(%arg15 : memref<!tpu.dma_semaphore, #tpu.memory_space<semaphore_mem>>)
      %slice3A_1792 = vector.extract_strided_slice %get3A_1590 {offsets = [3], sizes = [1], strides = [1]} : vector<16xi32> to vector<1xi32>
      %squeeze3A_1793 = vector.extract %slice3A_1792[0] : i32 from vector<1xi32>
      %mul3A_1794 = arith.constant 8 : i32
      %mul3A_1795 = arith.muli %scan3A_1585, %mul3A_1794 : i32
      %add3A_1796 = arith.constant 3 : i32
      %add3A_1797 = arith.addi %mul3A_1795, %add3A_1796 : i32
      %dma_wait3A_1798 = arith.constant 192 : i32
      %dma_wait3A_1799 = arith.constant 0 : i32
      %dma_wait3A_1800 = tpu.memref_slice %arg11[%dma_wait3A_1798, %dma_wait3A_1799] : memref<512x128xf32, #tpu.memory_space<vmem>> -> memref<64x128xf32, #tpu.memory_space<vmem>>
      %dma_wait3A_1801 = arith.constant 0 : i32
      %dma_wait3A_1802 = arith.constant 0 : i32
      %dma_wait3A_1803 = tpu.memref_slice %arg5[%dma_wait3A_1801, %dma_wait3A_1802] : memref<64x1000000xf32, #tpu.memory_space<hbm>> -> memref<64x128xf32, #tpu.memory_space<hbm>>
      %dma_wait3A_1804 = arith.constant 192 : i32
      %dma_wait3A_1805 = arith.constant 0 : i32
      %dma_wait3A_1806 = tpu.memref_slice %arg11[%dma_wait3A_1804, %dma_wait3A_1805] : memref<512x128xf32, #tpu.memory_space<vmem>> -> memref<64x128xf32, #tpu.memory_space<vmem>>
      %dma_wait3A_1807 = arith.constant 0 : i32
      %dma_wait3A_1808 = arith.constant 0 : i32
      %dma_wait3A_1809 = tpu.memref_slice %arg5[%dma_wait3A_1807, %dma_wait3A_1808] : memref<64x1000000xf32, #tpu.memory_space<hbm>> -> memref<64x128xf32, #tpu.memory_space<hbm>>
      tpu.wait_dma2 semaphore(%arg16 : memref<!tpu.dma_semaphore, #tpu.memory_space<semaphore_mem>>) src(%dma_wait3A_1809 : memref<64x128xf32, #tpu.memory_space<hbm>>) dst(%dma_wait3A_1806 : memref<64x128xf32, #tpu.memory_space<vmem>>)
      %and3A_1810 = arith.constant 127 : i32
      %and3A_1811 = arith.andi %squeeze3A_1793, %and3A_1810 : i32
      %broadcast_in_dim3A_1812 = vector.broadcast %and3A_1811 : i32 to vector<16xi32>
      %broadcast_in_dim3A_1813 = vector.broadcast %add3A_1797 : i32 to vector<16xi32>
      %add3A_1814 = arith.constant 192 : i32
      %add3A_1815 = vector.broadcast %add3A_1814 : i32 to vector<16xi32>
      %add3A_1816 = arith.addi %add3A_1815, %iota3A : vector<16xi32>
      %gather3A_1817 = tpu.vector_load_idx %arg11[%add3A_1816, %broadcast_in_dim3A_1812] : memref<512x128xf32, #tpu.memory_space<vmem>>[vector<16xi32>, vector<16xi32>], vector<16xf32>,
      %add3A_1818 = arith.constant 0 : i32
      %add3A_1819 = vector.broadcast %add3A_1818 : i32 to vector<16xi32>
      %add3A_1820 = arith.addi %add3A_1819, %iota3A : vector<16xi32>
      tpu.vector_store_idx %arg12[%add3A_1820, %broadcast_in_dim3A_1813], %gather3A_1817 : memref<64x512xf32, #tpu.memory_space<vmem>>[vector<16xi32>, vector<16xi32>], vector<16xf32>,
      %add3A_1821 = arith.constant 208 : i32
      %add3A_1822 = vector.broadcast %add3A_1821 : i32 to vector<16xi32>
      %add3A_1823 = arith.addi %add3A_1822, %iota3A : vector<16xi32>
      %gather3A_1824 = tpu.vector_load_idx %arg11[%add3A_1823, %broadcast_in_dim3A_1812] : memref<512x128xf32, #tpu.memory_space<vmem>>[vector<16xi32>, vector<16xi32>], vector<16xf32>,
      %add3A_1825 = arith.constant 16 : i32
      %add3A_1826 = vector.broadcast %add3A_1825 : i32 to vector<16xi32>
      %add3A_1827 = arith.addi %add3A_1826, %iota3A : vector<16xi32>
      tpu.vector_store_idx %arg12[%add3A_1827, %broadcast_in_dim3A_1813], %gather3A_1824 : memref<64x512xf32, #tpu.memory_space<vmem>>[vector<16xi32>, vector<16xi32>], vector<16xf32>,
      %add3A_1828 = arith.constant 224 : i32
      %add3A_1829 = vector.broadcast %add3A_1828 : i32 to vector<16xi32>
      %add3A_1830 = arith.addi %add3A_1829, %iota3A : vector<16xi32>
      %gather3A_1831 = tpu.vector_load_idx %arg11[%add3A_1830, %broadcast_in_dim3A_1812] : memref<512x128xf32, #tpu.memory_space<vmem>>[vector<16xi32>, vector<16xi32>], vector<16xf32>,
      %add3A_1832 = arith.constant 32 : i32
      %add3A_1833 = vector.broadcast %add3A_1832 : i32 to vector<16xi32>
      %add3A_1834 = arith.addi %add3A_1833, %iota3A : vector<16xi32>
      tpu.vector_store_idx %arg12[%add3A_1834, %broadcast_in_dim3A_1813], %gather3A_1831 : memref<64x512xf32, #tpu.memory_space<vmem>>[vector<16xi32>, vector<16xi32>], vector<16xf32>,
      %add3A_1835 = arith.constant 240 : i32
      %add3A_1836 = vector.broadcast %add3A_1835 : i32 to vector<16xi32>
      %add3A_1837 = arith.addi %add3A_1836, %iota3A : vector<16xi32>
      %gather3A_1838 = tpu.vector_load_idx %arg11[%add3A_1837, %broadcast_in_dim3A_1812] : memref<512x128xf32, #tpu.memory_space<vmem>>[vector<16xi32>, vector<16xi32>], vector<16xf32>,
      %add3A_1839 = arith.constant 48 : i32
      %add3A_1840 = vector.broadcast %add3A_1839 : i32 to vector<16xi32>
      %add3A_1841 = arith.addi %add3A_1840, %iota3A : vector<16xi32>
      tpu.vector_store_idx %arg12[%add3A_1841, %broadcast_in_dim3A_1813], %gather3A_1838 : memref<64x512xf32, #tpu.memory_space<vmem>>[vector<16xi32>, vector<16xi32>], vector<16xf32>,
      %slice3A_1842 = vector.extract_strided_slice %get3A_1590 {offsets = [11], sizes = [1], strides = [1]} : vector<16xi32> to vector<1xi32>
      %squeeze3A_1843 = vector.extract %slice3A_1842[0] : i32 from vector<1xi32>
      %shift_right_arithmetic3A_1844 = arith.constant 7 : i32
      %shift_right_arithmetic3A_1845 = arith.shrsi %squeeze3A_1843, %shift_right_arithmetic3A_1844 : i32
      %mul3A_1846 = arith.constant 128 : i32
      %mul3A_1847 = arith.muli %shift_right_arithmetic3A_1845, %mul3A_1846 : i32
      %multiple_of3A_1848 = tpu.assume_multiple %mul3A_1847, 128 : i32
      %dma_start3A_1849 = arith.constant 192 : i32
      %dma_start3A_1850 = arith.constant 0 : i32
      %dma_start3A_1851 = tpu.memref_slice %arg11[%dma_start3A_1849, %dma_start3A_1850] : memref<512x128xf32, #tpu.memory_space<vmem>> -> memref<64x128xf32, #tpu.memory_space<vmem>>
      %dma_start3A_1852 = arith.constant 0 : i32
      %dma_start3A_1853 = tpu.memref_slice %arg5[%dma_start3A_1852, %multiple_of3A_1848] : memref<64x1000000xf32, #tpu.memory_space<hbm>> -> memref<64x128xf32, #tpu.memory_space<hbm>>
      %dma_start3A_1854 = arith.constant 192 : i32
      %dma_start3A_1855 = arith.constant 0 : i32
      %dma_start3A_1856 = tpu.memref_slice %arg11[%dma_start3A_1854, %dma_start3A_1855] : memref<512x128xf32, #tpu.memory_space<vmem>> -> memref<64x128xf32, #tpu.memory_space<vmem>>
      %dma_start3A_1857 = arith.constant 0 : i32
      %dma_start3A_1858 = tpu.memref_slice %arg5[%dma_start3A_1857, %multiple_of3A_1848] : memref<64x1000000xf32, #tpu.memory_space<hbm>> -> memref<64x128xf32, #tpu.memory_space<hbm>>
      tpu.enqueue_dma source(%dma_start3A_1858 : memref<64x128xf32, #tpu.memory_space<hbm>>) target(%dma_start3A_1856 : memref<64x128xf32, #tpu.memory_space<vmem>>) target_semaphore(%arg16 : memref<!tpu.dma_semaphore, #tpu.memory_space<semaphore_mem>>)
      %slice3A_1859 = vector.extract_strided_slice %get3A_1590 {offsets = [4], sizes = [1], strides = [1]} : vector<16xi32> to vector<1xi32>
      %squeeze3A_1860 = vector.extract %slice3A_1859[0] : i32 from vector<1xi32>
      %mul3A_1861 = arith.constant 8 : i32
      %mul3A_1862 = arith.muli %scan3A_1585, %mul3A_1861 : i32
      %add3A_1863 = arith.constant 4 : i32
      %add3A_1864 = arith.addi %mul3A_1862, %add3A_1863 : i32
      %dma_wait3A_1865 = arith.constant 256 : i32
      %dma_wait3A_1866 = arith.constant 0 : i32
      %dma_wait3A_1867 = tpu.memref_slice %arg11[%dma_wait3A_1865, %dma_wait3A_1866] : memref<512x128xf32, #tpu.memory_space<vmem>> -> memref<64x128xf32, #tpu.memory_space<vmem>>
      %dma_wait3A_1868 = arith.constant 0 : i32
      %dma_wait3A_1869 = arith.constant 0 : i32
      %dma_wait3A_1870 = tpu.memref_slice %arg5[%dma_wait3A_1868, %dma_wait3A_1869] : memref<64x1000000xf32, #tpu.memory_space<hbm>> -> memref<64x128xf32, #tpu.memory_space<hbm>>
      %dma_wait3A_1871 = arith.constant 256 : i32
      %dma_wait3A_1872 = arith.constant 0 : i32
      %dma_wait3A_1873 = tpu.memref_slice %arg11[%dma_wait3A_1871, %dma_wait3A_1872] : memref<512x128xf32, #tpu.memory_space<vmem>> -> memref<64x128xf32, #tpu.memory_space<vmem>>
      %dma_wait3A_1874 = arith.constant 0 : i32
      %dma_wait3A_1875 = arith.constant 0 : i32
      %dma_wait3A_1876 = tpu.memref_slice %arg5[%dma_wait3A_1874, %dma_wait3A_1875] : memref<64x1000000xf32, #tpu.memory_space<hbm>> -> memref<64x128xf32, #tpu.memory_space<hbm>>
      tpu.wait_dma2 semaphore(%arg17 : memref<!tpu.dma_semaphore, #tpu.memory_space<semaphore_mem>>) src(%dma_wait3A_1876 : memref<64x128xf32, #tpu.memory_space<hbm>>) dst(%dma_wait3A_1873 : memref<64x128xf32, #tpu.memory_space<vmem>>)
      %and3A_1877 = arith.constant 127 : i32
      %and3A_1878 = arith.andi %squeeze3A_1860, %and3A_1877 : i32
      %broadcast_in_dim3A_1879 = vector.broadcast %and3A_1878 : i32 to vector<16xi32>
      %broadcast_in_dim3A_1880 = vector.broadcast %add3A_1864 : i32 to vector<16xi32>
      %add3A_1881 = arith.constant 256 : i32
      %add3A_1882 = vector.broadcast %add3A_1881 : i32 to vector<16xi32>
      %add3A_1883 = arith.addi %add3A_1882, %iota3A : vector<16xi32>
      %gather3A_1884 = tpu.vector_load_idx %arg11[%add3A_1883, %broadcast_in_dim3A_1879] : memref<512x128xf32, #tpu.memory_space<vmem>>[vector<16xi32>, vector<16xi32>], vector<16xf32>,
      %add3A_1885 = arith.constant 0 : i32
      %add3A_1886 = vector.broadcast %add3A_1885 : i32 to vector<16xi32>
      %add3A_1887 = arith.addi %add3A_1886, %iota3A : vector<16xi32>
      tpu.vector_store_idx %arg12[%add3A_1887, %broadcast_in_dim3A_1880], %gather3A_1884 : memref<64x512xf32, #tpu.memory_space<vmem>>[vector<16xi32>, vector<16xi32>], vector<16xf32>,
      %add3A_1888 = arith.constant 272 : i32
      %add3A_1889 = vector.broadcast %add3A_1888 : i32 to vector<16xi32>
      %add3A_1890 = arith.addi %add3A_1889, %iota3A : vector<16xi32>
      %gather3A_1891 = tpu.vector_load_idx %arg11[%add3A_1890, %broadcast_in_dim3A_1879] : memref<512x128xf32, #tpu.memory_space<vmem>>[vector<16xi32>, vector<16xi32>], vector<16xf32>,
      %add3A_1892 = arith.constant 16 : i32
      %add3A_1893 = vector.broadcast %add3A_1892 : i32 to vector<16xi32>
      %add3A_1894 = arith.addi %add3A_1893, %iota3A : vector<16xi32>
      tpu.vector_store_idx %arg12[%add3A_1894, %broadcast_in_dim3A_1880], %gather3A_1891 : memref<64x512xf32, #tpu.memory_space<vmem>>[vector<16xi32>, vector<16xi32>], vector<16xf32>,
      %add3A_1895 = arith.constant 288 : i32
      %add3A_1896 = vector.broadcast %add3A_1895 : i32 to vector<16xi32>
      %add3A_1897 = arith.addi %add3A_1896, %iota3A : vector<16xi32>
      %gather3A_1898 = tpu.vector_load_idx %arg11[%add3A_1897, %broadcast_in_dim3A_1879] : memref<512x128xf32, #tpu.memory_space<vmem>>[vector<16xi32>, vector<16xi32>], vector<16xf32>,
      %add3A_1899 = arith.constant 32 : i32
      %add3A_1900 = vector.broadcast %add3A_1899 : i32 to vector<16xi32>
      %add3A_1901 = arith.addi %add3A_1900, %iota3A : vector<16xi32>
      tpu.vector_store_idx %arg12[%add3A_1901, %broadcast_in_dim3A_1880], %gather3A_1898 : memref<64x512xf32, #tpu.memory_space<vmem>>[vector<16xi32>, vector<16xi32>], vector<16xf32>,
      %add3A_1902 = arith.constant 304 : i32
      %add3A_1903 = vector.broadcast %add3A_1902 : i32 to vector<16xi32>
      %add3A_1904 = arith.addi %add3A_1903, %iota3A : vector<16xi32>
      %gather3A_1905 = tpu.vector_load_idx %arg11[%add3A_1904, %broadcast_in_dim3A_1879] : memref<512x128xf32, #tpu.memory_space<vmem>>[vector<16xi32>, vector<16xi32>], vector<16xf32>,
      %add3A_1906 = arith.constant 48 : i32
      %add3A_1907 = vector.broadcast %add3A_1906 : i32 to vector<16xi32>
      %add3A_1908 = arith.addi %add3A_1907, %iota3A : vector<16xi32>
      tpu.vector_store_idx %arg12[%add3A_1908, %broadcast_in_dim3A_1880], %gather3A_1905 : memref<64x512xf32, #tpu.memory_space<vmem>>[vector<16xi32>, vector<16xi32>], vector<16xf32>,
      %slice3A_1909 = vector.extract_strided_slice %get3A_1590 {offsets = [12], sizes = [1], strides = [1]} : vector<16xi32> to vector<1xi32>
      %squeeze3A_1910 = vector.extract %slice3A_1909[0] : i32 from vector<1xi32>
      %shift_right_arithmetic3A_1911 = arith.constant 7 : i32
      %shift_right_arithmetic3A_1912 = arith.shrsi %squeeze3A_1910, %shift_right_arithmetic3A_1911 : i32
      %mul3A_1913 = arith.constant 128 : i32
      %mul3A_1914 = arith.muli %shift_right_arithmetic3A_1912, %mul3A_1913 : i32
      %multiple_of3A_1915 = tpu.assume_multiple %mul3A_1914, 128 : i32
      %dma_start3A_1916 = arith.constant 256 : i32
      %dma_start3A_1917 = arith.constant 0 : i32
      %dma_start3A_1918 = tpu.memref_slice %arg11[%dma_start3A_1916, %dma_start3A_1917] : memref<512x128xf32, #tpu.memory_space<vmem>> -> memref<64x128xf32, #tpu.memory_space<vmem>>
      %dma_start3A_1919 = arith.constant 0 : i32
      %dma_start3A_1920 = tpu.memref_slice %arg5[%dma_start3A_1919, %multiple_of3A_1915] : memref<64x1000000xf32, #tpu.memory_space<hbm>> -> memref<64x128xf32, #tpu.memory_space<hbm>>
      %dma_start3A_1921 = arith.constant 256 : i32
      %dma_start3A_1922 = arith.constant 0 : i32
      %dma_start3A_1923 = tpu.memref_slice %arg11[%dma_start3A_1921, %dma_start3A_1922] : memref<512x128xf32, #tpu.memory_space<vmem>> -> memref<64x128xf32, #tpu.memory_space<vmem>>
      %dma_start3A_1924 = arith.constant 0 : i32
      %dma_start3A_1925 = tpu.memref_slice %arg5[%dma_start3A_1924, %multiple_of3A_1915] : memref<64x1000000xf32, #tpu.memory_space<hbm>> -> memref<64x128xf32, #tpu.memory_space<hbm>>
      tpu.enqueue_dma source(%dma_start3A_1925 : memref<64x128xf32, #tpu.memory_space<hbm>>) target(%dma_start3A_1923 : memref<64x128xf32, #tpu.memory_space<vmem>>) target_semaphore(%arg17 : memref<!tpu.dma_semaphore, #tpu.memory_space<semaphore_mem>>)
      %slice3A_1926 = vector.extract_strided_slice %get3A_1590 {offsets = [5], sizes = [1], strides = [1]} : vector<16xi32> to vector<1xi32>
      %squeeze3A_1927 = vector.extract %slice3A_1926[0] : i32 from vector<1xi32>
      %mul3A_1928 = arith.constant 8 : i32
      %mul3A_1929 = arith.muli %scan3A_1585, %mul3A_1928 : i32
      %add3A_1930 = arith.constant 5 : i32
      %add3A_1931 = arith.addi %mul3A_1929, %add3A_1930 : i32
      %dma_wait3A_1932 = arith.constant 320 : i32
      %dma_wait3A_1933 = arith.constant 0 : i32
      %dma_wait3A_1934 = tpu.memref_slice %arg11[%dma_wait3A_1932, %dma_wait3A_1933] : memref<512x128xf32, #tpu.memory_space<vmem>> -> memref<64x128xf32, #tpu.memory_space<vmem>>
      %dma_wait3A_1935 = arith.constant 0 : i32
      %dma_wait3A_1936 = arith.constant 0 : i32
      %dma_wait3A_1937 = tpu.memref_slice %arg5[%dma_wait3A_1935, %dma_wait3A_1936] : memref<64x1000000xf32, #tpu.memory_space<hbm>> -> memref<64x128xf32, #tpu.memory_space<hbm>>
      %dma_wait3A_1938 = arith.constant 320 : i32
      %dma_wait3A_1939 = arith.constant 0 : i32
      %dma_wait3A_1940 = tpu.memref_slice %arg11[%dma_wait3A_1938, %dma_wait3A_1939] : memref<512x128xf32, #tpu.memory_space<vmem>> -> memref<64x128xf32, #tpu.memory_space<vmem>>
      %dma_wait3A_1941 = arith.constant 0 : i32
      %dma_wait3A_1942 = arith.constant 0 : i32
      %dma_wait3A_1943 = tpu.memref_slice %arg5[%dma_wait3A_1941, %dma_wait3A_1942] : memref<64x1000000xf32, #tpu.memory_space<hbm>> -> memref<64x128xf32, #tpu.memory_space<hbm>>
      tpu.wait_dma2 semaphore(%arg18 : memref<!tpu.dma_semaphore, #tpu.memory_space<semaphore_mem>>) src(%dma_wait3A_1943 : memref<64x128xf32, #tpu.memory_space<hbm>>) dst(%dma_wait3A_1940 : memref<64x128xf32, #tpu.memory_space<vmem>>)
      %and3A_1944 = arith.constant 127 : i32
      %and3A_1945 = arith.andi %squeeze3A_1927, %and3A_1944 : i32
      %broadcast_in_dim3A_1946 = vector.broadcast %and3A_1945 : i32 to vector<16xi32>
      %broadcast_in_dim3A_1947 = vector.broadcast %add3A_1931 : i32 to vector<16xi32>
      %add3A_1948 = arith.constant 320 : i32
      %add3A_1949 = vector.broadcast %add3A_1948 : i32 to vector<16xi32>
      %add3A_1950 = arith.addi %add3A_1949, %iota3A : vector<16xi32>
      %gather3A_1951 = tpu.vector_load_idx %arg11[%add3A_1950, %broadcast_in_dim3A_1946] : memref<512x128xf32, #tpu.memory_space<vmem>>[vector<16xi32>, vector<16xi32>], vector<16xf32>,
      %add3A_1952 = arith.constant 0 : i32
      %add3A_1953 = vector.broadcast %add3A_1952 : i32 to vector<16xi32>
      %add3A_1954 = arith.addi %add3A_1953, %iota3A : vector<16xi32>
      tpu.vector_store_idx %arg12[%add3A_1954, %broadcast_in_dim3A_1947], %gather3A_1951 : memref<64x512xf32, #tpu.memory_space<vmem>>[vector<16xi32>, vector<16xi32>], vector<16xf32>,
      %add3A_1955 = arith.constant 336 : i32
      %add3A_1956 = vector.broadcast %add3A_1955 : i32 to vector<16xi32>
      %add3A_1957 = arith.addi %add3A_1956, %iota3A : vector<16xi32>
      %gather3A_1958 = tpu.vector_load_idx %arg11[%add3A_1957, %broadcast_in_dim3A_1946] : memref<512x128xf32, #tpu.memory_space<vmem>>[vector<16xi32>, vector<16xi32>], vector<16xf32>,
      %add3A_1959 = arith.constant 16 : i32
      %add3A_1960 = vector.broadcast %add3A_1959 : i32 to vector<16xi32>
      %add3A_1961 = arith.addi %add3A_1960, %iota3A : vector<16xi32>
      tpu.vector_store_idx %arg12[%add3A_1961, %broadcast_in_dim3A_1947], %gather3A_1958 : memref<64x512xf32, #tpu.memory_space<vmem>>[vector<16xi32>, vector<16xi32>], vector<16xf32>,
      %add3A_1962 = arith.constant 352 : i32
      %add3A_1963 = vector.broadcast %add3A_1962 : i32 to vector<16xi32>
      %add3A_1964 = arith.addi %add3A_1963, %iota3A : vector<16xi32>
      %gather3A_1965 = tpu.vector_load_idx %arg11[%add3A_1964, %broadcast_in_dim3A_1946] : memref<512x128xf32, #tpu.memory_space<vmem>>[vector<16xi32>, vector<16xi32>], vector<16xf32>,
      %add3A_1966 = arith.constant 32 : i32
      %add3A_1967 = vector.broadcast %add3A_1966 : i32 to vector<16xi32>
      %add3A_1968 = arith.addi %add3A_1967, %iota3A : vector<16xi32>
      tpu.vector_store_idx %arg12[%add3A_1968, %broadcast_in_dim3A_1947], %gather3A_1965 : memref<64x512xf32, #tpu.memory_space<vmem>>[vector<16xi32>, vector<16xi32>], vector<16xf32>,
      %add3A_1969 = arith.constant 368 : i32
      %add3A_1970 = vector.broadcast %add3A_1969 : i32 to vector<16xi32>
      %add3A_1971 = arith.addi %add3A_1970, %iota3A : vector<16xi32>
      %gather3A_1972 = tpu.vector_load_idx %arg11[%add3A_1971, %broadcast_in_dim3A_1946] : memref<512x128xf32, #tpu.memory_space<vmem>>[vector<16xi32>, vector<16xi32>], vector<16xf32>,
      %add3A_1973 = arith.constant 48 : i32
      %add3A_1974 = vector.broadcast %add3A_1973 : i32 to vector<16xi32>
      %add3A_1975 = arith.addi %add3A_1974, %iota3A : vector<16xi32>
      tpu.vector_store_idx %arg12[%add3A_1975, %broadcast_in_dim3A_1947], %gather3A_1972 : memref<64x512xf32, #tpu.memory_space<vmem>>[vector<16xi32>, vector<16xi32>], vector<16xf32>,
      %slice3A_1976 = vector.extract_strided_slice %get3A_1590 {offsets = [13], sizes = [1], strides = [1]} : vector<16xi32> to vector<1xi32>
      %squeeze3A_1977 = vector.extract %slice3A_1976[0] : i32 from vector<1xi32>
      %shift_right_arithmetic3A_1978 = arith.constant 7 : i32
      %shift_right_arithmetic3A_1979 = arith.shrsi %squeeze3A_1977, %shift_right_arithmetic3A_1978 : i32
      %mul3A_1980 = arith.constant 128 : i32
      %mul3A_1981 = arith.muli %shift_right_arithmetic3A_1979, %mul3A_1980 : i32
      %multiple_of3A_1982 = tpu.assume_multiple %mul3A_1981, 128 : i32
      %dma_start3A_1983 = arith.constant 320 : i32
      %dma_start3A_1984 = arith.constant 0 : i32
      %dma_start3A_1985 = tpu.memref_slice %arg11[%dma_start3A_1983, %dma_start3A_1984] : memref<512x128xf32, #tpu.memory_space<vmem>> -> memref<64x128xf32, #tpu.memory_space<vmem>>
      %dma_start3A_1986 = arith.constant 0 : i32
      %dma_start3A_1987 = tpu.memref_slice %arg5[%dma_start3A_1986, %multiple_of3A_1982] : memref<64x1000000xf32, #tpu.memory_space<hbm>> -> memref<64x128xf32, #tpu.memory_space<hbm>>
      %dma_start3A_1988 = arith.constant 320 : i32
      %dma_start3A_1989 = arith.constant 0 : i32
      %dma_start3A_1990 = tpu.memref_slice %arg11[%dma_start3A_1988, %dma_start3A_1989] : memref<512x128xf32, #tpu.memory_space<vmem>> -> memref<64x128xf32, #tpu.memory_space<vmem>>
      %dma_start3A_1991 = arith.constant 0 : i32
      %dma_start3A_1992 = tpu.memref_slice %arg5[%dma_start3A_1991, %multiple_of3A_1982] : memref<64x1000000xf32, #tpu.memory_space<hbm>> -> memref<64x128xf32, #tpu.memory_space<hbm>>
      tpu.enqueue_dma source(%dma_start3A_1992 : memref<64x128xf32, #tpu.memory_space<hbm>>) target(%dma_start3A_1990 : memref<64x128xf32, #tpu.memory_space<vmem>>) target_semaphore(%arg18 : memref<!tpu.dma_semaphore, #tpu.memory_space<semaphore_mem>>)
      %slice3A_1993 = vector.extract_strided_slice %get3A_1590 {offsets = [6], sizes = [1], strides = [1]} : vector<16xi32> to vector<1xi32>
      %squeeze3A_1994 = vector.extract %slice3A_1993[0] : i32 from vector<1xi32>
      %mul3A_1995 = arith.constant 8 : i32
      %mul3A_1996 = arith.muli %scan3A_1585, %mul3A_1995 : i32
      %add3A_1997 = arith.constant 6 : i32
      %add3A_1998 = arith.addi %mul3A_1996, %add3A_1997 : i32
      %dma_wait3A_1999 = arith.constant 384 : i32
      %dma_wait3A_2000 = arith.constant 0 : i32
      %dma_wait3A_2001 = tpu.memref_slice %arg11[%dma_wait3A_1999, %dma_wait3A_2000] : memref<512x128xf32, #tpu.memory_space<vmem>> -> memref<64x128xf32, #tpu.memory_space<vmem>>
      %dma_wait3A_2002 = arith.constant 0 : i32
      %dma_wait3A_2003 = arith.constant 0 : i32
      %dma_wait3A_2004 = tpu.memref_slice %arg5[%dma_wait3A_2002, %dma_wait3A_2003] : memref<64x1000000xf32, #tpu.memory_space<hbm>> -> memref<64x128xf32, #tpu.memory_space<hbm>>
      %dma_wait3A_2005 = arith.constant 384 : i32
      %dma_wait3A_2006 = arith.constant 0 : i32
      %dma_wait3A_2007 = tpu.memref_slice %arg11[%dma_wait3A_2005, %dma_wait3A_2006] : memref<512x128xf32, #tpu.memory_space<vmem>> -> memref<64x128xf32, #tpu.memory_space<vmem>>
      %dma_wait3A_2008 = arith.constant 0 : i32
      %dma_wait3A_2009 = arith.constant 0 : i32
      %dma_wait3A_2010 = tpu.memref_slice %arg5[%dma_wait3A_2008, %dma_wait3A_2009] : memref<64x1000000xf32, #tpu.memory_space<hbm>> -> memref<64x128xf32, #tpu.memory_space<hbm>>
      tpu.wait_dma2 semaphore(%arg19 : memref<!tpu.dma_semaphore, #tpu.memory_space<semaphore_mem>>) src(%dma_wait3A_2010 : memref<64x128xf32, #tpu.memory_space<hbm>>) dst(%dma_wait3A_2007 : memref<64x128xf32, #tpu.memory_space<vmem>>)
      %and3A_2011 = arith.constant 127 : i32
      %and3A_2012 = arith.andi %squeeze3A_1994, %and3A_2011 : i32
      %broadcast_in_dim3A_2013 = vector.broadcast %and3A_2012 : i32 to vector<16xi32>
      %broadcast_in_dim3A_2014 = vector.broadcast %add3A_1998 : i32 to vector<16xi32>
      %add3A_2015 = arith.constant 384 : i32
      %add3A_2016 = vector.broadcast %add3A_2015 : i32 to vector<16xi32>
      %add3A_2017 = arith.addi %add3A_2016, %iota3A : vector<16xi32>
      %gather3A_2018 = tpu.vector_load_idx %arg11[%add3A_2017, %broadcast_in_dim3A_2013] : memref<512x128xf32, #tpu.memory_space<vmem>>[vector<16xi32>, vector<16xi32>], vector<16xf32>,
      %add3A_2019 = arith.constant 0 : i32
      %add3A_2020 = vector.broadcast %add3A_2019 : i32 to vector<16xi32>
      %add3A_2021 = arith.addi %add3A_2020, %iota3A : vector<16xi32>
      tpu.vector_store_idx %arg12[%add3A_2021, %broadcast_in_dim3A_2014], %gather3A_2018 : memref<64x512xf32, #tpu.memory_space<vmem>>[vector<16xi32>, vector<16xi32>], vector<16xf32>,
      %add3A_2022 = arith.constant 400 : i32
      %add3A_2023 = vector.broadcast %add3A_2022 : i32 to vector<16xi32>
      %add3A_2024 = arith.addi %add3A_2023, %iota3A : vector<16xi32>
      %gather3A_2025 = tpu.vector_load_idx %arg11[%add3A_2024, %broadcast_in_dim3A_2013] : memref<512x128xf32, #tpu.memory_space<vmem>>[vector<16xi32>, vector<16xi32>], vector<16xf32>,
      %add3A_2026 = arith.constant 16 : i32
      %add3A_2027 = vector.broadcast %add3A_2026 : i32 to vector<16xi32>
      %add3A_2028 = arith.addi %add3A_2027, %iota3A : vector<16xi32>
      tpu.vector_store_idx %arg12[%add3A_2028, %broadcast_in_dim3A_2014], %gather3A_2025 : memref<64x512xf32, #tpu.memory_space<vmem>>[vector<16xi32>, vector<16xi32>], vector<16xf32>,
      %add3A_2029 = arith.constant 416 : i32
      %add3A_2030 = vector.broadcast %add3A_2029 : i32 to vector<16xi32>
      %add3A_2031 = arith.addi %add3A_2030, %iota3A : vector<16xi32>
      %gather3A_2032 = tpu.vector_load_idx %arg11[%add3A_2031, %broadcast_in_dim3A_2013] : memref<512x128xf32, #tpu.memory_space<vmem>>[vector<16xi32>, vector<16xi32>], vector<16xf32>,
      %add3A_2033 = arith.constant 32 : i32
      %add3A_2034 = vector.broadcast %add3A_2033 : i32 to vector<16xi32>
      %add3A_2035 = arith.addi %add3A_2034, %iota3A : vector<16xi32>
      tpu.vector_store_idx %arg12[%add3A_2035, %broadcast_in_dim3A_2014], %gather3A_2032 : memref<64x512xf32, #tpu.memory_space<vmem>>[vector<16xi32>, vector<16xi32>], vector<16xf32>,
      %add3A_2036 = arith.constant 432 : i32
      %add3A_2037 = vector.broadcast %add3A_2036 : i32 to vector<16xi32>
      %add3A_2038 = arith.addi %add3A_2037, %iota3A : vector<16xi32>
      %gather3A_2039 = tpu.vector_load_idx %arg11[%add3A_2038, %broadcast_in_dim3A_2013] : memref<512x128xf32, #tpu.memory_space<vmem>>[vector<16xi32>, vector<16xi32>], vector<16xf32>,
      %add3A_2040 = arith.constant 48 : i32
      %add3A_2041 = vector.broadcast %add3A_2040 : i32 to vector<16xi32>
      %add3A_2042 = arith.addi %add3A_2041, %iota3A : vector<16xi32>
      tpu.vector_store_idx %arg12[%add3A_2042, %broadcast_in_dim3A_2014], %gather3A_2039 : memref<64x512xf32, #tpu.memory_space<vmem>>[vector<16xi32>, vector<16xi32>], vector<16xf32>,
      %slice3A_2043 = vector.extract_strided_slice %get3A_1590 {offsets = [14], sizes = [1], strides = [1]} : vector<16xi32> to vector<1xi32>
      %squeeze3A_2044 = vector.extract %slice3A_2043[0] : i32 from vector<1xi32>
      %shift_right_arithmetic3A_2045 = arith.constant 7 : i32
      %shift_right_arithmetic3A_2046 = arith.shrsi %squeeze3A_2044, %shift_right_arithmetic3A_2045 : i32
      %mul3A_2047 = arith.constant 128 : i32
      %mul3A_2048 = arith.muli %shift_right_arithmetic3A_2046, %mul3A_2047 : i32
      %multiple_of3A_2049 = tpu.assume_multiple %mul3A_2048, 128 : i32
      %dma_start3A_2050 = arith.constant 384 : i32
      %dma_start3A_2051 = arith.constant 0 : i32
      %dma_start3A_2052 = tpu.memref_slice %arg11[%dma_start3A_2050, %dma_start3A_2051] : memref<512x128xf32, #tpu.memory_space<vmem>> -> memref<64x128xf32, #tpu.memory_space<vmem>>
      %dma_start3A_2053 = arith.constant 0 : i32
      %dma_start3A_2054 = tpu.memref_slice %arg5[%dma_start3A_2053, %multiple_of3A_2049] : memref<64x1000000xf32, #tpu.memory_space<hbm>> -> memref<64x128xf32, #tpu.memory_space<hbm>>
      %dma_start3A_2055 = arith.constant 384 : i32
      %dma_start3A_2056 = arith.constant 0 : i32
      %dma_start3A_2057 = tpu.memref_slice %arg11[%dma_start3A_2055, %dma_start3A_2056] : memref<512x128xf32, #tpu.memory_space<vmem>> -> memref<64x128xf32, #tpu.memory_space<vmem>>
      %dma_start3A_2058 = arith.constant 0 : i32
      %dma_start3A_2059 = tpu.memref_slice %arg5[%dma_start3A_2058, %multiple_of3A_2049] : memref<64x1000000xf32, #tpu.memory_space<hbm>> -> memref<64x128xf32, #tpu.memory_space<hbm>>
      tpu.enqueue_dma source(%dma_start3A_2059 : memref<64x128xf32, #tpu.memory_space<hbm>>) target(%dma_start3A_2057 : memref<64x128xf32, #tpu.memory_space<vmem>>) target_semaphore(%arg19 : memref<!tpu.dma_semaphore, #tpu.memory_space<semaphore_mem>>)
      %slice3A_2060 = vector.extract_strided_slice %get3A_1590 {offsets = [7], sizes = [1], strides = [1]} : vector<16xi32> to vector<1xi32>
      %squeeze3A_2061 = vector.extract %slice3A_2060[0] : i32 from vector<1xi32>
      %mul3A_2062 = arith.constant 8 : i32
      %mul3A_2063 = arith.muli %scan3A_1585, %mul3A_2062 : i32
      %add3A_2064 = arith.constant 7 : i32
      %add3A_2065 = arith.addi %mul3A_2063, %add3A_2064 : i32
      %dma_wait3A_2066 = arith.constant 448 : i32
      %dma_wait3A_2067 = arith.constant 0 : i32
      %dma_wait3A_2068 = tpu.memref_slice %arg11[%dma_wait3A_2066, %dma_wait3A_2067] : memref<512x128xf32, #tpu.memory_space<vmem>> -> memref<64x128xf32, #tpu.memory_space<vmem>>
      %dma_wait3A_2069 = arith.constant 0 : i32
      %dma_wait3A_2070 = arith.constant 0 : i32
      %dma_wait3A_2071 = tpu.memref_slice %arg5[%dma_wait3A_2069, %dma_wait3A_2070] : memref<64x1000000xf32, #tpu.memory_space<hbm>> -> memref<64x128xf32, #tpu.memory_space<hbm>>
      %dma_wait3A_2072 = arith.constant 448 : i32
      %dma_wait3A_2073 = arith.constant 0 : i32
      %dma_wait3A_2074 = tpu.memref_slice %arg11[%dma_wait3A_2072, %dma_wait3A_2073] : memref<512x128xf32, #tpu.memory_space<vmem>> -> memref<64x128xf32, #tpu.memory_space<vmem>>
      %dma_wait3A_2075 = arith.constant 0 : i32
      %dma_wait3A_2076 = arith.constant 0 : i32
      %dma_wait3A_2077 = tpu.memref_slice %arg5[%dma_wait3A_2075, %dma_wait3A_2076] : memref<64x1000000xf32, #tpu.memory_space<hbm>> -> memref<64x128xf32, #tpu.memory_space<hbm>>
      tpu.wait_dma2 semaphore(%arg20 : memref<!tpu.dma_semaphore, #tpu.memory_space<semaphore_mem>>) src(%dma_wait3A_2077 : memref<64x128xf32, #tpu.memory_space<hbm>>) dst(%dma_wait3A_2074 : memref<64x128xf32, #tpu.memory_space<vmem>>)
      %and3A_2078 = arith.constant 127 : i32
      %and3A_2079 = arith.andi %squeeze3A_2061, %and3A_2078 : i32
      %broadcast_in_dim3A_2080 = vector.broadcast %and3A_2079 : i32 to vector<16xi32>
      %broadcast_in_dim3A_2081 = vector.broadcast %add3A_2065 : i32 to vector<16xi32>
      %add3A_2082 = arith.constant 448 : i32
      %add3A_2083 = vector.broadcast %add3A_2082 : i32 to vector<16xi32>
      %add3A_2084 = arith.addi %add3A_2083, %iota3A : vector<16xi32>
      %gather3A_2085 = tpu.vector_load_idx %arg11[%add3A_2084, %broadcast_in_dim3A_2080] : memref<512x128xf32, #tpu.memory_space<vmem>>[vector<16xi32>, vector<16xi32>], vector<16xf32>,
      %add3A_2086 = arith.constant 0 : i32
      %add3A_2087 = vector.broadcast %add3A_2086 : i32 to vector<16xi32>
      %add3A_2088 = arith.addi %add3A_2087, %iota3A : vector<16xi32>
      tpu.vector_store_idx %arg12[%add3A_2088, %broadcast_in_dim3A_2081], %gather3A_2085 : memref<64x512xf32, #tpu.memory_space<vmem>>[vector<16xi32>, vector<16xi32>], vector<16xf32>,
      %add3A_2089 = arith.constant 464 : i32
      %add3A_2090 = vector.broadcast %add3A_2089 : i32 to vector<16xi32>
      %add3A_2091 = arith.addi %add3A_2090, %iota3A : vector<16xi32>
      %gather3A_2092 = tpu.vector_load_idx %arg11[%add3A_2091, %broadcast_in_dim3A_2080] : memref<512x128xf32, #tpu.memory_space<vmem>>[vector<16xi32>, vector<16xi32>], vector<16xf32>,
      %add3A_2093 = arith.constant 16 : i32
      %add3A_2094 = vector.broadcast %add3A_2093 : i32 to vector<16xi32>
      %add3A_2095 = arith.addi %add3A_2094, %iota3A : vector<16xi32>
      tpu.vector_store_idx %arg12[%add3A_2095, %broadcast_in_dim3A_2081], %gather3A_2092 : memref<64x512xf32, #tpu.memory_space<vmem>>[vector<16xi32>, vector<16xi32>], vector<16xf32>,
      %add3A_2096 = arith.constant 480 : i32
      %add3A_2097 = vector.broadcast %add3A_2096 : i32 to vector<16xi32>
      %add3A_2098 = arith.addi %add3A_2097, %iota3A : vector<16xi32>
      %gather3A_2099 = tpu.vector_load_idx %arg11[%add3A_2098, %broadcast_in_dim3A_2080] : memref<512x128xf32, #tpu.memory_space<vmem>>[vector<16xi32>, vector<16xi32>], vector<16xf32>,
      %add3A_2100 = arith.constant 32 : i32
      %add3A_2101 = vector.broadcast %add3A_2100 : i32 to vector<16xi32>
      %add3A_2102 = arith.addi %add3A_2101, %iota3A : vector<16xi32>
      tpu.vector_store_idx %arg12[%add3A_2102, %broadcast_in_dim3A_2081], %gather3A_2099 : memref<64x512xf32, #tpu.memory_space<vmem>>[vector<16xi32>, vector<16xi32>], vector<16xf32>,
      %add3A_2103 = arith.constant 496 : i32
      %add3A_2104 = vector.broadcast %add3A_2103 : i32 to vector<16xi32>
      %add3A_2105 = arith.addi %add3A_2104, %iota3A : vector<16xi32>
      %gather3A_2106 = tpu.vector_load_idx %arg11[%add3A_2105, %broadcast_in_dim3A_2080] : memref<512x128xf32, #tpu.memory_space<vmem>>[vector<16xi32>, vector<16xi32>], vector<16xf32>,
      %add3A_2107 = arith.constant 48 : i32
      %add3A_2108 = vector.broadcast %add3A_2107 : i32 to vector<16xi32>
      %add3A_2109 = arith.addi %add3A_2108, %iota3A : vector<16xi32>
      tpu.vector_store_idx %arg12[%add3A_2109, %broadcast_in_dim3A_2081], %gather3A_2106 : memref<64x512xf32, #tpu.memory_space<vmem>>[vector<16xi32>, vector<16xi32>], vector<16xf32>,
      %slice3A_2110 = vector.extract_strided_slice %get3A_1590 {offsets = [15], sizes = [1], strides = [1]} : vector<16xi32> to vector<1xi32>
      %squeeze3A_2111 = vector.extract %slice3A_2110[0] : i32 from vector<1xi32>
      %shift_right_arithmetic3A_2112 = arith.constant 7 : i32
      %shift_right_arithmetic3A_2113 = arith.shrsi %squeeze3A_2111, %shift_right_arithmetic3A_2112 : i32
      %mul3A_2114 = arith.constant 128 : i32
      %mul3A_2115 = arith.muli %shift_right_arithmetic3A_2113, %mul3A_2114 : i32
      %multiple_of3A_2116 = tpu.assume_multiple %mul3A_2115, 128 : i32
      %dma_start3A_2117 = arith.constant 448 : i32
      %dma_start3A_2118 = arith.constant 0 : i32
      %dma_start3A_2119 = tpu.memref_slice %arg11[%dma_start3A_2117, %dma_start3A_2118] : memref<512x128xf32, #tpu.memory_space<vmem>> -> memref<64x128xf32, #tpu.memory_space<vmem>>
      %dma_start3A_2120 = arith.constant 0 : i32
      %dma_start3A_2121 = tpu.memref_slice %arg5[%dma_start3A_2120, %multiple_of3A_2116] : memref<64x1000000xf32, #tpu.memory_space<hbm>> -> memref<64x128xf32, #tpu.memory_space<hbm>>
      %dma_start3A_2122 = arith.constant 448 : i32
      %dma_start3A_2123 = arith.constant 0 : i32
      %dma_start3A_2124 = tpu.memref_slice %arg11[%dma_start3A_2122, %dma_start3A_2123] : memref<512x128xf32, #tpu.memory_space<vmem>> -> memref<64x128xf32, #tpu.memory_space<vmem>>
      %dma_start3A_2125 = arith.constant 0 : i32
      %dma_start3A_2126 = tpu.memref_slice %arg5[%dma_start3A_2125, %multiple_of3A_2116] : memref<64x1000000xf32, #tpu.memory_space<hbm>> -> memref<64x128xf32, #tpu.memory_space<hbm>>
      tpu.enqueue_dma source(%dma_start3A_2126 : memref<64x128xf32, #tpu.memory_space<hbm>>) target(%dma_start3A_2124 : memref<64x128xf32, #tpu.memory_space<vmem>>) target_semaphore(%arg20 : memref<!tpu.dma_semaphore, #tpu.memory_space<semaphore_mem>>)
      %scan3A_2127 = arith.constant 0 : i32
      scf.yield %scan3A_2127 : i32
    }
    %scan3A_140 = arith.constant 63 : i32
    %get3A_141 = arith.constant 496 : index
    %get3A_142 = tpu.vector_load %arg10[%get3A_141] {strides = array<i32>} : memref<512xi32, #tpu.memory_space<vmem>>, vector<16xi32>,
    %slice3A_143 = vector.extract_strided_slice %get3A_142 {offsets = [8], sizes = [1], strides = [1]} : vector<16xi32> to vector<1xi32>
    %squeeze3A_144 = vector.extract %slice3A_143[0] : i32 from vector<1xi32>
    %dma_wait3A = arith.constant 0 : i32
    %dma_wait3A_145 = arith.constant 0 : i32
    %dma_wait3A_146 = tpu.memref_slice %arg11[%dma_wait3A, %dma_wait3A_145] : memref<512x128xf32, #tpu.memory_space<vmem>> -> memref<64x128xf32, #tpu.memory_space<vmem>>
    %dma_wait3A_147 = arith.constant 0 : i32
    %dma_wait3A_148 = arith.constant 0 : i32
    %dma_wait3A_149 = tpu.memref_slice %arg5[%dma_wait3A_147, %dma_wait3A_148] : memref<64x1000000xf32, #tpu.memory_space<hbm>> -> memref<64x128xf32, #tpu.memory_space<hbm>>
    %dma_wait3A_150 = arith.constant 0 : i32
    %dma_wait3A_151 = arith.constant 0 : i32
    %dma_wait3A_152 = tpu.memref_slice %arg11[%dma_wait3A_150, %dma_wait3A_151] : memref<512x128xf32, #tpu.memory_space<vmem>> -> memref<64x128xf32, #tpu.memory_space<vmem>>
    %dma_wait3A_153 = arith.constant 0 : i32
    %dma_wait3A_154 = arith.constant 0 : i32
    %dma_wait3A_155 = tpu.memref_slice %arg5[%dma_wait3A_153, %dma_wait3A_154] : memref<64x1000000xf32, #tpu.memory_space<hbm>> -> memref<64x128xf32, #tpu.memory_space<hbm>>
    tpu.wait_dma2 semaphore(%arg13 : memref<!tpu.dma_semaphore, #tpu.memory_space<semaphore_mem>>) src(%dma_wait3A_155 : memref<64x128xf32, #tpu.memory_space<hbm>>) dst(%dma_wait3A_152 : memref<64x128xf32, #tpu.memory_space<vmem>>)
    %and3A = arith.constant 127 : i32
    %and3A_156 = arith.andi %squeeze3A_144, %and3A : i32
    %broadcast_in_dim3A = vector.broadcast %and3A_156 : i32 to vector<16xi32>
    %broadcast_in_dim3A_157 = arith.constant 504 : i32
    %broadcast_in_dim3A_158 = vector.broadcast %broadcast_in_dim3A_157 : i32 to vector<16xi32>
    %add3A_159 = arith.constant 0 : i32
    %add3A_160 = vector.broadcast %add3A_159 : i32 to vector<16xi32>
    %add3A_161 = arith.addi %add3A_160, %iota3A : vector<16xi32>
    %gather3A = tpu.vector_load_idx %arg11[%add3A_161, %broadcast_in_dim3A] : memref<512x128xf32, #tpu.memory_space<vmem>>[vector<16xi32>, vector<16xi32>], vector<16xf32>,
    %add3A_162 = arith.constant 0 : i32
    %add3A_163 = vector.broadcast %add3A_162 : i32 to vector<16xi32>
    %add3A_164 = arith.addi %add3A_163, %iota3A : vector<16xi32>
    tpu.vector_store_idx %arg12[%add3A_164, %broadcast_in_dim3A_158], %gather3A : memref<64x512xf32, #tpu.memory_space<vmem>>[vector<16xi32>, vector<16xi32>], vector<16xf32>,
    %add3A_165 = arith.constant 16 : i32
    %add3A_166 = vector.broadcast %add3A_165 : i32 to vector<16xi32>
    %add3A_167 = arith.addi %add3A_166, %iota3A : vector<16xi32>
    %gather3A_168 = tpu.vector_load_idx %arg11[%add3A_167, %broadcast_in_dim3A] : memref<512x128xf32, #tpu.memory_space<vmem>>[vector<16xi32>, vector<16xi32>], vector<16xf32>,
    %add3A_169 = arith.constant 16 : i32
    %add3A_170 = vector.broadcast %add3A_169 : i32 to vector<16xi32>
    %add3A_171 = arith.addi %add3A_170, %iota3A : vector<16xi32>
    tpu.vector_store_idx %arg12[%add3A_171, %broadcast_in_dim3A_158], %gather3A_168 : memref<64x512xf32, #tpu.memory_space<vmem>>[vector<16xi32>, vector<16xi32>], vector<16xf32>,
    %add3A_172 = arith.constant 32 : i32
    %add3A_173 = vector.broadcast %add3A_172 : i32 to vector<16xi32>
    %add3A_174 = arith.addi %add3A_173, %iota3A : vector<16xi32>
    %gather3A_175 = tpu.vector_load_idx %arg11[%add3A_174, %broadcast_in_dim3A] : memref<512x128xf32, #tpu.memory_space<vmem>>[vector<16xi32>, vector<16xi32>], vector<16xf32>,
    %add3A_176 = arith.constant 32 : i32
    %add3A_177 = vector.broadcast %add3A_176 : i32 to vector<16xi32>
    %add3A_178 = arith.addi %add3A_177, %iota3A : vector<16xi32>
    tpu.vector_store_idx %arg12[%add3A_178, %broadcast_in_dim3A_158], %gather3A_175 : memref<64x512xf32, #tpu.memory_space<vmem>>[vector<16xi32>, vector<16xi32>], vector<16xf32>,
    %add3A_179 = arith.constant 48 : i32
    %add3A_180 = vector.broadcast %add3A_179 : i32 to vector<16xi32>
    %add3A_181 = arith.addi %add3A_180, %iota3A : vector<16xi32>
    %gather3A_182 = tpu.vector_load_idx %arg11[%add3A_181, %broadcast_in_dim3A] : memref<512x128xf32, #tpu.memory_space<vmem>>[vector<16xi32>, vector<16xi32>], vector<16xf32>,
    %add3A_183 = arith.constant 48 : i32
    %add3A_184 = vector.broadcast %add3A_183 : i32 to vector<16xi32>
    %add3A_185 = arith.addi %add3A_184, %iota3A : vector<16xi32>
    tpu.vector_store_idx %arg12[%add3A_185, %broadcast_in_dim3A_158], %gather3A_182 : memref<64x512xf32, #tpu.memory_space<vmem>>[vector<16xi32>, vector<16xi32>], vector<16xf32>,
    %slice3A_186 = vector.extract_strided_slice %get3A_142 {offsets = [9], sizes = [1], strides = [1]} : vector<16xi32> to vector<1xi32>
    %squeeze3A_187 = vector.extract %slice3A_186[0] : i32 from vector<1xi32>
    %dma_wait3A_188 = arith.constant 64 : i32
    %dma_wait3A_189 = arith.constant 0 : i32
    %dma_wait3A_190 = tpu.memref_slice %arg11[%dma_wait3A_188, %dma_wait3A_189] : memref<512x128xf32, #tpu.memory_space<vmem>> -> memref<64x128xf32, #tpu.memory_space<vmem>>
    %dma_wait3A_191 = arith.constant 0 : i32
    %dma_wait3A_192 = arith.constant 0 : i32
    %dma_wait3A_193 = tpu.memref_slice %arg5[%dma_wait3A_191, %dma_wait3A_192] : memref<64x1000000xf32, #tpu.memory_space<hbm>> -> memref<64x128xf32, #tpu.memory_space<hbm>>
    %dma_wait3A_194 = arith.constant 64 : i32
    %dma_wait3A_195 = arith.constant 0 : i32
    %dma_wait3A_196 = tpu.memref_slice %arg11[%dma_wait3A_194, %dma_wait3A_195] : memref<512x128xf32, #tpu.memory_space<vmem>> -> memref<64x128xf32, #tpu.memory_space<vmem>>
    %dma_wait3A_197 = arith.constant 0 : i32
    %dma_wait3A_198 = arith.constant 0 : i32
    %dma_wait3A_199 = tpu.memref_slice %arg5[%dma_wait3A_197, %dma_wait3A_198] : memref<64x1000000xf32, #tpu.memory_space<hbm>> -> memref<64x128xf32, #tpu.memory_space<hbm>>
    tpu.wait_dma2 semaphore(%arg14 : memref<!tpu.dma_semaphore, #tpu.memory_space<semaphore_mem>>) src(%dma_wait3A_199 : memref<64x128xf32, #tpu.memory_space<hbm>>) dst(%dma_wait3A_196 : memref<64x128xf32, #tpu.memory_space<vmem>>)
    %and3A_200 = arith.constant 127 : i32
    %and3A_201 = arith.andi %squeeze3A_187, %and3A_200 : i32
    %broadcast_in_dim3A_202 = vector.broadcast %and3A_201 : i32 to vector<16xi32>
    %broadcast_in_dim3A_203 = arith.constant 505 : i32
    %broadcast_in_dim3A_204 = vector.broadcast %broadcast_in_dim3A_203 : i32 to vector<16xi32>
    %add3A_205 = arith.constant 64 : i32
    %add3A_206 = vector.broadcast %add3A_205 : i32 to vector<16xi32>
    %add3A_207 = arith.addi %add3A_206, %iota3A : vector<16xi32>
    %gather3A_208 = tpu.vector_load_idx %arg11[%add3A_207, %broadcast_in_dim3A_202] : memref<512x128xf32, #tpu.memory_space<vmem>>[vector<16xi32>, vector<16xi32>], vector<16xf32>,
    %add3A_209 = arith.constant 0 : i32
    %add3A_210 = vector.broadcast %add3A_209 : i32 to vector<16xi32>
    %add3A_211 = arith.addi %add3A_210, %iota3A : vector<16xi32>
    tpu.vector_store_idx %arg12[%add3A_211, %broadcast_in_dim3A_204], %gather3A_208 : memref<64x512xf32, #tpu.memory_space<vmem>>[vector<16xi32>, vector<16xi32>], vector<16xf32>,
    %add3A_212 = arith.constant 80 : i32
    %add3A_213 = vector.broadcast %add3A_212 : i32 to vector<16xi32>
    %add3A_214 = arith.addi %add3A_213, %iota3A : vector<16xi32>
    %gather3A_215 = tpu.vector_load_idx %arg11[%add3A_214, %broadcast_in_dim3A_202] : memref<512x128xf32, #tpu.memory_space<vmem>>[vector<16xi32>, vector<16xi32>], vector<16xf32>,
    %add3A_216 = arith.constant 16 : i32
    %add3A_217 = vector.broadcast %add3A_216 : i32 to vector<16xi32>
    %add3A_218 = arith.addi %add3A_217, %iota3A : vector<16xi32>
    tpu.vector_store_idx %arg12[%add3A_218, %broadcast_in_dim3A_204], %gather3A_215 : memref<64x512xf32, #tpu.memory_space<vmem>>[vector<16xi32>, vector<16xi32>], vector<16xf32>,
    %add3A_219 = arith.constant 96 : i32
    %add3A_220 = vector.broadcast %add3A_219 : i32 to vector<16xi32>
    %add3A_221 = arith.addi %add3A_220, %iota3A : vector<16xi32>
    %gather3A_222 = tpu.vector_load_idx %arg11[%add3A_221, %broadcast_in_dim3A_202] : memref<512x128xf32, #tpu.memory_space<vmem>>[vector<16xi32>, vector<16xi32>], vector<16xf32>,
    %add3A_223 = arith.constant 32 : i32
    %add3A_224 = vector.broadcast %add3A_223 : i32 to vector<16xi32>
    %add3A_225 = arith.addi %add3A_224, %iota3A : vector<16xi32>
    tpu.vector_store_idx %arg12[%add3A_225, %broadcast_in_dim3A_204], %gather3A_222 : memref<64x512xf32, #tpu.memory_space<vmem>>[vector<16xi32>, vector<16xi32>], vector<16xf32>,
    %add3A_226 = arith.constant 112 : i32
    %add3A_227 = vector.broadcast %add3A_226 : i32 to vector<16xi32>
    %add3A_228 = arith.addi %add3A_227, %iota3A : vector<16xi32>
    %gather3A_229 = tpu.vector_load_idx %arg11[%add3A_228, %broadcast_in_dim3A_202] : memref<512x128xf32, #tpu.memory_space<vmem>>[vector<16xi32>, vector<16xi32>], vector<16xf32>,
    %add3A_230 = arith.constant 48 : i32
    %add3A_231 = vector.broadcast %add3A_230 : i32 to vector<16xi32>
    %add3A_232 = arith.addi %add3A_231, %iota3A : vector<16xi32>
    tpu.vector_store_idx %arg12[%add3A_232, %broadcast_in_dim3A_204], %gather3A_229 : memref<64x512xf32, #tpu.memory_space<vmem>>[vector<16xi32>, vector<16xi32>], vector<16xf32>,
    %slice3A_233 = vector.extract_strided_slice %get3A_142 {offsets = [10], sizes = [1], strides = [1]} : vector<16xi32> to vector<1xi32>
    %squeeze3A_234 = vector.extract %slice3A_233[0] : i32 from vector<1xi32>
    %dma_wait3A_235 = arith.constant 128 : i32
    %dma_wait3A_236 = arith.constant 0 : i32
    %dma_wait3A_237 = tpu.memref_slice %arg11[%dma_wait3A_235, %dma_wait3A_236] : memref<512x128xf32, #tpu.memory_space<vmem>> -> memref<64x128xf32, #tpu.memory_space<vmem>>
    %dma_wait3A_238 = arith.constant 0 : i32
    %dma_wait3A_239 = arith.constant 0 : i32
    %dma_wait3A_240 = tpu.memref_slice %arg5[%dma_wait3A_238, %dma_wait3A_239] : memref<64x1000000xf32, #tpu.memory_space<hbm>> -> memref<64x128xf32, #tpu.memory_space<hbm>>
    %dma_wait3A_241 = arith.constant 128 : i32
    %dma_wait3A_242 = arith.constant 0 : i32
    %dma_wait3A_243 = tpu.memref_slice %arg11[%dma_wait3A_241, %dma_wait3A_242] : memref<512x128xf32, #tpu.memory_space<vmem>> -> memref<64x128xf32, #tpu.memory_space<vmem>>
    %dma_wait3A_244 = arith.constant 0 : i32
    %dma_wait3A_245 = arith.constant 0 : i32
    %dma_wait3A_246 = tpu.memref_slice %arg5[%dma_wait3A_244, %dma_wait3A_245] : memref<64x1000000xf32, #tpu.memory_space<hbm>> -> memref<64x128xf32, #tpu.memory_space<hbm>>
    tpu.wait_dma2 semaphore(%arg15 : memref<!tpu.dma_semaphore, #tpu.memory_space<semaphore_mem>>) src(%dma_wait3A_246 : memref<64x128xf32, #tpu.memory_space<hbm>>) dst(%dma_wait3A_243 : memref<64x128xf32, #tpu.memory_space<vmem>>)
    %and3A_247 = arith.constant 127 : i32
    %and3A_248 = arith.andi %squeeze3A_234, %and3A_247 : i32
    %broadcast_in_dim3A_249 = vector.broadcast %and3A_248 : i32 to vector<16xi32>
    %broadcast_in_dim3A_250 = arith.constant 506 : i32
    %broadcast_in_dim3A_251 = vector.broadcast %broadcast_in_dim3A_250 : i32 to vector<16xi32>
    %add3A_252 = arith.constant 128 : i32
    %add3A_253 = vector.broadcast %add3A_252 : i32 to vector<16xi32>
    %add3A_254 = arith.addi %add3A_253, %iota3A : vector<16xi32>
    %gather3A_255 = tpu.vector_load_idx %arg11[%add3A_254, %broadcast_in_dim3A_249] : memref<512x128xf32, #tpu.memory_space<vmem>>[vector<16xi32>, vector<16xi32>], vector<16xf32>,
    %add3A_256 = arith.constant 0 : i32
    %add3A_257 = vector.broadcast %add3A_256 : i32 to vector<16xi32>
    %add3A_258 = arith.addi %add3A_257, %iota3A : vector<16xi32>
    tpu.vector_store_idx %arg12[%add3A_258, %broadcast_in_dim3A_251], %gather3A_255 : memref<64x512xf32, #tpu.memory_space<vmem>>[vector<16xi32>, vector<16xi32>], vector<16xf32>,
    %add3A_259 = arith.constant 144 : i32
    %add3A_260 = vector.broadcast %add3A_259 : i32 to vector<16xi32>
    %add3A_261 = arith.addi %add3A_260, %iota3A : vector<16xi32>
    %gather3A_262 = tpu.vector_load_idx %arg11[%add3A_261, %broadcast_in_dim3A_249] : memref<512x128xf32, #tpu.memory_space<vmem>>[vector<16xi32>, vector<16xi32>], vector<16xf32>,
    %add3A_263 = arith.constant 16 : i32
    %add3A_264 = vector.broadcast %add3A_263 : i32 to vector<16xi32>
    %add3A_265 = arith.addi %add3A_264, %iota3A : vector<16xi32>
    tpu.vector_store_idx %arg12[%add3A_265, %broadcast_in_dim3A_251], %gather3A_262 : memref<64x512xf32, #tpu.memory_space<vmem>>[vector<16xi32>, vector<16xi32>], vector<16xf32>,
    %add3A_266 = arith.constant 160 : i32
    %add3A_267 = vector.broadcast %add3A_266 : i32 to vector<16xi32>
    %add3A_268 = arith.addi %add3A_267, %iota3A : vector<16xi32>
    %gather3A_269 = tpu.vector_load_idx %arg11[%add3A_268, %broadcast_in_dim3A_249] : memref<512x128xf32, #tpu.memory_space<vmem>>[vector<16xi32>, vector<16xi32>], vector<16xf32>,
    %add3A_270 = arith.constant 32 : i32
    %add3A_271 = vector.broadcast %add3A_270 : i32 to vector<16xi32>
    %add3A_272 = arith.addi %add3A_271, %iota3A : vector<16xi32>
    tpu.vector_store_idx %arg12[%add3A_272, %broadcast_in_dim3A_251], %gather3A_269 : memref<64x512xf32, #tpu.memory_space<vmem>>[vector<16xi32>, vector<16xi32>], vector<16xf32>,
    %add3A_273 = arith.constant 176 : i32
    %add3A_274 = vector.broadcast %add3A_273 : i32 to vector<16xi32>
    %add3A_275 = arith.addi %add3A_274, %iota3A : vector<16xi32>
    %gather3A_276 = tpu.vector_load_idx %arg11[%add3A_275, %broadcast_in_dim3A_249] : memref<512x128xf32, #tpu.memory_space<vmem>>[vector<16xi32>, vector<16xi32>], vector<16xf32>,
    %add3A_277 = arith.constant 48 : i32
    %add3A_278 = vector.broadcast %add3A_277 : i32 to vector<16xi32>
    %add3A_279 = arith.addi %add3A_278, %iota3A : vector<16xi32>
    tpu.vector_store_idx %arg12[%add3A_279, %broadcast_in_dim3A_251], %gather3A_276 : memref<64x512xf32, #tpu.memory_space<vmem>>[vector<16xi32>, vector<16xi32>], vector<16xf32>,
    %slice3A_280 = vector.extract_strided_slice %get3A_142 {offsets = [11], sizes = [1], strides = [1]} : vector<16xi32> to vector<1xi32>
    %squeeze3A_281 = vector.extract %slice3A_280[0] : i32 from vector<1xi32>
    %dma_wait3A_282 = arith.constant 192 : i32
    %dma_wait3A_283 = arith.constant 0 : i32
    %dma_wait3A_284 = tpu.memref_slice %arg11[%dma_wait3A_282, %dma_wait3A_283] : memref<512x128xf32, #tpu.memory_space<vmem>> -> memref<64x128xf32, #tpu.memory_space<vmem>>
    %dma_wait3A_285 = arith.constant 0 : i32
    %dma_wait3A_286 = arith.constant 0 : i32
    %dma_wait3A_287 = tpu.memref_slice %arg5[%dma_wait3A_285, %dma_wait3A_286] : memref<64x1000000xf32, #tpu.memory_space<hbm>> -> memref<64x128xf32, #tpu.memory_space<hbm>>
    %dma_wait3A_288 = arith.constant 192 : i32
    %dma_wait3A_289 = arith.constant 0 : i32
    %dma_wait3A_290 = tpu.memref_slice %arg11[%dma_wait3A_288, %dma_wait3A_289] : memref<512x128xf32, #tpu.memory_space<vmem>> -> memref<64x128xf32, #tpu.memory_space<vmem>>
    %dma_wait3A_291 = arith.constant 0 : i32
    %dma_wait3A_292 = arith.constant 0 : i32
    %dma_wait3A_293 = tpu.memref_slice %arg5[%dma_wait3A_291, %dma_wait3A_292] : memref<64x1000000xf32, #tpu.memory_space<hbm>> -> memref<64x128xf32, #tpu.memory_space<hbm>>
    tpu.wait_dma2 semaphore(%arg16 : memref<!tpu.dma_semaphore, #tpu.memory_space<semaphore_mem>>) src(%dma_wait3A_293 : memref<64x128xf32, #tpu.memory_space<hbm>>) dst(%dma_wait3A_290 : memref<64x128xf32, #tpu.memory_space<vmem>>)
    %and3A_294 = arith.constant 127 : i32
    %and3A_295 = arith.andi %squeeze3A_281, %and3A_294 : i32
    %broadcast_in_dim3A_296 = vector.broadcast %and3A_295 : i32 to vector<16xi32>
    %broadcast_in_dim3A_297 = arith.constant 507 : i32
    %broadcast_in_dim3A_298 = vector.broadcast %broadcast_in_dim3A_297 : i32 to vector<16xi32>
    %add3A_299 = arith.constant 192 : i32
    %add3A_300 = vector.broadcast %add3A_299 : i32 to vector<16xi32>
    %add3A_301 = arith.addi %add3A_300, %iota3A : vector<16xi32>
    %gather3A_302 = tpu.vector_load_idx %arg11[%add3A_301, %broadcast_in_dim3A_296] : memref<512x128xf32, #tpu.memory_space<vmem>>[vector<16xi32>, vector<16xi32>], vector<16xf32>,
    %add3A_303 = arith.constant 0 : i32
    %add3A_304 = vector.broadcast %add3A_303 : i32 to vector<16xi32>
    %add3A_305 = arith.addi %add3A_304, %iota3A : vector<16xi32>
    tpu.vector_store_idx %arg12[%add3A_305, %broadcast_in_dim3A_298], %gather3A_302 : memref<64x512xf32, #tpu.memory_space<vmem>>[vector<16xi32>, vector<16xi32>], vector<16xf32>,
    %add3A_306 = arith.constant 208 : i32
    %add3A_307 = vector.broadcast %add3A_306 : i32 to vector<16xi32>
    %add3A_308 = arith.addi %add3A_307, %iota3A : vector<16xi32>
    %gather3A_309 = tpu.vector_load_idx %arg11[%add3A_308, %broadcast_in_dim3A_296] : memref<512x128xf32, #tpu.memory_space<vmem>>[vector<16xi32>, vector<16xi32>], vector<16xf32>,
    %add3A_310 = arith.constant 16 : i32
    %add3A_311 = vector.broadcast %add3A_310 : i32 to vector<16xi32>
    %add3A_312 = arith.addi %add3A_311, %iota3A : vector<16xi32>
    tpu.vector_store_idx %arg12[%add3A_312, %broadcast_in_dim3A_298], %gather3A_309 : memref<64x512xf32, #tpu.memory_space<vmem>>[vector<16xi32>, vector<16xi32>], vector<16xf32>,
    %add3A_313 = arith.constant 224 : i32
    %add3A_314 = vector.broadcast %add3A_313 : i32 to vector<16xi32>
    %add3A_315 = arith.addi %add3A_314, %iota3A : vector<16xi32>
    %gather3A_316 = tpu.vector_load_idx %arg11[%add3A_315, %broadcast_in_dim3A_296] : memref<512x128xf32, #tpu.memory_space<vmem>>[vector<16xi32>, vector<16xi32>], vector<16xf32>,
    %add3A_317 = arith.constant 32 : i32
    %add3A_318 = vector.broadcast %add3A_317 : i32 to vector<16xi32>
    %add3A_319 = arith.addi %add3A_318, %iota3A : vector<16xi32>
    tpu.vector_store_idx %arg12[%add3A_319, %broadcast_in_dim3A_298], %gather3A_316 : memref<64x512xf32, #tpu.memory_space<vmem>>[vector<16xi32>, vector<16xi32>], vector<16xf32>,
    %add3A_320 = arith.constant 240 : i32
    %add3A_321 = vector.broadcast %add3A_320 : i32 to vector<16xi32>
    %add3A_322 = arith.addi %add3A_321, %iota3A : vector<16xi32>
    %gather3A_323 = tpu.vector_load_idx %arg11[%add3A_322, %broadcast_in_dim3A_296] : memref<512x128xf32, #tpu.memory_space<vmem>>[vector<16xi32>, vector<16xi32>], vector<16xf32>,
    %add3A_324 = arith.constant 48 : i32
    %add3A_325 = vector.broadcast %add3A_324 : i32 to vector<16xi32>
    %add3A_326 = arith.addi %add3A_325, %iota3A : vector<16xi32>
    tpu.vector_store_idx %arg12[%add3A_326, %broadcast_in_dim3A_298], %gather3A_323 : memref<64x512xf32, #tpu.memory_space<vmem>>[vector<16xi32>, vector<16xi32>], vector<16xf32>,
    %slice3A_327 = vector.extract_strided_slice %get3A_142 {offsets = [12], sizes = [1], strides = [1]} : vector<16xi32> to vector<1xi32>
    %squeeze3A_328 = vector.extract %slice3A_327[0] : i32 from vector<1xi32>
    %dma_wait3A_329 = arith.constant 256 : i32
    %dma_wait3A_330 = arith.constant 0 : i32
    %dma_wait3A_331 = tpu.memref_slice %arg11[%dma_wait3A_329, %dma_wait3A_330] : memref<512x128xf32, #tpu.memory_space<vmem>> -> memref<64x128xf32, #tpu.memory_space<vmem>>
    %dma_wait3A_332 = arith.constant 0 : i32
    %dma_wait3A_333 = arith.constant 0 : i32
    %dma_wait3A_334 = tpu.memref_slice %arg5[%dma_wait3A_332, %dma_wait3A_333] : memref<64x1000000xf32, #tpu.memory_space<hbm>> -> memref<64x128xf32, #tpu.memory_space<hbm>>
    %dma_wait3A_335 = arith.constant 256 : i32
    %dma_wait3A_336 = arith.constant 0 : i32
    %dma_wait3A_337 = tpu.memref_slice %arg11[%dma_wait3A_335, %dma_wait3A_336] : memref<512x128xf32, #tpu.memory_space<vmem>> -> memref<64x128xf32, #tpu.memory_space<vmem>>
    %dma_wait3A_338 = arith.constant 0 : i32
    %dma_wait3A_339 = arith.constant 0 : i32
    %dma_wait3A_340 = tpu.memref_slice %arg5[%dma_wait3A_338, %dma_wait3A_339] : memref<64x1000000xf32, #tpu.memory_space<hbm>> -> memref<64x128xf32, #tpu.memory_space<hbm>>
    tpu.wait_dma2 semaphore(%arg17 : memref<!tpu.dma_semaphore, #tpu.memory_space<semaphore_mem>>) src(%dma_wait3A_340 : memref<64x128xf32, #tpu.memory_space<hbm>>) dst(%dma_wait3A_337 : memref<64x128xf32, #tpu.memory_space<vmem>>)
    %and3A_341 = arith.constant 127 : i32
    %and3A_342 = arith.andi %squeeze3A_328, %and3A_341 : i32
    %broadcast_in_dim3A_343 = vector.broadcast %and3A_342 : i32 to vector<16xi32>
    %broadcast_in_dim3A_344 = arith.constant 508 : i32
    %broadcast_in_dim3A_345 = vector.broadcast %broadcast_in_dim3A_344 : i32 to vector<16xi32>
    %add3A_346 = arith.constant 256 : i32
    %add3A_347 = vector.broadcast %add3A_346 : i32 to vector<16xi32>
    %add3A_348 = arith.addi %add3A_347, %iota3A : vector<16xi32>
    %gather3A_349 = tpu.vector_load_idx %arg11[%add3A_348, %broadcast_in_dim3A_343] : memref<512x128xf32, #tpu.memory_space<vmem>>[vector<16xi32>, vector<16xi32>], vector<16xf32>,
    %add3A_350 = arith.constant 0 : i32
    %add3A_351 = vector.broadcast %add3A_350 : i32 to vector<16xi32>
    %add3A_352 = arith.addi %add3A_351, %iota3A : vector<16xi32>
    tpu.vector_store_idx %arg12[%add3A_352, %broadcast_in_dim3A_345], %gather3A_349 : memref<64x512xf32, #tpu.memory_space<vmem>>[vector<16xi32>, vector<16xi32>], vector<16xf32>,
    %add3A_353 = arith.constant 272 : i32
    %add3A_354 = vector.broadcast %add3A_353 : i32 to vector<16xi32>
    %add3A_355 = arith.addi %add3A_354, %iota3A : vector<16xi32>
    %gather3A_356 = tpu.vector_load_idx %arg11[%add3A_355, %broadcast_in_dim3A_343] : memref<512x128xf32, #tpu.memory_space<vmem>>[vector<16xi32>, vector<16xi32>], vector<16xf32>,
    %add3A_357 = arith.constant 16 : i32
    %add3A_358 = vector.broadcast %add3A_357 : i32 to vector<16xi32>
    %add3A_359 = arith.addi %add3A_358, %iota3A : vector<16xi32>
    tpu.vector_store_idx %arg12[%add3A_359, %broadcast_in_dim3A_345], %gather3A_356 : memref<64x512xf32, #tpu.memory_space<vmem>>[vector<16xi32>, vector<16xi32>], vector<16xf32>,
    %add3A_360 = arith.constant 288 : i32
    %add3A_361 = vector.broadcast %add3A_360 : i32 to vector<16xi32>
    %add3A_362 = arith.addi %add3A_361, %iota3A : vector<16xi32>
    %gather3A_363 = tpu.vector_load_idx %arg11[%add3A_362, %broadcast_in_dim3A_343] : memref<512x128xf32, #tpu.memory_space<vmem>>[vector<16xi32>, vector<16xi32>], vector<16xf32>,
    %add3A_364 = arith.constant 32 : i32
    %add3A_365 = vector.broadcast %add3A_364 : i32 to vector<16xi32>
    %add3A_366 = arith.addi %add3A_365, %iota3A : vector<16xi32>
    tpu.vector_store_idx %arg12[%add3A_366, %broadcast_in_dim3A_345], %gather3A_363 : memref<64x512xf32, #tpu.memory_space<vmem>>[vector<16xi32>, vector<16xi32>], vector<16xf32>,
    %add3A_367 = arith.constant 304 : i32
    %add3A_368 = vector.broadcast %add3A_367 : i32 to vector<16xi32>
    %add3A_369 = arith.addi %add3A_368, %iota3A : vector<16xi32>
    %gather3A_370 = tpu.vector_load_idx %arg11[%add3A_369, %broadcast_in_dim3A_343] : memref<512x128xf32, #tpu.memory_space<vmem>>[vector<16xi32>, vector<16xi32>], vector<16xf32>,
    %add3A_371 = arith.constant 48 : i32
    %add3A_372 = vector.broadcast %add3A_371 : i32 to vector<16xi32>
    %add3A_373 = arith.addi %add3A_372, %iota3A : vector<16xi32>
    tpu.vector_store_idx %arg12[%add3A_373, %broadcast_in_dim3A_345], %gather3A_370 : memref<64x512xf32, #tpu.memory_space<vmem>>[vector<16xi32>, vector<16xi32>], vector<16xf32>,
    %slice3A_374 = vector.extract_strided_slice %get3A_142 {offsets = [13], sizes = [1], strides = [1]} : vector<16xi32> to vector<1xi32>
    %squeeze3A_375 = vector.extract %slice3A_374[0] : i32 from vector<1xi32>
    %dma_wait3A_376 = arith.constant 320 : i32
    %dma_wait3A_377 = arith.constant 0 : i32
    %dma_wait3A_378 = tpu.memref_slice %arg11[%dma_wait3A_376, %dma_wait3A_377] : memref<512x128xf32, #tpu.memory_space<vmem>> -> memref<64x128xf32, #tpu.memory_space<vmem>>
    %dma_wait3A_379 = arith.constant 0 : i32
    %dma_wait3A_380 = arith.constant 0 : i32
    %dma_wait3A_381 = tpu.memref_slice %arg5[%dma_wait3A_379, %dma_wait3A_380] : memref<64x1000000xf32, #tpu.memory_space<hbm>> -> memref<64x128xf32, #tpu.memory_space<hbm>>
    %dma_wait3A_382 = arith.constant 320 : i32
    %dma_wait3A_383 = arith.constant 0 : i32
    %dma_wait3A_384 = tpu.memref_slice %arg11[%dma_wait3A_382, %dma_wait3A_383] : memref<512x128xf32, #tpu.memory_space<vmem>> -> memref<64x128xf32, #tpu.memory_space<vmem>>
    %dma_wait3A_385 = arith.constant 0 : i32
    %dma_wait3A_386 = arith.constant 0 : i32
    %dma_wait3A_387 = tpu.memref_slice %arg5[%dma_wait3A_385, %dma_wait3A_386] : memref<64x1000000xf32, #tpu.memory_space<hbm>> -> memref<64x128xf32, #tpu.memory_space<hbm>>
    tpu.wait_dma2 semaphore(%arg18 : memref<!tpu.dma_semaphore, #tpu.memory_space<semaphore_mem>>) src(%dma_wait3A_387 : memref<64x128xf32, #tpu.memory_space<hbm>>) dst(%dma_wait3A_384 : memref<64x128xf32, #tpu.memory_space<vmem>>)
    %and3A_388 = arith.constant 127 : i32
    %and3A_389 = arith.andi %squeeze3A_375, %and3A_388 : i32
    %broadcast_in_dim3A_390 = vector.broadcast %and3A_389 : i32 to vector<16xi32>
    %broadcast_in_dim3A_391 = arith.constant 509 : i32
    %broadcast_in_dim3A_392 = vector.broadcast %broadcast_in_dim3A_391 : i32 to vector<16xi32>
    %add3A_393 = arith.constant 320 : i32
    %add3A_394 = vector.broadcast %add3A_393 : i32 to vector<16xi32>
    %add3A_395 = arith.addi %add3A_394, %iota3A : vector<16xi32>
    %gather3A_396 = tpu.vector_load_idx %arg11[%add3A_395, %broadcast_in_dim3A_390] : memref<512x128xf32, #tpu.memory_space<vmem>>[vector<16xi32>, vector<16xi32>], vector<16xf32>,
    %add3A_397 = arith.constant 0 : i32
    %add3A_398 = vector.broadcast %add3A_397 : i32 to vector<16xi32>
    %add3A_399 = arith.addi %add3A_398, %iota3A : vector<16xi32>
    tpu.vector_store_idx %arg12[%add3A_399, %broadcast_in_dim3A_392], %gather3A_396 : memref<64x512xf32, #tpu.memory_space<vmem>>[vector<16xi32>, vector<16xi32>], vector<16xf32>,
    %add3A_400 = arith.constant 336 : i32
    %add3A_401 = vector.broadcast %add3A_400 : i32 to vector<16xi32>
    %add3A_402 = arith.addi %add3A_401, %iota3A : vector<16xi32>
    %gather3A_403 = tpu.vector_load_idx %arg11[%add3A_402, %broadcast_in_dim3A_390] : memref<512x128xf32, #tpu.memory_space<vmem>>[vector<16xi32>, vector<16xi32>], vector<16xf32>,
    %add3A_404 = arith.constant 16 : i32
    %add3A_405 = vector.broadcast %add3A_404 : i32 to vector<16xi32>
    %add3A_406 = arith.addi %add3A_405, %iota3A : vector<16xi32>
    tpu.vector_store_idx %arg12[%add3A_406, %broadcast_in_dim3A_392], %gather3A_403 : memref<64x512xf32, #tpu.memory_space<vmem>>[vector<16xi32>, vector<16xi32>], vector<16xf32>,
    %add3A_407 = arith.constant 352 : i32
    %add3A_408 = vector.broadcast %add3A_407 : i32 to vector<16xi32>
    %add3A_409 = arith.addi %add3A_408, %iota3A : vector<16xi32>
    %gather3A_410 = tpu.vector_load_idx %arg11[%add3A_409, %broadcast_in_dim3A_390] : memref<512x128xf32, #tpu.memory_space<vmem>>[vector<16xi32>, vector<16xi32>], vector<16xf32>,
    %add3A_411 = arith.constant 32 : i32
    %add3A_412 = vector.broadcast %add3A_411 : i32 to vector<16xi32>
    %add3A_413 = arith.addi %add3A_412, %iota3A : vector<16xi32>
    tpu.vector_store_idx %arg12[%add3A_413, %broadcast_in_dim3A_392], %gather3A_410 : memref<64x512xf32, #tpu.memory_space<vmem>>[vector<16xi32>, vector<16xi32>], vector<16xf32>,
    %add3A_414 = arith.constant 368 : i32
    %add3A_415 = vector.broadcast %add3A_414 : i32 to vector<16xi32>
    %add3A_416 = arith.addi %add3A_415, %iota3A : vector<16xi32>
    %gather3A_417 = tpu.vector_load_idx %arg11[%add3A_416, %broadcast_in_dim3A_390] : memref<512x128xf32, #tpu.memory_space<vmem>>[vector<16xi32>, vector<16xi32>], vector<16xf32>,
    %add3A_418 = arith.constant 48 : i32
    %add3A_419 = vector.broadcast %add3A_418 : i32 to vector<16xi32>
    %add3A_420 = arith.addi %add3A_419, %iota3A : vector<16xi32>
    tpu.vector_store_idx %arg12[%add3A_420, %broadcast_in_dim3A_392], %gather3A_417 : memref<64x512xf32, #tpu.memory_space<vmem>>[vector<16xi32>, vector<16xi32>], vector<16xf32>,
    %slice3A_421 = vector.extract_strided_slice %get3A_142 {offsets = [14], sizes = [1], strides = [1]} : vector<16xi32> to vector<1xi32>
    %squeeze3A_422 = vector.extract %slice3A_421[0] : i32 from vector<1xi32>
    %dma_wait3A_423 = arith.constant 384 : i32
    %dma_wait3A_424 = arith.constant 0 : i32
    %dma_wait3A_425 = tpu.memref_slice %arg11[%dma_wait3A_423, %dma_wait3A_424] : memref<512x128xf32, #tpu.memory_space<vmem>> -> memref<64x128xf32, #tpu.memory_space<vmem>>
    %dma_wait3A_426 = arith.constant 0 : i32
    %dma_wait3A_427 = arith.constant 0 : i32
    %dma_wait3A_428 = tpu.memref_slice %arg5[%dma_wait3A_426, %dma_wait3A_427] : memref<64x1000000xf32, #tpu.memory_space<hbm>> -> memref<64x128xf32, #tpu.memory_space<hbm>>
    %dma_wait3A_429 = arith.constant 384 : i32
    %dma_wait3A_430 = arith.constant 0 : i32
    %dma_wait3A_431 = tpu.memref_slice %arg11[%dma_wait3A_429, %dma_wait3A_430] : memref<512x128xf32, #tpu.memory_space<vmem>> -> memref<64x128xf32, #tpu.memory_space<vmem>>
    %dma_wait3A_432 = arith.constant 0 : i32
    %dma_wait3A_433 = arith.constant 0 : i32
    %dma_wait3A_434 = tpu.memref_slice %arg5[%dma_wait3A_432, %dma_wait3A_433] : memref<64x1000000xf32, #tpu.memory_space<hbm>> -> memref<64x128xf32, #tpu.memory_space<hbm>>
    tpu.wait_dma2 semaphore(%arg19 : memref<!tpu.dma_semaphore, #tpu.memory_space<semaphore_mem>>) src(%dma_wait3A_434 : memref<64x128xf32, #tpu.memory_space<hbm>>) dst(%dma_wait3A_431 : memref<64x128xf32, #tpu.memory_space<vmem>>)
    %and3A_435 = arith.constant 127 : i32
    %and3A_436 = arith.andi %squeeze3A_422, %and3A_435 : i32
    %broadcast_in_dim3A_437 = vector.broadcast %and3A_436 : i32 to vector<16xi32>
    %broadcast_in_dim3A_438 = arith.constant 510 : i32
    %broadcast_in_dim3A_439 = vector.broadcast %broadcast_in_dim3A_438 : i32 to vector<16xi32>
    %add3A_440 = arith.constant 384 : i32
    %add3A_441 = vector.broadcast %add3A_440 : i32 to vector<16xi32>
    %add3A_442 = arith.addi %add3A_441, %iota3A : vector<16xi32>
    %gather3A_443 = tpu.vector_load_idx %arg11[%add3A_442, %broadcast_in_dim3A_437] : memref<512x128xf32, #tpu.memory_space<vmem>>[vector<16xi32>, vector<16xi32>], vector<16xf32>,
    %add3A_444 = arith.constant 0 : i32
    %add3A_445 = vector.broadcast %add3A_444 : i32 to vector<16xi32>
    %add3A_446 = arith.addi %add3A_445, %iota3A : vector<16xi32>
    tpu.vector_store_idx %arg12[%add3A_446, %broadcast_in_dim3A_439], %gather3A_443 : memref<64x512xf32, #tpu.memory_space<vmem>>[vector<16xi32>, vector<16xi32>], vector<16xf32>,
    %add3A_447 = arith.constant 400 : i32
    %add3A_448 = vector.broadcast %add3A_447 : i32 to vector<16xi32>
    %add3A_449 = arith.addi %add3A_448, %iota3A : vector<16xi32>
    %gather3A_450 = tpu.vector_load_idx %arg11[%add3A_449, %broadcast_in_dim3A_437] : memref<512x128xf32, #tpu.memory_space<vmem>>[vector<16xi32>, vector<16xi32>], vector<16xf32>,
    %add3A_451 = arith.constant 16 : i32
    %add3A_452 = vector.broadcast %add3A_451 : i32 to vector<16xi32>
    %add3A_453 = arith.addi %add3A_452, %iota3A : vector<16xi32>
    tpu.vector_store_idx %arg12[%add3A_453, %broadcast_in_dim3A_439], %gather3A_450 : memref<64x512xf32, #tpu.memory_space<vmem>>[vector<16xi32>, vector<16xi32>], vector<16xf32>,
    %add3A_454 = arith.constant 416 : i32
    %add3A_455 = vector.broadcast %add3A_454 : i32 to vector<16xi32>
    %add3A_456 = arith.addi %add3A_455, %iota3A : vector<16xi32>
    %gather3A_457 = tpu.vector_load_idx %arg11[%add3A_456, %broadcast_in_dim3A_437] : memref<512x128xf32, #tpu.memory_space<vmem>>[vector<16xi32>, vector<16xi32>], vector<16xf32>,
    %add3A_458 = arith.constant 32 : i32
    %add3A_459 = vector.broadcast %add3A_458 : i32 to vector<16xi32>
    %add3A_460 = arith.addi %add3A_459, %iota3A : vector<16xi32>
    tpu.vector_store_idx %arg12[%add3A_460, %broadcast_in_dim3A_439], %gather3A_457 : memref<64x512xf32, #tpu.memory_space<vmem>>[vector<16xi32>, vector<16xi32>], vector<16xf32>,
    %add3A_461 = arith.constant 432 : i32
    %add3A_462 = vector.broadcast %add3A_461 : i32 to vector<16xi32>
    %add3A_463 = arith.addi %add3A_462, %iota3A : vector<16xi32>
    %gather3A_464 = tpu.vector_load_idx %arg11[%add3A_463, %broadcast_in_dim3A_437] : memref<512x128xf32, #tpu.memory_space<vmem>>[vector<16xi32>, vector<16xi32>], vector<16xf32>,
    %add3A_465 = arith.constant 48 : i32
    %add3A_466 = vector.broadcast %add3A_465 : i32 to vector<16xi32>
    %add3A_467 = arith.addi %add3A_466, %iota3A : vector<16xi32>
    tpu.vector_store_idx %arg12[%add3A_467, %broadcast_in_dim3A_439], %gather3A_464 : memref<64x512xf32, #tpu.memory_space<vmem>>[vector<16xi32>, vector<16xi32>], vector<16xf32>,
    %slice3A_468 = vector.extract_strided_slice %get3A_142 {offsets = [15], sizes = [1], strides = [1]} : vector<16xi32> to vector<1xi32>
    %squeeze3A_469 = vector.extract %slice3A_468[0] : i32 from vector<1xi32>
    %dma_wait3A_470 = arith.constant 448 : i32
    %dma_wait3A_471 = arith.constant 0 : i32
    %dma_wait3A_472 = tpu.memref_slice %arg11[%dma_wait3A_470, %dma_wait3A_471] : memref<512x128xf32, #tpu.memory_space<vmem>> -> memref<64x128xf32, #tpu.memory_space<vmem>>
    %dma_wait3A_473 = arith.constant 0 : i32
    %dma_wait3A_474 = arith.constant 0 : i32
    %dma_wait3A_475 = tpu.memref_slice %arg5[%dma_wait3A_473, %dma_wait3A_474] : memref<64x1000000xf32, #tpu.memory_space<hbm>> -> memref<64x128xf32, #tpu.memory_space<hbm>>
    %dma_wait3A_476 = arith.constant 448 : i32
    %dma_wait3A_477 = arith.constant 0 : i32
    %dma_wait3A_478 = tpu.memref_slice %arg11[%dma_wait3A_476, %dma_wait3A_477] : memref<512x128xf32, #tpu.memory_space<vmem>> -> memref<64x128xf32, #tpu.memory_space<vmem>>
    %dma_wait3A_479 = arith.constant 0 : i32
    %dma_wait3A_480 = arith.constant 0 : i32
    %dma_wait3A_481 = tpu.memref_slice %arg5[%dma_wait3A_479, %dma_wait3A_480] : memref<64x1000000xf32, #tpu.memory_space<hbm>> -> memref<64x128xf32, #tpu.memory_space<hbm>>
    tpu.wait_dma2 semaphore(%arg20 : memref<!tpu.dma_semaphore, #tpu.memory_space<semaphore_mem>>) src(%dma_wait3A_481 : memref<64x128xf32, #tpu.memory_space<hbm>>) dst(%dma_wait3A_478 : memref<64x128xf32, #tpu.memory_space<vmem>>)
    %and3A_482 = arith.constant 127 : i32
    %and3A_483 = arith.andi %squeeze3A_469, %and3A_482 : i32
    %broadcast_in_dim3A_484 = vector.broadcast %and3A_483 : i32 to vector<16xi32>
    %broadcast_in_dim3A_485 = arith.constant 511 : i32
    %broadcast_in_dim3A_486 = vector.broadcast %broadcast_in_dim3A_485 : i32 to vector<16xi32>
    %add3A_487 = arith.constant 448 : i32
    %add3A_488 = vector.broadcast %add3A_487 : i32 to vector<16xi32>
    %add3A_489 = arith.addi %add3A_488, %iota3A : vector<16xi32>
    %gather3A_490 = tpu.vector_load_idx %arg11[%add3A_489, %broadcast_in_dim3A_484] : memref<512x128xf32, #tpu.memory_space<vmem>>[vector<16xi32>, vector<16xi32>], vector<16xf32>,
    %add3A_491 = arith.constant 0 : i32
    %add3A_492 = vector.broadcast %add3A_491 : i32 to vector<16xi32>
    %add3A_493 = arith.addi %add3A_492, %iota3A : vector<16xi32>
    tpu.vector_store_idx %arg12[%add3A_493, %broadcast_in_dim3A_486], %gather3A_490 : memref<64x512xf32, #tpu.memory_space<vmem>>[vector<16xi32>, vector<16xi32>], vector<16xf32>,
    %add3A_494 = arith.constant 464 : i32
    %add3A_495 = vector.broadcast %add3A_494 : i32 to vector<16xi32>
    %add3A_496 = arith.addi %add3A_495, %iota3A : vector<16xi32>
    %gather3A_497 = tpu.vector_load_idx %arg11[%add3A_496, %broadcast_in_dim3A_484] : memref<512x128xf32, #tpu.memory_space<vmem>>[vector<16xi32>, vector<16xi32>], vector<16xf32>,
    %add3A_498 = arith.constant 16 : i32
    %add3A_499 = vector.broadcast %add3A_498 : i32 to vector<16xi32>
    %add3A_500 = arith.addi %add3A_499, %iota3A : vector<16xi32>
    tpu.vector_store_idx %arg12[%add3A_500, %broadcast_in_dim3A_486], %gather3A_497 : memref<64x512xf32, #tpu.memory_space<vmem>>[vector<16xi32>, vector<16xi32>], vector<16xf32>,
    %add3A_501 = arith.constant 480 : i32
    %add3A_502 = vector.broadcast %add3A_501 : i32 to vector<16xi32>
    %add3A_503 = arith.addi %add3A_502, %iota3A : vector<16xi32>
    %gather3A_504 = tpu.vector_load_idx %arg11[%add3A_503, %broadcast_in_dim3A_484] : memref<512x128xf32, #tpu.memory_space<vmem>>[vector<16xi32>, vector<16xi32>], vector<16xf32>,
    %add3A_505 = arith.constant 32 : i32
    %add3A_506 = vector.broadcast %add3A_505 : i32 to vector<16xi32>
    %add3A_507 = arith.addi %add3A_506, %iota3A : vector<16xi32>
    tpu.vector_store_idx %arg12[%add3A_507, %broadcast_in_dim3A_486], %gather3A_504 : memref<64x512xf32, #tpu.memory_space<vmem>>[vector<16xi32>, vector<16xi32>], vector<16xf32>,
    %add3A_508 = arith.constant 496 : i32
    %add3A_509 = vector.broadcast %add3A_508 : i32 to vector<16xi32>
    %add3A_510 = arith.addi %add3A_509, %iota3A : vector<16xi32>
    %gather3A_511 = tpu.vector_load_idx %arg11[%add3A_510, %broadcast_in_dim3A_484] : memref<512x128xf32, #tpu.memory_space<vmem>>[vector<16xi32>, vector<16xi32>], vector<16xf32>,
    %add3A_512 = arith.constant 48 : i32
    %add3A_513 = vector.broadcast %add3A_512 : i32 to vector<16xi32>
    %add3A_514 = arith.addi %add3A_513, %iota3A : vector<16xi32>
    tpu.vector_store_idx %arg12[%add3A_514, %broadcast_in_dim3A_486], %gather3A_511 : memref<64x512xf32, #tpu.memory_space<vmem>>[vector<16xi32>, vector<16xi32>], vector<16xf32>,
    %dma_start3A_515 = arith.constant 0 : i32
    %dma_start3A_516 = tpu.memref_slice %arg7[%dma_start3A_515, %mul3A_2] : memref<64x16384xf32, #tpu.memory_space<hbm>> -> memref<64x512xf32, #tpu.memory_space<hbm>>
    %dma_start3A_517 = arith.constant 0 : i32
    %dma_start3A_518 = tpu.memref_slice %arg7[%dma_start3A_517, %mul3A_2] : memref<64x16384xf32, #tpu.memory_space<hbm>> -> memref<64x512xf32, #tpu.memory_space<hbm>>
    tpu.enqueue_dma source(%arg12 : memref<64x512xf32, #tpu.memory_space<vmem>>) target(%dma_start3A_518 : memref<64x512xf32, #tpu.memory_space<hbm>>) target_semaphore(%arg21 : memref<!tpu.dma_semaphore, #tpu.memory_space<semaphore_mem>>)
    "tpu.region"() ({
      %run_scoped3A = tpu.sem_alloc : memref<!tpu.dma_semaphore, #tpu.memory_space<semaphore_mem>>
      %dma_start3A_1585 = tpu.memref_slice %arg3[%mul3A_2] : memref<16384xi32, #tpu.memory_space<hbm>> -> memref<512xi32, #tpu.memory_space<hbm>>
      %dma_start3A_1586 = tpu.memref_slice %arg3[%mul3A_2] : memref<16384xi32, #tpu.memory_space<hbm>> -> memref<512xi32, #tpu.memory_space<hbm>>
      tpu.enqueue_dma source(%dma_start3A_1586 : memref<512xi32, #tpu.memory_space<hbm>>) target(%arg10 : memref<512xi32, #tpu.memory_space<vmem>>) target_semaphore(%run_scoped3A : memref<!tpu.dma_semaphore, #tpu.memory_space<semaphore_mem>>)
      %dma_wait3A_1587 = tpu.memref_slice %arg3[%mul3A_2] : memref<16384xi32, #tpu.memory_space<hbm>> -> memref<512xi32, #tpu.memory_space<hbm>>
      %dma_wait3A_1588 = tpu.memref_slice %arg3[%mul3A_2] : memref<16384xi32, #tpu.memory_space<hbm>> -> memref<512xi32, #tpu.memory_space<hbm>>
      tpu.wait_dma2 semaphore(%run_scoped3A : memref<!tpu.dma_semaphore, #tpu.memory_space<semaphore_mem>>) src(%dma_wait3A_1588 : memref<512xi32, #tpu.memory_space<hbm>>) dst(%arg10 : memref<512xi32, #tpu.memory_space<vmem>>)
      tpu.yield
    }) : () -> ()
    %get3A_519 = arith.constant 0 : index
    %get3A_520 = tpu.vector_load %arg10[%get3A_519] {strides = array<i32>} : memref<512xi32, #tpu.memory_space<vmem>>, vector<16xi32>,
    %slice3A_521 = vector.extract_strided_slice %get3A_520 {offsets = [0], sizes = [1], strides = [1]} : vector<16xi32> to vector<1xi32>
    %squeeze3A_522 = vector.extract %slice3A_521[0] : i32 from vector<1xi32>
    %shift_right_arithmetic3A_523 = arith.constant 7 : i32
    %shift_right_arithmetic3A_524 = arith.shrsi %squeeze3A_522, %shift_right_arithmetic3A_523 : i32
    %mul3A_525 = arith.constant 128 : i32
    %mul3A_526 = arith.muli %shift_right_arithmetic3A_524, %mul3A_525 : i32
    %multiple_of3A_527 = tpu.assume_multiple %mul3A_526, 128 : i32
    %dma_start3A_528 = arith.constant 0 : i32
    %dma_start3A_529 = arith.constant 0 : i32
    %dma_start3A_530 = tpu.memref_slice %arg11[%dma_start3A_528, %dma_start3A_529] : memref<512x128xf32, #tpu.memory_space<vmem>> -> memref<64x128xf32, #tpu.memory_space<vmem>>
    %dma_start3A_531 = arith.constant 0 : i32
    %dma_start3A_532 = tpu.memref_slice %arg6[%dma_start3A_531, %multiple_of3A_527] : memref<64x1000000xf32, #tpu.memory_space<hbm>> -> memref<64x128xf32, #tpu.memory_space<hbm>>
    %dma_start3A_533 = arith.constant 0 : i32
    %dma_start3A_534 = arith.constant 0 : i32
    %dma_start3A_535 = tpu.memref_slice %arg11[%dma_start3A_533, %dma_start3A_534] : memref<512x128xf32, #tpu.memory_space<vmem>> -> memref<64x128xf32, #tpu.memory_space<vmem>>
    %dma_start3A_536 = arith.constant 0 : i32
    %dma_start3A_537 = tpu.memref_slice %arg6[%dma_start3A_536, %multiple_of3A_527] : memref<64x1000000xf32, #tpu.memory_space<hbm>> -> memref<64x128xf32, #tpu.memory_space<hbm>>
    tpu.enqueue_dma source(%dma_start3A_537 : memref<64x128xf32, #tpu.memory_space<hbm>>) target(%dma_start3A_535 : memref<64x128xf32, #tpu.memory_space<vmem>>) target_semaphore(%arg13 : memref<!tpu.dma_semaphore, #tpu.memory_space<semaphore_mem>>)
    %slice3A_538 = vector.extract_strided_slice %get3A_520 {offsets = [1], sizes = [1], strides = [1]} : vector<16xi32> to vector<1xi32>
    %squeeze3A_539 = vector.extract %slice3A_538[0] : i32 from vector<1xi32>
    %shift_right_arithmetic3A_540 = arith.constant 7 : i32
    %shift_right_arithmetic3A_541 = arith.shrsi %squeeze3A_539, %shift_right_arithmetic3A_540 : i32
    %mul3A_542 = arith.constant 128 : i32
    %mul3A_543 = arith.muli %shift_right_arithmetic3A_541, %mul3A_542 : i32
    %multiple_of3A_544 = tpu.assume_multiple %mul3A_543, 128 : i32
    %dma_start3A_545 = arith.constant 64 : i32
    %dma_start3A_546 = arith.constant 0 : i32
    %dma_start3A_547 = tpu.memref_slice %arg11[%dma_start3A_545, %dma_start3A_546] : memref<512x128xf32, #tpu.memory_space<vmem>> -> memref<64x128xf32, #tpu.memory_space<vmem>>
    %dma_start3A_548 = arith.constant 0 : i32
    %dma_start3A_549 = tpu.memref_slice %arg6[%dma_start3A_548, %multiple_of3A_544] : memref<64x1000000xf32, #tpu.memory_space<hbm>> -> memref<64x128xf32, #tpu.memory_space<hbm>>
    %dma_start3A_550 = arith.constant 64 : i32
    %dma_start3A_551 = arith.constant 0 : i32
    %dma_start3A_552 = tpu.memref_slice %arg11[%dma_start3A_550, %dma_start3A_551] : memref<512x128xf32, #tpu.memory_space<vmem>> -> memref<64x128xf32, #tpu.memory_space<vmem>>
    %dma_start3A_553 = arith.constant 0 : i32
    %dma_start3A_554 = tpu.memref_slice %arg6[%dma_start3A_553, %multiple_of3A_544] : memref<64x1000000xf32, #tpu.memory_space<hbm>> -> memref<64x128xf32, #tpu.memory_space<hbm>>
    tpu.enqueue_dma source(%dma_start3A_554 : memref<64x128xf32, #tpu.memory_space<hbm>>) target(%dma_start3A_552 : memref<64x128xf32, #tpu.memory_space<vmem>>) target_semaphore(%arg14 : memref<!tpu.dma_semaphore, #tpu.memory_space<semaphore_mem>>)
    %slice3A_555 = vector.extract_strided_slice %get3A_520 {offsets = [2], sizes = [1], strides = [1]} : vector<16xi32> to vector<1xi32>
    %squeeze3A_556 = vector.extract %slice3A_555[0] : i32 from vector<1xi32>
    %shift_right_arithmetic3A_557 = arith.constant 7 : i32
    %shift_right_arithmetic3A_558 = arith.shrsi %squeeze3A_556, %shift_right_arithmetic3A_557 : i32
    %mul3A_559 = arith.constant 128 : i32
    %mul3A_560 = arith.muli %shift_right_arithmetic3A_558, %mul3A_559 : i32
    %multiple_of3A_561 = tpu.assume_multiple %mul3A_560, 128 : i32
    %dma_start3A_562 = arith.constant 128 : i32
    %dma_start3A_563 = arith.constant 0 : i32
    %dma_start3A_564 = tpu.memref_slice %arg11[%dma_start3A_562, %dma_start3A_563] : memref<512x128xf32, #tpu.memory_space<vmem>> -> memref<64x128xf32, #tpu.memory_space<vmem>>
    %dma_start3A_565 = arith.constant 0 : i32
    %dma_start3A_566 = tpu.memref_slice %arg6[%dma_start3A_565, %multiple_of3A_561] : memref<64x1000000xf32, #tpu.memory_space<hbm>> -> memref<64x128xf32, #tpu.memory_space<hbm>>
    %dma_start3A_567 = arith.constant 128 : i32
    %dma_start3A_568 = arith.constant 0 : i32
    %dma_start3A_569 = tpu.memref_slice %arg11[%dma_start3A_567, %dma_start3A_568] : memref<512x128xf32, #tpu.memory_space<vmem>> -> memref<64x128xf32, #tpu.memory_space<vmem>>
    %dma_start3A_570 = arith.constant 0 : i32
    %dma_start3A_571 = tpu.memref_slice %arg6[%dma_start3A_570, %multiple_of3A_561] : memref<64x1000000xf32, #tpu.memory_space<hbm>> -> memref<64x128xf32, #tpu.memory_space<hbm>>
    tpu.enqueue_dma source(%dma_start3A_571 : memref<64x128xf32, #tpu.memory_space<hbm>>) target(%dma_start3A_569 : memref<64x128xf32, #tpu.memory_space<vmem>>) target_semaphore(%arg15 : memref<!tpu.dma_semaphore, #tpu.memory_space<semaphore_mem>>)
    %slice3A_572 = vector.extract_strided_slice %get3A_520 {offsets = [3], sizes = [1], strides = [1]} : vector<16xi32> to vector<1xi32>
    %squeeze3A_573 = vector.extract %slice3A_572[0] : i32 from vector<1xi32>
    %shift_right_arithmetic3A_574 = arith.constant 7 : i32
    %shift_right_arithmetic3A_575 = arith.shrsi %squeeze3A_573, %shift_right_arithmetic3A_574 : i32
    %mul3A_576 = arith.constant 128 : i32
    %mul3A_577 = arith.muli %shift_right_arithmetic3A_575, %mul3A_576 : i32
    %multiple_of3A_578 = tpu.assume_multiple %mul3A_577, 128 : i32
    %dma_start3A_579 = arith.constant 192 : i32
    %dma_start3A_580 = arith.constant 0 : i32
    %dma_start3A_581 = tpu.memref_slice %arg11[%dma_start3A_579, %dma_start3A_580] : memref<512x128xf32, #tpu.memory_space<vmem>> -> memref<64x128xf32, #tpu.memory_space<vmem>>
    %dma_start3A_582 = arith.constant 0 : i32
    %dma_start3A_583 = tpu.memref_slice %arg6[%dma_start3A_582, %multiple_of3A_578] : memref<64x1000000xf32, #tpu.memory_space<hbm>> -> memref<64x128xf32, #tpu.memory_space<hbm>>
    %dma_start3A_584 = arith.constant 192 : i32
    %dma_start3A_585 = arith.constant 0 : i32
    %dma_start3A_586 = tpu.memref_slice %arg11[%dma_start3A_584, %dma_start3A_585] : memref<512x128xf32, #tpu.memory_space<vmem>> -> memref<64x128xf32, #tpu.memory_space<vmem>>
    %dma_start3A_587 = arith.constant 0 : i32
    %dma_start3A_588 = tpu.memref_slice %arg6[%dma_start3A_587, %multiple_of3A_578] : memref<64x1000000xf32, #tpu.memory_space<hbm>> -> memref<64x128xf32, #tpu.memory_space<hbm>>
    tpu.enqueue_dma source(%dma_start3A_588 : memref<64x128xf32, #tpu.memory_space<hbm>>) target(%dma_start3A_586 : memref<64x128xf32, #tpu.memory_space<vmem>>) target_semaphore(%arg16 : memref<!tpu.dma_semaphore, #tpu.memory_space<semaphore_mem>>)
    %slice3A_589 = vector.extract_strided_slice %get3A_520 {offsets = [4], sizes = [1], strides = [1]} : vector<16xi32> to vector<1xi32>
    %squeeze3A_590 = vector.extract %slice3A_589[0] : i32 from vector<1xi32>
    %shift_right_arithmetic3A_591 = arith.constant 7 : i32
    %shift_right_arithmetic3A_592 = arith.shrsi %squeeze3A_590, %shift_right_arithmetic3A_591 : i32
    %mul3A_593 = arith.constant 128 : i32
    %mul3A_594 = arith.muli %shift_right_arithmetic3A_592, %mul3A_593 : i32
    %multiple_of3A_595 = tpu.assume_multiple %mul3A_594, 128 : i32
    %dma_start3A_596 = arith.constant 256 : i32
    %dma_start3A_597 = arith.constant 0 : i32
    %dma_start3A_598 = tpu.memref_slice %arg11[%dma_start3A_596, %dma_start3A_597] : memref<512x128xf32, #tpu.memory_space<vmem>> -> memref<64x128xf32, #tpu.memory_space<vmem>>
    %dma_start3A_599 = arith.constant 0 : i32
    %dma_start3A_600 = tpu.memref_slice %arg6[%dma_start3A_599, %multiple_of3A_595] : memref<64x1000000xf32, #tpu.memory_space<hbm>> -> memref<64x128xf32, #tpu.memory_space<hbm>>
    %dma_start3A_601 = arith.constant 256 : i32
    %dma_start3A_602 = arith.constant 0 : i32
    %dma_start3A_603 = tpu.memref_slice %arg11[%dma_start3A_601, %dma_start3A_602] : memref<512x128xf32, #tpu.memory_space<vmem>> -> memref<64x128xf32, #tpu.memory_space<vmem>>
    %dma_start3A_604 = arith.constant 0 : i32
    %dma_start3A_605 = tpu.memref_slice %arg6[%dma_start3A_604, %multiple_of3A_595] : memref<64x1000000xf32, #tpu.memory_space<hbm>> -> memref<64x128xf32, #tpu.memory_space<hbm>>
    tpu.enqueue_dma source(%dma_start3A_605 : memref<64x128xf32, #tpu.memory_space<hbm>>) target(%dma_start3A_603 : memref<64x128xf32, #tpu.memory_space<vmem>>) target_semaphore(%arg17 : memref<!tpu.dma_semaphore, #tpu.memory_space<semaphore_mem>>)
    %slice3A_606 = vector.extract_strided_slice %get3A_520 {offsets = [5], sizes = [1], strides = [1]} : vector<16xi32> to vector<1xi32>
    %squeeze3A_607 = vector.extract %slice3A_606[0] : i32 from vector<1xi32>
    %shift_right_arithmetic3A_608 = arith.constant 7 : i32
    %shift_right_arithmetic3A_609 = arith.shrsi %squeeze3A_607, %shift_right_arithmetic3A_608 : i32
    %mul3A_610 = arith.constant 128 : i32
    %mul3A_611 = arith.muli %shift_right_arithmetic3A_609, %mul3A_610 : i32
    %multiple_of3A_612 = tpu.assume_multiple %mul3A_611, 128 : i32
    %dma_start3A_613 = arith.constant 320 : i32
    %dma_start3A_614 = arith.constant 0 : i32
    %dma_start3A_615 = tpu.memref_slice %arg11[%dma_start3A_613, %dma_start3A_614] : memref<512x128xf32, #tpu.memory_space<vmem>> -> memref<64x128xf32, #tpu.memory_space<vmem>>
    %dma_start3A_616 = arith.constant 0 : i32
    %dma_start3A_617 = tpu.memref_slice %arg6[%dma_start3A_616, %multiple_of3A_612] : memref<64x1000000xf32, #tpu.memory_space<hbm>> -> memref<64x128xf32, #tpu.memory_space<hbm>>
    %dma_start3A_618 = arith.constant 320 : i32
    %dma_start3A_619 = arith.constant 0 : i32
    %dma_start3A_620 = tpu.memref_slice %arg11[%dma_start3A_618, %dma_start3A_619] : memref<512x128xf32, #tpu.memory_space<vmem>> -> memref<64x128xf32, #tpu.memory_space<vmem>>
    %dma_start3A_621 = arith.constant 0 : i32
    %dma_start3A_622 = tpu.memref_slice %arg6[%dma_start3A_621, %multiple_of3A_612] : memref<64x1000000xf32, #tpu.memory_space<hbm>> -> memref<64x128xf32, #tpu.memory_space<hbm>>
    tpu.enqueue_dma source(%dma_start3A_622 : memref<64x128xf32, #tpu.memory_space<hbm>>) target(%dma_start3A_620 : memref<64x128xf32, #tpu.memory_space<vmem>>) target_semaphore(%arg18 : memref<!tpu.dma_semaphore, #tpu.memory_space<semaphore_mem>>)
    %slice3A_623 = vector.extract_strided_slice %get3A_520 {offsets = [6], sizes = [1], strides = [1]} : vector<16xi32> to vector<1xi32>
    %squeeze3A_624 = vector.extract %slice3A_623[0] : i32 from vector<1xi32>
    %shift_right_arithmetic3A_625 = arith.constant 7 : i32
    %shift_right_arithmetic3A_626 = arith.shrsi %squeeze3A_624, %shift_right_arithmetic3A_625 : i32
    %mul3A_627 = arith.constant 128 : i32
    %mul3A_628 = arith.muli %shift_right_arithmetic3A_626, %mul3A_627 : i32
    %multiple_of3A_629 = tpu.assume_multiple %mul3A_628, 128 : i32
    %dma_start3A_630 = arith.constant 384 : i32
    %dma_start3A_631 = arith.constant 0 : i32
    %dma_start3A_632 = tpu.memref_slice %arg11[%dma_start3A_630, %dma_start3A_631] : memref<512x128xf32, #tpu.memory_space<vmem>> -> memref<64x128xf32, #tpu.memory_space<vmem>>
    %dma_start3A_633 = arith.constant 0 : i32
    %dma_start3A_634 = tpu.memref_slice %arg6[%dma_start3A_633, %multiple_of3A_629] : memref<64x1000000xf32, #tpu.memory_space<hbm>> -> memref<64x128xf32, #tpu.memory_space<hbm>>
    %dma_start3A_635 = arith.constant 384 : i32
    %dma_start3A_636 = arith.constant 0 : i32
    %dma_start3A_637 = tpu.memref_slice %arg11[%dma_start3A_635, %dma_start3A_636] : memref<512x128xf32, #tpu.memory_space<vmem>> -> memref<64x128xf32, #tpu.memory_space<vmem>>
    %dma_start3A_638 = arith.constant 0 : i32
    %dma_start3A_639 = tpu.memref_slice %arg6[%dma_start3A_638, %multiple_of3A_629] : memref<64x1000000xf32, #tpu.memory_space<hbm>> -> memref<64x128xf32, #tpu.memory_space<hbm>>
    tpu.enqueue_dma source(%dma_start3A_639 : memref<64x128xf32, #tpu.memory_space<hbm>>) target(%dma_start3A_637 : memref<64x128xf32, #tpu.memory_space<vmem>>) target_semaphore(%arg19 : memref<!tpu.dma_semaphore, #tpu.memory_space<semaphore_mem>>)
    %slice3A_640 = vector.extract_strided_slice %get3A_520 {offsets = [7], sizes = [1], strides = [1]} : vector<16xi32> to vector<1xi32>
    %squeeze3A_641 = vector.extract %slice3A_640[0] : i32 from vector<1xi32>
    %shift_right_arithmetic3A_642 = arith.constant 7 : i32
    %shift_right_arithmetic3A_643 = arith.shrsi %squeeze3A_641, %shift_right_arithmetic3A_642 : i32
    %mul3A_644 = arith.constant 128 : i32
    %mul3A_645 = arith.muli %shift_right_arithmetic3A_643, %mul3A_644 : i32
    %multiple_of3A_646 = tpu.assume_multiple %mul3A_645, 128 : i32
    %dma_start3A_647 = arith.constant 448 : i32
    %dma_start3A_648 = arith.constant 0 : i32
    %dma_start3A_649 = tpu.memref_slice %arg11[%dma_start3A_647, %dma_start3A_648] : memref<512x128xf32, #tpu.memory_space<vmem>> -> memref<64x128xf32, #tpu.memory_space<vmem>>
    %dma_start3A_650 = arith.constant 0 : i32
    %dma_start3A_651 = tpu.memref_slice %arg6[%dma_start3A_650, %multiple_of3A_646] : memref<64x1000000xf32, #tpu.memory_space<hbm>> -> memref<64x128xf32, #tpu.memory_space<hbm>>
    %dma_start3A_652 = arith.constant 448 : i32
    %dma_start3A_653 = arith.constant 0 : i32
    %dma_start3A_654 = tpu.memref_slice %arg11[%dma_start3A_652, %dma_start3A_653] : memref<512x128xf32, #tpu.memory_space<vmem>> -> memref<64x128xf32, #tpu.memory_space<vmem>>
    %dma_start3A_655 = arith.constant 0 : i32
    %dma_start3A_656 = tpu.memref_slice %arg6[%dma_start3A_655, %multiple_of3A_646] : memref<64x1000000xf32, #tpu.memory_space<hbm>> -> memref<64x128xf32, #tpu.memory_space<hbm>>
    tpu.enqueue_dma source(%dma_start3A_656 : memref<64x128xf32, #tpu.memory_space<hbm>>) target(%dma_start3A_654 : memref<64x128xf32, #tpu.memory_space<vmem>>) target_semaphore(%arg20 : memref<!tpu.dma_semaphore, #tpu.memory_space<semaphore_mem>>)
    %dma_wait3A_657 = arith.constant 0 : i32
    %dma_wait3A_658 = tpu.memref_slice %arg7[%dma_wait3A_657, %mul3A_2] : memref<64x16384xf32, #tpu.memory_space<hbm>> -> memref<64x512xf32, #tpu.memory_space<hbm>>
    %dma_wait3A_659 = arith.constant 0 : i32
    %dma_wait3A_660 = tpu.memref_slice %arg7[%dma_wait3A_659, %mul3A_2] : memref<64x16384xf32, #tpu.memory_space<hbm>> -> memref<64x512xf32, #tpu.memory_space<hbm>>
    tpu.wait_dma2 semaphore(%arg21 : memref<!tpu.dma_semaphore, #tpu.memory_space<semaphore_mem>>) src(%arg12 : memref<64x512xf32, #tpu.memory_space<vmem>>) dst(%dma_wait3A_660 : memref<64x512xf32, #tpu.memory_space<hbm>>)
    %scan3A_661 = arith.constant 0 : i32
    %scan3A_662 = arith.constant 0 : i32
    %scan3A_663 = arith.constant 63 : i32
    %scan3A_664 = arith.addi %scan3A_662, %scan3A_663 : i32
    %scan3A_665 = arith.constant 1 : i32
    %scan3A_666 = scf.for %scan3A_1585 = %scan3A_662 to %scan3A_664 step %scan3A_665 iter_args(%scan3A_1586 = %scan3A_661) -> (i32)  : i32 {
      %mul3A_1587 = arith.constant 8 : i32
      %mul3A_1588 = arith.muli %scan3A_1585, %mul3A_1587 : i32
      %get3A_1589 = arith.index_cast %mul3A_1588 : i32 to index
      %get3A_1590 = tpu.vector_load %arg10[%get3A_1589] {strides = array<i32>} : memref<512xi32, #tpu.memory_space<vmem>>, vector<16xi32>,
      %slice3A_1591 = vector.extract_strided_slice %get3A_1590 {offsets = [0], sizes = [1], strides = [1]} : vector<16xi32> to vector<1xi32>
      %squeeze3A_1592 = vector.extract %slice3A_1591[0] : i32 from vector<1xi32>
      %mul3A_1593 = arith.constant 8 : i32
      %mul3A_1594 = arith.muli %scan3A_1585, %mul3A_1593 : i32
      %add3A_1595 = arith.constant 0 : i32
      %add3A_1596 = arith.addi %mul3A_1594, %add3A_1595 : i32
      %dma_wait3A_1597 = arith.constant 0 : i32
      %dma_wait3A_1598 = arith.constant 0 : i32
      %dma_wait3A_1599 = tpu.memref_slice %arg11[%dma_wait3A_1597, %dma_wait3A_1598] : memref<512x128xf32, #tpu.memory_space<vmem>> -> memref<64x128xf32, #tpu.memory_space<vmem>>
      %dma_wait3A_1600 = arith.constant 0 : i32
      %dma_wait3A_1601 = arith.constant 0 : i32
      %dma_wait3A_1602 = tpu.memref_slice %arg6[%dma_wait3A_1600, %dma_wait3A_1601] : memref<64x1000000xf32, #tpu.memory_space<hbm>> -> memref<64x128xf32, #tpu.memory_space<hbm>>
      %dma_wait3A_1603 = arith.constant 0 : i32
      %dma_wait3A_1604 = arith.constant 0 : i32
      %dma_wait3A_1605 = tpu.memref_slice %arg11[%dma_wait3A_1603, %dma_wait3A_1604] : memref<512x128xf32, #tpu.memory_space<vmem>> -> memref<64x128xf32, #tpu.memory_space<vmem>>
      %dma_wait3A_1606 = arith.constant 0 : i32
      %dma_wait3A_1607 = arith.constant 0 : i32
      %dma_wait3A_1608 = tpu.memref_slice %arg6[%dma_wait3A_1606, %dma_wait3A_1607] : memref<64x1000000xf32, #tpu.memory_space<hbm>> -> memref<64x128xf32, #tpu.memory_space<hbm>>
      tpu.wait_dma2 semaphore(%arg13 : memref<!tpu.dma_semaphore, #tpu.memory_space<semaphore_mem>>) src(%dma_wait3A_1608 : memref<64x128xf32, #tpu.memory_space<hbm>>) dst(%dma_wait3A_1605 : memref<64x128xf32, #tpu.memory_space<vmem>>)
      %and3A_1609 = arith.constant 127 : i32
      %and3A_1610 = arith.andi %squeeze3A_1592, %and3A_1609 : i32
      %broadcast_in_dim3A_1611 = vector.broadcast %and3A_1610 : i32 to vector<16xi32>
      %broadcast_in_dim3A_1612 = vector.broadcast %add3A_1596 : i32 to vector<16xi32>
      %add3A_1613 = arith.constant 0 : i32
      %add3A_1614 = vector.broadcast %add3A_1613 : i32 to vector<16xi32>
      %add3A_1615 = arith.addi %add3A_1614, %iota3A : vector<16xi32>
      %gather3A_1616 = tpu.vector_load_idx %arg11[%add3A_1615, %broadcast_in_dim3A_1611] : memref<512x128xf32, #tpu.memory_space<vmem>>[vector<16xi32>, vector<16xi32>], vector<16xf32>,
      %add3A_1617 = arith.constant 0 : i32
      %add3A_1618 = vector.broadcast %add3A_1617 : i32 to vector<16xi32>
      %add3A_1619 = arith.addi %add3A_1618, %iota3A : vector<16xi32>
      tpu.vector_store_idx %arg12[%add3A_1619, %broadcast_in_dim3A_1612], %gather3A_1616 : memref<64x512xf32, #tpu.memory_space<vmem>>[vector<16xi32>, vector<16xi32>], vector<16xf32>,
      %add3A_1620 = arith.constant 16 : i32
      %add3A_1621 = vector.broadcast %add3A_1620 : i32 to vector<16xi32>
      %add3A_1622 = arith.addi %add3A_1621, %iota3A : vector<16xi32>
      %gather3A_1623 = tpu.vector_load_idx %arg11[%add3A_1622, %broadcast_in_dim3A_1611] : memref<512x128xf32, #tpu.memory_space<vmem>>[vector<16xi32>, vector<16xi32>], vector<16xf32>,
      %add3A_1624 = arith.constant 16 : i32
      %add3A_1625 = vector.broadcast %add3A_1624 : i32 to vector<16xi32>
      %add3A_1626 = arith.addi %add3A_1625, %iota3A : vector<16xi32>
      tpu.vector_store_idx %arg12[%add3A_1626, %broadcast_in_dim3A_1612], %gather3A_1623 : memref<64x512xf32, #tpu.memory_space<vmem>>[vector<16xi32>, vector<16xi32>], vector<16xf32>,
      %add3A_1627 = arith.constant 32 : i32
      %add3A_1628 = vector.broadcast %add3A_1627 : i32 to vector<16xi32>
      %add3A_1629 = arith.addi %add3A_1628, %iota3A : vector<16xi32>
      %gather3A_1630 = tpu.vector_load_idx %arg11[%add3A_1629, %broadcast_in_dim3A_1611] : memref<512x128xf32, #tpu.memory_space<vmem>>[vector<16xi32>, vector<16xi32>], vector<16xf32>,
      %add3A_1631 = arith.constant 32 : i32
      %add3A_1632 = vector.broadcast %add3A_1631 : i32 to vector<16xi32>
      %add3A_1633 = arith.addi %add3A_1632, %iota3A : vector<16xi32>
      tpu.vector_store_idx %arg12[%add3A_1633, %broadcast_in_dim3A_1612], %gather3A_1630 : memref<64x512xf32, #tpu.memory_space<vmem>>[vector<16xi32>, vector<16xi32>], vector<16xf32>,
      %add3A_1634 = arith.constant 48 : i32
      %add3A_1635 = vector.broadcast %add3A_1634 : i32 to vector<16xi32>
      %add3A_1636 = arith.addi %add3A_1635, %iota3A : vector<16xi32>
      %gather3A_1637 = tpu.vector_load_idx %arg11[%add3A_1636, %broadcast_in_dim3A_1611] : memref<512x128xf32, #tpu.memory_space<vmem>>[vector<16xi32>, vector<16xi32>], vector<16xf32>,
      %add3A_1638 = arith.constant 48 : i32
      %add3A_1639 = vector.broadcast %add3A_1638 : i32 to vector<16xi32>
      %add3A_1640 = arith.addi %add3A_1639, %iota3A : vector<16xi32>
      tpu.vector_store_idx %arg12[%add3A_1640, %broadcast_in_dim3A_1612], %gather3A_1637 : memref<64x512xf32, #tpu.memory_space<vmem>>[vector<16xi32>, vector<16xi32>], vector<16xf32>,
      %slice3A_1641 = vector.extract_strided_slice %get3A_1590 {offsets = [8], sizes = [1], strides = [1]} : vector<16xi32> to vector<1xi32>
      %squeeze3A_1642 = vector.extract %slice3A_1641[0] : i32 from vector<1xi32>
      %shift_right_arithmetic3A_1643 = arith.constant 7 : i32
      %shift_right_arithmetic3A_1644 = arith.shrsi %squeeze3A_1642, %shift_right_arithmetic3A_1643 : i32
      %mul3A_1645 = arith.constant 128 : i32
      %mul3A_1646 = arith.muli %shift_right_arithmetic3A_1644, %mul3A_1645 : i32
      %multiple_of3A_1647 = tpu.assume_multiple %mul3A_1646, 128 : i32
      %dma_start3A_1648 = arith.constant 0 : i32
      %dma_start3A_1649 = arith.constant 0 : i32
      %dma_start3A_1650 = tpu.memref_slice %arg11[%dma_start3A_1648, %dma_start3A_1649] : memref<512x128xf32, #tpu.memory_space<vmem>> -> memref<64x128xf32, #tpu.memory_space<vmem>>
      %dma_start3A_1651 = arith.constant 0 : i32
      %dma_start3A_1652 = tpu.memref_slice %arg6[%dma_start3A_1651, %multiple_of3A_1647] : memref<64x1000000xf32, #tpu.memory_space<hbm>> -> memref<64x128xf32, #tpu.memory_space<hbm>>
      %dma_start3A_1653 = arith.constant 0 : i32
      %dma_start3A_1654 = arith.constant 0 : i32
      %dma_start3A_1655 = tpu.memref_slice %arg11[%dma_start3A_1653, %dma_start3A_1654] : memref<512x128xf32, #tpu.memory_space<vmem>> -> memref<64x128xf32, #tpu.memory_space<vmem>>
      %dma_start3A_1656 = arith.constant 0 : i32
      %dma_start3A_1657 = tpu.memref_slice %arg6[%dma_start3A_1656, %multiple_of3A_1647] : memref<64x1000000xf32, #tpu.memory_space<hbm>> -> memref<64x128xf32, #tpu.memory_space<hbm>>
      tpu.enqueue_dma source(%dma_start3A_1657 : memref<64x128xf32, #tpu.memory_space<hbm>>) target(%dma_start3A_1655 : memref<64x128xf32, #tpu.memory_space<vmem>>) target_semaphore(%arg13 : memref<!tpu.dma_semaphore, #tpu.memory_space<semaphore_mem>>)
      %slice3A_1658 = vector.extract_strided_slice %get3A_1590 {offsets = [1], sizes = [1], strides = [1]} : vector<16xi32> to vector<1xi32>
      %squeeze3A_1659 = vector.extract %slice3A_1658[0] : i32 from vector<1xi32>
      %mul3A_1660 = arith.constant 8 : i32
      %mul3A_1661 = arith.muli %scan3A_1585, %mul3A_1660 : i32
      %add3A_1662 = arith.constant 1 : i32
      %add3A_1663 = arith.addi %mul3A_1661, %add3A_1662 : i32
      %dma_wait3A_1664 = arith.constant 64 : i32
      %dma_wait3A_1665 = arith.constant 0 : i32
      %dma_wait3A_1666 = tpu.memref_slice %arg11[%dma_wait3A_1664, %dma_wait3A_1665] : memref<512x128xf32, #tpu.memory_space<vmem>> -> memref<64x128xf32, #tpu.memory_space<vmem>>
      %dma_wait3A_1667 = arith.constant 0 : i32
      %dma_wait3A_1668 = arith.constant 0 : i32
      %dma_wait3A_1669 = tpu.memref_slice %arg6[%dma_wait3A_1667, %dma_wait3A_1668] : memref<64x1000000xf32, #tpu.memory_space<hbm>> -> memref<64x128xf32, #tpu.memory_space<hbm>>
      %dma_wait3A_1670 = arith.constant 64 : i32
      %dma_wait3A_1671 = arith.constant 0 : i32
      %dma_wait3A_1672 = tpu.memref_slice %arg11[%dma_wait3A_1670, %dma_wait3A_1671] : memref<512x128xf32, #tpu.memory_space<vmem>> -> memref<64x128xf32, #tpu.memory_space<vmem>>
      %dma_wait3A_1673 = arith.constant 0 : i32
      %dma_wait3A_1674 = arith.constant 0 : i32
      %dma_wait3A_1675 = tpu.memref_slice %arg6[%dma_wait3A_1673, %dma_wait3A_1674] : memref<64x1000000xf32, #tpu.memory_space<hbm>> -> memref<64x128xf32, #tpu.memory_space<hbm>>
      tpu.wait_dma2 semaphore(%arg14 : memref<!tpu.dma_semaphore, #tpu.memory_space<semaphore_mem>>) src(%dma_wait3A_1675 : memref<64x128xf32, #tpu.memory_space<hbm>>) dst(%dma_wait3A_1672 : memref<64x128xf32, #tpu.memory_space<vmem>>)
      %and3A_1676 = arith.constant 127 : i32
      %and3A_1677 = arith.andi %squeeze3A_1659, %and3A_1676 : i32
      %broadcast_in_dim3A_1678 = vector.broadcast %and3A_1677 : i32 to vector<16xi32>
      %broadcast_in_dim3A_1679 = vector.broadcast %add3A_1663 : i32 to vector<16xi32>
      %add3A_1680 = arith.constant 64 : i32
      %add3A_1681 = vector.broadcast %add3A_1680 : i32 to vector<16xi32>
      %add3A_1682 = arith.addi %add3A_1681, %iota3A : vector<16xi32>
      %gather3A_1683 = tpu.vector_load_idx %arg11[%add3A_1682, %broadcast_in_dim3A_1678] : memref<512x128xf32, #tpu.memory_space<vmem>>[vector<16xi32>, vector<16xi32>], vector<16xf32>,
      %add3A_1684 = arith.constant 0 : i32
      %add3A_1685 = vector.broadcast %add3A_1684 : i32 to vector<16xi32>
      %add3A_1686 = arith.addi %add3A_1685, %iota3A : vector<16xi32>
      tpu.vector_store_idx %arg12[%add3A_1686, %broadcast_in_dim3A_1679], %gather3A_1683 : memref<64x512xf32, #tpu.memory_space<vmem>>[vector<16xi32>, vector<16xi32>], vector<16xf32>,
      %add3A_1687 = arith.constant 80 : i32
      %add3A_1688 = vector.broadcast %add3A_1687 : i32 to vector<16xi32>
      %add3A_1689 = arith.addi %add3A_1688, %iota3A : vector<16xi32>
      %gather3A_1690 = tpu.vector_load_idx %arg11[%add3A_1689, %broadcast_in_dim3A_1678] : memref<512x128xf32, #tpu.memory_space<vmem>>[vector<16xi32>, vector<16xi32>], vector<16xf32>,
      %add3A_1691 = arith.constant 16 : i32
      %add3A_1692 = vector.broadcast %add3A_1691 : i32 to vector<16xi32>
      %add3A_1693 = arith.addi %add3A_1692, %iota3A : vector<16xi32>
      tpu.vector_store_idx %arg12[%add3A_1693, %broadcast_in_dim3A_1679], %gather3A_1690 : memref<64x512xf32, #tpu.memory_space<vmem>>[vector<16xi32>, vector<16xi32>], vector<16xf32>,
      %add3A_1694 = arith.constant 96 : i32
      %add3A_1695 = vector.broadcast %add3A_1694 : i32 to vector<16xi32>
      %add3A_1696 = arith.addi %add3A_1695, %iota3A : vector<16xi32>
      %gather3A_1697 = tpu.vector_load_idx %arg11[%add3A_1696, %broadcast_in_dim3A_1678] : memref<512x128xf32, #tpu.memory_space<vmem>>[vector<16xi32>, vector<16xi32>], vector<16xf32>,
      %add3A_1698 = arith.constant 32 : i32
      %add3A_1699 = vector.broadcast %add3A_1698 : i32 to vector<16xi32>
      %add3A_1700 = arith.addi %add3A_1699, %iota3A : vector<16xi32>
      tpu.vector_store_idx %arg12[%add3A_1700, %broadcast_in_dim3A_1679], %gather3A_1697 : memref<64x512xf32, #tpu.memory_space<vmem>>[vector<16xi32>, vector<16xi32>], vector<16xf32>,
      %add3A_1701 = arith.constant 112 : i32
      %add3A_1702 = vector.broadcast %add3A_1701 : i32 to vector<16xi32>
      %add3A_1703 = arith.addi %add3A_1702, %iota3A : vector<16xi32>
      %gather3A_1704 = tpu.vector_load_idx %arg11[%add3A_1703, %broadcast_in_dim3A_1678] : memref<512x128xf32, #tpu.memory_space<vmem>>[vector<16xi32>, vector<16xi32>], vector<16xf32>,
      %add3A_1705 = arith.constant 48 : i32
      %add3A_1706 = vector.broadcast %add3A_1705 : i32 to vector<16xi32>
      %add3A_1707 = arith.addi %add3A_1706, %iota3A : vector<16xi32>
      tpu.vector_store_idx %arg12[%add3A_1707, %broadcast_in_dim3A_1679], %gather3A_1704 : memref<64x512xf32, #tpu.memory_space<vmem>>[vector<16xi32>, vector<16xi32>], vector<16xf32>,
      %slice3A_1708 = vector.extract_strided_slice %get3A_1590 {offsets = [9], sizes = [1], strides = [1]} : vector<16xi32> to vector<1xi32>
      %squeeze3A_1709 = vector.extract %slice3A_1708[0] : i32 from vector<1xi32>
      %shift_right_arithmetic3A_1710 = arith.constant 7 : i32
      %shift_right_arithmetic3A_1711 = arith.shrsi %squeeze3A_1709, %shift_right_arithmetic3A_1710 : i32
      %mul3A_1712 = arith.constant 128 : i32
      %mul3A_1713 = arith.muli %shift_right_arithmetic3A_1711, %mul3A_1712 : i32
      %multiple_of3A_1714 = tpu.assume_multiple %mul3A_1713, 128 : i32
      %dma_start3A_1715 = arith.constant 64 : i32
      %dma_start3A_1716 = arith.constant 0 : i32
      %dma_start3A_1717 = tpu.memref_slice %arg11[%dma_start3A_1715, %dma_start3A_1716] : memref<512x128xf32, #tpu.memory_space<vmem>> -> memref<64x128xf32, #tpu.memory_space<vmem>>
      %dma_start3A_1718 = arith.constant 0 : i32
      %dma_start3A_1719 = tpu.memref_slice %arg6[%dma_start3A_1718, %multiple_of3A_1714] : memref<64x1000000xf32, #tpu.memory_space<hbm>> -> memref<64x128xf32, #tpu.memory_space<hbm>>
      %dma_start3A_1720 = arith.constant 64 : i32
      %dma_start3A_1721 = arith.constant 0 : i32
      %dma_start3A_1722 = tpu.memref_slice %arg11[%dma_start3A_1720, %dma_start3A_1721] : memref<512x128xf32, #tpu.memory_space<vmem>> -> memref<64x128xf32, #tpu.memory_space<vmem>>
      %dma_start3A_1723 = arith.constant 0 : i32
      %dma_start3A_1724 = tpu.memref_slice %arg6[%dma_start3A_1723, %multiple_of3A_1714] : memref<64x1000000xf32, #tpu.memory_space<hbm>> -> memref<64x128xf32, #tpu.memory_space<hbm>>
      tpu.enqueue_dma source(%dma_start3A_1724 : memref<64x128xf32, #tpu.memory_space<hbm>>) target(%dma_start3A_1722 : memref<64x128xf32, #tpu.memory_space<vmem>>) target_semaphore(%arg14 : memref<!tpu.dma_semaphore, #tpu.memory_space<semaphore_mem>>)
      %slice3A_1725 = vector.extract_strided_slice %get3A_1590 {offsets = [2], sizes = [1], strides = [1]} : vector<16xi32> to vector<1xi32>
      %squeeze3A_1726 = vector.extract %slice3A_1725[0] : i32 from vector<1xi32>
      %mul3A_1727 = arith.constant 8 : i32
      %mul3A_1728 = arith.muli %scan3A_1585, %mul3A_1727 : i32
      %add3A_1729 = arith.constant 2 : i32
      %add3A_1730 = arith.addi %mul3A_1728, %add3A_1729 : i32
      %dma_wait3A_1731 = arith.constant 128 : i32
      %dma_wait3A_1732 = arith.constant 0 : i32
      %dma_wait3A_1733 = tpu.memref_slice %arg11[%dma_wait3A_1731, %dma_wait3A_1732] : memref<512x128xf32, #tpu.memory_space<vmem>> -> memref<64x128xf32, #tpu.memory_space<vmem>>
      %dma_wait3A_1734 = arith.constant 0 : i32
      %dma_wait3A_1735 = arith.constant 0 : i32
      %dma_wait3A_1736 = tpu.memref_slice %arg6[%dma_wait3A_1734, %dma_wait3A_1735] : memref<64x1000000xf32, #tpu.memory_space<hbm>> -> memref<64x128xf32, #tpu.memory_space<hbm>>
      %dma_wait3A_1737 = arith.constant 128 : i32
      %dma_wait3A_1738 = arith.constant 0 : i32
      %dma_wait3A_1739 = tpu.memref_slice %arg11[%dma_wait3A_1737, %dma_wait3A_1738] : memref<512x128xf32, #tpu.memory_space<vmem>> -> memref<64x128xf32, #tpu.memory_space<vmem>>
      %dma_wait3A_1740 = arith.constant 0 : i32
      %dma_wait3A_1741 = arith.constant 0 : i32
      %dma_wait3A_1742 = tpu.memref_slice %arg6[%dma_wait3A_1740, %dma_wait3A_1741] : memref<64x1000000xf32, #tpu.memory_space<hbm>> -> memref<64x128xf32, #tpu.memory_space<hbm>>
      tpu.wait_dma2 semaphore(%arg15 : memref<!tpu.dma_semaphore, #tpu.memory_space<semaphore_mem>>) src(%dma_wait3A_1742 : memref<64x128xf32, #tpu.memory_space<hbm>>) dst(%dma_wait3A_1739 : memref<64x128xf32, #tpu.memory_space<vmem>>)
      %and3A_1743 = arith.constant 127 : i32
      %and3A_1744 = arith.andi %squeeze3A_1726, %and3A_1743 : i32
      %broadcast_in_dim3A_1745 = vector.broadcast %and3A_1744 : i32 to vector<16xi32>
      %broadcast_in_dim3A_1746 = vector.broadcast %add3A_1730 : i32 to vector<16xi32>
      %add3A_1747 = arith.constant 128 : i32
      %add3A_1748 = vector.broadcast %add3A_1747 : i32 to vector<16xi32>
      %add3A_1749 = arith.addi %add3A_1748, %iota3A : vector<16xi32>
      %gather3A_1750 = tpu.vector_load_idx %arg11[%add3A_1749, %broadcast_in_dim3A_1745] : memref<512x128xf32, #tpu.memory_space<vmem>>[vector<16xi32>, vector<16xi32>], vector<16xf32>,
      %add3A_1751 = arith.constant 0 : i32
      %add3A_1752 = vector.broadcast %add3A_1751 : i32 to vector<16xi32>
      %add3A_1753 = arith.addi %add3A_1752, %iota3A : vector<16xi32>
      tpu.vector_store_idx %arg12[%add3A_1753, %broadcast_in_dim3A_1746], %gather3A_1750 : memref<64x512xf32, #tpu.memory_space<vmem>>[vector<16xi32>, vector<16xi32>], vector<16xf32>,
      %add3A_1754 = arith.constant 144 : i32
      %add3A_1755 = vector.broadcast %add3A_1754 : i32 to vector<16xi32>
      %add3A_1756 = arith.addi %add3A_1755, %iota3A : vector<16xi32>
      %gather3A_1757 = tpu.vector_load_idx %arg11[%add3A_1756, %broadcast_in_dim3A_1745] : memref<512x128xf32, #tpu.memory_space<vmem>>[vector<16xi32>, vector<16xi32>], vector<16xf32>,
      %add3A_1758 = arith.constant 16 : i32
      %add3A_1759 = vector.broadcast %add3A_1758 : i32 to vector<16xi32>
      %add3A_1760 = arith.addi %add3A_1759, %iota3A : vector<16xi32>
      tpu.vector_store_idx %arg12[%add3A_1760, %broadcast_in_dim3A_1746], %gather3A_1757 : memref<64x512xf32, #tpu.memory_space<vmem>>[vector<16xi32>, vector<16xi32>], vector<16xf32>,
      %add3A_1761 = arith.constant 160 : i32
      %add3A_1762 = vector.broadcast %add3A_1761 : i32 to vector<16xi32>
      %add3A_1763 = arith.addi %add3A_1762, %iota3A : vector<16xi32>
      %gather3A_1764 = tpu.vector_load_idx %arg11[%add3A_1763, %broadcast_in_dim3A_1745] : memref<512x128xf32, #tpu.memory_space<vmem>>[vector<16xi32>, vector<16xi32>], vector<16xf32>,
      %add3A_1765 = arith.constant 32 : i32
      %add3A_1766 = vector.broadcast %add3A_1765 : i32 to vector<16xi32>
      %add3A_1767 = arith.addi %add3A_1766, %iota3A : vector<16xi32>
      tpu.vector_store_idx %arg12[%add3A_1767, %broadcast_in_dim3A_1746], %gather3A_1764 : memref<64x512xf32, #tpu.memory_space<vmem>>[vector<16xi32>, vector<16xi32>], vector<16xf32>,
      %add3A_1768 = arith.constant 176 : i32
      %add3A_1769 = vector.broadcast %add3A_1768 : i32 to vector<16xi32>
      %add3A_1770 = arith.addi %add3A_1769, %iota3A : vector<16xi32>
      %gather3A_1771 = tpu.vector_load_idx %arg11[%add3A_1770, %broadcast_in_dim3A_1745] : memref<512x128xf32, #tpu.memory_space<vmem>>[vector<16xi32>, vector<16xi32>], vector<16xf32>,
      %add3A_1772 = arith.constant 48 : i32
      %add3A_1773 = vector.broadcast %add3A_1772 : i32 to vector<16xi32>
      %add3A_1774 = arith.addi %add3A_1773, %iota3A : vector<16xi32>
      tpu.vector_store_idx %arg12[%add3A_1774, %broadcast_in_dim3A_1746], %gather3A_1771 : memref<64x512xf32, #tpu.memory_space<vmem>>[vector<16xi32>, vector<16xi32>], vector<16xf32>,
      %slice3A_1775 = vector.extract_strided_slice %get3A_1590 {offsets = [10], sizes = [1], strides = [1]} : vector<16xi32> to vector<1xi32>
      %squeeze3A_1776 = vector.extract %slice3A_1775[0] : i32 from vector<1xi32>
      %shift_right_arithmetic3A_1777 = arith.constant 7 : i32
      %shift_right_arithmetic3A_1778 = arith.shrsi %squeeze3A_1776, %shift_right_arithmetic3A_1777 : i32
      %mul3A_1779 = arith.constant 128 : i32
      %mul3A_1780 = arith.muli %shift_right_arithmetic3A_1778, %mul3A_1779 : i32
      %multiple_of3A_1781 = tpu.assume_multiple %mul3A_1780, 128 : i32
      %dma_start3A_1782 = arith.constant 128 : i32
      %dma_start3A_1783 = arith.constant 0 : i32
      %dma_start3A_1784 = tpu.memref_slice %arg11[%dma_start3A_1782, %dma_start3A_1783] : memref<512x128xf32, #tpu.memory_space<vmem>> -> memref<64x128xf32, #tpu.memory_space<vmem>>
      %dma_start3A_1785 = arith.constant 0 : i32
      %dma_start3A_1786 = tpu.memref_slice %arg6[%dma_start3A_1785, %multiple_of3A_1781] : memref<64x1000000xf32, #tpu.memory_space<hbm>> -> memref<64x128xf32, #tpu.memory_space<hbm>>
      %dma_start3A_1787 = arith.constant 128 : i32
      %dma_start3A_1788 = arith.constant 0 : i32
      %dma_start3A_1789 = tpu.memref_slice %arg11[%dma_start3A_1787, %dma_start3A_1788] : memref<512x128xf32, #tpu.memory_space<vmem>> -> memref<64x128xf32, #tpu.memory_space<vmem>>
      %dma_start3A_1790 = arith.constant 0 : i32
      %dma_start3A_1791 = tpu.memref_slice %arg6[%dma_start3A_1790, %multiple_of3A_1781] : memref<64x1000000xf32, #tpu.memory_space<hbm>> -> memref<64x128xf32, #tpu.memory_space<hbm>>
      tpu.enqueue_dma source(%dma_start3A_1791 : memref<64x128xf32, #tpu.memory_space<hbm>>) target(%dma_start3A_1789 : memref<64x128xf32, #tpu.memory_space<vmem>>) target_semaphore(%arg15 : memref<!tpu.dma_semaphore, #tpu.memory_space<semaphore_mem>>)
      %slice3A_1792 = vector.extract_strided_slice %get3A_1590 {offsets = [3], sizes = [1], strides = [1]} : vector<16xi32> to vector<1xi32>
      %squeeze3A_1793 = vector.extract %slice3A_1792[0] : i32 from vector<1xi32>
      %mul3A_1794 = arith.constant 8 : i32
      %mul3A_1795 = arith.muli %scan3A_1585, %mul3A_1794 : i32
      %add3A_1796 = arith.constant 3 : i32
      %add3A_1797 = arith.addi %mul3A_1795, %add3A_1796 : i32
      %dma_wait3A_1798 = arith.constant 192 : i32
      %dma_wait3A_1799 = arith.constant 0 : i32
      %dma_wait3A_1800 = tpu.memref_slice %arg11[%dma_wait3A_1798, %dma_wait3A_1799] : memref<512x128xf32, #tpu.memory_space<vmem>> -> memref<64x128xf32, #tpu.memory_space<vmem>>
      %dma_wait3A_1801 = arith.constant 0 : i32
      %dma_wait3A_1802 = arith.constant 0 : i32
      %dma_wait3A_1803 = tpu.memref_slice %arg6[%dma_wait3A_1801, %dma_wait3A_1802] : memref<64x1000000xf32, #tpu.memory_space<hbm>> -> memref<64x128xf32, #tpu.memory_space<hbm>>
      %dma_wait3A_1804 = arith.constant 192 : i32
      %dma_wait3A_1805 = arith.constant 0 : i32
      %dma_wait3A_1806 = tpu.memref_slice %arg11[%dma_wait3A_1804, %dma_wait3A_1805] : memref<512x128xf32, #tpu.memory_space<vmem>> -> memref<64x128xf32, #tpu.memory_space<vmem>>
      %dma_wait3A_1807 = arith.constant 0 : i32
      %dma_wait3A_1808 = arith.constant 0 : i32
      %dma_wait3A_1809 = tpu.memref_slice %arg6[%dma_wait3A_1807, %dma_wait3A_1808] : memref<64x1000000xf32, #tpu.memory_space<hbm>> -> memref<64x128xf32, #tpu.memory_space<hbm>>
      tpu.wait_dma2 semaphore(%arg16 : memref<!tpu.dma_semaphore, #tpu.memory_space<semaphore_mem>>) src(%dma_wait3A_1809 : memref<64x128xf32, #tpu.memory_space<hbm>>) dst(%dma_wait3A_1806 : memref<64x128xf32, #tpu.memory_space<vmem>>)
      %and3A_1810 = arith.constant 127 : i32
      %and3A_1811 = arith.andi %squeeze3A_1793, %and3A_1810 : i32
      %broadcast_in_dim3A_1812 = vector.broadcast %and3A_1811 : i32 to vector<16xi32>
      %broadcast_in_dim3A_1813 = vector.broadcast %add3A_1797 : i32 to vector<16xi32>
      %add3A_1814 = arith.constant 192 : i32
      %add3A_1815 = vector.broadcast %add3A_1814 : i32 to vector<16xi32>
      %add3A_1816 = arith.addi %add3A_1815, %iota3A : vector<16xi32>
      %gather3A_1817 = tpu.vector_load_idx %arg11[%add3A_1816, %broadcast_in_dim3A_1812] : memref<512x128xf32, #tpu.memory_space<vmem>>[vector<16xi32>, vector<16xi32>], vector<16xf32>,
      %add3A_1818 = arith.constant 0 : i32
      %add3A_1819 = vector.broadcast %add3A_1818 : i32 to vector<16xi32>
      %add3A_1820 = arith.addi %add3A_1819, %iota3A : vector<16xi32>
      tpu.vector_store_idx %arg12[%add3A_1820, %broadcast_in_dim3A_1813], %gather3A_1817 : memref<64x512xf32, #tpu.memory_space<vmem>>[vector<16xi32>, vector<16xi32>], vector<16xf32>,
      %add3A_1821 = arith.constant 208 : i32
      %add3A_1822 = vector.broadcast %add3A_1821 : i32 to vector<16xi32>
      %add3A_1823 = arith.addi %add3A_1822, %iota3A : vector<16xi32>
      %gather3A_1824 = tpu.vector_load_idx %arg11[%add3A_1823, %broadcast_in_dim3A_1812] : memref<512x128xf32, #tpu.memory_space<vmem>>[vector<16xi32>, vector<16xi32>], vector<16xf32>,
      %add3A_1825 = arith.constant 16 : i32
      %add3A_1826 = vector.broadcast %add3A_1825 : i32 to vector<16xi32>
      %add3A_1827 = arith.addi %add3A_1826, %iota3A : vector<16xi32>
      tpu.vector_store_idx %arg12[%add3A_1827, %broadcast_in_dim3A_1813], %gather3A_1824 : memref<64x512xf32, #tpu.memory_space<vmem>>[vector<16xi32>, vector<16xi32>], vector<16xf32>,
      %add3A_1828 = arith.constant 224 : i32
      %add3A_1829 = vector.broadcast %add3A_1828 : i32 to vector<16xi32>
      %add3A_1830 = arith.addi %add3A_1829, %iota3A : vector<16xi32>
      %gather3A_1831 = tpu.vector_load_idx %arg11[%add3A_1830, %broadcast_in_dim3A_1812] : memref<512x128xf32, #tpu.memory_space<vmem>>[vector<16xi32>, vector<16xi32>], vector<16xf32>,
      %add3A_1832 = arith.constant 32 : i32
      %add3A_1833 = vector.broadcast %add3A_1832 : i32 to vector<16xi32>
      %add3A_1834 = arith.addi %add3A_1833, %iota3A : vector<16xi32>
      tpu.vector_store_idx %arg12[%add3A_1834, %broadcast_in_dim3A_1813], %gather3A_1831 : memref<64x512xf32, #tpu.memory_space<vmem>>[vector<16xi32>, vector<16xi32>], vector<16xf32>,
      %add3A_1835 = arith.constant 240 : i32
      %add3A_1836 = vector.broadcast %add3A_1835 : i32 to vector<16xi32>
      %add3A_1837 = arith.addi %add3A_1836, %iota3A : vector<16xi32>
      %gather3A_1838 = tpu.vector_load_idx %arg11[%add3A_1837, %broadcast_in_dim3A_1812] : memref<512x128xf32, #tpu.memory_space<vmem>>[vector<16xi32>, vector<16xi32>], vector<16xf32>,
      %add3A_1839 = arith.constant 48 : i32
      %add3A_1840 = vector.broadcast %add3A_1839 : i32 to vector<16xi32>
      %add3A_1841 = arith.addi %add3A_1840, %iota3A : vector<16xi32>
      tpu.vector_store_idx %arg12[%add3A_1841, %broadcast_in_dim3A_1813], %gather3A_1838 : memref<64x512xf32, #tpu.memory_space<vmem>>[vector<16xi32>, vector<16xi32>], vector<16xf32>,
      %slice3A_1842 = vector.extract_strided_slice %get3A_1590 {offsets = [11], sizes = [1], strides = [1]} : vector<16xi32> to vector<1xi32>
      %squeeze3A_1843 = vector.extract %slice3A_1842[0] : i32 from vector<1xi32>
      %shift_right_arithmetic3A_1844 = arith.constant 7 : i32
      %shift_right_arithmetic3A_1845 = arith.shrsi %squeeze3A_1843, %shift_right_arithmetic3A_1844 : i32
      %mul3A_1846 = arith.constant 128 : i32
      %mul3A_1847 = arith.muli %shift_right_arithmetic3A_1845, %mul3A_1846 : i32
      %multiple_of3A_1848 = tpu.assume_multiple %mul3A_1847, 128 : i32
      %dma_start3A_1849 = arith.constant 192 : i32
      %dma_start3A_1850 = arith.constant 0 : i32
      %dma_start3A_1851 = tpu.memref_slice %arg11[%dma_start3A_1849, %dma_start3A_1850] : memref<512x128xf32, #tpu.memory_space<vmem>> -> memref<64x128xf32, #tpu.memory_space<vmem>>
      %dma_start3A_1852 = arith.constant 0 : i32
      %dma_start3A_1853 = tpu.memref_slice %arg6[%dma_start3A_1852, %multiple_of3A_1848] : memref<64x1000000xf32, #tpu.memory_space<hbm>> -> memref<64x128xf32, #tpu.memory_space<hbm>>
      %dma_start3A_1854 = arith.constant 192 : i32
      %dma_start3A_1855 = arith.constant 0 : i32
      %dma_start3A_1856 = tpu.memref_slice %arg11[%dma_start3A_1854, %dma_start3A_1855] : memref<512x128xf32, #tpu.memory_space<vmem>> -> memref<64x128xf32, #tpu.memory_space<vmem>>
      %dma_start3A_1857 = arith.constant 0 : i32
      %dma_start3A_1858 = tpu.memref_slice %arg6[%dma_start3A_1857, %multiple_of3A_1848] : memref<64x1000000xf32, #tpu.memory_space<hbm>> -> memref<64x128xf32, #tpu.memory_space<hbm>>
      tpu.enqueue_dma source(%dma_start3A_1858 : memref<64x128xf32, #tpu.memory_space<hbm>>) target(%dma_start3A_1856 : memref<64x128xf32, #tpu.memory_space<vmem>>) target_semaphore(%arg16 : memref<!tpu.dma_semaphore, #tpu.memory_space<semaphore_mem>>)
      %slice3A_1859 = vector.extract_strided_slice %get3A_1590 {offsets = [4], sizes = [1], strides = [1]} : vector<16xi32> to vector<1xi32>
      %squeeze3A_1860 = vector.extract %slice3A_1859[0] : i32 from vector<1xi32>
      %mul3A_1861 = arith.constant 8 : i32
      %mul3A_1862 = arith.muli %scan3A_1585, %mul3A_1861 : i32
      %add3A_1863 = arith.constant 4 : i32
      %add3A_1864 = arith.addi %mul3A_1862, %add3A_1863 : i32
      %dma_wait3A_1865 = arith.constant 256 : i32
      %dma_wait3A_1866 = arith.constant 0 : i32
      %dma_wait3A_1867 = tpu.memref_slice %arg11[%dma_wait3A_1865, %dma_wait3A_1866] : memref<512x128xf32, #tpu.memory_space<vmem>> -> memref<64x128xf32, #tpu.memory_space<vmem>>
      %dma_wait3A_1868 = arith.constant 0 : i32
      %dma_wait3A_1869 = arith.constant 0 : i32
      %dma_wait3A_1870 = tpu.memref_slice %arg6[%dma_wait3A_1868, %dma_wait3A_1869] : memref<64x1000000xf32, #tpu.memory_space<hbm>> -> memref<64x128xf32, #tpu.memory_space<hbm>>
      %dma_wait3A_1871 = arith.constant 256 : i32
      %dma_wait3A_1872 = arith.constant 0 : i32
      %dma_wait3A_1873 = tpu.memref_slice %arg11[%dma_wait3A_1871, %dma_wait3A_1872] : memref<512x128xf32, #tpu.memory_space<vmem>> -> memref<64x128xf32, #tpu.memory_space<vmem>>
      %dma_wait3A_1874 = arith.constant 0 : i32
      %dma_wait3A_1875 = arith.constant 0 : i32
      %dma_wait3A_1876 = tpu.memref_slice %arg6[%dma_wait3A_1874, %dma_wait3A_1875] : memref<64x1000000xf32, #tpu.memory_space<hbm>> -> memref<64x128xf32, #tpu.memory_space<hbm>>
      tpu.wait_dma2 semaphore(%arg17 : memref<!tpu.dma_semaphore, #tpu.memory_space<semaphore_mem>>) src(%dma_wait3A_1876 : memref<64x128xf32, #tpu.memory_space<hbm>>) dst(%dma_wait3A_1873 : memref<64x128xf32, #tpu.memory_space<vmem>>)
      %and3A_1877 = arith.constant 127 : i32
      %and3A_1878 = arith.andi %squeeze3A_1860, %and3A_1877 : i32
      %broadcast_in_dim3A_1879 = vector.broadcast %and3A_1878 : i32 to vector<16xi32>
      %broadcast_in_dim3A_1880 = vector.broadcast %add3A_1864 : i32 to vector<16xi32>
      %add3A_1881 = arith.constant 256 : i32
      %add3A_1882 = vector.broadcast %add3A_1881 : i32 to vector<16xi32>
      %add3A_1883 = arith.addi %add3A_1882, %iota3A : vector<16xi32>
      %gather3A_1884 = tpu.vector_load_idx %arg11[%add3A_1883, %broadcast_in_dim3A_1879] : memref<512x128xf32, #tpu.memory_space<vmem>>[vector<16xi32>, vector<16xi32>], vector<16xf32>,
      %add3A_1885 = arith.constant 0 : i32
      %add3A_1886 = vector.broadcast %add3A_1885 : i32 to vector<16xi32>
      %add3A_1887 = arith.addi %add3A_1886, %iota3A : vector<16xi32>
      tpu.vector_store_idx %arg12[%add3A_1887, %broadcast_in_dim3A_1880], %gather3A_1884 : memref<64x512xf32, #tpu.memory_space<vmem>>[vector<16xi32>, vector<16xi32>], vector<16xf32>,
      %add3A_1888 = arith.constant 272 : i32
      %add3A_1889 = vector.broadcast %add3A_1888 : i32 to vector<16xi32>
      %add3A_1890 = arith.addi %add3A_1889, %iota3A : vector<16xi32>
      %gather3A_1891 = tpu.vector_load_idx %arg11[%add3A_1890, %broadcast_in_dim3A_1879] : memref<512x128xf32, #tpu.memory_space<vmem>>[vector<16xi32>, vector<16xi32>], vector<16xf32>,
      %add3A_1892 = arith.constant 16 : i32
      %add3A_1893 = vector.broadcast %add3A_1892 : i32 to vector<16xi32>
      %add3A_1894 = arith.addi %add3A_1893, %iota3A : vector<16xi32>
      tpu.vector_store_idx %arg12[%add3A_1894, %broadcast_in_dim3A_1880], %gather3A_1891 : memref<64x512xf32, #tpu.memory_space<vmem>>[vector<16xi32>, vector<16xi32>], vector<16xf32>,
      %add3A_1895 = arith.constant 288 : i32
      %add3A_1896 = vector.broadcast %add3A_1895 : i32 to vector<16xi32>
      %add3A_1897 = arith.addi %add3A_1896, %iota3A : vector<16xi32>
      %gather3A_1898 = tpu.vector_load_idx %arg11[%add3A_1897, %broadcast_in_dim3A_1879] : memref<512x128xf32, #tpu.memory_space<vmem>>[vector<16xi32>, vector<16xi32>], vector<16xf32>,
      %add3A_1899 = arith.constant 32 : i32
      %add3A_1900 = vector.broadcast %add3A_1899 : i32 to vector<16xi32>
      %add3A_1901 = arith.addi %add3A_1900, %iota3A : vector<16xi32>
      tpu.vector_store_idx %arg12[%add3A_1901, %broadcast_in_dim3A_1880], %gather3A_1898 : memref<64x512xf32, #tpu.memory_space<vmem>>[vector<16xi32>, vector<16xi32>], vector<16xf32>,
      %add3A_1902 = arith.constant 304 : i32
      %add3A_1903 = vector.broadcast %add3A_1902 : i32 to vector<16xi32>
      %add3A_1904 = arith.addi %add3A_1903, %iota3A : vector<16xi32>
      %gather3A_1905 = tpu.vector_load_idx %arg11[%add3A_1904, %broadcast_in_dim3A_1879] : memref<512x128xf32, #tpu.memory_space<vmem>>[vector<16xi32>, vector<16xi32>], vector<16xf32>,
      %add3A_1906 = arith.constant 48 : i32
      %add3A_1907 = vector.broadcast %add3A_1906 : i32 to vector<16xi32>
      %add3A_1908 = arith.addi %add3A_1907, %iota3A : vector<16xi32>
      tpu.vector_store_idx %arg12[%add3A_1908, %broadcast_in_dim3A_1880], %gather3A_1905 : memref<64x512xf32, #tpu.memory_space<vmem>>[vector<16xi32>, vector<16xi32>], vector<16xf32>,
      %slice3A_1909 = vector.extract_strided_slice %get3A_1590 {offsets = [12], sizes = [1], strides = [1]} : vector<16xi32> to vector<1xi32>
      %squeeze3A_1910 = vector.extract %slice3A_1909[0] : i32 from vector<1xi32>
      %shift_right_arithmetic3A_1911 = arith.constant 7 : i32
      %shift_right_arithmetic3A_1912 = arith.shrsi %squeeze3A_1910, %shift_right_arithmetic3A_1911 : i32
      %mul3A_1913 = arith.constant 128 : i32
      %mul3A_1914 = arith.muli %shift_right_arithmetic3A_1912, %mul3A_1913 : i32
      %multiple_of3A_1915 = tpu.assume_multiple %mul3A_1914, 128 : i32
      %dma_start3A_1916 = arith.constant 256 : i32
      %dma_start3A_1917 = arith.constant 0 : i32
      %dma_start3A_1918 = tpu.memref_slice %arg11[%dma_start3A_1916, %dma_start3A_1917] : memref<512x128xf32, #tpu.memory_space<vmem>> -> memref<64x128xf32, #tpu.memory_space<vmem>>
      %dma_start3A_1919 = arith.constant 0 : i32
      %dma_start3A_1920 = tpu.memref_slice %arg6[%dma_start3A_1919, %multiple_of3A_1915] : memref<64x1000000xf32, #tpu.memory_space<hbm>> -> memref<64x128xf32, #tpu.memory_space<hbm>>
      %dma_start3A_1921 = arith.constant 256 : i32
      %dma_start3A_1922 = arith.constant 0 : i32
      %dma_start3A_1923 = tpu.memref_slice %arg11[%dma_start3A_1921, %dma_start3A_1922] : memref<512x128xf32, #tpu.memory_space<vmem>> -> memref<64x128xf32, #tpu.memory_space<vmem>>
      %dma_start3A_1924 = arith.constant 0 : i32
      %dma_start3A_1925 = tpu.memref_slice %arg6[%dma_start3A_1924, %multiple_of3A_1915] : memref<64x1000000xf32, #tpu.memory_space<hbm>> -> memref<64x128xf32, #tpu.memory_space<hbm>>
      tpu.enqueue_dma source(%dma_start3A_1925 : memref<64x128xf32, #tpu.memory_space<hbm>>) target(%dma_start3A_1923 : memref<64x128xf32, #tpu.memory_space<vmem>>) target_semaphore(%arg17 : memref<!tpu.dma_semaphore, #tpu.memory_space<semaphore_mem>>)
      %slice3A_1926 = vector.extract_strided_slice %get3A_1590 {offsets = [5], sizes = [1], strides = [1]} : vector<16xi32> to vector<1xi32>
      %squeeze3A_1927 = vector.extract %slice3A_1926[0] : i32 from vector<1xi32>
      %mul3A_1928 = arith.constant 8 : i32
      %mul3A_1929 = arith.muli %scan3A_1585, %mul3A_1928 : i32
      %add3A_1930 = arith.constant 5 : i32
      %add3A_1931 = arith.addi %mul3A_1929, %add3A_1930 : i32
      %dma_wait3A_1932 = arith.constant 320 : i32
      %dma_wait3A_1933 = arith.constant 0 : i32
      %dma_wait3A_1934 = tpu.memref_slice %arg11[%dma_wait3A_1932, %dma_wait3A_1933] : memref<512x128xf32, #tpu.memory_space<vmem>> -> memref<64x128xf32, #tpu.memory_space<vmem>>
      %dma_wait3A_1935 = arith.constant 0 : i32
      %dma_wait3A_1936 = arith.constant 0 : i32
      %dma_wait3A_1937 = tpu.memref_slice %arg6[%dma_wait3A_1935, %dma_wait3A_1936] : memref<64x1000000xf32, #tpu.memory_space<hbm>> -> memref<64x128xf32, #tpu.memory_space<hbm>>
      %dma_wait3A_1938 = arith.constant 320 : i32
      %dma_wait3A_1939 = arith.constant 0 : i32
      %dma_wait3A_1940 = tpu.memref_slice %arg11[%dma_wait3A_1938, %dma_wait3A_1939] : memref<512x128xf32, #tpu.memory_space<vmem>> -> memref<64x128xf32, #tpu.memory_space<vmem>>
      %dma_wait3A_1941 = arith.constant 0 : i32
      %dma_wait3A_1942 = arith.constant 0 : i32
      %dma_wait3A_1943 = tpu.memref_slice %arg6[%dma_wait3A_1941, %dma_wait3A_1942] : memref<64x1000000xf32, #tpu.memory_space<hbm>> -> memref<64x128xf32, #tpu.memory_space<hbm>>
      tpu.wait_dma2 semaphore(%arg18 : memref<!tpu.dma_semaphore, #tpu.memory_space<semaphore_mem>>) src(%dma_wait3A_1943 : memref<64x128xf32, #tpu.memory_space<hbm>>) dst(%dma_wait3A_1940 : memref<64x128xf32, #tpu.memory_space<vmem>>)
      %and3A_1944 = arith.constant 127 : i32
      %and3A_1945 = arith.andi %squeeze3A_1927, %and3A_1944 : i32
      %broadcast_in_dim3A_1946 = vector.broadcast %and3A_1945 : i32 to vector<16xi32>
      %broadcast_in_dim3A_1947 = vector.broadcast %add3A_1931 : i32 to vector<16xi32>
      %add3A_1948 = arith.constant 320 : i32
      %add3A_1949 = vector.broadcast %add3A_1948 : i32 to vector<16xi32>
      %add3A_1950 = arith.addi %add3A_1949, %iota3A : vector<16xi32>
      %gather3A_1951 = tpu.vector_load_idx %arg11[%add3A_1950, %broadcast_in_dim3A_1946] : memref<512x128xf32, #tpu.memory_space<vmem>>[vector<16xi32>, vector<16xi32>], vector<16xf32>,
      %add3A_1952 = arith.constant 0 : i32
      %add3A_1953 = vector.broadcast %add3A_1952 : i32 to vector<16xi32>
      %add3A_1954 = arith.addi %add3A_1953, %iota3A : vector<16xi32>
      tpu.vector_store_idx %arg12[%add3A_1954, %broadcast_in_dim3A_1947], %gather3A_1951 : memref<64x512xf32, #tpu.memory_space<vmem>>[vector<16xi32>, vector<16xi32>], vector<16xf32>,
      %add3A_1955 = arith.constant 336 : i32
      %add3A_1956 = vector.broadcast %add3A_1955 : i32 to vector<16xi32>
      %add3A_1957 = arith.addi %add3A_1956, %iota3A : vector<16xi32>
      %gather3A_1958 = tpu.vector_load_idx %arg11[%add3A_1957, %broadcast_in_dim3A_1946] : memref<512x128xf32, #tpu.memory_space<vmem>>[vector<16xi32>, vector<16xi32>], vector<16xf32>,
      %add3A_1959 = arith.constant 16 : i32
      %add3A_1960 = vector.broadcast %add3A_1959 : i32 to vector<16xi32>
      %add3A_1961 = arith.addi %add3A_1960, %iota3A : vector<16xi32>
      tpu.vector_store_idx %arg12[%add3A_1961, %broadcast_in_dim3A_1947], %gather3A_1958 : memref<64x512xf32, #tpu.memory_space<vmem>>[vector<16xi32>, vector<16xi32>], vector<16xf32>,
      %add3A_1962 = arith.constant 352 : i32
      %add3A_1963 = vector.broadcast %add3A_1962 : i32 to vector<16xi32>
      %add3A_1964 = arith.addi %add3A_1963, %iota3A : vector<16xi32>
      %gather3A_1965 = tpu.vector_load_idx %arg11[%add3A_1964, %broadcast_in_dim3A_1946] : memref<512x128xf32, #tpu.memory_space<vmem>>[vector<16xi32>, vector<16xi32>], vector<16xf32>,
      %add3A_1966 = arith.constant 32 : i32
      %add3A_1967 = vector.broadcast %add3A_1966 : i32 to vector<16xi32>
      %add3A_1968 = arith.addi %add3A_1967, %iota3A : vector<16xi32>
      tpu.vector_store_idx %arg12[%add3A_1968, %broadcast_in_dim3A_1947], %gather3A_1965 : memref<64x512xf32, #tpu.memory_space<vmem>>[vector<16xi32>, vector<16xi32>], vector<16xf32>,
      %add3A_1969 = arith.constant 368 : i32
      %add3A_1970 = vector.broadcast %add3A_1969 : i32 to vector<16xi32>
      %add3A_1971 = arith.addi %add3A_1970, %iota3A : vector<16xi32>
      %gather3A_1972 = tpu.vector_load_idx %arg11[%add3A_1971, %broadcast_in_dim3A_1946] : memref<512x128xf32, #tpu.memory_space<vmem>>[vector<16xi32>, vector<16xi32>], vector<16xf32>,
      %add3A_1973 = arith.constant 48 : i32
      %add3A_1974 = vector.broadcast %add3A_1973 : i32 to vector<16xi32>
      %add3A_1975 = arith.addi %add3A_1974, %iota3A : vector<16xi32>
      tpu.vector_store_idx %arg12[%add3A_1975, %broadcast_in_dim3A_1947], %gather3A_1972 : memref<64x512xf32, #tpu.memory_space<vmem>>[vector<16xi32>, vector<16xi32>], vector<16xf32>,
      %slice3A_1976 = vector.extract_strided_slice %get3A_1590 {offsets = [13], sizes = [1], strides = [1]} : vector<16xi32> to vector<1xi32>
      %squeeze3A_1977 = vector.extract %slice3A_1976[0] : i32 from vector<1xi32>
      %shift_right_arithmetic3A_1978 = arith.constant 7 : i32
      %shift_right_arithmetic3A_1979 = arith.shrsi %squeeze3A_1977, %shift_right_arithmetic3A_1978 : i32
      %mul3A_1980 = arith.constant 128 : i32
      %mul3A_1981 = arith.muli %shift_right_arithmetic3A_1979, %mul3A_1980 : i32
      %multiple_of3A_1982 = tpu.assume_multiple %mul3A_1981, 128 : i32
      %dma_start3A_1983 = arith.constant 320 : i32
      %dma_start3A_1984 = arith.constant 0 : i32
      %dma_start3A_1985 = tpu.memref_slice %arg11[%dma_start3A_1983, %dma_start3A_1984] : memref<512x128xf32, #tpu.memory_space<vmem>> -> memref<64x128xf32, #tpu.memory_space<vmem>>
      %dma_start3A_1986 = arith.constant 0 : i32
      %dma_start3A_1987 = tpu.memref_slice %arg6[%dma_start3A_1986, %multiple_of3A_1982] : memref<64x1000000xf32, #tpu.memory_space<hbm>> -> memref<64x128xf32, #tpu.memory_space<hbm>>
      %dma_start3A_1988 = arith.constant 320 : i32
      %dma_start3A_1989 = arith.constant 0 : i32
      %dma_start3A_1990 = tpu.memref_slice %arg11[%dma_start3A_1988, %dma_start3A_1989] : memref<512x128xf32, #tpu.memory_space<vmem>> -> memref<64x128xf32, #tpu.memory_space<vmem>>
      %dma_start3A_1991 = arith.constant 0 : i32
      %dma_start3A_1992 = tpu.memref_slice %arg6[%dma_start3A_1991, %multiple_of3A_1982] : memref<64x1000000xf32, #tpu.memory_space<hbm>> -> memref<64x128xf32, #tpu.memory_space<hbm>>
      tpu.enqueue_dma source(%dma_start3A_1992 : memref<64x128xf32, #tpu.memory_space<hbm>>) target(%dma_start3A_1990 : memref<64x128xf32, #tpu.memory_space<vmem>>) target_semaphore(%arg18 : memref<!tpu.dma_semaphore, #tpu.memory_space<semaphore_mem>>)
      %slice3A_1993 = vector.extract_strided_slice %get3A_1590 {offsets = [6], sizes = [1], strides = [1]} : vector<16xi32> to vector<1xi32>
      %squeeze3A_1994 = vector.extract %slice3A_1993[0] : i32 from vector<1xi32>
      %mul3A_1995 = arith.constant 8 : i32
      %mul3A_1996 = arith.muli %scan3A_1585, %mul3A_1995 : i32
      %add3A_1997 = arith.constant 6 : i32
      %add3A_1998 = arith.addi %mul3A_1996, %add3A_1997 : i32
      %dma_wait3A_1999 = arith.constant 384 : i32
      %dma_wait3A_2000 = arith.constant 0 : i32
      %dma_wait3A_2001 = tpu.memref_slice %arg11[%dma_wait3A_1999, %dma_wait3A_2000] : memref<512x128xf32, #tpu.memory_space<vmem>> -> memref<64x128xf32, #tpu.memory_space<vmem>>
      %dma_wait3A_2002 = arith.constant 0 : i32
      %dma_wait3A_2003 = arith.constant 0 : i32
      %dma_wait3A_2004 = tpu.memref_slice %arg6[%dma_wait3A_2002, %dma_wait3A_2003] : memref<64x1000000xf32, #tpu.memory_space<hbm>> -> memref<64x128xf32, #tpu.memory_space<hbm>>
      %dma_wait3A_2005 = arith.constant 384 : i32
      %dma_wait3A_2006 = arith.constant 0 : i32
      %dma_wait3A_2007 = tpu.memref_slice %arg11[%dma_wait3A_2005, %dma_wait3A_2006] : memref<512x128xf32, #tpu.memory_space<vmem>> -> memref<64x128xf32, #tpu.memory_space<vmem>>
      %dma_wait3A_2008 = arith.constant 0 : i32
      %dma_wait3A_2009 = arith.constant 0 : i32
      %dma_wait3A_2010 = tpu.memref_slice %arg6[%dma_wait3A_2008, %dma_wait3A_2009] : memref<64x1000000xf32, #tpu.memory_space<hbm>> -> memref<64x128xf32, #tpu.memory_space<hbm>>
      tpu.wait_dma2 semaphore(%arg19 : memref<!tpu.dma_semaphore, #tpu.memory_space<semaphore_mem>>) src(%dma_wait3A_2010 : memref<64x128xf32, #tpu.memory_space<hbm>>) dst(%dma_wait3A_2007 : memref<64x128xf32, #tpu.memory_space<vmem>>)
      %and3A_2011 = arith.constant 127 : i32
      %and3A_2012 = arith.andi %squeeze3A_1994, %and3A_2011 : i32
      %broadcast_in_dim3A_2013 = vector.broadcast %and3A_2012 : i32 to vector<16xi32>
      %broadcast_in_dim3A_2014 = vector.broadcast %add3A_1998 : i32 to vector<16xi32>
      %add3A_2015 = arith.constant 384 : i32
      %add3A_2016 = vector.broadcast %add3A_2015 : i32 to vector<16xi32>
      %add3A_2017 = arith.addi %add3A_2016, %iota3A : vector<16xi32>
      %gather3A_2018 = tpu.vector_load_idx %arg11[%add3A_2017, %broadcast_in_dim3A_2013] : memref<512x128xf32, #tpu.memory_space<vmem>>[vector<16xi32>, vector<16xi32>], vector<16xf32>,
      %add3A_2019 = arith.constant 0 : i32
      %add3A_2020 = vector.broadcast %add3A_2019 : i32 to vector<16xi32>
      %add3A_2021 = arith.addi %add3A_2020, %iota3A : vector<16xi32>
      tpu.vector_store_idx %arg12[%add3A_2021, %broadcast_in_dim3A_2014], %gather3A_2018 : memref<64x512xf32, #tpu.memory_space<vmem>>[vector<16xi32>, vector<16xi32>], vector<16xf32>,
      %add3A_2022 = arith.constant 400 : i32
      %add3A_2023 = vector.broadcast %add3A_2022 : i32 to vector<16xi32>
      %add3A_2024 = arith.addi %add3A_2023, %iota3A : vector<16xi32>
      %gather3A_2025 = tpu.vector_load_idx %arg11[%add3A_2024, %broadcast_in_dim3A_2013] : memref<512x128xf32, #tpu.memory_space<vmem>>[vector<16xi32>, vector<16xi32>], vector<16xf32>,
      %add3A_2026 = arith.constant 16 : i32
      %add3A_2027 = vector.broadcast %add3A_2026 : i32 to vector<16xi32>
      %add3A_2028 = arith.addi %add3A_2027, %iota3A : vector<16xi32>
      tpu.vector_store_idx %arg12[%add3A_2028, %broadcast_in_dim3A_2014], %gather3A_2025 : memref<64x512xf32, #tpu.memory_space<vmem>>[vector<16xi32>, vector<16xi32>], vector<16xf32>,
      %add3A_2029 = arith.constant 416 : i32
      %add3A_2030 = vector.broadcast %add3A_2029 : i32 to vector<16xi32>
      %add3A_2031 = arith.addi %add3A_2030, %iota3A : vector<16xi32>
      %gather3A_2032 = tpu.vector_load_idx %arg11[%add3A_2031, %broadcast_in_dim3A_2013] : memref<512x128xf32, #tpu.memory_space<vmem>>[vector<16xi32>, vector<16xi32>], vector<16xf32>,
      %add3A_2033 = arith.constant 32 : i32
      %add3A_2034 = vector.broadcast %add3A_2033 : i32 to vector<16xi32>
      %add3A_2035 = arith.addi %add3A_2034, %iota3A : vector<16xi32>
      tpu.vector_store_idx %arg12[%add3A_2035, %broadcast_in_dim3A_2014], %gather3A_2032 : memref<64x512xf32, #tpu.memory_space<vmem>>[vector<16xi32>, vector<16xi32>], vector<16xf32>,
      %add3A_2036 = arith.constant 432 : i32
      %add3A_2037 = vector.broadcast %add3A_2036 : i32 to vector<16xi32>
      %add3A_2038 = arith.addi %add3A_2037, %iota3A : vector<16xi32>
      %gather3A_2039 = tpu.vector_load_idx %arg11[%add3A_2038, %broadcast_in_dim3A_2013] : memref<512x128xf32, #tpu.memory_space<vmem>>[vector<16xi32>, vector<16xi32>], vector<16xf32>,
      %add3A_2040 = arith.constant 48 : i32
      %add3A_2041 = vector.broadcast %add3A_2040 : i32 to vector<16xi32>
      %add3A_2042 = arith.addi %add3A_2041, %iota3A : vector<16xi32>
      tpu.vector_store_idx %arg12[%add3A_2042, %broadcast_in_dim3A_2014], %gather3A_2039 : memref<64x512xf32, #tpu.memory_space<vmem>>[vector<16xi32>, vector<16xi32>], vector<16xf32>,
      %slice3A_2043 = vector.extract_strided_slice %get3A_1590 {offsets = [14], sizes = [1], strides = [1]} : vector<16xi32> to vector<1xi32>
      %squeeze3A_2044 = vector.extract %slice3A_2043[0] : i32 from vector<1xi32>
      %shift_right_arithmetic3A_2045 = arith.constant 7 : i32
      %shift_right_arithmetic3A_2046 = arith.shrsi %squeeze3A_2044, %shift_right_arithmetic3A_2045 : i32
      %mul3A_2047 = arith.constant 128 : i32
      %mul3A_2048 = arith.muli %shift_right_arithmetic3A_2046, %mul3A_2047 : i32
      %multiple_of3A_2049 = tpu.assume_multiple %mul3A_2048, 128 : i32
      %dma_start3A_2050 = arith.constant 384 : i32
      %dma_start3A_2051 = arith.constant 0 : i32
      %dma_start3A_2052 = tpu.memref_slice %arg11[%dma_start3A_2050, %dma_start3A_2051] : memref<512x128xf32, #tpu.memory_space<vmem>> -> memref<64x128xf32, #tpu.memory_space<vmem>>
      %dma_start3A_2053 = arith.constant 0 : i32
      %dma_start3A_2054 = tpu.memref_slice %arg6[%dma_start3A_2053, %multiple_of3A_2049] : memref<64x1000000xf32, #tpu.memory_space<hbm>> -> memref<64x128xf32, #tpu.memory_space<hbm>>
      %dma_start3A_2055 = arith.constant 384 : i32
      %dma_start3A_2056 = arith.constant 0 : i32
      %dma_start3A_2057 = tpu.memref_slice %arg11[%dma_start3A_2055, %dma_start3A_2056] : memref<512x128xf32, #tpu.memory_space<vmem>> -> memref<64x128xf32, #tpu.memory_space<vmem>>
      %dma_start3A_2058 = arith.constant 0 : i32
      %dma_start3A_2059 = tpu.memref_slice %arg6[%dma_start3A_2058, %multiple_of3A_2049] : memref<64x1000000xf32, #tpu.memory_space<hbm>> -> memref<64x128xf32, #tpu.memory_space<hbm>>
      tpu.enqueue_dma source(%dma_start3A_2059 : memref<64x128xf32, #tpu.memory_space<hbm>>) target(%dma_start3A_2057 : memref<64x128xf32, #tpu.memory_space<vmem>>) target_semaphore(%arg19 : memref<!tpu.dma_semaphore, #tpu.memory_space<semaphore_mem>>)
      %slice3A_2060 = vector.extract_strided_slice %get3A_1590 {offsets = [7], sizes = [1], strides = [1]} : vector<16xi32> to vector<1xi32>
      %squeeze3A_2061 = vector.extract %slice3A_2060[0] : i32 from vector<1xi32>
      %mul3A_2062 = arith.constant 8 : i32
      %mul3A_2063 = arith.muli %scan3A_1585, %mul3A_2062 : i32
      %add3A_2064 = arith.constant 7 : i32
      %add3A_2065 = arith.addi %mul3A_2063, %add3A_2064 : i32
      %dma_wait3A_2066 = arith.constant 448 : i32
      %dma_wait3A_2067 = arith.constant 0 : i32
      %dma_wait3A_2068 = tpu.memref_slice %arg11[%dma_wait3A_2066, %dma_wait3A_2067] : memref<512x128xf32, #tpu.memory_space<vmem>> -> memref<64x128xf32, #tpu.memory_space<vmem>>
      %dma_wait3A_2069 = arith.constant 0 : i32
      %dma_wait3A_2070 = arith.constant 0 : i32
      %dma_wait3A_2071 = tpu.memref_slice %arg6[%dma_wait3A_2069, %dma_wait3A_2070] : memref<64x1000000xf32, #tpu.memory_space<hbm>> -> memref<64x128xf32, #tpu.memory_space<hbm>>
      %dma_wait3A_2072 = arith.constant 448 : i32
      %dma_wait3A_2073 = arith.constant 0 : i32
      %dma_wait3A_2074 = tpu.memref_slice %arg11[%dma_wait3A_2072, %dma_wait3A_2073] : memref<512x128xf32, #tpu.memory_space<vmem>> -> memref<64x128xf32, #tpu.memory_space<vmem>>
      %dma_wait3A_2075 = arith.constant 0 : i32
      %dma_wait3A_2076 = arith.constant 0 : i32
      %dma_wait3A_2077 = tpu.memref_slice %arg6[%dma_wait3A_2075, %dma_wait3A_2076] : memref<64x1000000xf32, #tpu.memory_space<hbm>> -> memref<64x128xf32, #tpu.memory_space<hbm>>
      tpu.wait_dma2 semaphore(%arg20 : memref<!tpu.dma_semaphore, #tpu.memory_space<semaphore_mem>>) src(%dma_wait3A_2077 : memref<64x128xf32, #tpu.memory_space<hbm>>) dst(%dma_wait3A_2074 : memref<64x128xf32, #tpu.memory_space<vmem>>)
      %and3A_2078 = arith.constant 127 : i32
      %and3A_2079 = arith.andi %squeeze3A_2061, %and3A_2078 : i32
      %broadcast_in_dim3A_2080 = vector.broadcast %and3A_2079 : i32 to vector<16xi32>
      %broadcast_in_dim3A_2081 = vector.broadcast %add3A_2065 : i32 to vector<16xi32>
      %add3A_2082 = arith.constant 448 : i32
      %add3A_2083 = vector.broadcast %add3A_2082 : i32 to vector<16xi32>
      %add3A_2084 = arith.addi %add3A_2083, %iota3A : vector<16xi32>
      %gather3A_2085 = tpu.vector_load_idx %arg11[%add3A_2084, %broadcast_in_dim3A_2080] : memref<512x128xf32, #tpu.memory_space<vmem>>[vector<16xi32>, vector<16xi32>], vector<16xf32>,
      %add3A_2086 = arith.constant 0 : i32
      %add3A_2087 = vector.broadcast %add3A_2086 : i32 to vector<16xi32>
      %add3A_2088 = arith.addi %add3A_2087, %iota3A : vector<16xi32>
      tpu.vector_store_idx %arg12[%add3A_2088, %broadcast_in_dim3A_2081], %gather3A_2085 : memref<64x512xf32, #tpu.memory_space<vmem>>[vector<16xi32>, vector<16xi32>], vector<16xf32>,
      %add3A_2089 = arith.constant 464 : i32
      %add3A_2090 = vector.broadcast %add3A_2089 : i32 to vector<16xi32>
      %add3A_2091 = arith.addi %add3A_2090, %iota3A : vector<16xi32>
      %gather3A_2092 = tpu.vector_load_idx %arg11[%add3A_2091, %broadcast_in_dim3A_2080] : memref<512x128xf32, #tpu.memory_space<vmem>>[vector<16xi32>, vector<16xi32>], vector<16xf32>,
      %add3A_2093 = arith.constant 16 : i32
      %add3A_2094 = vector.broadcast %add3A_2093 : i32 to vector<16xi32>
      %add3A_2095 = arith.addi %add3A_2094, %iota3A : vector<16xi32>
      tpu.vector_store_idx %arg12[%add3A_2095, %broadcast_in_dim3A_2081], %gather3A_2092 : memref<64x512xf32, #tpu.memory_space<vmem>>[vector<16xi32>, vector<16xi32>], vector<16xf32>,
      %add3A_2096 = arith.constant 480 : i32
      %add3A_2097 = vector.broadcast %add3A_2096 : i32 to vector<16xi32>
      %add3A_2098 = arith.addi %add3A_2097, %iota3A : vector<16xi32>
      %gather3A_2099 = tpu.vector_load_idx %arg11[%add3A_2098, %broadcast_in_dim3A_2080] : memref<512x128xf32, #tpu.memory_space<vmem>>[vector<16xi32>, vector<16xi32>], vector<16xf32>,
      %add3A_2100 = arith.constant 32 : i32
      %add3A_2101 = vector.broadcast %add3A_2100 : i32 to vector<16xi32>
      %add3A_2102 = arith.addi %add3A_2101, %iota3A : vector<16xi32>
      tpu.vector_store_idx %arg12[%add3A_2102, %broadcast_in_dim3A_2081], %gather3A_2099 : memref<64x512xf32, #tpu.memory_space<vmem>>[vector<16xi32>, vector<16xi32>], vector<16xf32>,
      %add3A_2103 = arith.constant 496 : i32
      %add3A_2104 = vector.broadcast %add3A_2103 : i32 to vector<16xi32>
      %add3A_2105 = arith.addi %add3A_2104, %iota3A : vector<16xi32>
      %gather3A_2106 = tpu.vector_load_idx %arg11[%add3A_2105, %broadcast_in_dim3A_2080] : memref<512x128xf32, #tpu.memory_space<vmem>>[vector<16xi32>, vector<16xi32>], vector<16xf32>,
      %add3A_2107 = arith.constant 48 : i32
      %add3A_2108 = vector.broadcast %add3A_2107 : i32 to vector<16xi32>
      %add3A_2109 = arith.addi %add3A_2108, %iota3A : vector<16xi32>
      tpu.vector_store_idx %arg12[%add3A_2109, %broadcast_in_dim3A_2081], %gather3A_2106 : memref<64x512xf32, #tpu.memory_space<vmem>>[vector<16xi32>, vector<16xi32>], vector<16xf32>,
      %slice3A_2110 = vector.extract_strided_slice %get3A_1590 {offsets = [15], sizes = [1], strides = [1]} : vector<16xi32> to vector<1xi32>
      %squeeze3A_2111 = vector.extract %slice3A_2110[0] : i32 from vector<1xi32>
      %shift_right_arithmetic3A_2112 = arith.constant 7 : i32
      %shift_right_arithmetic3A_2113 = arith.shrsi %squeeze3A_2111, %shift_right_arithmetic3A_2112 : i32
      %mul3A_2114 = arith.constant 128 : i32
      %mul3A_2115 = arith.muli %shift_right_arithmetic3A_2113, %mul3A_2114 : i32
      %multiple_of3A_2116 = tpu.assume_multiple %mul3A_2115, 128 : i32
      %dma_start3A_2117 = arith.constant 448 : i32
      %dma_start3A_2118 = arith.constant 0 : i32
      %dma_start3A_2119 = tpu.memref_slice %arg11[%dma_start3A_2117, %dma_start3A_2118] : memref<512x128xf32, #tpu.memory_space<vmem>> -> memref<64x128xf32, #tpu.memory_space<vmem>>
      %dma_start3A_2120 = arith.constant 0 : i32
      %dma_start3A_2121 = tpu.memref_slice %arg6[%dma_start3A_2120, %multiple_of3A_2116] : memref<64x1000000xf32, #tpu.memory_space<hbm>> -> memref<64x128xf32, #tpu.memory_space<hbm>>
      %dma_start3A_2122 = arith.constant 448 : i32
      %dma_start3A_2123 = arith.constant 0 : i32
      %dma_start3A_2124 = tpu.memref_slice %arg11[%dma_start3A_2122, %dma_start3A_2123] : memref<512x128xf32, #tpu.memory_space<vmem>> -> memref<64x128xf32, #tpu.memory_space<vmem>>
      %dma_start3A_2125 = arith.constant 0 : i32
      %dma_start3A_2126 = tpu.memref_slice %arg6[%dma_start3A_2125, %multiple_of3A_2116] : memref<64x1000000xf32, #tpu.memory_space<hbm>> -> memref<64x128xf32, #tpu.memory_space<hbm>>
      tpu.enqueue_dma source(%dma_start3A_2126 : memref<64x128xf32, #tpu.memory_space<hbm>>) target(%dma_start3A_2124 : memref<64x128xf32, #tpu.memory_space<vmem>>) target_semaphore(%arg20 : memref<!tpu.dma_semaphore, #tpu.memory_space<semaphore_mem>>)
      %scan3A_2127 = arith.constant 0 : i32
      scf.yield %scan3A_2127 : i32
    }
    %scan3A_667 = arith.constant 63 : i32
    %get3A_668 = arith.constant 496 : index
    %get3A_669 = tpu.vector_load %arg10[%get3A_668] {strides = array<i32>} : memref<512xi32, #tpu.memory_space<vmem>>, vector<16xi32>,
    %slice3A_670 = vector.extract_strided_slice %get3A_669 {offsets = [8], sizes = [1], strides = [1]} : vector<16xi32> to vector<1xi32>
    %squeeze3A_671 = vector.extract %slice3A_670[0] : i32 from vector<1xi32>
    %dma_wait3A_672 = arith.constant 0 : i32
    %dma_wait3A_673 = arith.constant 0 : i32
    %dma_wait3A_674 = tpu.memref_slice %arg11[%dma_wait3A_672, %dma_wait3A_673] : memref<512x128xf32, #tpu.memory_space<vmem>> -> memref<64x128xf32, #tpu.memory_space<vmem>>
    %dma_wait3A_675 = arith.constant 0 : i32
    %dma_wait3A_676 = arith.constant 0 : i32
    %dma_wait3A_677 = tpu.memref_slice %arg6[%dma_wait3A_675, %dma_wait3A_676] : memref<64x1000000xf32, #tpu.memory_space<hbm>> -> memref<64x128xf32, #tpu.memory_space<hbm>>
    %dma_wait3A_678 = arith.constant 0 : i32
    %dma_wait3A_679 = arith.constant 0 : i32
    %dma_wait3A_680 = tpu.memref_slice %arg11[%dma_wait3A_678, %dma_wait3A_679] : memref<512x128xf32, #tpu.memory_space<vmem>> -> memref<64x128xf32, #tpu.memory_space<vmem>>
    %dma_wait3A_681 = arith.constant 0 : i32
    %dma_wait3A_682 = arith.constant 0 : i32
    %dma_wait3A_683 = tpu.memref_slice %arg6[%dma_wait3A_681, %dma_wait3A_682] : memref<64x1000000xf32, #tpu.memory_space<hbm>> -> memref<64x128xf32, #tpu.memory_space<hbm>>
    tpu.wait_dma2 semaphore(%arg13 : memref<!tpu.dma_semaphore, #tpu.memory_space<semaphore_mem>>) src(%dma_wait3A_683 : memref<64x128xf32, #tpu.memory_space<hbm>>) dst(%dma_wait3A_680 : memref<64x128xf32, #tpu.memory_space<vmem>>)
    %and3A_684 = arith.constant 127 : i32
    %and3A_685 = arith.andi %squeeze3A_671, %and3A_684 : i32
    %broadcast_in_dim3A_686 = vector.broadcast %and3A_685 : i32 to vector<16xi32>
    %broadcast_in_dim3A_687 = arith.constant 504 : i32
    %broadcast_in_dim3A_688 = vector.broadcast %broadcast_in_dim3A_687 : i32 to vector<16xi32>
    %add3A_689 = arith.constant 0 : i32
    %add3A_690 = vector.broadcast %add3A_689 : i32 to vector<16xi32>
    %add3A_691 = arith.addi %add3A_690, %iota3A : vector<16xi32>
    %gather3A_692 = tpu.vector_load_idx %arg11[%add3A_691, %broadcast_in_dim3A_686] : memref<512x128xf32, #tpu.memory_space<vmem>>[vector<16xi32>, vector<16xi32>], vector<16xf32>,
    %add3A_693 = arith.constant 0 : i32
    %add3A_694 = vector.broadcast %add3A_693 : i32 to vector<16xi32>
    %add3A_695 = arith.addi %add3A_694, %iota3A : vector<16xi32>
    tpu.vector_store_idx %arg12[%add3A_695, %broadcast_in_dim3A_688], %gather3A_692 : memref<64x512xf32, #tpu.memory_space<vmem>>[vector<16xi32>, vector<16xi32>], vector<16xf32>,
    %add3A_696 = arith.constant 16 : i32
    %add3A_697 = vector.broadcast %add3A_696 : i32 to vector<16xi32>
    %add3A_698 = arith.addi %add3A_697, %iota3A : vector<16xi32>
    %gather3A_699 = tpu.vector_load_idx %arg11[%add3A_698, %broadcast_in_dim3A_686] : memref<512x128xf32, #tpu.memory_space<vmem>>[vector<16xi32>, vector<16xi32>], vector<16xf32>,
    %add3A_700 = arith.constant 16 : i32
    %add3A_701 = vector.broadcast %add3A_700 : i32 to vector<16xi32>
    %add3A_702 = arith.addi %add3A_701, %iota3A : vector<16xi32>
    tpu.vector_store_idx %arg12[%add3A_702, %broadcast_in_dim3A_688], %gather3A_699 : memref<64x512xf32, #tpu.memory_space<vmem>>[vector<16xi32>, vector<16xi32>], vector<16xf32>,
    %add3A_703 = arith.constant 32 : i32
    %add3A_704 = vector.broadcast %add3A_703 : i32 to vector<16xi32>
    %add3A_705 = arith.addi %add3A_704, %iota3A : vector<16xi32>
    %gather3A_706 = tpu.vector_load_idx %arg11[%add3A_705, %broadcast_in_dim3A_686] : memref<512x128xf32, #tpu.memory_space<vmem>>[vector<16xi32>, vector<16xi32>], vector<16xf32>,
    %add3A_707 = arith.constant 32 : i32
    %add3A_708 = vector.broadcast %add3A_707 : i32 to vector<16xi32>
    %add3A_709 = arith.addi %add3A_708, %iota3A : vector<16xi32>
    tpu.vector_store_idx %arg12[%add3A_709, %broadcast_in_dim3A_688], %gather3A_706 : memref<64x512xf32, #tpu.memory_space<vmem>>[vector<16xi32>, vector<16xi32>], vector<16xf32>,
    %add3A_710 = arith.constant 48 : i32
    %add3A_711 = vector.broadcast %add3A_710 : i32 to vector<16xi32>
    %add3A_712 = arith.addi %add3A_711, %iota3A : vector<16xi32>
    %gather3A_713 = tpu.vector_load_idx %arg11[%add3A_712, %broadcast_in_dim3A_686] : memref<512x128xf32, #tpu.memory_space<vmem>>[vector<16xi32>, vector<16xi32>], vector<16xf32>,
    %add3A_714 = arith.constant 48 : i32
    %add3A_715 = vector.broadcast %add3A_714 : i32 to vector<16xi32>
    %add3A_716 = arith.addi %add3A_715, %iota3A : vector<16xi32>
    tpu.vector_store_idx %arg12[%add3A_716, %broadcast_in_dim3A_688], %gather3A_713 : memref<64x512xf32, #tpu.memory_space<vmem>>[vector<16xi32>, vector<16xi32>], vector<16xf32>,
    %slice3A_717 = vector.extract_strided_slice %get3A_669 {offsets = [9], sizes = [1], strides = [1]} : vector<16xi32> to vector<1xi32>
    %squeeze3A_718 = vector.extract %slice3A_717[0] : i32 from vector<1xi32>
    %dma_wait3A_719 = arith.constant 64 : i32
    %dma_wait3A_720 = arith.constant 0 : i32
    %dma_wait3A_721 = tpu.memref_slice %arg11[%dma_wait3A_719, %dma_wait3A_720] : memref<512x128xf32, #tpu.memory_space<vmem>> -> memref<64x128xf32, #tpu.memory_space<vmem>>
    %dma_wait3A_722 = arith.constant 0 : i32
    %dma_wait3A_723 = arith.constant 0 : i32
    %dma_wait3A_724 = tpu.memref_slice %arg6[%dma_wait3A_722, %dma_wait3A_723] : memref<64x1000000xf32, #tpu.memory_space<hbm>> -> memref<64x128xf32, #tpu.memory_space<hbm>>
    %dma_wait3A_725 = arith.constant 64 : i32
    %dma_wait3A_726 = arith.constant 0 : i32
    %dma_wait3A_727 = tpu.memref_slice %arg11[%dma_wait3A_725, %dma_wait3A_726] : memref<512x128xf32, #tpu.memory_space<vmem>> -> memref<64x128xf32, #tpu.memory_space<vmem>>
    %dma_wait3A_728 = arith.constant 0 : i32
    %dma_wait3A_729 = arith.constant 0 : i32
    %dma_wait3A_730 = tpu.memref_slice %arg6[%dma_wait3A_728, %dma_wait3A_729] : memref<64x1000000xf32, #tpu.memory_space<hbm>> -> memref<64x128xf32, #tpu.memory_space<hbm>>
    tpu.wait_dma2 semaphore(%arg14 : memref<!tpu.dma_semaphore, #tpu.memory_space<semaphore_mem>>) src(%dma_wait3A_730 : memref<64x128xf32, #tpu.memory_space<hbm>>) dst(%dma_wait3A_727 : memref<64x128xf32, #tpu.memory_space<vmem>>)
    %and3A_731 = arith.constant 127 : i32
    %and3A_732 = arith.andi %squeeze3A_718, %and3A_731 : i32
    %broadcast_in_dim3A_733 = vector.broadcast %and3A_732 : i32 to vector<16xi32>
    %broadcast_in_dim3A_734 = arith.constant 505 : i32
    %broadcast_in_dim3A_735 = vector.broadcast %broadcast_in_dim3A_734 : i32 to vector<16xi32>
    %add3A_736 = arith.constant 64 : i32
    %add3A_737 = vector.broadcast %add3A_736 : i32 to vector<16xi32>
    %add3A_738 = arith.addi %add3A_737, %iota3A : vector<16xi32>
    %gather3A_739 = tpu.vector_load_idx %arg11[%add3A_738, %broadcast_in_dim3A_733] : memref<512x128xf32, #tpu.memory_space<vmem>>[vector<16xi32>, vector<16xi32>], vector<16xf32>,
    %add3A_740 = arith.constant 0 : i32
    %add3A_741 = vector.broadcast %add3A_740 : i32 to vector<16xi32>
    %add3A_742 = arith.addi %add3A_741, %iota3A : vector<16xi32>
    tpu.vector_store_idx %arg12[%add3A_742, %broadcast_in_dim3A_735], %gather3A_739 : memref<64x512xf32, #tpu.memory_space<vmem>>[vector<16xi32>, vector<16xi32>], vector<16xf32>,
    %add3A_743 = arith.constant 80 : i32
    %add3A_744 = vector.broadcast %add3A_743 : i32 to vector<16xi32>
    %add3A_745 = arith.addi %add3A_744, %iota3A : vector<16xi32>
    %gather3A_746 = tpu.vector_load_idx %arg11[%add3A_745, %broadcast_in_dim3A_733] : memref<512x128xf32, #tpu.memory_space<vmem>>[vector<16xi32>, vector<16xi32>], vector<16xf32>,
    %add3A_747 = arith.constant 16 : i32
    %add3A_748 = vector.broadcast %add3A_747 : i32 to vector<16xi32>
    %add3A_749 = arith.addi %add3A_748, %iota3A : vector<16xi32>
    tpu.vector_store_idx %arg12[%add3A_749, %broadcast_in_dim3A_735], %gather3A_746 : memref<64x512xf32, #tpu.memory_space<vmem>>[vector<16xi32>, vector<16xi32>], vector<16xf32>,
    %add3A_750 = arith.constant 96 : i32
    %add3A_751 = vector.broadcast %add3A_750 : i32 to vector<16xi32>
    %add3A_752 = arith.addi %add3A_751, %iota3A : vector<16xi32>
    %gather3A_753 = tpu.vector_load_idx %arg11[%add3A_752, %broadcast_in_dim3A_733] : memref<512x128xf32, #tpu.memory_space<vmem>>[vector<16xi32>, vector<16xi32>], vector<16xf32>,
    %add3A_754 = arith.constant 32 : i32
    %add3A_755 = vector.broadcast %add3A_754 : i32 to vector<16xi32>
    %add3A_756 = arith.addi %add3A_755, %iota3A : vector<16xi32>
    tpu.vector_store_idx %arg12[%add3A_756, %broadcast_in_dim3A_735], %gather3A_753 : memref<64x512xf32, #tpu.memory_space<vmem>>[vector<16xi32>, vector<16xi32>], vector<16xf32>,
    %add3A_757 = arith.constant 112 : i32
    %add3A_758 = vector.broadcast %add3A_757 : i32 to vector<16xi32>
    %add3A_759 = arith.addi %add3A_758, %iota3A : vector<16xi32>
    %gather3A_760 = tpu.vector_load_idx %arg11[%add3A_759, %broadcast_in_dim3A_733] : memref<512x128xf32, #tpu.memory_space<vmem>>[vector<16xi32>, vector<16xi32>], vector<16xf32>,
    %add3A_761 = arith.constant 48 : i32
    %add3A_762 = vector.broadcast %add3A_761 : i32 to vector<16xi32>
    %add3A_763 = arith.addi %add3A_762, %iota3A : vector<16xi32>
    tpu.vector_store_idx %arg12[%add3A_763, %broadcast_in_dim3A_735], %gather3A_760 : memref<64x512xf32, #tpu.memory_space<vmem>>[vector<16xi32>, vector<16xi32>], vector<16xf32>,
    %slice3A_764 = vector.extract_strided_slice %get3A_669 {offsets = [10], sizes = [1], strides = [1]} : vector<16xi32> to vector<1xi32>
    %squeeze3A_765 = vector.extract %slice3A_764[0] : i32 from vector<1xi32>
    %dma_wait3A_766 = arith.constant 128 : i32
    %dma_wait3A_767 = arith.constant 0 : i32
    %dma_wait3A_768 = tpu.memref_slice %arg11[%dma_wait3A_766, %dma_wait3A_767] : memref<512x128xf32, #tpu.memory_space<vmem>> -> memref<64x128xf32, #tpu.memory_space<vmem>>
    %dma_wait3A_769 = arith.constant 0 : i32
    %dma_wait3A_770 = arith.constant 0 : i32
    %dma_wait3A_771 = tpu.memref_slice %arg6[%dma_wait3A_769, %dma_wait3A_770] : memref<64x1000000xf32, #tpu.memory_space<hbm>> -> memref<64x128xf32, #tpu.memory_space<hbm>>
    %dma_wait3A_772 = arith.constant 128 : i32
    %dma_wait3A_773 = arith.constant 0 : i32
    %dma_wait3A_774 = tpu.memref_slice %arg11[%dma_wait3A_772, %dma_wait3A_773] : memref<512x128xf32, #tpu.memory_space<vmem>> -> memref<64x128xf32, #tpu.memory_space<vmem>>
    %dma_wait3A_775 = arith.constant 0 : i32
    %dma_wait3A_776 = arith.constant 0 : i32
    %dma_wait3A_777 = tpu.memref_slice %arg6[%dma_wait3A_775, %dma_wait3A_776] : memref<64x1000000xf32, #tpu.memory_space<hbm>> -> memref<64x128xf32, #tpu.memory_space<hbm>>
    tpu.wait_dma2 semaphore(%arg15 : memref<!tpu.dma_semaphore, #tpu.memory_space<semaphore_mem>>) src(%dma_wait3A_777 : memref<64x128xf32, #tpu.memory_space<hbm>>) dst(%dma_wait3A_774 : memref<64x128xf32, #tpu.memory_space<vmem>>)
    %and3A_778 = arith.constant 127 : i32
    %and3A_779 = arith.andi %squeeze3A_765, %and3A_778 : i32
    %broadcast_in_dim3A_780 = vector.broadcast %and3A_779 : i32 to vector<16xi32>
    %broadcast_in_dim3A_781 = arith.constant 506 : i32
    %broadcast_in_dim3A_782 = vector.broadcast %broadcast_in_dim3A_781 : i32 to vector<16xi32>
    %add3A_783 = arith.constant 128 : i32
    %add3A_784 = vector.broadcast %add3A_783 : i32 to vector<16xi32>
    %add3A_785 = arith.addi %add3A_784, %iota3A : vector<16xi32>
    %gather3A_786 = tpu.vector_load_idx %arg11[%add3A_785, %broadcast_in_dim3A_780] : memref<512x128xf32, #tpu.memory_space<vmem>>[vector<16xi32>, vector<16xi32>], vector<16xf32>,
    %add3A_787 = arith.constant 0 : i32
    %add3A_788 = vector.broadcast %add3A_787 : i32 to vector<16xi32>
    %add3A_789 = arith.addi %add3A_788, %iota3A : vector<16xi32>
    tpu.vector_store_idx %arg12[%add3A_789, %broadcast_in_dim3A_782], %gather3A_786 : memref<64x512xf32, #tpu.memory_space<vmem>>[vector<16xi32>, vector<16xi32>], vector<16xf32>,
    %add3A_790 = arith.constant 144 : i32
    %add3A_791 = vector.broadcast %add3A_790 : i32 to vector<16xi32>
    %add3A_792 = arith.addi %add3A_791, %iota3A : vector<16xi32>
    %gather3A_793 = tpu.vector_load_idx %arg11[%add3A_792, %broadcast_in_dim3A_780] : memref<512x128xf32, #tpu.memory_space<vmem>>[vector<16xi32>, vector<16xi32>], vector<16xf32>,
    %add3A_794 = arith.constant 16 : i32
    %add3A_795 = vector.broadcast %add3A_794 : i32 to vector<16xi32>
    %add3A_796 = arith.addi %add3A_795, %iota3A : vector<16xi32>
    tpu.vector_store_idx %arg12[%add3A_796, %broadcast_in_dim3A_782], %gather3A_793 : memref<64x512xf32, #tpu.memory_space<vmem>>[vector<16xi32>, vector<16xi32>], vector<16xf32>,
    %add3A_797 = arith.constant 160 : i32
    %add3A_798 = vector.broadcast %add3A_797 : i32 to vector<16xi32>
    %add3A_799 = arith.addi %add3A_798, %iota3A : vector<16xi32>
    %gather3A_800 = tpu.vector_load_idx %arg11[%add3A_799, %broadcast_in_dim3A_780] : memref<512x128xf32, #tpu.memory_space<vmem>>[vector<16xi32>, vector<16xi32>], vector<16xf32>,
    %add3A_801 = arith.constant 32 : i32
    %add3A_802 = vector.broadcast %add3A_801 : i32 to vector<16xi32>
    %add3A_803 = arith.addi %add3A_802, %iota3A : vector<16xi32>
    tpu.vector_store_idx %arg12[%add3A_803, %broadcast_in_dim3A_782], %gather3A_800 : memref<64x512xf32, #tpu.memory_space<vmem>>[vector<16xi32>, vector<16xi32>], vector<16xf32>,
    %add3A_804 = arith.constant 176 : i32
    %add3A_805 = vector.broadcast %add3A_804 : i32 to vector<16xi32>
    %add3A_806 = arith.addi %add3A_805, %iota3A : vector<16xi32>
    %gather3A_807 = tpu.vector_load_idx %arg11[%add3A_806, %broadcast_in_dim3A_780] : memref<512x128xf32, #tpu.memory_space<vmem>>[vector<16xi32>, vector<16xi32>], vector<16xf32>,
    %add3A_808 = arith.constant 48 : i32
    %add3A_809 = vector.broadcast %add3A_808 : i32 to vector<16xi32>
    %add3A_810 = arith.addi %add3A_809, %iota3A : vector<16xi32>
    tpu.vector_store_idx %arg12[%add3A_810, %broadcast_in_dim3A_782], %gather3A_807 : memref<64x512xf32, #tpu.memory_space<vmem>>[vector<16xi32>, vector<16xi32>], vector<16xf32>,
    %slice3A_811 = vector.extract_strided_slice %get3A_669 {offsets = [11], sizes = [1], strides = [1]} : vector<16xi32> to vector<1xi32>
    %squeeze3A_812 = vector.extract %slice3A_811[0] : i32 from vector<1xi32>
    %dma_wait3A_813 = arith.constant 192 : i32
    %dma_wait3A_814 = arith.constant 0 : i32
    %dma_wait3A_815 = tpu.memref_slice %arg11[%dma_wait3A_813, %dma_wait3A_814] : memref<512x128xf32, #tpu.memory_space<vmem>> -> memref<64x128xf32, #tpu.memory_space<vmem>>
    %dma_wait3A_816 = arith.constant 0 : i32
    %dma_wait3A_817 = arith.constant 0 : i32
    %dma_wait3A_818 = tpu.memref_slice %arg6[%dma_wait3A_816, %dma_wait3A_817] : memref<64x1000000xf32, #tpu.memory_space<hbm>> -> memref<64x128xf32, #tpu.memory_space<hbm>>
    %dma_wait3A_819 = arith.constant 192 : i32
    %dma_wait3A_820 = arith.constant 0 : i32
    %dma_wait3A_821 = tpu.memref_slice %arg11[%dma_wait3A_819, %dma_wait3A_820] : memref<512x128xf32, #tpu.memory_space<vmem>> -> memref<64x128xf32, #tpu.memory_space<vmem>>
    %dma_wait3A_822 = arith.constant 0 : i32
    %dma_wait3A_823 = arith.constant 0 : i32
    %dma_wait3A_824 = tpu.memref_slice %arg6[%dma_wait3A_822, %dma_wait3A_823] : memref<64x1000000xf32, #tpu.memory_space<hbm>> -> memref<64x128xf32, #tpu.memory_space<hbm>>
    tpu.wait_dma2 semaphore(%arg16 : memref<!tpu.dma_semaphore, #tpu.memory_space<semaphore_mem>>) src(%dma_wait3A_824 : memref<64x128xf32, #tpu.memory_space<hbm>>) dst(%dma_wait3A_821 : memref<64x128xf32, #tpu.memory_space<vmem>>)
    %and3A_825 = arith.constant 127 : i32
    %and3A_826 = arith.andi %squeeze3A_812, %and3A_825 : i32
    %broadcast_in_dim3A_827 = vector.broadcast %and3A_826 : i32 to vector<16xi32>
    %broadcast_in_dim3A_828 = arith.constant 507 : i32
    %broadcast_in_dim3A_829 = vector.broadcast %broadcast_in_dim3A_828 : i32 to vector<16xi32>
    %add3A_830 = arith.constant 192 : i32
    %add3A_831 = vector.broadcast %add3A_830 : i32 to vector<16xi32>
    %add3A_832 = arith.addi %add3A_831, %iota3A : vector<16xi32>
    %gather3A_833 = tpu.vector_load_idx %arg11[%add3A_832, %broadcast_in_dim3A_827] : memref<512x128xf32, #tpu.memory_space<vmem>>[vector<16xi32>, vector<16xi32>], vector<16xf32>,
    %add3A_834 = arith.constant 0 : i32
    %add3A_835 = vector.broadcast %add3A_834 : i32 to vector<16xi32>
    %add3A_836 = arith.addi %add3A_835, %iota3A : vector<16xi32>
    tpu.vector_store_idx %arg12[%add3A_836, %broadcast_in_dim3A_829], %gather3A_833 : memref<64x512xf32, #tpu.memory_space<vmem>>[vector<16xi32>, vector<16xi32>], vector<16xf32>,
    %add3A_837 = arith.constant 208 : i32
    %add3A_838 = vector.broadcast %add3A_837 : i32 to vector<16xi32>
    %add3A_839 = arith.addi %add3A_838, %iota3A : vector<16xi32>
    %gather3A_840 = tpu.vector_load_idx %arg11[%add3A_839, %broadcast_in_dim3A_827] : memref<512x128xf32, #tpu.memory_space<vmem>>[vector<16xi32>, vector<16xi32>], vector<16xf32>,
    %add3A_841 = arith.constant 16 : i32
    %add3A_842 = vector.broadcast %add3A_841 : i32 to vector<16xi32>
    %add3A_843 = arith.addi %add3A_842, %iota3A : vector<16xi32>
    tpu.vector_store_idx %arg12[%add3A_843, %broadcast_in_dim3A_829], %gather3A_840 : memref<64x512xf32, #tpu.memory_space<vmem>>[vector<16xi32>, vector<16xi32>], vector<16xf32>,
    %add3A_844 = arith.constant 224 : i32
    %add3A_845 = vector.broadcast %add3A_844 : i32 to vector<16xi32>
    %add3A_846 = arith.addi %add3A_845, %iota3A : vector<16xi32>
    %gather3A_847 = tpu.vector_load_idx %arg11[%add3A_846, %broadcast_in_dim3A_827] : memref<512x128xf32, #tpu.memory_space<vmem>>[vector<16xi32>, vector<16xi32>], vector<16xf32>,
    %add3A_848 = arith.constant 32 : i32
    %add3A_849 = vector.broadcast %add3A_848 : i32 to vector<16xi32>
    %add3A_850 = arith.addi %add3A_849, %iota3A : vector<16xi32>
    tpu.vector_store_idx %arg12[%add3A_850, %broadcast_in_dim3A_829], %gather3A_847 : memref<64x512xf32, #tpu.memory_space<vmem>>[vector<16xi32>, vector<16xi32>], vector<16xf32>,
    %add3A_851 = arith.constant 240 : i32
    %add3A_852 = vector.broadcast %add3A_851 : i32 to vector<16xi32>
    %add3A_853 = arith.addi %add3A_852, %iota3A : vector<16xi32>
    %gather3A_854 = tpu.vector_load_idx %arg11[%add3A_853, %broadcast_in_dim3A_827] : memref<512x128xf32, #tpu.memory_space<vmem>>[vector<16xi32>, vector<16xi32>], vector<16xf32>,
    %add3A_855 = arith.constant 48 : i32
    %add3A_856 = vector.broadcast %add3A_855 : i32 to vector<16xi32>
    %add3A_857 = arith.addi %add3A_856, %iota3A : vector<16xi32>
    tpu.vector_store_idx %arg12[%add3A_857, %broadcast_in_dim3A_829], %gather3A_854 : memref<64x512xf32, #tpu.memory_space<vmem>>[vector<16xi32>, vector<16xi32>], vector<16xf32>,
    %slice3A_858 = vector.extract_strided_slice %get3A_669 {offsets = [12], sizes = [1], strides = [1]} : vector<16xi32> to vector<1xi32>
    %squeeze3A_859 = vector.extract %slice3A_858[0] : i32 from vector<1xi32>
    %dma_wait3A_860 = arith.constant 256 : i32
    %dma_wait3A_861 = arith.constant 0 : i32
    %dma_wait3A_862 = tpu.memref_slice %arg11[%dma_wait3A_860, %dma_wait3A_861] : memref<512x128xf32, #tpu.memory_space<vmem>> -> memref<64x128xf32, #tpu.memory_space<vmem>>
    %dma_wait3A_863 = arith.constant 0 : i32
    %dma_wait3A_864 = arith.constant 0 : i32
    %dma_wait3A_865 = tpu.memref_slice %arg6[%dma_wait3A_863, %dma_wait3A_864] : memref<64x1000000xf32, #tpu.memory_space<hbm>> -> memref<64x128xf32, #tpu.memory_space<hbm>>
    %dma_wait3A_866 = arith.constant 256 : i32
    %dma_wait3A_867 = arith.constant 0 : i32
    %dma_wait3A_868 = tpu.memref_slice %arg11[%dma_wait3A_866, %dma_wait3A_867] : memref<512x128xf32, #tpu.memory_space<vmem>> -> memref<64x128xf32, #tpu.memory_space<vmem>>
    %dma_wait3A_869 = arith.constant 0 : i32
    %dma_wait3A_870 = arith.constant 0 : i32
    %dma_wait3A_871 = tpu.memref_slice %arg6[%dma_wait3A_869, %dma_wait3A_870] : memref<64x1000000xf32, #tpu.memory_space<hbm>> -> memref<64x128xf32, #tpu.memory_space<hbm>>
    tpu.wait_dma2 semaphore(%arg17 : memref<!tpu.dma_semaphore, #tpu.memory_space<semaphore_mem>>) src(%dma_wait3A_871 : memref<64x128xf32, #tpu.memory_space<hbm>>) dst(%dma_wait3A_868 : memref<64x128xf32, #tpu.memory_space<vmem>>)
    %and3A_872 = arith.constant 127 : i32
    %and3A_873 = arith.andi %squeeze3A_859, %and3A_872 : i32
    %broadcast_in_dim3A_874 = vector.broadcast %and3A_873 : i32 to vector<16xi32>
    %broadcast_in_dim3A_875 = arith.constant 508 : i32
    %broadcast_in_dim3A_876 = vector.broadcast %broadcast_in_dim3A_875 : i32 to vector<16xi32>
    %add3A_877 = arith.constant 256 : i32
    %add3A_878 = vector.broadcast %add3A_877 : i32 to vector<16xi32>
    %add3A_879 = arith.addi %add3A_878, %iota3A : vector<16xi32>
    %gather3A_880 = tpu.vector_load_idx %arg11[%add3A_879, %broadcast_in_dim3A_874] : memref<512x128xf32, #tpu.memory_space<vmem>>[vector<16xi32>, vector<16xi32>], vector<16xf32>,
    %add3A_881 = arith.constant 0 : i32
    %add3A_882 = vector.broadcast %add3A_881 : i32 to vector<16xi32>
    %add3A_883 = arith.addi %add3A_882, %iota3A : vector<16xi32>
    tpu.vector_store_idx %arg12[%add3A_883, %broadcast_in_dim3A_876], %gather3A_880 : memref<64x512xf32, #tpu.memory_space<vmem>>[vector<16xi32>, vector<16xi32>], vector<16xf32>,
    %add3A_884 = arith.constant 272 : i32
    %add3A_885 = vector.broadcast %add3A_884 : i32 to vector<16xi32>
    %add3A_886 = arith.addi %add3A_885, %iota3A : vector<16xi32>
    %gather3A_887 = tpu.vector_load_idx %arg11[%add3A_886, %broadcast_in_dim3A_874] : memref<512x128xf32, #tpu.memory_space<vmem>>[vector<16xi32>, vector<16xi32>], vector<16xf32>,
    %add3A_888 = arith.constant 16 : i32
    %add3A_889 = vector.broadcast %add3A_888 : i32 to vector<16xi32>
    %add3A_890 = arith.addi %add3A_889, %iota3A : vector<16xi32>
    tpu.vector_store_idx %arg12[%add3A_890, %broadcast_in_dim3A_876], %gather3A_887 : memref<64x512xf32, #tpu.memory_space<vmem>>[vector<16xi32>, vector<16xi32>], vector<16xf32>,
    %add3A_891 = arith.constant 288 : i32
    %add3A_892 = vector.broadcast %add3A_891 : i32 to vector<16xi32>
    %add3A_893 = arith.addi %add3A_892, %iota3A : vector<16xi32>
    %gather3A_894 = tpu.vector_load_idx %arg11[%add3A_893, %broadcast_in_dim3A_874] : memref<512x128xf32, #tpu.memory_space<vmem>>[vector<16xi32>, vector<16xi32>], vector<16xf32>,
    %add3A_895 = arith.constant 32 : i32
    %add3A_896 = vector.broadcast %add3A_895 : i32 to vector<16xi32>
    %add3A_897 = arith.addi %add3A_896, %iota3A : vector<16xi32>
    tpu.vector_store_idx %arg12[%add3A_897, %broadcast_in_dim3A_876], %gather3A_894 : memref<64x512xf32, #tpu.memory_space<vmem>>[vector<16xi32>, vector<16xi32>], vector<16xf32>,
    %add3A_898 = arith.constant 304 : i32
    %add3A_899 = vector.broadcast %add3A_898 : i32 to vector<16xi32>
    %add3A_900 = arith.addi %add3A_899, %iota3A : vector<16xi32>
    %gather3A_901 = tpu.vector_load_idx %arg11[%add3A_900, %broadcast_in_dim3A_874] : memref<512x128xf32, #tpu.memory_space<vmem>>[vector<16xi32>, vector<16xi32>], vector<16xf32>,
    %add3A_902 = arith.constant 48 : i32
    %add3A_903 = vector.broadcast %add3A_902 : i32 to vector<16xi32>
    %add3A_904 = arith.addi %add3A_903, %iota3A : vector<16xi32>
    tpu.vector_store_idx %arg12[%add3A_904, %broadcast_in_dim3A_876], %gather3A_901 : memref<64x512xf32, #tpu.memory_space<vmem>>[vector<16xi32>, vector<16xi32>], vector<16xf32>,
    %slice3A_905 = vector.extract_strided_slice %get3A_669 {offsets = [13], sizes = [1], strides = [1]} : vector<16xi32> to vector<1xi32>
    %squeeze3A_906 = vector.extract %slice3A_905[0] : i32 from vector<1xi32>
    %dma_wait3A_907 = arith.constant 320 : i32
    %dma_wait3A_908 = arith.constant 0 : i32
    %dma_wait3A_909 = tpu.memref_slice %arg11[%dma_wait3A_907, %dma_wait3A_908] : memref<512x128xf32, #tpu.memory_space<vmem>> -> memref<64x128xf32, #tpu.memory_space<vmem>>
    %dma_wait3A_910 = arith.constant 0 : i32
    %dma_wait3A_911 = arith.constant 0 : i32
    %dma_wait3A_912 = tpu.memref_slice %arg6[%dma_wait3A_910, %dma_wait3A_911] : memref<64x1000000xf32, #tpu.memory_space<hbm>> -> memref<64x128xf32, #tpu.memory_space<hbm>>
    %dma_wait3A_913 = arith.constant 320 : i32
    %dma_wait3A_914 = arith.constant 0 : i32
    %dma_wait3A_915 = tpu.memref_slice %arg11[%dma_wait3A_913, %dma_wait3A_914] : memref<512x128xf32, #tpu.memory_space<vmem>> -> memref<64x128xf32, #tpu.memory_space<vmem>>
    %dma_wait3A_916 = arith.constant 0 : i32
    %dma_wait3A_917 = arith.constant 0 : i32
    %dma_wait3A_918 = tpu.memref_slice %arg6[%dma_wait3A_916, %dma_wait3A_917] : memref<64x1000000xf32, #tpu.memory_space<hbm>> -> memref<64x128xf32, #tpu.memory_space<hbm>>
    tpu.wait_dma2 semaphore(%arg18 : memref<!tpu.dma_semaphore, #tpu.memory_space<semaphore_mem>>) src(%dma_wait3A_918 : memref<64x128xf32, #tpu.memory_space<hbm>>) dst(%dma_wait3A_915 : memref<64x128xf32, #tpu.memory_space<vmem>>)
    %and3A_919 = arith.constant 127 : i32
    %and3A_920 = arith.andi %squeeze3A_906, %and3A_919 : i32
    %broadcast_in_dim3A_921 = vector.broadcast %and3A_920 : i32 to vector<16xi32>
    %broadcast_in_dim3A_922 = arith.constant 509 : i32
    %broadcast_in_dim3A_923 = vector.broadcast %broadcast_in_dim3A_922 : i32 to vector<16xi32>
    %add3A_924 = arith.constant 320 : i32
    %add3A_925 = vector.broadcast %add3A_924 : i32 to vector<16xi32>
    %add3A_926 = arith.addi %add3A_925, %iota3A : vector<16xi32>
    %gather3A_927 = tpu.vector_load_idx %arg11[%add3A_926, %broadcast_in_dim3A_921] : memref<512x128xf32, #tpu.memory_space<vmem>>[vector<16xi32>, vector<16xi32>], vector<16xf32>,
    %add3A_928 = arith.constant 0 : i32
    %add3A_929 = vector.broadcast %add3A_928 : i32 to vector<16xi32>
    %add3A_930 = arith.addi %add3A_929, %iota3A : vector<16xi32>
    tpu.vector_store_idx %arg12[%add3A_930, %broadcast_in_dim3A_923], %gather3A_927 : memref<64x512xf32, #tpu.memory_space<vmem>>[vector<16xi32>, vector<16xi32>], vector<16xf32>,
    %add3A_931 = arith.constant 336 : i32
    %add3A_932 = vector.broadcast %add3A_931 : i32 to vector<16xi32>
    %add3A_933 = arith.addi %add3A_932, %iota3A : vector<16xi32>
    %gather3A_934 = tpu.vector_load_idx %arg11[%add3A_933, %broadcast_in_dim3A_921] : memref<512x128xf32, #tpu.memory_space<vmem>>[vector<16xi32>, vector<16xi32>], vector<16xf32>,
    %add3A_935 = arith.constant 16 : i32
    %add3A_936 = vector.broadcast %add3A_935 : i32 to vector<16xi32>
    %add3A_937 = arith.addi %add3A_936, %iota3A : vector<16xi32>
    tpu.vector_store_idx %arg12[%add3A_937, %broadcast_in_dim3A_923], %gather3A_934 : memref<64x512xf32, #tpu.memory_space<vmem>>[vector<16xi32>, vector<16xi32>], vector<16xf32>,
    %add3A_938 = arith.constant 352 : i32
    %add3A_939 = vector.broadcast %add3A_938 : i32 to vector<16xi32>
    %add3A_940 = arith.addi %add3A_939, %iota3A : vector<16xi32>
    %gather3A_941 = tpu.vector_load_idx %arg11[%add3A_940, %broadcast_in_dim3A_921] : memref<512x128xf32, #tpu.memory_space<vmem>>[vector<16xi32>, vector<16xi32>], vector<16xf32>,
    %add3A_942 = arith.constant 32 : i32
    %add3A_943 = vector.broadcast %add3A_942 : i32 to vector<16xi32>
    %add3A_944 = arith.addi %add3A_943, %iota3A : vector<16xi32>
    tpu.vector_store_idx %arg12[%add3A_944, %broadcast_in_dim3A_923], %gather3A_941 : memref<64x512xf32, #tpu.memory_space<vmem>>[vector<16xi32>, vector<16xi32>], vector<16xf32>,
    %add3A_945 = arith.constant 368 : i32
    %add3A_946 = vector.broadcast %add3A_945 : i32 to vector<16xi32>
    %add3A_947 = arith.addi %add3A_946, %iota3A : vector<16xi32>
    %gather3A_948 = tpu.vector_load_idx %arg11[%add3A_947, %broadcast_in_dim3A_921] : memref<512x128xf32, #tpu.memory_space<vmem>>[vector<16xi32>, vector<16xi32>], vector<16xf32>,
    %add3A_949 = arith.constant 48 : i32
    %add3A_950 = vector.broadcast %add3A_949 : i32 to vector<16xi32>
    %add3A_951 = arith.addi %add3A_950, %iota3A : vector<16xi32>
    tpu.vector_store_idx %arg12[%add3A_951, %broadcast_in_dim3A_923], %gather3A_948 : memref<64x512xf32, #tpu.memory_space<vmem>>[vector<16xi32>, vector<16xi32>], vector<16xf32>,
    %slice3A_952 = vector.extract_strided_slice %get3A_669 {offsets = [14], sizes = [1], strides = [1]} : vector<16xi32> to vector<1xi32>
    %squeeze3A_953 = vector.extract %slice3A_952[0] : i32 from vector<1xi32>
    %dma_wait3A_954 = arith.constant 384 : i32
    %dma_wait3A_955 = arith.constant 0 : i32
    %dma_wait3A_956 = tpu.memref_slice %arg11[%dma_wait3A_954, %dma_wait3A_955] : memref<512x128xf32, #tpu.memory_space<vmem>> -> memref<64x128xf32, #tpu.memory_space<vmem>>
    %dma_wait3A_957 = arith.constant 0 : i32
    %dma_wait3A_958 = arith.constant 0 : i32
    %dma_wait3A_959 = tpu.memref_slice %arg6[%dma_wait3A_957, %dma_wait3A_958] : memref<64x1000000xf32, #tpu.memory_space<hbm>> -> memref<64x128xf32, #tpu.memory_space<hbm>>
    %dma_wait3A_960 = arith.constant 384 : i32
    %dma_wait3A_961 = arith.constant 0 : i32
    %dma_wait3A_962 = tpu.memref_slice %arg11[%dma_wait3A_960, %dma_wait3A_961] : memref<512x128xf32, #tpu.memory_space<vmem>> -> memref<64x128xf32, #tpu.memory_space<vmem>>
    %dma_wait3A_963 = arith.constant 0 : i32
    %dma_wait3A_964 = arith.constant 0 : i32
    %dma_wait3A_965 = tpu.memref_slice %arg6[%dma_wait3A_963, %dma_wait3A_964] : memref<64x1000000xf32, #tpu.memory_space<hbm>> -> memref<64x128xf32, #tpu.memory_space<hbm>>
    tpu.wait_dma2 semaphore(%arg19 : memref<!tpu.dma_semaphore, #tpu.memory_space<semaphore_mem>>) src(%dma_wait3A_965 : memref<64x128xf32, #tpu.memory_space<hbm>>) dst(%dma_wait3A_962 : memref<64x128xf32, #tpu.memory_space<vmem>>)
    %and3A_966 = arith.constant 127 : i32
    %and3A_967 = arith.andi %squeeze3A_953, %and3A_966 : i32
    %broadcast_in_dim3A_968 = vector.broadcast %and3A_967 : i32 to vector<16xi32>
    %broadcast_in_dim3A_969 = arith.constant 510 : i32
    %broadcast_in_dim3A_970 = vector.broadcast %broadcast_in_dim3A_969 : i32 to vector<16xi32>
    %add3A_971 = arith.constant 384 : i32
    %add3A_972 = vector.broadcast %add3A_971 : i32 to vector<16xi32>
    %add3A_973 = arith.addi %add3A_972, %iota3A : vector<16xi32>
    %gather3A_974 = tpu.vector_load_idx %arg11[%add3A_973, %broadcast_in_dim3A_968] : memref<512x128xf32, #tpu.memory_space<vmem>>[vector<16xi32>, vector<16xi32>], vector<16xf32>,
    %add3A_975 = arith.constant 0 : i32
    %add3A_976 = vector.broadcast %add3A_975 : i32 to vector<16xi32>
    %add3A_977 = arith.addi %add3A_976, %iota3A : vector<16xi32>
    tpu.vector_store_idx %arg12[%add3A_977, %broadcast_in_dim3A_970], %gather3A_974 : memref<64x512xf32, #tpu.memory_space<vmem>>[vector<16xi32>, vector<16xi32>], vector<16xf32>,
    %add3A_978 = arith.constant 400 : i32
    %add3A_979 = vector.broadcast %add3A_978 : i32 to vector<16xi32>
    %add3A_980 = arith.addi %add3A_979, %iota3A : vector<16xi32>
    %gather3A_981 = tpu.vector_load_idx %arg11[%add3A_980, %broadcast_in_dim3A_968] : memref<512x128xf32, #tpu.memory_space<vmem>>[vector<16xi32>, vector<16xi32>], vector<16xf32>,
    %add3A_982 = arith.constant 16 : i32
    %add3A_983 = vector.broadcast %add3A_982 : i32 to vector<16xi32>
    %add3A_984 = arith.addi %add3A_983, %iota3A : vector<16xi32>
    tpu.vector_store_idx %arg12[%add3A_984, %broadcast_in_dim3A_970], %gather3A_981 : memref<64x512xf32, #tpu.memory_space<vmem>>[vector<16xi32>, vector<16xi32>], vector<16xf32>,
    %add3A_985 = arith.constant 416 : i32
    %add3A_986 = vector.broadcast %add3A_985 : i32 to vector<16xi32>
    %add3A_987 = arith.addi %add3A_986, %iota3A : vector<16xi32>
    %gather3A_988 = tpu.vector_load_idx %arg11[%add3A_987, %broadcast_in_dim3A_968] : memref<512x128xf32, #tpu.memory_space<vmem>>[vector<16xi32>, vector<16xi32>], vector<16xf32>,
    %add3A_989 = arith.constant 32 : i32
    %add3A_990 = vector.broadcast %add3A_989 : i32 to vector<16xi32>
    %add3A_991 = arith.addi %add3A_990, %iota3A : vector<16xi32>
    tpu.vector_store_idx %arg12[%add3A_991, %broadcast_in_dim3A_970], %gather3A_988 : memref<64x512xf32, #tpu.memory_space<vmem>>[vector<16xi32>, vector<16xi32>], vector<16xf32>,
    %add3A_992 = arith.constant 432 : i32
    %add3A_993 = vector.broadcast %add3A_992 : i32 to vector<16xi32>
    %add3A_994 = arith.addi %add3A_993, %iota3A : vector<16xi32>
    %gather3A_995 = tpu.vector_load_idx %arg11[%add3A_994, %broadcast_in_dim3A_968] : memref<512x128xf32, #tpu.memory_space<vmem>>[vector<16xi32>, vector<16xi32>], vector<16xf32>,
    %add3A_996 = arith.constant 48 : i32
    %add3A_997 = vector.broadcast %add3A_996 : i32 to vector<16xi32>
    %add3A_998 = arith.addi %add3A_997, %iota3A : vector<16xi32>
    tpu.vector_store_idx %arg12[%add3A_998, %broadcast_in_dim3A_970], %gather3A_995 : memref<64x512xf32, #tpu.memory_space<vmem>>[vector<16xi32>, vector<16xi32>], vector<16xf32>,
    %slice3A_999 = vector.extract_strided_slice %get3A_669 {offsets = [15], sizes = [1], strides = [1]} : vector<16xi32> to vector<1xi32>
    %squeeze3A_1000 = vector.extract %slice3A_999[0] : i32 from vector<1xi32>
    %dma_wait3A_1001 = arith.constant 448 : i32
    %dma_wait3A_1002 = arith.constant 0 : i32
    %dma_wait3A_1003 = tpu.memref_slice %arg11[%dma_wait3A_1001, %dma_wait3A_1002] : memref<512x128xf32, #tpu.memory_space<vmem>> -> memref<64x128xf32, #tpu.memory_space<vmem>>
    %dma_wait3A_1004 = arith.constant 0 : i32
    %dma_wait3A_1005 = arith.constant 0 : i32
    %dma_wait3A_1006 = tpu.memref_slice %arg6[%dma_wait3A_1004, %dma_wait3A_1005] : memref<64x1000000xf32, #tpu.memory_space<hbm>> -> memref<64x128xf32, #tpu.memory_space<hbm>>
    %dma_wait3A_1007 = arith.constant 448 : i32
    %dma_wait3A_1008 = arith.constant 0 : i32
    %dma_wait3A_1009 = tpu.memref_slice %arg11[%dma_wait3A_1007, %dma_wait3A_1008] : memref<512x128xf32, #tpu.memory_space<vmem>> -> memref<64x128xf32, #tpu.memory_space<vmem>>
    %dma_wait3A_1010 = arith.constant 0 : i32
    %dma_wait3A_1011 = arith.constant 0 : i32
    %dma_wait3A_1012 = tpu.memref_slice %arg6[%dma_wait3A_1010, %dma_wait3A_1011] : memref<64x1000000xf32, #tpu.memory_space<hbm>> -> memref<64x128xf32, #tpu.memory_space<hbm>>
    tpu.wait_dma2 semaphore(%arg20 : memref<!tpu.dma_semaphore, #tpu.memory_space<semaphore_mem>>) src(%dma_wait3A_1012 : memref<64x128xf32, #tpu.memory_space<hbm>>) dst(%dma_wait3A_1009 : memref<64x128xf32, #tpu.memory_space<vmem>>)
    %and3A_1013 = arith.constant 127 : i32
    %and3A_1014 = arith.andi %squeeze3A_1000, %and3A_1013 : i32
    %broadcast_in_dim3A_1015 = vector.broadcast %and3A_1014 : i32 to vector<16xi32>
    %broadcast_in_dim3A_1016 = arith.constant 511 : i32
    %broadcast_in_dim3A_1017 = vector.broadcast %broadcast_in_dim3A_1016 : i32 to vector<16xi32>
    %add3A_1018 = arith.constant 448 : i32
    %add3A_1019 = vector.broadcast %add3A_1018 : i32 to vector<16xi32>
    %add3A_1020 = arith.addi %add3A_1019, %iota3A : vector<16xi32>
    %gather3A_1021 = tpu.vector_load_idx %arg11[%add3A_1020, %broadcast_in_dim3A_1015] : memref<512x128xf32, #tpu.memory_space<vmem>>[vector<16xi32>, vector<16xi32>], vector<16xf32>,
    %add3A_1022 = arith.constant 0 : i32
    %add3A_1023 = vector.broadcast %add3A_1022 : i32 to vector<16xi32>
    %add3A_1024 = arith.addi %add3A_1023, %iota3A : vector<16xi32>
    tpu.vector_store_idx %arg12[%add3A_1024, %broadcast_in_dim3A_1017], %gather3A_1021 : memref<64x512xf32, #tpu.memory_space<vmem>>[vector<16xi32>, vector<16xi32>], vector<16xf32>,
    %add3A_1025 = arith.constant 464 : i32
    %add3A_1026 = vector.broadcast %add3A_1025 : i32 to vector<16xi32>
    %add3A_1027 = arith.addi %add3A_1026, %iota3A : vector<16xi32>
    %gather3A_1028 = tpu.vector_load_idx %arg11[%add3A_1027, %broadcast_in_dim3A_1015] : memref<512x128xf32, #tpu.memory_space<vmem>>[vector<16xi32>, vector<16xi32>], vector<16xf32>,
    %add3A_1029 = arith.constant 16 : i32
    %add3A_1030 = vector.broadcast %add3A_1029 : i32 to vector<16xi32>
    %add3A_1031 = arith.addi %add3A_1030, %iota3A : vector<16xi32>
    tpu.vector_store_idx %arg12[%add3A_1031, %broadcast_in_dim3A_1017], %gather3A_1028 : memref<64x512xf32, #tpu.memory_space<vmem>>[vector<16xi32>, vector<16xi32>], vector<16xf32>,
    %add3A_1032 = arith.constant 480 : i32
    %add3A_1033 = vector.broadcast %add3A_1032 : i32 to vector<16xi32>
    %add3A_1034 = arith.addi %add3A_1033, %iota3A : vector<16xi32>
    %gather3A_1035 = tpu.vector_load_idx %arg11[%add3A_1034, %broadcast_in_dim3A_1015] : memref<512x128xf32, #tpu.memory_space<vmem>>[vector<16xi32>, vector<16xi32>], vector<16xf32>,
    %add3A_1036 = arith.constant 32 : i32
    %add3A_1037 = vector.broadcast %add3A_1036 : i32 to vector<16xi32>
    %add3A_1038 = arith.addi %add3A_1037, %iota3A : vector<16xi32>
    tpu.vector_store_idx %arg12[%add3A_1038, %broadcast_in_dim3A_1017], %gather3A_1035 : memref<64x512xf32, #tpu.memory_space<vmem>>[vector<16xi32>, vector<16xi32>], vector<16xf32>,
    %add3A_1039 = arith.constant 496 : i32
    %add3A_1040 = vector.broadcast %add3A_1039 : i32 to vector<16xi32>
    %add3A_1041 = arith.addi %add3A_1040, %iota3A : vector<16xi32>
    %gather3A_1042 = tpu.vector_load_idx %arg11[%add3A_1041, %broadcast_in_dim3A_1015] : memref<512x128xf32, #tpu.memory_space<vmem>>[vector<16xi32>, vector<16xi32>], vector<16xf32>,
    %add3A_1043 = arith.constant 48 : i32
    %add3A_1044 = vector.broadcast %add3A_1043 : i32 to vector<16xi32>
    %add3A_1045 = arith.addi %add3A_1044, %iota3A : vector<16xi32>
    tpu.vector_store_idx %arg12[%add3A_1045, %broadcast_in_dim3A_1017], %gather3A_1042 : memref<64x512xf32, #tpu.memory_space<vmem>>[vector<16xi32>, vector<16xi32>], vector<16xf32>,
    %dma_start3A_1046 = arith.constant 0 : i32
    %dma_start3A_1047 = tpu.memref_slice %arg8[%dma_start3A_1046, %mul3A_2] : memref<64x16384xf32, #tpu.memory_space<hbm>> -> memref<64x512xf32, #tpu.memory_space<hbm>>
    %dma_start3A_1048 = arith.constant 0 : i32
    %dma_start3A_1049 = tpu.memref_slice %arg8[%dma_start3A_1048, %mul3A_2] : memref<64x16384xf32, #tpu.memory_space<hbm>> -> memref<64x512xf32, #tpu.memory_space<hbm>>
    tpu.enqueue_dma source(%arg12 : memref<64x512xf32, #tpu.memory_space<vmem>>) target(%dma_start3A_1049 : memref<64x512xf32, #tpu.memory_space<hbm>>) target_semaphore(%arg21 : memref<!tpu.dma_semaphore, #tpu.memory_space<semaphore_mem>>)
    "tpu.region"() ({
      %run_scoped3A = tpu.sem_alloc : memref<!tpu.dma_semaphore, #tpu.memory_space<semaphore_mem>>
      %dma_start3A_1585 = tpu.memref_slice %arg4[%mul3A_2] : memref<16384xi32, #tpu.memory_space<hbm>> -> memref<512xi32, #tpu.memory_space<hbm>>
      %dma_start3A_1586 = tpu.memref_slice %arg4[%mul3A_2] : memref<16384xi32, #tpu.memory_space<hbm>> -> memref<512xi32, #tpu.memory_space<hbm>>
      tpu.enqueue_dma source(%dma_start3A_1586 : memref<512xi32, #tpu.memory_space<hbm>>) target(%arg10 : memref<512xi32, #tpu.memory_space<vmem>>) target_semaphore(%run_scoped3A : memref<!tpu.dma_semaphore, #tpu.memory_space<semaphore_mem>>)
      %dma_wait3A_1587 = tpu.memref_slice %arg4[%mul3A_2] : memref<16384xi32, #tpu.memory_space<hbm>> -> memref<512xi32, #tpu.memory_space<hbm>>
      %dma_wait3A_1588 = tpu.memref_slice %arg4[%mul3A_2] : memref<16384xi32, #tpu.memory_space<hbm>> -> memref<512xi32, #tpu.memory_space<hbm>>
      tpu.wait_dma2 semaphore(%run_scoped3A : memref<!tpu.dma_semaphore, #tpu.memory_space<semaphore_mem>>) src(%dma_wait3A_1588 : memref<512xi32, #tpu.memory_space<hbm>>) dst(%arg10 : memref<512xi32, #tpu.memory_space<vmem>>)
      tpu.yield
    }) : () -> ()
    %get3A_1050 = arith.constant 0 : index
    %get3A_1051 = tpu.vector_load %arg10[%get3A_1050] {strides = array<i32>} : memref<512xi32, #tpu.memory_space<vmem>>, vector<16xi32>,
    %slice3A_1052 = vector.extract_strided_slice %get3A_1051 {offsets = [0], sizes = [1], strides = [1]} : vector<16xi32> to vector<1xi32>
    %squeeze3A_1053 = vector.extract %slice3A_1052[0] : i32 from vector<1xi32>
    %shift_right_arithmetic3A_1054 = arith.constant 7 : i32
    %shift_right_arithmetic3A_1055 = arith.shrsi %squeeze3A_1053, %shift_right_arithmetic3A_1054 : i32
    %mul3A_1056 = arith.constant 128 : i32
    %mul3A_1057 = arith.muli %shift_right_arithmetic3A_1055, %mul3A_1056 : i32
    %multiple_of3A_1058 = tpu.assume_multiple %mul3A_1057, 128 : i32
    %dma_start3A_1059 = arith.constant 0 : i32
    %dma_start3A_1060 = arith.constant 0 : i32
    %dma_start3A_1061 = tpu.memref_slice %arg11[%dma_start3A_1059, %dma_start3A_1060] : memref<512x128xf32, #tpu.memory_space<vmem>> -> memref<64x128xf32, #tpu.memory_space<vmem>>
    %dma_start3A_1062 = arith.constant 0 : i32
    %dma_start3A_1063 = tpu.memref_slice %arg6[%dma_start3A_1062, %multiple_of3A_1058] : memref<64x1000000xf32, #tpu.memory_space<hbm>> -> memref<64x128xf32, #tpu.memory_space<hbm>>
    %dma_start3A_1064 = arith.constant 0 : i32
    %dma_start3A_1065 = arith.constant 0 : i32
    %dma_start3A_1066 = tpu.memref_slice %arg11[%dma_start3A_1064, %dma_start3A_1065] : memref<512x128xf32, #tpu.memory_space<vmem>> -> memref<64x128xf32, #tpu.memory_space<vmem>>
    %dma_start3A_1067 = arith.constant 0 : i32
    %dma_start3A_1068 = tpu.memref_slice %arg6[%dma_start3A_1067, %multiple_of3A_1058] : memref<64x1000000xf32, #tpu.memory_space<hbm>> -> memref<64x128xf32, #tpu.memory_space<hbm>>
    tpu.enqueue_dma source(%dma_start3A_1068 : memref<64x128xf32, #tpu.memory_space<hbm>>) target(%dma_start3A_1066 : memref<64x128xf32, #tpu.memory_space<vmem>>) target_semaphore(%arg13 : memref<!tpu.dma_semaphore, #tpu.memory_space<semaphore_mem>>)
    %slice3A_1069 = vector.extract_strided_slice %get3A_1051 {offsets = [1], sizes = [1], strides = [1]} : vector<16xi32> to vector<1xi32>
    %squeeze3A_1070 = vector.extract %slice3A_1069[0] : i32 from vector<1xi32>
    %shift_right_arithmetic3A_1071 = arith.constant 7 : i32
    %shift_right_arithmetic3A_1072 = arith.shrsi %squeeze3A_1070, %shift_right_arithmetic3A_1071 : i32
    %mul3A_1073 = arith.constant 128 : i32
    %mul3A_1074 = arith.muli %shift_right_arithmetic3A_1072, %mul3A_1073 : i32
    %multiple_of3A_1075 = tpu.assume_multiple %mul3A_1074, 128 : i32
    %dma_start3A_1076 = arith.constant 64 : i32
    %dma_start3A_1077 = arith.constant 0 : i32
    %dma_start3A_1078 = tpu.memref_slice %arg11[%dma_start3A_1076, %dma_start3A_1077] : memref<512x128xf32, #tpu.memory_space<vmem>> -> memref<64x128xf32, #tpu.memory_space<vmem>>
    %dma_start3A_1079 = arith.constant 0 : i32
    %dma_start3A_1080 = tpu.memref_slice %arg6[%dma_start3A_1079, %multiple_of3A_1075] : memref<64x1000000xf32, #tpu.memory_space<hbm>> -> memref<64x128xf32, #tpu.memory_space<hbm>>
    %dma_start3A_1081 = arith.constant 64 : i32
    %dma_start3A_1082 = arith.constant 0 : i32
    %dma_start3A_1083 = tpu.memref_slice %arg11[%dma_start3A_1081, %dma_start3A_1082] : memref<512x128xf32, #tpu.memory_space<vmem>> -> memref<64x128xf32, #tpu.memory_space<vmem>>
    %dma_start3A_1084 = arith.constant 0 : i32
    %dma_start3A_1085 = tpu.memref_slice %arg6[%dma_start3A_1084, %multiple_of3A_1075] : memref<64x1000000xf32, #tpu.memory_space<hbm>> -> memref<64x128xf32, #tpu.memory_space<hbm>>
    tpu.enqueue_dma source(%dma_start3A_1085 : memref<64x128xf32, #tpu.memory_space<hbm>>) target(%dma_start3A_1083 : memref<64x128xf32, #tpu.memory_space<vmem>>) target_semaphore(%arg14 : memref<!tpu.dma_semaphore, #tpu.memory_space<semaphore_mem>>)
    %slice3A_1086 = vector.extract_strided_slice %get3A_1051 {offsets = [2], sizes = [1], strides = [1]} : vector<16xi32> to vector<1xi32>
    %squeeze3A_1087 = vector.extract %slice3A_1086[0] : i32 from vector<1xi32>
    %shift_right_arithmetic3A_1088 = arith.constant 7 : i32
    %shift_right_arithmetic3A_1089 = arith.shrsi %squeeze3A_1087, %shift_right_arithmetic3A_1088 : i32
    %mul3A_1090 = arith.constant 128 : i32
    %mul3A_1091 = arith.muli %shift_right_arithmetic3A_1089, %mul3A_1090 : i32
    %multiple_of3A_1092 = tpu.assume_multiple %mul3A_1091, 128 : i32
    %dma_start3A_1093 = arith.constant 128 : i32
    %dma_start3A_1094 = arith.constant 0 : i32
    %dma_start3A_1095 = tpu.memref_slice %arg11[%dma_start3A_1093, %dma_start3A_1094] : memref<512x128xf32, #tpu.memory_space<vmem>> -> memref<64x128xf32, #tpu.memory_space<vmem>>
    %dma_start3A_1096 = arith.constant 0 : i32
    %dma_start3A_1097 = tpu.memref_slice %arg6[%dma_start3A_1096, %multiple_of3A_1092] : memref<64x1000000xf32, #tpu.memory_space<hbm>> -> memref<64x128xf32, #tpu.memory_space<hbm>>
    %dma_start3A_1098 = arith.constant 128 : i32
    %dma_start3A_1099 = arith.constant 0 : i32
    %dma_start3A_1100 = tpu.memref_slice %arg11[%dma_start3A_1098, %dma_start3A_1099] : memref<512x128xf32, #tpu.memory_space<vmem>> -> memref<64x128xf32, #tpu.memory_space<vmem>>
    %dma_start3A_1101 = arith.constant 0 : i32
    %dma_start3A_1102 = tpu.memref_slice %arg6[%dma_start3A_1101, %multiple_of3A_1092] : memref<64x1000000xf32, #tpu.memory_space<hbm>> -> memref<64x128xf32, #tpu.memory_space<hbm>>
    tpu.enqueue_dma source(%dma_start3A_1102 : memref<64x128xf32, #tpu.memory_space<hbm>>) target(%dma_start3A_1100 : memref<64x128xf32, #tpu.memory_space<vmem>>) target_semaphore(%arg15 : memref<!tpu.dma_semaphore, #tpu.memory_space<semaphore_mem>>)
    %slice3A_1103 = vector.extract_strided_slice %get3A_1051 {offsets = [3], sizes = [1], strides = [1]} : vector<16xi32> to vector<1xi32>
    %squeeze3A_1104 = vector.extract %slice3A_1103[0] : i32 from vector<1xi32>
    %shift_right_arithmetic3A_1105 = arith.constant 7 : i32
    %shift_right_arithmetic3A_1106 = arith.shrsi %squeeze3A_1104, %shift_right_arithmetic3A_1105 : i32
    %mul3A_1107 = arith.constant 128 : i32
    %mul3A_1108 = arith.muli %shift_right_arithmetic3A_1106, %mul3A_1107 : i32
    %multiple_of3A_1109 = tpu.assume_multiple %mul3A_1108, 128 : i32
    %dma_start3A_1110 = arith.constant 192 : i32
    %dma_start3A_1111 = arith.constant 0 : i32
    %dma_start3A_1112 = tpu.memref_slice %arg11[%dma_start3A_1110, %dma_start3A_1111] : memref<512x128xf32, #tpu.memory_space<vmem>> -> memref<64x128xf32, #tpu.memory_space<vmem>>
    %dma_start3A_1113 = arith.constant 0 : i32
    %dma_start3A_1114 = tpu.memref_slice %arg6[%dma_start3A_1113, %multiple_of3A_1109] : memref<64x1000000xf32, #tpu.memory_space<hbm>> -> memref<64x128xf32, #tpu.memory_space<hbm>>
    %dma_start3A_1115 = arith.constant 192 : i32
    %dma_start3A_1116 = arith.constant 0 : i32
    %dma_start3A_1117 = tpu.memref_slice %arg11[%dma_start3A_1115, %dma_start3A_1116] : memref<512x128xf32, #tpu.memory_space<vmem>> -> memref<64x128xf32, #tpu.memory_space<vmem>>
    %dma_start3A_1118 = arith.constant 0 : i32
    %dma_start3A_1119 = tpu.memref_slice %arg6[%dma_start3A_1118, %multiple_of3A_1109] : memref<64x1000000xf32, #tpu.memory_space<hbm>> -> memref<64x128xf32, #tpu.memory_space<hbm>>
    tpu.enqueue_dma source(%dma_start3A_1119 : memref<64x128xf32, #tpu.memory_space<hbm>>) target(%dma_start3A_1117 : memref<64x128xf32, #tpu.memory_space<vmem>>) target_semaphore(%arg16 : memref<!tpu.dma_semaphore, #tpu.memory_space<semaphore_mem>>)
    %slice3A_1120 = vector.extract_strided_slice %get3A_1051 {offsets = [4], sizes = [1], strides = [1]} : vector<16xi32> to vector<1xi32>
    %squeeze3A_1121 = vector.extract %slice3A_1120[0] : i32 from vector<1xi32>
    %shift_right_arithmetic3A_1122 = arith.constant 7 : i32
    %shift_right_arithmetic3A_1123 = arith.shrsi %squeeze3A_1121, %shift_right_arithmetic3A_1122 : i32
    %mul3A_1124 = arith.constant 128 : i32
    %mul3A_1125 = arith.muli %shift_right_arithmetic3A_1123, %mul3A_1124 : i32
    %multiple_of3A_1126 = tpu.assume_multiple %mul3A_1125, 128 : i32
    %dma_start3A_1127 = arith.constant 256 : i32
    %dma_start3A_1128 = arith.constant 0 : i32
    %dma_start3A_1129 = tpu.memref_slice %arg11[%dma_start3A_1127, %dma_start3A_1128] : memref<512x128xf32, #tpu.memory_space<vmem>> -> memref<64x128xf32, #tpu.memory_space<vmem>>
    %dma_start3A_1130 = arith.constant 0 : i32
    %dma_start3A_1131 = tpu.memref_slice %arg6[%dma_start3A_1130, %multiple_of3A_1126] : memref<64x1000000xf32, #tpu.memory_space<hbm>> -> memref<64x128xf32, #tpu.memory_space<hbm>>
    %dma_start3A_1132 = arith.constant 256 : i32
    %dma_start3A_1133 = arith.constant 0 : i32
    %dma_start3A_1134 = tpu.memref_slice %arg11[%dma_start3A_1132, %dma_start3A_1133] : memref<512x128xf32, #tpu.memory_space<vmem>> -> memref<64x128xf32, #tpu.memory_space<vmem>>
    %dma_start3A_1135 = arith.constant 0 : i32
    %dma_start3A_1136 = tpu.memref_slice %arg6[%dma_start3A_1135, %multiple_of3A_1126] : memref<64x1000000xf32, #tpu.memory_space<hbm>> -> memref<64x128xf32, #tpu.memory_space<hbm>>
    tpu.enqueue_dma source(%dma_start3A_1136 : memref<64x128xf32, #tpu.memory_space<hbm>>) target(%dma_start3A_1134 : memref<64x128xf32, #tpu.memory_space<vmem>>) target_semaphore(%arg17 : memref<!tpu.dma_semaphore, #tpu.memory_space<semaphore_mem>>)
    %slice3A_1137 = vector.extract_strided_slice %get3A_1051 {offsets = [5], sizes = [1], strides = [1]} : vector<16xi32> to vector<1xi32>
    %squeeze3A_1138 = vector.extract %slice3A_1137[0] : i32 from vector<1xi32>
    %shift_right_arithmetic3A_1139 = arith.constant 7 : i32
    %shift_right_arithmetic3A_1140 = arith.shrsi %squeeze3A_1138, %shift_right_arithmetic3A_1139 : i32
    %mul3A_1141 = arith.constant 128 : i32
    %mul3A_1142 = arith.muli %shift_right_arithmetic3A_1140, %mul3A_1141 : i32
    %multiple_of3A_1143 = tpu.assume_multiple %mul3A_1142, 128 : i32
    %dma_start3A_1144 = arith.constant 320 : i32
    %dma_start3A_1145 = arith.constant 0 : i32
    %dma_start3A_1146 = tpu.memref_slice %arg11[%dma_start3A_1144, %dma_start3A_1145] : memref<512x128xf32, #tpu.memory_space<vmem>> -> memref<64x128xf32, #tpu.memory_space<vmem>>
    %dma_start3A_1147 = arith.constant 0 : i32
    %dma_start3A_1148 = tpu.memref_slice %arg6[%dma_start3A_1147, %multiple_of3A_1143] : memref<64x1000000xf32, #tpu.memory_space<hbm>> -> memref<64x128xf32, #tpu.memory_space<hbm>>
    %dma_start3A_1149 = arith.constant 320 : i32
    %dma_start3A_1150 = arith.constant 0 : i32
    %dma_start3A_1151 = tpu.memref_slice %arg11[%dma_start3A_1149, %dma_start3A_1150] : memref<512x128xf32, #tpu.memory_space<vmem>> -> memref<64x128xf32, #tpu.memory_space<vmem>>
    %dma_start3A_1152 = arith.constant 0 : i32
    %dma_start3A_1153 = tpu.memref_slice %arg6[%dma_start3A_1152, %multiple_of3A_1143] : memref<64x1000000xf32, #tpu.memory_space<hbm>> -> memref<64x128xf32, #tpu.memory_space<hbm>>
    tpu.enqueue_dma source(%dma_start3A_1153 : memref<64x128xf32, #tpu.memory_space<hbm>>) target(%dma_start3A_1151 : memref<64x128xf32, #tpu.memory_space<vmem>>) target_semaphore(%arg18 : memref<!tpu.dma_semaphore, #tpu.memory_space<semaphore_mem>>)
    %slice3A_1154 = vector.extract_strided_slice %get3A_1051 {offsets = [6], sizes = [1], strides = [1]} : vector<16xi32> to vector<1xi32>
    %squeeze3A_1155 = vector.extract %slice3A_1154[0] : i32 from vector<1xi32>
    %shift_right_arithmetic3A_1156 = arith.constant 7 : i32
    %shift_right_arithmetic3A_1157 = arith.shrsi %squeeze3A_1155, %shift_right_arithmetic3A_1156 : i32
    %mul3A_1158 = arith.constant 128 : i32
    %mul3A_1159 = arith.muli %shift_right_arithmetic3A_1157, %mul3A_1158 : i32
    %multiple_of3A_1160 = tpu.assume_multiple %mul3A_1159, 128 : i32
    %dma_start3A_1161 = arith.constant 384 : i32
    %dma_start3A_1162 = arith.constant 0 : i32
    %dma_start3A_1163 = tpu.memref_slice %arg11[%dma_start3A_1161, %dma_start3A_1162] : memref<512x128xf32, #tpu.memory_space<vmem>> -> memref<64x128xf32, #tpu.memory_space<vmem>>
    %dma_start3A_1164 = arith.constant 0 : i32
    %dma_start3A_1165 = tpu.memref_slice %arg6[%dma_start3A_1164, %multiple_of3A_1160] : memref<64x1000000xf32, #tpu.memory_space<hbm>> -> memref<64x128xf32, #tpu.memory_space<hbm>>
    %dma_start3A_1166 = arith.constant 384 : i32
    %dma_start3A_1167 = arith.constant 0 : i32
    %dma_start3A_1168 = tpu.memref_slice %arg11[%dma_start3A_1166, %dma_start3A_1167] : memref<512x128xf32, #tpu.memory_space<vmem>> -> memref<64x128xf32, #tpu.memory_space<vmem>>
    %dma_start3A_1169 = arith.constant 0 : i32
    %dma_start3A_1170 = tpu.memref_slice %arg6[%dma_start3A_1169, %multiple_of3A_1160] : memref<64x1000000xf32, #tpu.memory_space<hbm>> -> memref<64x128xf32, #tpu.memory_space<hbm>>
    tpu.enqueue_dma source(%dma_start3A_1170 : memref<64x128xf32, #tpu.memory_space<hbm>>) target(%dma_start3A_1168 : memref<64x128xf32, #tpu.memory_space<vmem>>) target_semaphore(%arg19 : memref<!tpu.dma_semaphore, #tpu.memory_space<semaphore_mem>>)
    %slice3A_1171 = vector.extract_strided_slice %get3A_1051 {offsets = [7], sizes = [1], strides = [1]} : vector<16xi32> to vector<1xi32>
    %squeeze3A_1172 = vector.extract %slice3A_1171[0] : i32 from vector<1xi32>
    %shift_right_arithmetic3A_1173 = arith.constant 7 : i32
    %shift_right_arithmetic3A_1174 = arith.shrsi %squeeze3A_1172, %shift_right_arithmetic3A_1173 : i32
    %mul3A_1175 = arith.constant 128 : i32
    %mul3A_1176 = arith.muli %shift_right_arithmetic3A_1174, %mul3A_1175 : i32
    %multiple_of3A_1177 = tpu.assume_multiple %mul3A_1176, 128 : i32
    %dma_start3A_1178 = arith.constant 448 : i32
    %dma_start3A_1179 = arith.constant 0 : i32
    %dma_start3A_1180 = tpu.memref_slice %arg11[%dma_start3A_1178, %dma_start3A_1179] : memref<512x128xf32, #tpu.memory_space<vmem>> -> memref<64x128xf32, #tpu.memory_space<vmem>>
    %dma_start3A_1181 = arith.constant 0 : i32
    %dma_start3A_1182 = tpu.memref_slice %arg6[%dma_start3A_1181, %multiple_of3A_1177] : memref<64x1000000xf32, #tpu.memory_space<hbm>> -> memref<64x128xf32, #tpu.memory_space<hbm>>
    %dma_start3A_1183 = arith.constant 448 : i32
    %dma_start3A_1184 = arith.constant 0 : i32
    %dma_start3A_1185 = tpu.memref_slice %arg11[%dma_start3A_1183, %dma_start3A_1184] : memref<512x128xf32, #tpu.memory_space<vmem>> -> memref<64x128xf32, #tpu.memory_space<vmem>>
    %dma_start3A_1186 = arith.constant 0 : i32
    %dma_start3A_1187 = tpu.memref_slice %arg6[%dma_start3A_1186, %multiple_of3A_1177] : memref<64x1000000xf32, #tpu.memory_space<hbm>> -> memref<64x128xf32, #tpu.memory_space<hbm>>
    tpu.enqueue_dma source(%dma_start3A_1187 : memref<64x128xf32, #tpu.memory_space<hbm>>) target(%dma_start3A_1185 : memref<64x128xf32, #tpu.memory_space<vmem>>) target_semaphore(%arg20 : memref<!tpu.dma_semaphore, #tpu.memory_space<semaphore_mem>>)
    %dma_wait3A_1188 = arith.constant 0 : i32
    %dma_wait3A_1189 = tpu.memref_slice %arg8[%dma_wait3A_1188, %mul3A_2] : memref<64x16384xf32, #tpu.memory_space<hbm>> -> memref<64x512xf32, #tpu.memory_space<hbm>>
    %dma_wait3A_1190 = arith.constant 0 : i32
    %dma_wait3A_1191 = tpu.memref_slice %arg8[%dma_wait3A_1190, %mul3A_2] : memref<64x16384xf32, #tpu.memory_space<hbm>> -> memref<64x512xf32, #tpu.memory_space<hbm>>
    tpu.wait_dma2 semaphore(%arg21 : memref<!tpu.dma_semaphore, #tpu.memory_space<semaphore_mem>>) src(%arg12 : memref<64x512xf32, #tpu.memory_space<vmem>>) dst(%dma_wait3A_1191 : memref<64x512xf32, #tpu.memory_space<hbm>>)
    %scan3A_1192 = arith.constant 0 : i32
    %scan3A_1193 = arith.constant 0 : i32
    %scan3A_1194 = arith.constant 63 : i32
    %scan3A_1195 = arith.addi %scan3A_1193, %scan3A_1194 : i32
    %scan3A_1196 = arith.constant 1 : i32
    %scan3A_1197 = scf.for %scan3A_1585 = %scan3A_1193 to %scan3A_1195 step %scan3A_1196 iter_args(%scan3A_1586 = %scan3A_1192) -> (i32)  : i32 {
      %mul3A_1587 = arith.constant 8 : i32
      %mul3A_1588 = arith.muli %scan3A_1585, %mul3A_1587 : i32
      %get3A_1589 = arith.index_cast %mul3A_1588 : i32 to index
      %get3A_1590 = tpu.vector_load %arg10[%get3A_1589] {strides = array<i32>} : memref<512xi32, #tpu.memory_space<vmem>>, vector<16xi32>,
      %slice3A_1591 = vector.extract_strided_slice %get3A_1590 {offsets = [0], sizes = [1], strides = [1]} : vector<16xi32> to vector<1xi32>
      %squeeze3A_1592 = vector.extract %slice3A_1591[0] : i32 from vector<1xi32>
      %mul3A_1593 = arith.constant 8 : i32
      %mul3A_1594 = arith.muli %scan3A_1585, %mul3A_1593 : i32
      %add3A_1595 = arith.constant 0 : i32
      %add3A_1596 = arith.addi %mul3A_1594, %add3A_1595 : i32
      %dma_wait3A_1597 = arith.constant 0 : i32
      %dma_wait3A_1598 = arith.constant 0 : i32
      %dma_wait3A_1599 = tpu.memref_slice %arg11[%dma_wait3A_1597, %dma_wait3A_1598] : memref<512x128xf32, #tpu.memory_space<vmem>> -> memref<64x128xf32, #tpu.memory_space<vmem>>
      %dma_wait3A_1600 = arith.constant 0 : i32
      %dma_wait3A_1601 = arith.constant 0 : i32
      %dma_wait3A_1602 = tpu.memref_slice %arg6[%dma_wait3A_1600, %dma_wait3A_1601] : memref<64x1000000xf32, #tpu.memory_space<hbm>> -> memref<64x128xf32, #tpu.memory_space<hbm>>
      %dma_wait3A_1603 = arith.constant 0 : i32
      %dma_wait3A_1604 = arith.constant 0 : i32
      %dma_wait3A_1605 = tpu.memref_slice %arg11[%dma_wait3A_1603, %dma_wait3A_1604] : memref<512x128xf32, #tpu.memory_space<vmem>> -> memref<64x128xf32, #tpu.memory_space<vmem>>
      %dma_wait3A_1606 = arith.constant 0 : i32
      %dma_wait3A_1607 = arith.constant 0 : i32
      %dma_wait3A_1608 = tpu.memref_slice %arg6[%dma_wait3A_1606, %dma_wait3A_1607] : memref<64x1000000xf32, #tpu.memory_space<hbm>> -> memref<64x128xf32, #tpu.memory_space<hbm>>
      tpu.wait_dma2 semaphore(%arg13 : memref<!tpu.dma_semaphore, #tpu.memory_space<semaphore_mem>>) src(%dma_wait3A_1608 : memref<64x128xf32, #tpu.memory_space<hbm>>) dst(%dma_wait3A_1605 : memref<64x128xf32, #tpu.memory_space<vmem>>)
      %and3A_1609 = arith.constant 127 : i32
      %and3A_1610 = arith.andi %squeeze3A_1592, %and3A_1609 : i32
      %broadcast_in_dim3A_1611 = vector.broadcast %and3A_1610 : i32 to vector<16xi32>
      %broadcast_in_dim3A_1612 = vector.broadcast %add3A_1596 : i32 to vector<16xi32>
      %add3A_1613 = arith.constant 0 : i32
      %add3A_1614 = vector.broadcast %add3A_1613 : i32 to vector<16xi32>
      %add3A_1615 = arith.addi %add3A_1614, %iota3A : vector<16xi32>
      %gather3A_1616 = tpu.vector_load_idx %arg11[%add3A_1615, %broadcast_in_dim3A_1611] : memref<512x128xf32, #tpu.memory_space<vmem>>[vector<16xi32>, vector<16xi32>], vector<16xf32>,
      %add3A_1617 = arith.constant 0 : i32
      %add3A_1618 = vector.broadcast %add3A_1617 : i32 to vector<16xi32>
      %add3A_1619 = arith.addi %add3A_1618, %iota3A : vector<16xi32>
      tpu.vector_store_idx %arg12[%add3A_1619, %broadcast_in_dim3A_1612], %gather3A_1616 : memref<64x512xf32, #tpu.memory_space<vmem>>[vector<16xi32>, vector<16xi32>], vector<16xf32>,
      %add3A_1620 = arith.constant 16 : i32
      %add3A_1621 = vector.broadcast %add3A_1620 : i32 to vector<16xi32>
      %add3A_1622 = arith.addi %add3A_1621, %iota3A : vector<16xi32>
      %gather3A_1623 = tpu.vector_load_idx %arg11[%add3A_1622, %broadcast_in_dim3A_1611] : memref<512x128xf32, #tpu.memory_space<vmem>>[vector<16xi32>, vector<16xi32>], vector<16xf32>,
      %add3A_1624 = arith.constant 16 : i32
      %add3A_1625 = vector.broadcast %add3A_1624 : i32 to vector<16xi32>
      %add3A_1626 = arith.addi %add3A_1625, %iota3A : vector<16xi32>
      tpu.vector_store_idx %arg12[%add3A_1626, %broadcast_in_dim3A_1612], %gather3A_1623 : memref<64x512xf32, #tpu.memory_space<vmem>>[vector<16xi32>, vector<16xi32>], vector<16xf32>,
      %add3A_1627 = arith.constant 32 : i32
      %add3A_1628 = vector.broadcast %add3A_1627 : i32 to vector<16xi32>
      %add3A_1629 = arith.addi %add3A_1628, %iota3A : vector<16xi32>
      %gather3A_1630 = tpu.vector_load_idx %arg11[%add3A_1629, %broadcast_in_dim3A_1611] : memref<512x128xf32, #tpu.memory_space<vmem>>[vector<16xi32>, vector<16xi32>], vector<16xf32>,
      %add3A_1631 = arith.constant 32 : i32
      %add3A_1632 = vector.broadcast %add3A_1631 : i32 to vector<16xi32>
      %add3A_1633 = arith.addi %add3A_1632, %iota3A : vector<16xi32>
      tpu.vector_store_idx %arg12[%add3A_1633, %broadcast_in_dim3A_1612], %gather3A_1630 : memref<64x512xf32, #tpu.memory_space<vmem>>[vector<16xi32>, vector<16xi32>], vector<16xf32>,
      %add3A_1634 = arith.constant 48 : i32
      %add3A_1635 = vector.broadcast %add3A_1634 : i32 to vector<16xi32>
      %add3A_1636 = arith.addi %add3A_1635, %iota3A : vector<16xi32>
      %gather3A_1637 = tpu.vector_load_idx %arg11[%add3A_1636, %broadcast_in_dim3A_1611] : memref<512x128xf32, #tpu.memory_space<vmem>>[vector<16xi32>, vector<16xi32>], vector<16xf32>,
      %add3A_1638 = arith.constant 48 : i32
      %add3A_1639 = vector.broadcast %add3A_1638 : i32 to vector<16xi32>
      %add3A_1640 = arith.addi %add3A_1639, %iota3A : vector<16xi32>
      tpu.vector_store_idx %arg12[%add3A_1640, %broadcast_in_dim3A_1612], %gather3A_1637 : memref<64x512xf32, #tpu.memory_space<vmem>>[vector<16xi32>, vector<16xi32>], vector<16xf32>,
      %slice3A_1641 = vector.extract_strided_slice %get3A_1590 {offsets = [8], sizes = [1], strides = [1]} : vector<16xi32> to vector<1xi32>
      %squeeze3A_1642 = vector.extract %slice3A_1641[0] : i32 from vector<1xi32>
      %shift_right_arithmetic3A_1643 = arith.constant 7 : i32
      %shift_right_arithmetic3A_1644 = arith.shrsi %squeeze3A_1642, %shift_right_arithmetic3A_1643 : i32
      %mul3A_1645 = arith.constant 128 : i32
      %mul3A_1646 = arith.muli %shift_right_arithmetic3A_1644, %mul3A_1645 : i32
      %multiple_of3A_1647 = tpu.assume_multiple %mul3A_1646, 128 : i32
      %dma_start3A_1648 = arith.constant 0 : i32
      %dma_start3A_1649 = arith.constant 0 : i32
      %dma_start3A_1650 = tpu.memref_slice %arg11[%dma_start3A_1648, %dma_start3A_1649] : memref<512x128xf32, #tpu.memory_space<vmem>> -> memref<64x128xf32, #tpu.memory_space<vmem>>
      %dma_start3A_1651 = arith.constant 0 : i32
      %dma_start3A_1652 = tpu.memref_slice %arg6[%dma_start3A_1651, %multiple_of3A_1647] : memref<64x1000000xf32, #tpu.memory_space<hbm>> -> memref<64x128xf32, #tpu.memory_space<hbm>>
      %dma_start3A_1653 = arith.constant 0 : i32
      %dma_start3A_1654 = arith.constant 0 : i32
      %dma_start3A_1655 = tpu.memref_slice %arg11[%dma_start3A_1653, %dma_start3A_1654] : memref<512x128xf32, #tpu.memory_space<vmem>> -> memref<64x128xf32, #tpu.memory_space<vmem>>
      %dma_start3A_1656 = arith.constant 0 : i32
      %dma_start3A_1657 = tpu.memref_slice %arg6[%dma_start3A_1656, %multiple_of3A_1647] : memref<64x1000000xf32, #tpu.memory_space<hbm>> -> memref<64x128xf32, #tpu.memory_space<hbm>>
      tpu.enqueue_dma source(%dma_start3A_1657 : memref<64x128xf32, #tpu.memory_space<hbm>>) target(%dma_start3A_1655 : memref<64x128xf32, #tpu.memory_space<vmem>>) target_semaphore(%arg13 : memref<!tpu.dma_semaphore, #tpu.memory_space<semaphore_mem>>)
      %slice3A_1658 = vector.extract_strided_slice %get3A_1590 {offsets = [1], sizes = [1], strides = [1]} : vector<16xi32> to vector<1xi32>
      %squeeze3A_1659 = vector.extract %slice3A_1658[0] : i32 from vector<1xi32>
      %mul3A_1660 = arith.constant 8 : i32
      %mul3A_1661 = arith.muli %scan3A_1585, %mul3A_1660 : i32
      %add3A_1662 = arith.constant 1 : i32
      %add3A_1663 = arith.addi %mul3A_1661, %add3A_1662 : i32
      %dma_wait3A_1664 = arith.constant 64 : i32
      %dma_wait3A_1665 = arith.constant 0 : i32
      %dma_wait3A_1666 = tpu.memref_slice %arg11[%dma_wait3A_1664, %dma_wait3A_1665] : memref<512x128xf32, #tpu.memory_space<vmem>> -> memref<64x128xf32, #tpu.memory_space<vmem>>
      %dma_wait3A_1667 = arith.constant 0 : i32
      %dma_wait3A_1668 = arith.constant 0 : i32
      %dma_wait3A_1669 = tpu.memref_slice %arg6[%dma_wait3A_1667, %dma_wait3A_1668] : memref<64x1000000xf32, #tpu.memory_space<hbm>> -> memref<64x128xf32, #tpu.memory_space<hbm>>
      %dma_wait3A_1670 = arith.constant 64 : i32
      %dma_wait3A_1671 = arith.constant 0 : i32
      %dma_wait3A_1672 = tpu.memref_slice %arg11[%dma_wait3A_1670, %dma_wait3A_1671] : memref<512x128xf32, #tpu.memory_space<vmem>> -> memref<64x128xf32, #tpu.memory_space<vmem>>
      %dma_wait3A_1673 = arith.constant 0 : i32
      %dma_wait3A_1674 = arith.constant 0 : i32
      %dma_wait3A_1675 = tpu.memref_slice %arg6[%dma_wait3A_1673, %dma_wait3A_1674] : memref<64x1000000xf32, #tpu.memory_space<hbm>> -> memref<64x128xf32, #tpu.memory_space<hbm>>
      tpu.wait_dma2 semaphore(%arg14 : memref<!tpu.dma_semaphore, #tpu.memory_space<semaphore_mem>>) src(%dma_wait3A_1675 : memref<64x128xf32, #tpu.memory_space<hbm>>) dst(%dma_wait3A_1672 : memref<64x128xf32, #tpu.memory_space<vmem>>)
      %and3A_1676 = arith.constant 127 : i32
      %and3A_1677 = arith.andi %squeeze3A_1659, %and3A_1676 : i32
      %broadcast_in_dim3A_1678 = vector.broadcast %and3A_1677 : i32 to vector<16xi32>
      %broadcast_in_dim3A_1679 = vector.broadcast %add3A_1663 : i32 to vector<16xi32>
      %add3A_1680 = arith.constant 64 : i32
      %add3A_1681 = vector.broadcast %add3A_1680 : i32 to vector<16xi32>
      %add3A_1682 = arith.addi %add3A_1681, %iota3A : vector<16xi32>
      %gather3A_1683 = tpu.vector_load_idx %arg11[%add3A_1682, %broadcast_in_dim3A_1678] : memref<512x128xf32, #tpu.memory_space<vmem>>[vector<16xi32>, vector<16xi32>], vector<16xf32>,
      %add3A_1684 = arith.constant 0 : i32
      %add3A_1685 = vector.broadcast %add3A_1684 : i32 to vector<16xi32>
      %add3A_1686 = arith.addi %add3A_1685, %iota3A : vector<16xi32>
      tpu.vector_store_idx %arg12[%add3A_1686, %broadcast_in_dim3A_1679], %gather3A_1683 : memref<64x512xf32, #tpu.memory_space<vmem>>[vector<16xi32>, vector<16xi32>], vector<16xf32>,
      %add3A_1687 = arith.constant 80 : i32
      %add3A_1688 = vector.broadcast %add3A_1687 : i32 to vector<16xi32>
      %add3A_1689 = arith.addi %add3A_1688, %iota3A : vector<16xi32>
      %gather3A_1690 = tpu.vector_load_idx %arg11[%add3A_1689, %broadcast_in_dim3A_1678] : memref<512x128xf32, #tpu.memory_space<vmem>>[vector<16xi32>, vector<16xi32>], vector<16xf32>,
      %add3A_1691 = arith.constant 16 : i32
      %add3A_1692 = vector.broadcast %add3A_1691 : i32 to vector<16xi32>
      %add3A_1693 = arith.addi %add3A_1692, %iota3A : vector<16xi32>
      tpu.vector_store_idx %arg12[%add3A_1693, %broadcast_in_dim3A_1679], %gather3A_1690 : memref<64x512xf32, #tpu.memory_space<vmem>>[vector<16xi32>, vector<16xi32>], vector<16xf32>,
      %add3A_1694 = arith.constant 96 : i32
      %add3A_1695 = vector.broadcast %add3A_1694 : i32 to vector<16xi32>
      %add3A_1696 = arith.addi %add3A_1695, %iota3A : vector<16xi32>
      %gather3A_1697 = tpu.vector_load_idx %arg11[%add3A_1696, %broadcast_in_dim3A_1678] : memref<512x128xf32, #tpu.memory_space<vmem>>[vector<16xi32>, vector<16xi32>], vector<16xf32>,
      %add3A_1698 = arith.constant 32 : i32
      %add3A_1699 = vector.broadcast %add3A_1698 : i32 to vector<16xi32>
      %add3A_1700 = arith.addi %add3A_1699, %iota3A : vector<16xi32>
      tpu.vector_store_idx %arg12[%add3A_1700, %broadcast_in_dim3A_1679], %gather3A_1697 : memref<64x512xf32, #tpu.memory_space<vmem>>[vector<16xi32>, vector<16xi32>], vector<16xf32>,
      %add3A_1701 = arith.constant 112 : i32
      %add3A_1702 = vector.broadcast %add3A_1701 : i32 to vector<16xi32>
      %add3A_1703 = arith.addi %add3A_1702, %iota3A : vector<16xi32>
      %gather3A_1704 = tpu.vector_load_idx %arg11[%add3A_1703, %broadcast_in_dim3A_1678] : memref<512x128xf32, #tpu.memory_space<vmem>>[vector<16xi32>, vector<16xi32>], vector<16xf32>,
      %add3A_1705 = arith.constant 48 : i32
      %add3A_1706 = vector.broadcast %add3A_1705 : i32 to vector<16xi32>
      %add3A_1707 = arith.addi %add3A_1706, %iota3A : vector<16xi32>
      tpu.vector_store_idx %arg12[%add3A_1707, %broadcast_in_dim3A_1679], %gather3A_1704 : memref<64x512xf32, #tpu.memory_space<vmem>>[vector<16xi32>, vector<16xi32>], vector<16xf32>,
      %slice3A_1708 = vector.extract_strided_slice %get3A_1590 {offsets = [9], sizes = [1], strides = [1]} : vector<16xi32> to vector<1xi32>
      %squeeze3A_1709 = vector.extract %slice3A_1708[0] : i32 from vector<1xi32>
      %shift_right_arithmetic3A_1710 = arith.constant 7 : i32
      %shift_right_arithmetic3A_1711 = arith.shrsi %squeeze3A_1709, %shift_right_arithmetic3A_1710 : i32
      %mul3A_1712 = arith.constant 128 : i32
      %mul3A_1713 = arith.muli %shift_right_arithmetic3A_1711, %mul3A_1712 : i32
      %multiple_of3A_1714 = tpu.assume_multiple %mul3A_1713, 128 : i32
      %dma_start3A_1715 = arith.constant 64 : i32
      %dma_start3A_1716 = arith.constant 0 : i32
      %dma_start3A_1717 = tpu.memref_slice %arg11[%dma_start3A_1715, %dma_start3A_1716] : memref<512x128xf32, #tpu.memory_space<vmem>> -> memref<64x128xf32, #tpu.memory_space<vmem>>
      %dma_start3A_1718 = arith.constant 0 : i32
      %dma_start3A_1719 = tpu.memref_slice %arg6[%dma_start3A_1718, %multiple_of3A_1714] : memref<64x1000000xf32, #tpu.memory_space<hbm>> -> memref<64x128xf32, #tpu.memory_space<hbm>>
      %dma_start3A_1720 = arith.constant 64 : i32
      %dma_start3A_1721 = arith.constant 0 : i32
      %dma_start3A_1722 = tpu.memref_slice %arg11[%dma_start3A_1720, %dma_start3A_1721] : memref<512x128xf32, #tpu.memory_space<vmem>> -> memref<64x128xf32, #tpu.memory_space<vmem>>
      %dma_start3A_1723 = arith.constant 0 : i32
      %dma_start3A_1724 = tpu.memref_slice %arg6[%dma_start3A_1723, %multiple_of3A_1714] : memref<64x1000000xf32, #tpu.memory_space<hbm>> -> memref<64x128xf32, #tpu.memory_space<hbm>>
      tpu.enqueue_dma source(%dma_start3A_1724 : memref<64x128xf32, #tpu.memory_space<hbm>>) target(%dma_start3A_1722 : memref<64x128xf32, #tpu.memory_space<vmem>>) target_semaphore(%arg14 : memref<!tpu.dma_semaphore, #tpu.memory_space<semaphore_mem>>)
      %slice3A_1725 = vector.extract_strided_slice %get3A_1590 {offsets = [2], sizes = [1], strides = [1]} : vector<16xi32> to vector<1xi32>
      %squeeze3A_1726 = vector.extract %slice3A_1725[0] : i32 from vector<1xi32>
      %mul3A_1727 = arith.constant 8 : i32
      %mul3A_1728 = arith.muli %scan3A_1585, %mul3A_1727 : i32
      %add3A_1729 = arith.constant 2 : i32
      %add3A_1730 = arith.addi %mul3A_1728, %add3A_1729 : i32
      %dma_wait3A_1731 = arith.constant 128 : i32
      %dma_wait3A_1732 = arith.constant 0 : i32
      %dma_wait3A_1733 = tpu.memref_slice %arg11[%dma_wait3A_1731, %dma_wait3A_1732] : memref<512x128xf32, #tpu.memory_space<vmem>> -> memref<64x128xf32, #tpu.memory_space<vmem>>
      %dma_wait3A_1734 = arith.constant 0 : i32
      %dma_wait3A_1735 = arith.constant 0 : i32
      %dma_wait3A_1736 = tpu.memref_slice %arg6[%dma_wait3A_1734, %dma_wait3A_1735] : memref<64x1000000xf32, #tpu.memory_space<hbm>> -> memref<64x128xf32, #tpu.memory_space<hbm>>
      %dma_wait3A_1737 = arith.constant 128 : i32
      %dma_wait3A_1738 = arith.constant 0 : i32
      %dma_wait3A_1739 = tpu.memref_slice %arg11[%dma_wait3A_1737, %dma_wait3A_1738] : memref<512x128xf32, #tpu.memory_space<vmem>> -> memref<64x128xf32, #tpu.memory_space<vmem>>
      %dma_wait3A_1740 = arith.constant 0 : i32
      %dma_wait3A_1741 = arith.constant 0 : i32
      %dma_wait3A_1742 = tpu.memref_slice %arg6[%dma_wait3A_1740, %dma_wait3A_1741] : memref<64x1000000xf32, #tpu.memory_space<hbm>> -> memref<64x128xf32, #tpu.memory_space<hbm>>
      tpu.wait_dma2 semaphore(%arg15 : memref<!tpu.dma_semaphore, #tpu.memory_space<semaphore_mem>>) src(%dma_wait3A_1742 : memref<64x128xf32, #tpu.memory_space<hbm>>) dst(%dma_wait3A_1739 : memref<64x128xf32, #tpu.memory_space<vmem>>)
      %and3A_1743 = arith.constant 127 : i32
      %and3A_1744 = arith.andi %squeeze3A_1726, %and3A_1743 : i32
      %broadcast_in_dim3A_1745 = vector.broadcast %and3A_1744 : i32 to vector<16xi32>
      %broadcast_in_dim3A_1746 = vector.broadcast %add3A_1730 : i32 to vector<16xi32>
      %add3A_1747 = arith.constant 128 : i32
      %add3A_1748 = vector.broadcast %add3A_1747 : i32 to vector<16xi32>
      %add3A_1749 = arith.addi %add3A_1748, %iota3A : vector<16xi32>
      %gather3A_1750 = tpu.vector_load_idx %arg11[%add3A_1749, %broadcast_in_dim3A_1745] : memref<512x128xf32, #tpu.memory_space<vmem>>[vector<16xi32>, vector<16xi32>], vector<16xf32>,
      %add3A_1751 = arith.constant 0 : i32
      %add3A_1752 = vector.broadcast %add3A_1751 : i32 to vector<16xi32>
      %add3A_1753 = arith.addi %add3A_1752, %iota3A : vector<16xi32>
      tpu.vector_store_idx %arg12[%add3A_1753, %broadcast_in_dim3A_1746], %gather3A_1750 : memref<64x512xf32, #tpu.memory_space<vmem>>[vector<16xi32>, vector<16xi32>], vector<16xf32>,
      %add3A_1754 = arith.constant 144 : i32
      %add3A_1755 = vector.broadcast %add3A_1754 : i32 to vector<16xi32>
      %add3A_1756 = arith.addi %add3A_1755, %iota3A : vector<16xi32>
      %gather3A_1757 = tpu.vector_load_idx %arg11[%add3A_1756, %broadcast_in_dim3A_1745] : memref<512x128xf32, #tpu.memory_space<vmem>>[vector<16xi32>, vector<16xi32>], vector<16xf32>,
      %add3A_1758 = arith.constant 16 : i32
      %add3A_1759 = vector.broadcast %add3A_1758 : i32 to vector<16xi32>
      %add3A_1760 = arith.addi %add3A_1759, %iota3A : vector<16xi32>
      tpu.vector_store_idx %arg12[%add3A_1760, %broadcast_in_dim3A_1746], %gather3A_1757 : memref<64x512xf32, #tpu.memory_space<vmem>>[vector<16xi32>, vector<16xi32>], vector<16xf32>,
      %add3A_1761 = arith.constant 160 : i32
      %add3A_1762 = vector.broadcast %add3A_1761 : i32 to vector<16xi32>
      %add3A_1763 = arith.addi %add3A_1762, %iota3A : vector<16xi32>
      %gather3A_1764 = tpu.vector_load_idx %arg11[%add3A_1763, %broadcast_in_dim3A_1745] : memref<512x128xf32, #tpu.memory_space<vmem>>[vector<16xi32>, vector<16xi32>], vector<16xf32>,
      %add3A_1765 = arith.constant 32 : i32
      %add3A_1766 = vector.broadcast %add3A_1765 : i32 to vector<16xi32>
      %add3A_1767 = arith.addi %add3A_1766, %iota3A : vector<16xi32>
      tpu.vector_store_idx %arg12[%add3A_1767, %broadcast_in_dim3A_1746], %gather3A_1764 : memref<64x512xf32, #tpu.memory_space<vmem>>[vector<16xi32>, vector<16xi32>], vector<16xf32>,
      %add3A_1768 = arith.constant 176 : i32
      %add3A_1769 = vector.broadcast %add3A_1768 : i32 to vector<16xi32>
      %add3A_1770 = arith.addi %add3A_1769, %iota3A : vector<16xi32>
      %gather3A_1771 = tpu.vector_load_idx %arg11[%add3A_1770, %broadcast_in_dim3A_1745] : memref<512x128xf32, #tpu.memory_space<vmem>>[vector<16xi32>, vector<16xi32>], vector<16xf32>,
      %add3A_1772 = arith.constant 48 : i32
      %add3A_1773 = vector.broadcast %add3A_1772 : i32 to vector<16xi32>
      %add3A_1774 = arith.addi %add3A_1773, %iota3A : vector<16xi32>
      tpu.vector_store_idx %arg12[%add3A_1774, %broadcast_in_dim3A_1746], %gather3A_1771 : memref<64x512xf32, #tpu.memory_space<vmem>>[vector<16xi32>, vector<16xi32>], vector<16xf32>,
      %slice3A_1775 = vector.extract_strided_slice %get3A_1590 {offsets = [10], sizes = [1], strides = [1]} : vector<16xi32> to vector<1xi32>
      %squeeze3A_1776 = vector.extract %slice3A_1775[0] : i32 from vector<1xi32>
      %shift_right_arithmetic3A_1777 = arith.constant 7 : i32
      %shift_right_arithmetic3A_1778 = arith.shrsi %squeeze3A_1776, %shift_right_arithmetic3A_1777 : i32
      %mul3A_1779 = arith.constant 128 : i32
      %mul3A_1780 = arith.muli %shift_right_arithmetic3A_1778, %mul3A_1779 : i32
      %multiple_of3A_1781 = tpu.assume_multiple %mul3A_1780, 128 : i32
      %dma_start3A_1782 = arith.constant 128 : i32
      %dma_start3A_1783 = arith.constant 0 : i32
      %dma_start3A_1784 = tpu.memref_slice %arg11[%dma_start3A_1782, %dma_start3A_1783] : memref<512x128xf32, #tpu.memory_space<vmem>> -> memref<64x128xf32, #tpu.memory_space<vmem>>
      %dma_start3A_1785 = arith.constant 0 : i32
      %dma_start3A_1786 = tpu.memref_slice %arg6[%dma_start3A_1785, %multiple_of3A_1781] : memref<64x1000000xf32, #tpu.memory_space<hbm>> -> memref<64x128xf32, #tpu.memory_space<hbm>>
      %dma_start3A_1787 = arith.constant 128 : i32
      %dma_start3A_1788 = arith.constant 0 : i32
      %dma_start3A_1789 = tpu.memref_slice %arg11[%dma_start3A_1787, %dma_start3A_1788] : memref<512x128xf32, #tpu.memory_space<vmem>> -> memref<64x128xf32, #tpu.memory_space<vmem>>
      %dma_start3A_1790 = arith.constant 0 : i32
      %dma_start3A_1791 = tpu.memref_slice %arg6[%dma_start3A_1790, %multiple_of3A_1781] : memref<64x1000000xf32, #tpu.memory_space<hbm>> -> memref<64x128xf32, #tpu.memory_space<hbm>>
      tpu.enqueue_dma source(%dma_start3A_1791 : memref<64x128xf32, #tpu.memory_space<hbm>>) target(%dma_start3A_1789 : memref<64x128xf32, #tpu.memory_space<vmem>>) target_semaphore(%arg15 : memref<!tpu.dma_semaphore, #tpu.memory_space<semaphore_mem>>)
      %slice3A_1792 = vector.extract_strided_slice %get3A_1590 {offsets = [3], sizes = [1], strides = [1]} : vector<16xi32> to vector<1xi32>
      %squeeze3A_1793 = vector.extract %slice3A_1792[0] : i32 from vector<1xi32>
      %mul3A_1794 = arith.constant 8 : i32
      %mul3A_1795 = arith.muli %scan3A_1585, %mul3A_1794 : i32
      %add3A_1796 = arith.constant 3 : i32
      %add3A_1797 = arith.addi %mul3A_1795, %add3A_1796 : i32
      %dma_wait3A_1798 = arith.constant 192 : i32
      %dma_wait3A_1799 = arith.constant 0 : i32
      %dma_wait3A_1800 = tpu.memref_slice %arg11[%dma_wait3A_1798, %dma_wait3A_1799] : memref<512x128xf32, #tpu.memory_space<vmem>> -> memref<64x128xf32, #tpu.memory_space<vmem>>
      %dma_wait3A_1801 = arith.constant 0 : i32
      %dma_wait3A_1802 = arith.constant 0 : i32
      %dma_wait3A_1803 = tpu.memref_slice %arg6[%dma_wait3A_1801, %dma_wait3A_1802] : memref<64x1000000xf32, #tpu.memory_space<hbm>> -> memref<64x128xf32, #tpu.memory_space<hbm>>
      %dma_wait3A_1804 = arith.constant 192 : i32
      %dma_wait3A_1805 = arith.constant 0 : i32
      %dma_wait3A_1806 = tpu.memref_slice %arg11[%dma_wait3A_1804, %dma_wait3A_1805] : memref<512x128xf32, #tpu.memory_space<vmem>> -> memref<64x128xf32, #tpu.memory_space<vmem>>
      %dma_wait3A_1807 = arith.constant 0 : i32
      %dma_wait3A_1808 = arith.constant 0 : i32
      %dma_wait3A_1809 = tpu.memref_slice %arg6[%dma_wait3A_1807, %dma_wait3A_1808] : memref<64x1000000xf32, #tpu.memory_space<hbm>> -> memref<64x128xf32, #tpu.memory_space<hbm>>
      tpu.wait_dma2 semaphore(%arg16 : memref<!tpu.dma_semaphore, #tpu.memory_space<semaphore_mem>>) src(%dma_wait3A_1809 : memref<64x128xf32, #tpu.memory_space<hbm>>) dst(%dma_wait3A_1806 : memref<64x128xf32, #tpu.memory_space<vmem>>)
      %and3A_1810 = arith.constant 127 : i32
      %and3A_1811 = arith.andi %squeeze3A_1793, %and3A_1810 : i32
      %broadcast_in_dim3A_1812 = vector.broadcast %and3A_1811 : i32 to vector<16xi32>
      %broadcast_in_dim3A_1813 = vector.broadcast %add3A_1797 : i32 to vector<16xi32>
      %add3A_1814 = arith.constant 192 : i32
      %add3A_1815 = vector.broadcast %add3A_1814 : i32 to vector<16xi32>
      %add3A_1816 = arith.addi %add3A_1815, %iota3A : vector<16xi32>
      %gather3A_1817 = tpu.vector_load_idx %arg11[%add3A_1816, %broadcast_in_dim3A_1812] : memref<512x128xf32, #tpu.memory_space<vmem>>[vector<16xi32>, vector<16xi32>], vector<16xf32>,
      %add3A_1818 = arith.constant 0 : i32
      %add3A_1819 = vector.broadcast %add3A_1818 : i32 to vector<16xi32>
      %add3A_1820 = arith.addi %add3A_1819, %iota3A : vector<16xi32>
      tpu.vector_store_idx %arg12[%add3A_1820, %broadcast_in_dim3A_1813], %gather3A_1817 : memref<64x512xf32, #tpu.memory_space<vmem>>[vector<16xi32>, vector<16xi32>], vector<16xf32>,
      %add3A_1821 = arith.constant 208 : i32
      %add3A_1822 = vector.broadcast %add3A_1821 : i32 to vector<16xi32>
      %add3A_1823 = arith.addi %add3A_1822, %iota3A : vector<16xi32>
      %gather3A_1824 = tpu.vector_load_idx %arg11[%add3A_1823, %broadcast_in_dim3A_1812] : memref<512x128xf32, #tpu.memory_space<vmem>>[vector<16xi32>, vector<16xi32>], vector<16xf32>,
      %add3A_1825 = arith.constant 16 : i32
      %add3A_1826 = vector.broadcast %add3A_1825 : i32 to vector<16xi32>
      %add3A_1827 = arith.addi %add3A_1826, %iota3A : vector<16xi32>
      tpu.vector_store_idx %arg12[%add3A_1827, %broadcast_in_dim3A_1813], %gather3A_1824 : memref<64x512xf32, #tpu.memory_space<vmem>>[vector<16xi32>, vector<16xi32>], vector<16xf32>,
      %add3A_1828 = arith.constant 224 : i32
      %add3A_1829 = vector.broadcast %add3A_1828 : i32 to vector<16xi32>
      %add3A_1830 = arith.addi %add3A_1829, %iota3A : vector<16xi32>
      %gather3A_1831 = tpu.vector_load_idx %arg11[%add3A_1830, %broadcast_in_dim3A_1812] : memref<512x128xf32, #tpu.memory_space<vmem>>[vector<16xi32>, vector<16xi32>], vector<16xf32>,
      %add3A_1832 = arith.constant 32 : i32
      %add3A_1833 = vector.broadcast %add3A_1832 : i32 to vector<16xi32>
      %add3A_1834 = arith.addi %add3A_1833, %iota3A : vector<16xi32>
      tpu.vector_store_idx %arg12[%add3A_1834, %broadcast_in_dim3A_1813], %gather3A_1831 : memref<64x512xf32, #tpu.memory_space<vmem>>[vector<16xi32>, vector<16xi32>], vector<16xf32>,
      %add3A_1835 = arith.constant 240 : i32
      %add3A_1836 = vector.broadcast %add3A_1835 : i32 to vector<16xi32>
      %add3A_1837 = arith.addi %add3A_1836, %iota3A : vector<16xi32>
      %gather3A_1838 = tpu.vector_load_idx %arg11[%add3A_1837, %broadcast_in_dim3A_1812] : memref<512x128xf32, #tpu.memory_space<vmem>>[vector<16xi32>, vector<16xi32>], vector<16xf32>,
      %add3A_1839 = arith.constant 48 : i32
      %add3A_1840 = vector.broadcast %add3A_1839 : i32 to vector<16xi32>
      %add3A_1841 = arith.addi %add3A_1840, %iota3A : vector<16xi32>
      tpu.vector_store_idx %arg12[%add3A_1841, %broadcast_in_dim3A_1813], %gather3A_1838 : memref<64x512xf32, #tpu.memory_space<vmem>>[vector<16xi32>, vector<16xi32>], vector<16xf32>,
      %slice3A_1842 = vector.extract_strided_slice %get3A_1590 {offsets = [11], sizes = [1], strides = [1]} : vector<16xi32> to vector<1xi32>
      %squeeze3A_1843 = vector.extract %slice3A_1842[0] : i32 from vector<1xi32>
      %shift_right_arithmetic3A_1844 = arith.constant 7 : i32
      %shift_right_arithmetic3A_1845 = arith.shrsi %squeeze3A_1843, %shift_right_arithmetic3A_1844 : i32
      %mul3A_1846 = arith.constant 128 : i32
      %mul3A_1847 = arith.muli %shift_right_arithmetic3A_1845, %mul3A_1846 : i32
      %multiple_of3A_1848 = tpu.assume_multiple %mul3A_1847, 128 : i32
      %dma_start3A_1849 = arith.constant 192 : i32
      %dma_start3A_1850 = arith.constant 0 : i32
      %dma_start3A_1851 = tpu.memref_slice %arg11[%dma_start3A_1849, %dma_start3A_1850] : memref<512x128xf32, #tpu.memory_space<vmem>> -> memref<64x128xf32, #tpu.memory_space<vmem>>
      %dma_start3A_1852 = arith.constant 0 : i32
      %dma_start3A_1853 = tpu.memref_slice %arg6[%dma_start3A_1852, %multiple_of3A_1848] : memref<64x1000000xf32, #tpu.memory_space<hbm>> -> memref<64x128xf32, #tpu.memory_space<hbm>>
      %dma_start3A_1854 = arith.constant 192 : i32
      %dma_start3A_1855 = arith.constant 0 : i32
      %dma_start3A_1856 = tpu.memref_slice %arg11[%dma_start3A_1854, %dma_start3A_1855] : memref<512x128xf32, #tpu.memory_space<vmem>> -> memref<64x128xf32, #tpu.memory_space<vmem>>
      %dma_start3A_1857 = arith.constant 0 : i32
      %dma_start3A_1858 = tpu.memref_slice %arg6[%dma_start3A_1857, %multiple_of3A_1848] : memref<64x1000000xf32, #tpu.memory_space<hbm>> -> memref<64x128xf32, #tpu.memory_space<hbm>>
      tpu.enqueue_dma source(%dma_start3A_1858 : memref<64x128xf32, #tpu.memory_space<hbm>>) target(%dma_start3A_1856 : memref<64x128xf32, #tpu.memory_space<vmem>>) target_semaphore(%arg16 : memref<!tpu.dma_semaphore, #tpu.memory_space<semaphore_mem>>)
      %slice3A_1859 = vector.extract_strided_slice %get3A_1590 {offsets = [4], sizes = [1], strides = [1]} : vector<16xi32> to vector<1xi32>
      %squeeze3A_1860 = vector.extract %slice3A_1859[0] : i32 from vector<1xi32>
      %mul3A_1861 = arith.constant 8 : i32
      %mul3A_1862 = arith.muli %scan3A_1585, %mul3A_1861 : i32
      %add3A_1863 = arith.constant 4 : i32
      %add3A_1864 = arith.addi %mul3A_1862, %add3A_1863 : i32
      %dma_wait3A_1865 = arith.constant 256 : i32
      %dma_wait3A_1866 = arith.constant 0 : i32
      %dma_wait3A_1867 = tpu.memref_slice %arg11[%dma_wait3A_1865, %dma_wait3A_1866] : memref<512x128xf32, #tpu.memory_space<vmem>> -> memref<64x128xf32, #tpu.memory_space<vmem>>
      %dma_wait3A_1868 = arith.constant 0 : i32
      %dma_wait3A_1869 = arith.constant 0 : i32
      %dma_wait3A_1870 = tpu.memref_slice %arg6[%dma_wait3A_1868, %dma_wait3A_1869] : memref<64x1000000xf32, #tpu.memory_space<hbm>> -> memref<64x128xf32, #tpu.memory_space<hbm>>
      %dma_wait3A_1871 = arith.constant 256 : i32
      %dma_wait3A_1872 = arith.constant 0 : i32
      %dma_wait3A_1873 = tpu.memref_slice %arg11[%dma_wait3A_1871, %dma_wait3A_1872] : memref<512x128xf32, #tpu.memory_space<vmem>> -> memref<64x128xf32, #tpu.memory_space<vmem>>
      %dma_wait3A_1874 = arith.constant 0 : i32
      %dma_wait3A_1875 = arith.constant 0 : i32
      %dma_wait3A_1876 = tpu.memref_slice %arg6[%dma_wait3A_1874, %dma_wait3A_1875] : memref<64x1000000xf32, #tpu.memory_space<hbm>> -> memref<64x128xf32, #tpu.memory_space<hbm>>
      tpu.wait_dma2 semaphore(%arg17 : memref<!tpu.dma_semaphore, #tpu.memory_space<semaphore_mem>>) src(%dma_wait3A_1876 : memref<64x128xf32, #tpu.memory_space<hbm>>) dst(%dma_wait3A_1873 : memref<64x128xf32, #tpu.memory_space<vmem>>)
      %and3A_1877 = arith.constant 127 : i32
      %and3A_1878 = arith.andi %squeeze3A_1860, %and3A_1877 : i32
      %broadcast_in_dim3A_1879 = vector.broadcast %and3A_1878 : i32 to vector<16xi32>
      %broadcast_in_dim3A_1880 = vector.broadcast %add3A_1864 : i32 to vector<16xi32>
      %add3A_1881 = arith.constant 256 : i32
      %add3A_1882 = vector.broadcast %add3A_1881 : i32 to vector<16xi32>
      %add3A_1883 = arith.addi %add3A_1882, %iota3A : vector<16xi32>
      %gather3A_1884 = tpu.vector_load_idx %arg11[%add3A_1883, %broadcast_in_dim3A_1879] : memref<512x128xf32, #tpu.memory_space<vmem>>[vector<16xi32>, vector<16xi32>], vector<16xf32>,
      %add3A_1885 = arith.constant 0 : i32
      %add3A_1886 = vector.broadcast %add3A_1885 : i32 to vector<16xi32>
      %add3A_1887 = arith.addi %add3A_1886, %iota3A : vector<16xi32>
      tpu.vector_store_idx %arg12[%add3A_1887, %broadcast_in_dim3A_1880], %gather3A_1884 : memref<64x512xf32, #tpu.memory_space<vmem>>[vector<16xi32>, vector<16xi32>], vector<16xf32>,
      %add3A_1888 = arith.constant 272 : i32
      %add3A_1889 = vector.broadcast %add3A_1888 : i32 to vector<16xi32>
      %add3A_1890 = arith.addi %add3A_1889, %iota3A : vector<16xi32>
      %gather3A_1891 = tpu.vector_load_idx %arg11[%add3A_1890, %broadcast_in_dim3A_1879] : memref<512x128xf32, #tpu.memory_space<vmem>>[vector<16xi32>, vector<16xi32>], vector<16xf32>,
      %add3A_1892 = arith.constant 16 : i32
      %add3A_1893 = vector.broadcast %add3A_1892 : i32 to vector<16xi32>
      %add3A_1894 = arith.addi %add3A_1893, %iota3A : vector<16xi32>
      tpu.vector_store_idx %arg12[%add3A_1894, %broadcast_in_dim3A_1880], %gather3A_1891 : memref<64x512xf32, #tpu.memory_space<vmem>>[vector<16xi32>, vector<16xi32>], vector<16xf32>,
      %add3A_1895 = arith.constant 288 : i32
      %add3A_1896 = vector.broadcast %add3A_1895 : i32 to vector<16xi32>
      %add3A_1897 = arith.addi %add3A_1896, %iota3A : vector<16xi32>
      %gather3A_1898 = tpu.vector_load_idx %arg11[%add3A_1897, %broadcast_in_dim3A_1879] : memref<512x128xf32, #tpu.memory_space<vmem>>[vector<16xi32>, vector<16xi32>], vector<16xf32>,
      %add3A_1899 = arith.constant 32 : i32
      %add3A_1900 = vector.broadcast %add3A_1899 : i32 to vector<16xi32>
      %add3A_1901 = arith.addi %add3A_1900, %iota3A : vector<16xi32>
      tpu.vector_store_idx %arg12[%add3A_1901, %broadcast_in_dim3A_1880], %gather3A_1898 : memref<64x512xf32, #tpu.memory_space<vmem>>[vector<16xi32>, vector<16xi32>], vector<16xf32>,
      %add3A_1902 = arith.constant 304 : i32
      %add3A_1903 = vector.broadcast %add3A_1902 : i32 to vector<16xi32>
      %add3A_1904 = arith.addi %add3A_1903, %iota3A : vector<16xi32>
      %gather3A_1905 = tpu.vector_load_idx %arg11[%add3A_1904, %broadcast_in_dim3A_1879] : memref<512x128xf32, #tpu.memory_space<vmem>>[vector<16xi32>, vector<16xi32>], vector<16xf32>,
      %add3A_1906 = arith.constant 48 : i32
      %add3A_1907 = vector.broadcast %add3A_1906 : i32 to vector<16xi32>
      %add3A_1908 = arith.addi %add3A_1907, %iota3A : vector<16xi32>
      tpu.vector_store_idx %arg12[%add3A_1908, %broadcast_in_dim3A_1880], %gather3A_1905 : memref<64x512xf32, #tpu.memory_space<vmem>>[vector<16xi32>, vector<16xi32>], vector<16xf32>,
      %slice3A_1909 = vector.extract_strided_slice %get3A_1590 {offsets = [12], sizes = [1], strides = [1]} : vector<16xi32> to vector<1xi32>
      %squeeze3A_1910 = vector.extract %slice3A_1909[0] : i32 from vector<1xi32>
      %shift_right_arithmetic3A_1911 = arith.constant 7 : i32
      %shift_right_arithmetic3A_1912 = arith.shrsi %squeeze3A_1910, %shift_right_arithmetic3A_1911 : i32
      %mul3A_1913 = arith.constant 128 : i32
      %mul3A_1914 = arith.muli %shift_right_arithmetic3A_1912, %mul3A_1913 : i32
      %multiple_of3A_1915 = tpu.assume_multiple %mul3A_1914, 128 : i32
      %dma_start3A_1916 = arith.constant 256 : i32
      %dma_start3A_1917 = arith.constant 0 : i32
      %dma_start3A_1918 = tpu.memref_slice %arg11[%dma_start3A_1916, %dma_start3A_1917] : memref<512x128xf32, #tpu.memory_space<vmem>> -> memref<64x128xf32, #tpu.memory_space<vmem>>
      %dma_start3A_1919 = arith.constant 0 : i32
      %dma_start3A_1920 = tpu.memref_slice %arg6[%dma_start3A_1919, %multiple_of3A_1915] : memref<64x1000000xf32, #tpu.memory_space<hbm>> -> memref<64x128xf32, #tpu.memory_space<hbm>>
      %dma_start3A_1921 = arith.constant 256 : i32
      %dma_start3A_1922 = arith.constant 0 : i32
      %dma_start3A_1923 = tpu.memref_slice %arg11[%dma_start3A_1921, %dma_start3A_1922] : memref<512x128xf32, #tpu.memory_space<vmem>> -> memref<64x128xf32, #tpu.memory_space<vmem>>
      %dma_start3A_1924 = arith.constant 0 : i32
      %dma_start3A_1925 = tpu.memref_slice %arg6[%dma_start3A_1924, %multiple_of3A_1915] : memref<64x1000000xf32, #tpu.memory_space<hbm>> -> memref<64x128xf32, #tpu.memory_space<hbm>>
      tpu.enqueue_dma source(%dma_start3A_1925 : memref<64x128xf32, #tpu.memory_space<hbm>>) target(%dma_start3A_1923 : memref<64x128xf32, #tpu.memory_space<vmem>>) target_semaphore(%arg17 : memref<!tpu.dma_semaphore, #tpu.memory_space<semaphore_mem>>)
      %slice3A_1926 = vector.extract_strided_slice %get3A_1590 {offsets = [5], sizes = [1], strides = [1]} : vector<16xi32> to vector<1xi32>
      %squeeze3A_1927 = vector.extract %slice3A_1926[0] : i32 from vector<1xi32>
      %mul3A_1928 = arith.constant 8 : i32
      %mul3A_1929 = arith.muli %scan3A_1585, %mul3A_1928 : i32
      %add3A_1930 = arith.constant 5 : i32
      %add3A_1931 = arith.addi %mul3A_1929, %add3A_1930 : i32
      %dma_wait3A_1932 = arith.constant 320 : i32
      %dma_wait3A_1933 = arith.constant 0 : i32
      %dma_wait3A_1934 = tpu.memref_slice %arg11[%dma_wait3A_1932, %dma_wait3A_1933] : memref<512x128xf32, #tpu.memory_space<vmem>> -> memref<64x128xf32, #tpu.memory_space<vmem>>
      %dma_wait3A_1935 = arith.constant 0 : i32
      %dma_wait3A_1936 = arith.constant 0 : i32
      %dma_wait3A_1937 = tpu.memref_slice %arg6[%dma_wait3A_1935, %dma_wait3A_1936] : memref<64x1000000xf32, #tpu.memory_space<hbm>> -> memref<64x128xf32, #tpu.memory_space<hbm>>
      %dma_wait3A_1938 = arith.constant 320 : i32
      %dma_wait3A_1939 = arith.constant 0 : i32
      %dma_wait3A_1940 = tpu.memref_slice %arg11[%dma_wait3A_1938, %dma_wait3A_1939] : memref<512x128xf32, #tpu.memory_space<vmem>> -> memref<64x128xf32, #tpu.memory_space<vmem>>
      %dma_wait3A_1941 = arith.constant 0 : i32
      %dma_wait3A_1942 = arith.constant 0 : i32
      %dma_wait3A_1943 = tpu.memref_slice %arg6[%dma_wait3A_1941, %dma_wait3A_1942] : memref<64x1000000xf32, #tpu.memory_space<hbm>> -> memref<64x128xf32, #tpu.memory_space<hbm>>
      tpu.wait_dma2 semaphore(%arg18 : memref<!tpu.dma_semaphore, #tpu.memory_space<semaphore_mem>>) src(%dma_wait3A_1943 : memref<64x128xf32, #tpu.memory_space<hbm>>) dst(%dma_wait3A_1940 : memref<64x128xf32, #tpu.memory_space<vmem>>)
      %and3A_1944 = arith.constant 127 : i32
      %and3A_1945 = arith.andi %squeeze3A_1927, %and3A_1944 : i32
      %broadcast_in_dim3A_1946 = vector.broadcast %and3A_1945 : i32 to vector<16xi32>
      %broadcast_in_dim3A_1947 = vector.broadcast %add3A_1931 : i32 to vector<16xi32>
      %add3A_1948 = arith.constant 320 : i32
      %add3A_1949 = vector.broadcast %add3A_1948 : i32 to vector<16xi32>
      %add3A_1950 = arith.addi %add3A_1949, %iota3A : vector<16xi32>
      %gather3A_1951 = tpu.vector_load_idx %arg11[%add3A_1950, %broadcast_in_dim3A_1946] : memref<512x128xf32, #tpu.memory_space<vmem>>[vector<16xi32>, vector<16xi32>], vector<16xf32>,
      %add3A_1952 = arith.constant 0 : i32
      %add3A_1953 = vector.broadcast %add3A_1952 : i32 to vector<16xi32>
      %add3A_1954 = arith.addi %add3A_1953, %iota3A : vector<16xi32>
      tpu.vector_store_idx %arg12[%add3A_1954, %broadcast_in_dim3A_1947], %gather3A_1951 : memref<64x512xf32, #tpu.memory_space<vmem>>[vector<16xi32>, vector<16xi32>], vector<16xf32>,
      %add3A_1955 = arith.constant 336 : i32
      %add3A_1956 = vector.broadcast %add3A_1955 : i32 to vector<16xi32>
      %add3A_1957 = arith.addi %add3A_1956, %iota3A : vector<16xi32>
      %gather3A_1958 = tpu.vector_load_idx %arg11[%add3A_1957, %broadcast_in_dim3A_1946] : memref<512x128xf32, #tpu.memory_space<vmem>>[vector<16xi32>, vector<16xi32>], vector<16xf32>,
      %add3A_1959 = arith.constant 16 : i32
      %add3A_1960 = vector.broadcast %add3A_1959 : i32 to vector<16xi32>
      %add3A_1961 = arith.addi %add3A_1960, %iota3A : vector<16xi32>
      tpu.vector_store_idx %arg12[%add3A_1961, %broadcast_in_dim3A_1947], %gather3A_1958 : memref<64x512xf32, #tpu.memory_space<vmem>>[vector<16xi32>, vector<16xi32>], vector<16xf32>,
      %add3A_1962 = arith.constant 352 : i32
      %add3A_1963 = vector.broadcast %add3A_1962 : i32 to vector<16xi32>
      %add3A_1964 = arith.addi %add3A_1963, %iota3A : vector<16xi32>
      %gather3A_1965 = tpu.vector_load_idx %arg11[%add3A_1964, %broadcast_in_dim3A_1946] : memref<512x128xf32, #tpu.memory_space<vmem>>[vector<16xi32>, vector<16xi32>], vector<16xf32>,
      %add3A_1966 = arith.constant 32 : i32
      %add3A_1967 = vector.broadcast %add3A_1966 : i32 to vector<16xi32>
      %add3A_1968 = arith.addi %add3A_1967, %iota3A : vector<16xi32>
      tpu.vector_store_idx %arg12[%add3A_1968, %broadcast_in_dim3A_1947], %gather3A_1965 : memref<64x512xf32, #tpu.memory_space<vmem>>[vector<16xi32>, vector<16xi32>], vector<16xf32>,
      %add3A_1969 = arith.constant 368 : i32
      %add3A_1970 = vector.broadcast %add3A_1969 : i32 to vector<16xi32>
      %add3A_1971 = arith.addi %add3A_1970, %iota3A : vector<16xi32>
      %gather3A_1972 = tpu.vector_load_idx %arg11[%add3A_1971, %broadcast_in_dim3A_1946] : memref<512x128xf32, #tpu.memory_space<vmem>>[vector<16xi32>, vector<16xi32>], vector<16xf32>,
      %add3A_1973 = arith.constant 48 : i32
      %add3A_1974 = vector.broadcast %add3A_1973 : i32 to vector<16xi32>
      %add3A_1975 = arith.addi %add3A_1974, %iota3A : vector<16xi32>
      tpu.vector_store_idx %arg12[%add3A_1975, %broadcast_in_dim3A_1947], %gather3A_1972 : memref<64x512xf32, #tpu.memory_space<vmem>>[vector<16xi32>, vector<16xi32>], vector<16xf32>,
      %slice3A_1976 = vector.extract_strided_slice %get3A_1590 {offsets = [13], sizes = [1], strides = [1]} : vector<16xi32> to vector<1xi32>
      %squeeze3A_1977 = vector.extract %slice3A_1976[0] : i32 from vector<1xi32>
      %shift_right_arithmetic3A_1978 = arith.constant 7 : i32
      %shift_right_arithmetic3A_1979 = arith.shrsi %squeeze3A_1977, %shift_right_arithmetic3A_1978 : i32
      %mul3A_1980 = arith.constant 128 : i32
      %mul3A_1981 = arith.muli %shift_right_arithmetic3A_1979, %mul3A_1980 : i32
      %multiple_of3A_1982 = tpu.assume_multiple %mul3A_1981, 128 : i32
      %dma_start3A_1983 = arith.constant 320 : i32
      %dma_start3A_1984 = arith.constant 0 : i32
      %dma_start3A_1985 = tpu.memref_slice %arg11[%dma_start3A_1983, %dma_start3A_1984] : memref<512x128xf32, #tpu.memory_space<vmem>> -> memref<64x128xf32, #tpu.memory_space<vmem>>
      %dma_start3A_1986 = arith.constant 0 : i32
      %dma_start3A_1987 = tpu.memref_slice %arg6[%dma_start3A_1986, %multiple_of3A_1982] : memref<64x1000000xf32, #tpu.memory_space<hbm>> -> memref<64x128xf32, #tpu.memory_space<hbm>>
      %dma_start3A_1988 = arith.constant 320 : i32
      %dma_start3A_1989 = arith.constant 0 : i32
      %dma_start3A_1990 = tpu.memref_slice %arg11[%dma_start3A_1988, %dma_start3A_1989] : memref<512x128xf32, #tpu.memory_space<vmem>> -> memref<64x128xf32, #tpu.memory_space<vmem>>
      %dma_start3A_1991 = arith.constant 0 : i32
      %dma_start3A_1992 = tpu.memref_slice %arg6[%dma_start3A_1991, %multiple_of3A_1982] : memref<64x1000000xf32, #tpu.memory_space<hbm>> -> memref<64x128xf32, #tpu.memory_space<hbm>>
      tpu.enqueue_dma source(%dma_start3A_1992 : memref<64x128xf32, #tpu.memory_space<hbm>>) target(%dma_start3A_1990 : memref<64x128xf32, #tpu.memory_space<vmem>>) target_semaphore(%arg18 : memref<!tpu.dma_semaphore, #tpu.memory_space<semaphore_mem>>)
      %slice3A_1993 = vector.extract_strided_slice %get3A_1590 {offsets = [6], sizes = [1], strides = [1]} : vector<16xi32> to vector<1xi32>
      %squeeze3A_1994 = vector.extract %slice3A_1993[0] : i32 from vector<1xi32>
      %mul3A_1995 = arith.constant 8 : i32
      %mul3A_1996 = arith.muli %scan3A_1585, %mul3A_1995 : i32
      %add3A_1997 = arith.constant 6 : i32
      %add3A_1998 = arith.addi %mul3A_1996, %add3A_1997 : i32
      %dma_wait3A_1999 = arith.constant 384 : i32
      %dma_wait3A_2000 = arith.constant 0 : i32
      %dma_wait3A_2001 = tpu.memref_slice %arg11[%dma_wait3A_1999, %dma_wait3A_2000] : memref<512x128xf32, #tpu.memory_space<vmem>> -> memref<64x128xf32, #tpu.memory_space<vmem>>
      %dma_wait3A_2002 = arith.constant 0 : i32
      %dma_wait3A_2003 = arith.constant 0 : i32
      %dma_wait3A_2004 = tpu.memref_slice %arg6[%dma_wait3A_2002, %dma_wait3A_2003] : memref<64x1000000xf32, #tpu.memory_space<hbm>> -> memref<64x128xf32, #tpu.memory_space<hbm>>
      %dma_wait3A_2005 = arith.constant 384 : i32
      %dma_wait3A_2006 = arith.constant 0 : i32
      %dma_wait3A_2007 = tpu.memref_slice %arg11[%dma_wait3A_2005, %dma_wait3A_2006] : memref<512x128xf32, #tpu.memory_space<vmem>> -> memref<64x128xf32, #tpu.memory_space<vmem>>
      %dma_wait3A_2008 = arith.constant 0 : i32
      %dma_wait3A_2009 = arith.constant 0 : i32
      %dma_wait3A_2010 = tpu.memref_slice %arg6[%dma_wait3A_2008, %dma_wait3A_2009] : memref<64x1000000xf32, #tpu.memory_space<hbm>> -> memref<64x128xf32, #tpu.memory_space<hbm>>
      tpu.wait_dma2 semaphore(%arg19 : memref<!tpu.dma_semaphore, #tpu.memory_space<semaphore_mem>>) src(%dma_wait3A_2010 : memref<64x128xf32, #tpu.memory_space<hbm>>) dst(%dma_wait3A_2007 : memref<64x128xf32, #tpu.memory_space<vmem>>)
      %and3A_2011 = arith.constant 127 : i32
      %and3A_2012 = arith.andi %squeeze3A_1994, %and3A_2011 : i32
      %broadcast_in_dim3A_2013 = vector.broadcast %and3A_2012 : i32 to vector<16xi32>
      %broadcast_in_dim3A_2014 = vector.broadcast %add3A_1998 : i32 to vector<16xi32>
      %add3A_2015 = arith.constant 384 : i32
      %add3A_2016 = vector.broadcast %add3A_2015 : i32 to vector<16xi32>
      %add3A_2017 = arith.addi %add3A_2016, %iota3A : vector<16xi32>
      %gather3A_2018 = tpu.vector_load_idx %arg11[%add3A_2017, %broadcast_in_dim3A_2013] : memref<512x128xf32, #tpu.memory_space<vmem>>[vector<16xi32>, vector<16xi32>], vector<16xf32>,
      %add3A_2019 = arith.constant 0 : i32
      %add3A_2020 = vector.broadcast %add3A_2019 : i32 to vector<16xi32>
      %add3A_2021 = arith.addi %add3A_2020, %iota3A : vector<16xi32>
      tpu.vector_store_idx %arg12[%add3A_2021, %broadcast_in_dim3A_2014], %gather3A_2018 : memref<64x512xf32, #tpu.memory_space<vmem>>[vector<16xi32>, vector<16xi32>], vector<16xf32>,
      %add3A_2022 = arith.constant 400 : i32
      %add3A_2023 = vector.broadcast %add3A_2022 : i32 to vector<16xi32>
      %add3A_2024 = arith.addi %add3A_2023, %iota3A : vector<16xi32>
      %gather3A_2025 = tpu.vector_load_idx %arg11[%add3A_2024, %broadcast_in_dim3A_2013] : memref<512x128xf32, #tpu.memory_space<vmem>>[vector<16xi32>, vector<16xi32>], vector<16xf32>,
      %add3A_2026 = arith.constant 16 : i32
      %add3A_2027 = vector.broadcast %add3A_2026 : i32 to vector<16xi32>
      %add3A_2028 = arith.addi %add3A_2027, %iota3A : vector<16xi32>
      tpu.vector_store_idx %arg12[%add3A_2028, %broadcast_in_dim3A_2014], %gather3A_2025 : memref<64x512xf32, #tpu.memory_space<vmem>>[vector<16xi32>, vector<16xi32>], vector<16xf32>,
      %add3A_2029 = arith.constant 416 : i32
      %add3A_2030 = vector.broadcast %add3A_2029 : i32 to vector<16xi32>
      %add3A_2031 = arith.addi %add3A_2030, %iota3A : vector<16xi32>
      %gather3A_2032 = tpu.vector_load_idx %arg11[%add3A_2031, %broadcast_in_dim3A_2013] : memref<512x128xf32, #tpu.memory_space<vmem>>[vector<16xi32>, vector<16xi32>], vector<16xf32>,
      %add3A_2033 = arith.constant 32 : i32
      %add3A_2034 = vector.broadcast %add3A_2033 : i32 to vector<16xi32>
      %add3A_2035 = arith.addi %add3A_2034, %iota3A : vector<16xi32>
      tpu.vector_store_idx %arg12[%add3A_2035, %broadcast_in_dim3A_2014], %gather3A_2032 : memref<64x512xf32, #tpu.memory_space<vmem>>[vector<16xi32>, vector<16xi32>], vector<16xf32>,
      %add3A_2036 = arith.constant 432 : i32
      %add3A_2037 = vector.broadcast %add3A_2036 : i32 to vector<16xi32>
      %add3A_2038 = arith.addi %add3A_2037, %iota3A : vector<16xi32>
      %gather3A_2039 = tpu.vector_load_idx %arg11[%add3A_2038, %broadcast_in_dim3A_2013] : memref<512x128xf32, #tpu.memory_space<vmem>>[vector<16xi32>, vector<16xi32>], vector<16xf32>,
      %add3A_2040 = arith.constant 48 : i32
      %add3A_2041 = vector.broadcast %add3A_2040 : i32 to vector<16xi32>
      %add3A_2042 = arith.addi %add3A_2041, %iota3A : vector<16xi32>
      tpu.vector_store_idx %arg12[%add3A_2042, %broadcast_in_dim3A_2014], %gather3A_2039 : memref<64x512xf32, #tpu.memory_space<vmem>>[vector<16xi32>, vector<16xi32>], vector<16xf32>,
      %slice3A_2043 = vector.extract_strided_slice %get3A_1590 {offsets = [14], sizes = [1], strides = [1]} : vector<16xi32> to vector<1xi32>
      %squeeze3A_2044 = vector.extract %slice3A_2043[0] : i32 from vector<1xi32>
      %shift_right_arithmetic3A_2045 = arith.constant 7 : i32
      %shift_right_arithmetic3A_2046 = arith.shrsi %squeeze3A_2044, %shift_right_arithmetic3A_2045 : i32
      %mul3A_2047 = arith.constant 128 : i32
      %mul3A_2048 = arith.muli %shift_right_arithmetic3A_2046, %mul3A_2047 : i32
      %multiple_of3A_2049 = tpu.assume_multiple %mul3A_2048, 128 : i32
      %dma_start3A_2050 = arith.constant 384 : i32
      %dma_start3A_2051 = arith.constant 0 : i32
      %dma_start3A_2052 = tpu.memref_slice %arg11[%dma_start3A_2050, %dma_start3A_2051] : memref<512x128xf32, #tpu.memory_space<vmem>> -> memref<64x128xf32, #tpu.memory_space<vmem>>
      %dma_start3A_2053 = arith.constant 0 : i32
      %dma_start3A_2054 = tpu.memref_slice %arg6[%dma_start3A_2053, %multiple_of3A_2049] : memref<64x1000000xf32, #tpu.memory_space<hbm>> -> memref<64x128xf32, #tpu.memory_space<hbm>>
      %dma_start3A_2055 = arith.constant 384 : i32
      %dma_start3A_2056 = arith.constant 0 : i32
      %dma_start3A_2057 = tpu.memref_slice %arg11[%dma_start3A_2055, %dma_start3A_2056] : memref<512x128xf32, #tpu.memory_space<vmem>> -> memref<64x128xf32, #tpu.memory_space<vmem>>
      %dma_start3A_2058 = arith.constant 0 : i32
      %dma_start3A_2059 = tpu.memref_slice %arg6[%dma_start3A_2058, %multiple_of3A_2049] : memref<64x1000000xf32, #tpu.memory_space<hbm>> -> memref<64x128xf32, #tpu.memory_space<hbm>>
      tpu.enqueue_dma source(%dma_start3A_2059 : memref<64x128xf32, #tpu.memory_space<hbm>>) target(%dma_start3A_2057 : memref<64x128xf32, #tpu.memory_space<vmem>>) target_semaphore(%arg19 : memref<!tpu.dma_semaphore, #tpu.memory_space<semaphore_mem>>)
      %slice3A_2060 = vector.extract_strided_slice %get3A_1590 {offsets = [7], sizes = [1], strides = [1]} : vector<16xi32> to vector<1xi32>
      %squeeze3A_2061 = vector.extract %slice3A_2060[0] : i32 from vector<1xi32>
      %mul3A_2062 = arith.constant 8 : i32
      %mul3A_2063 = arith.muli %scan3A_1585, %mul3A_2062 : i32
      %add3A_2064 = arith.constant 7 : i32
      %add3A_2065 = arith.addi %mul3A_2063, %add3A_2064 : i32
      %dma_wait3A_2066 = arith.constant 448 : i32
      %dma_wait3A_2067 = arith.constant 0 : i32
      %dma_wait3A_2068 = tpu.memref_slice %arg11[%dma_wait3A_2066, %dma_wait3A_2067] : memref<512x128xf32, #tpu.memory_space<vmem>> -> memref<64x128xf32, #tpu.memory_space<vmem>>
      %dma_wait3A_2069 = arith.constant 0 : i32
      %dma_wait3A_2070 = arith.constant 0 : i32
      %dma_wait3A_2071 = tpu.memref_slice %arg6[%dma_wait3A_2069, %dma_wait3A_2070] : memref<64x1000000xf32, #tpu.memory_space<hbm>> -> memref<64x128xf32, #tpu.memory_space<hbm>>
      %dma_wait3A_2072 = arith.constant 448 : i32
      %dma_wait3A_2073 = arith.constant 0 : i32
      %dma_wait3A_2074 = tpu.memref_slice %arg11[%dma_wait3A_2072, %dma_wait3A_2073] : memref<512x128xf32, #tpu.memory_space<vmem>> -> memref<64x128xf32, #tpu.memory_space<vmem>>
      %dma_wait3A_2075 = arith.constant 0 : i32
      %dma_wait3A_2076 = arith.constant 0 : i32
      %dma_wait3A_2077 = tpu.memref_slice %arg6[%dma_wait3A_2075, %dma_wait3A_2076] : memref<64x1000000xf32, #tpu.memory_space<hbm>> -> memref<64x128xf32, #tpu.memory_space<hbm>>
      tpu.wait_dma2 semaphore(%arg20 : memref<!tpu.dma_semaphore, #tpu.memory_space<semaphore_mem>>) src(%dma_wait3A_2077 : memref<64x128xf32, #tpu.memory_space<hbm>>) dst(%dma_wait3A_2074 : memref<64x128xf32, #tpu.memory_space<vmem>>)
      %and3A_2078 = arith.constant 127 : i32
      %and3A_2079 = arith.andi %squeeze3A_2061, %and3A_2078 : i32
      %broadcast_in_dim3A_2080 = vector.broadcast %and3A_2079 : i32 to vector<16xi32>
      %broadcast_in_dim3A_2081 = vector.broadcast %add3A_2065 : i32 to vector<16xi32>
      %add3A_2082 = arith.constant 448 : i32
      %add3A_2083 = vector.broadcast %add3A_2082 : i32 to vector<16xi32>
      %add3A_2084 = arith.addi %add3A_2083, %iota3A : vector<16xi32>
      %gather3A_2085 = tpu.vector_load_idx %arg11[%add3A_2084, %broadcast_in_dim3A_2080] : memref<512x128xf32, #tpu.memory_space<vmem>>[vector<16xi32>, vector<16xi32>], vector<16xf32>,
      %add3A_2086 = arith.constant 0 : i32
      %add3A_2087 = vector.broadcast %add3A_2086 : i32 to vector<16xi32>
      %add3A_2088 = arith.addi %add3A_2087, %iota3A : vector<16xi32>
      tpu.vector_store_idx %arg12[%add3A_2088, %broadcast_in_dim3A_2081], %gather3A_2085 : memref<64x512xf32, #tpu.memory_space<vmem>>[vector<16xi32>, vector<16xi32>], vector<16xf32>,
      %add3A_2089 = arith.constant 464 : i32
      %add3A_2090 = vector.broadcast %add3A_2089 : i32 to vector<16xi32>
      %add3A_2091 = arith.addi %add3A_2090, %iota3A : vector<16xi32>
      %gather3A_2092 = tpu.vector_load_idx %arg11[%add3A_2091, %broadcast_in_dim3A_2080] : memref<512x128xf32, #tpu.memory_space<vmem>>[vector<16xi32>, vector<16xi32>], vector<16xf32>,
      %add3A_2093 = arith.constant 16 : i32
      %add3A_2094 = vector.broadcast %add3A_2093 : i32 to vector<16xi32>
      %add3A_2095 = arith.addi %add3A_2094, %iota3A : vector<16xi32>
      tpu.vector_store_idx %arg12[%add3A_2095, %broadcast_in_dim3A_2081], %gather3A_2092 : memref<64x512xf32, #tpu.memory_space<vmem>>[vector<16xi32>, vector<16xi32>], vector<16xf32>,
      %add3A_2096 = arith.constant 480 : i32
      %add3A_2097 = vector.broadcast %add3A_2096 : i32 to vector<16xi32>
      %add3A_2098 = arith.addi %add3A_2097, %iota3A : vector<16xi32>
      %gather3A_2099 = tpu.vector_load_idx %arg11[%add3A_2098, %broadcast_in_dim3A_2080] : memref<512x128xf32, #tpu.memory_space<vmem>>[vector<16xi32>, vector<16xi32>], vector<16xf32>,
      %add3A_2100 = arith.constant 32 : i32
      %add3A_2101 = vector.broadcast %add3A_2100 : i32 to vector<16xi32>
      %add3A_2102 = arith.addi %add3A_2101, %iota3A : vector<16xi32>
      tpu.vector_store_idx %arg12[%add3A_2102, %broadcast_in_dim3A_2081], %gather3A_2099 : memref<64x512xf32, #tpu.memory_space<vmem>>[vector<16xi32>, vector<16xi32>], vector<16xf32>,
      %add3A_2103 = arith.constant 496 : i32
      %add3A_2104 = vector.broadcast %add3A_2103 : i32 to vector<16xi32>
      %add3A_2105 = arith.addi %add3A_2104, %iota3A : vector<16xi32>
      %gather3A_2106 = tpu.vector_load_idx %arg11[%add3A_2105, %broadcast_in_dim3A_2080] : memref<512x128xf32, #tpu.memory_space<vmem>>[vector<16xi32>, vector<16xi32>], vector<16xf32>,
      %add3A_2107 = arith.constant 48 : i32
      %add3A_2108 = vector.broadcast %add3A_2107 : i32 to vector<16xi32>
      %add3A_2109 = arith.addi %add3A_2108, %iota3A : vector<16xi32>
      tpu.vector_store_idx %arg12[%add3A_2109, %broadcast_in_dim3A_2081], %gather3A_2106 : memref<64x512xf32, #tpu.memory_space<vmem>>[vector<16xi32>, vector<16xi32>], vector<16xf32>,
      %slice3A_2110 = vector.extract_strided_slice %get3A_1590 {offsets = [15], sizes = [1], strides = [1]} : vector<16xi32> to vector<1xi32>
      %squeeze3A_2111 = vector.extract %slice3A_2110[0] : i32 from vector<1xi32>
      %shift_right_arithmetic3A_2112 = arith.constant 7 : i32
      %shift_right_arithmetic3A_2113 = arith.shrsi %squeeze3A_2111, %shift_right_arithmetic3A_2112 : i32
      %mul3A_2114 = arith.constant 128 : i32
      %mul3A_2115 = arith.muli %shift_right_arithmetic3A_2113, %mul3A_2114 : i32
      %multiple_of3A_2116 = tpu.assume_multiple %mul3A_2115, 128 : i32
      %dma_start3A_2117 = arith.constant 448 : i32
      %dma_start3A_2118 = arith.constant 0 : i32
      %dma_start3A_2119 = tpu.memref_slice %arg11[%dma_start3A_2117, %dma_start3A_2118] : memref<512x128xf32, #tpu.memory_space<vmem>> -> memref<64x128xf32, #tpu.memory_space<vmem>>
      %dma_start3A_2120 = arith.constant 0 : i32
      %dma_start3A_2121 = tpu.memref_slice %arg6[%dma_start3A_2120, %multiple_of3A_2116] : memref<64x1000000xf32, #tpu.memory_space<hbm>> -> memref<64x128xf32, #tpu.memory_space<hbm>>
      %dma_start3A_2122 = arith.constant 448 : i32
      %dma_start3A_2123 = arith.constant 0 : i32
      %dma_start3A_2124 = tpu.memref_slice %arg11[%dma_start3A_2122, %dma_start3A_2123] : memref<512x128xf32, #tpu.memory_space<vmem>> -> memref<64x128xf32, #tpu.memory_space<vmem>>
      %dma_start3A_2125 = arith.constant 0 : i32
      %dma_start3A_2126 = tpu.memref_slice %arg6[%dma_start3A_2125, %multiple_of3A_2116] : memref<64x1000000xf32, #tpu.memory_space<hbm>> -> memref<64x128xf32, #tpu.memory_space<hbm>>
      tpu.enqueue_dma source(%dma_start3A_2126 : memref<64x128xf32, #tpu.memory_space<hbm>>) target(%dma_start3A_2124 : memref<64x128xf32, #tpu.memory_space<vmem>>) target_semaphore(%arg20 : memref<!tpu.dma_semaphore, #tpu.memory_space<semaphore_mem>>)
      %scan3A_2127 = arith.constant 0 : i32
      scf.yield %scan3A_2127 : i32
    }
    %scan3A_1198 = arith.constant 63 : i32
    %get3A_1199 = arith.constant 496 : index
    %get3A_1200 = tpu.vector_load %arg10[%get3A_1199] {strides = array<i32>} : memref<512xi32, #tpu.memory_space<vmem>>, vector<16xi32>,
    %slice3A_1201 = vector.extract_strided_slice %get3A_1200 {offsets = [8], sizes = [1], strides = [1]} : vector<16xi32> to vector<1xi32>
    %squeeze3A_1202 = vector.extract %slice3A_1201[0] : i32 from vector<1xi32>
    %dma_wait3A_1203 = arith.constant 0 : i32
    %dma_wait3A_1204 = arith.constant 0 : i32
    %dma_wait3A_1205 = tpu.memref_slice %arg11[%dma_wait3A_1203, %dma_wait3A_1204] : memref<512x128xf32, #tpu.memory_space<vmem>> -> memref<64x128xf32, #tpu.memory_space<vmem>>
    %dma_wait3A_1206 = arith.constant 0 : i32
    %dma_wait3A_1207 = arith.constant 0 : i32
    %dma_wait3A_1208 = tpu.memref_slice %arg6[%dma_wait3A_1206, %dma_wait3A_1207] : memref<64x1000000xf32, #tpu.memory_space<hbm>> -> memref<64x128xf32, #tpu.memory_space<hbm>>
    %dma_wait3A_1209 = arith.constant 0 : i32
    %dma_wait3A_1210 = arith.constant 0 : i32
    %dma_wait3A_1211 = tpu.memref_slice %arg11[%dma_wait3A_1209, %dma_wait3A_1210] : memref<512x128xf32, #tpu.memory_space<vmem>> -> memref<64x128xf32, #tpu.memory_space<vmem>>
    %dma_wait3A_1212 = arith.constant 0 : i32
    %dma_wait3A_1213 = arith.constant 0 : i32
    %dma_wait3A_1214 = tpu.memref_slice %arg6[%dma_wait3A_1212, %dma_wait3A_1213] : memref<64x1000000xf32, #tpu.memory_space<hbm>> -> memref<64x128xf32, #tpu.memory_space<hbm>>
    tpu.wait_dma2 semaphore(%arg13 : memref<!tpu.dma_semaphore, #tpu.memory_space<semaphore_mem>>) src(%dma_wait3A_1214 : memref<64x128xf32, #tpu.memory_space<hbm>>) dst(%dma_wait3A_1211 : memref<64x128xf32, #tpu.memory_space<vmem>>)
    %and3A_1215 = arith.constant 127 : i32
    %and3A_1216 = arith.andi %squeeze3A_1202, %and3A_1215 : i32
    %broadcast_in_dim3A_1217 = vector.broadcast %and3A_1216 : i32 to vector<16xi32>
    %broadcast_in_dim3A_1218 = arith.constant 504 : i32
    %broadcast_in_dim3A_1219 = vector.broadcast %broadcast_in_dim3A_1218 : i32 to vector<16xi32>
    %add3A_1220 = arith.constant 0 : i32
    %add3A_1221 = vector.broadcast %add3A_1220 : i32 to vector<16xi32>
    %add3A_1222 = arith.addi %add3A_1221, %iota3A : vector<16xi32>
    %gather3A_1223 = tpu.vector_load_idx %arg11[%add3A_1222, %broadcast_in_dim3A_1217] : memref<512x128xf32, #tpu.memory_space<vmem>>[vector<16xi32>, vector<16xi32>], vector<16xf32>,
    %add3A_1224 = arith.constant 0 : i32
    %add3A_1225 = vector.broadcast %add3A_1224 : i32 to vector<16xi32>
    %add3A_1226 = arith.addi %add3A_1225, %iota3A : vector<16xi32>
    tpu.vector_store_idx %arg12[%add3A_1226, %broadcast_in_dim3A_1219], %gather3A_1223 : memref<64x512xf32, #tpu.memory_space<vmem>>[vector<16xi32>, vector<16xi32>], vector<16xf32>,
    %add3A_1227 = arith.constant 16 : i32
    %add3A_1228 = vector.broadcast %add3A_1227 : i32 to vector<16xi32>
    %add3A_1229 = arith.addi %add3A_1228, %iota3A : vector<16xi32>
    %gather3A_1230 = tpu.vector_load_idx %arg11[%add3A_1229, %broadcast_in_dim3A_1217] : memref<512x128xf32, #tpu.memory_space<vmem>>[vector<16xi32>, vector<16xi32>], vector<16xf32>,
    %add3A_1231 = arith.constant 16 : i32
    %add3A_1232 = vector.broadcast %add3A_1231 : i32 to vector<16xi32>
    %add3A_1233 = arith.addi %add3A_1232, %iota3A : vector<16xi32>
    tpu.vector_store_idx %arg12[%add3A_1233, %broadcast_in_dim3A_1219], %gather3A_1230 : memref<64x512xf32, #tpu.memory_space<vmem>>[vector<16xi32>, vector<16xi32>], vector<16xf32>,
    %add3A_1234 = arith.constant 32 : i32
    %add3A_1235 = vector.broadcast %add3A_1234 : i32 to vector<16xi32>
    %add3A_1236 = arith.addi %add3A_1235, %iota3A : vector<16xi32>
    %gather3A_1237 = tpu.vector_load_idx %arg11[%add3A_1236, %broadcast_in_dim3A_1217] : memref<512x128xf32, #tpu.memory_space<vmem>>[vector<16xi32>, vector<16xi32>], vector<16xf32>,
    %add3A_1238 = arith.constant 32 : i32
    %add3A_1239 = vector.broadcast %add3A_1238 : i32 to vector<16xi32>
    %add3A_1240 = arith.addi %add3A_1239, %iota3A : vector<16xi32>
    tpu.vector_store_idx %arg12[%add3A_1240, %broadcast_in_dim3A_1219], %gather3A_1237 : memref<64x512xf32, #tpu.memory_space<vmem>>[vector<16xi32>, vector<16xi32>], vector<16xf32>,
    %add3A_1241 = arith.constant 48 : i32
    %add3A_1242 = vector.broadcast %add3A_1241 : i32 to vector<16xi32>
    %add3A_1243 = arith.addi %add3A_1242, %iota3A : vector<16xi32>
    %gather3A_1244 = tpu.vector_load_idx %arg11[%add3A_1243, %broadcast_in_dim3A_1217] : memref<512x128xf32, #tpu.memory_space<vmem>>[vector<16xi32>, vector<16xi32>], vector<16xf32>,
    %add3A_1245 = arith.constant 48 : i32
    %add3A_1246 = vector.broadcast %add3A_1245 : i32 to vector<16xi32>
    %add3A_1247 = arith.addi %add3A_1246, %iota3A : vector<16xi32>
    tpu.vector_store_idx %arg12[%add3A_1247, %broadcast_in_dim3A_1219], %gather3A_1244 : memref<64x512xf32, #tpu.memory_space<vmem>>[vector<16xi32>, vector<16xi32>], vector<16xf32>,
    %slice3A_1248 = vector.extract_strided_slice %get3A_1200 {offsets = [9], sizes = [1], strides = [1]} : vector<16xi32> to vector<1xi32>
    %squeeze3A_1249 = vector.extract %slice3A_1248[0] : i32 from vector<1xi32>
    %dma_wait3A_1250 = arith.constant 64 : i32
    %dma_wait3A_1251 = arith.constant 0 : i32
    %dma_wait3A_1252 = tpu.memref_slice %arg11[%dma_wait3A_1250, %dma_wait3A_1251] : memref<512x128xf32, #tpu.memory_space<vmem>> -> memref<64x128xf32, #tpu.memory_space<vmem>>
    %dma_wait3A_1253 = arith.constant 0 : i32
    %dma_wait3A_1254 = arith.constant 0 : i32
    %dma_wait3A_1255 = tpu.memref_slice %arg6[%dma_wait3A_1253, %dma_wait3A_1254] : memref<64x1000000xf32, #tpu.memory_space<hbm>> -> memref<64x128xf32, #tpu.memory_space<hbm>>
    %dma_wait3A_1256 = arith.constant 64 : i32
    %dma_wait3A_1257 = arith.constant 0 : i32
    %dma_wait3A_1258 = tpu.memref_slice %arg11[%dma_wait3A_1256, %dma_wait3A_1257] : memref<512x128xf32, #tpu.memory_space<vmem>> -> memref<64x128xf32, #tpu.memory_space<vmem>>
    %dma_wait3A_1259 = arith.constant 0 : i32
    %dma_wait3A_1260 = arith.constant 0 : i32
    %dma_wait3A_1261 = tpu.memref_slice %arg6[%dma_wait3A_1259, %dma_wait3A_1260] : memref<64x1000000xf32, #tpu.memory_space<hbm>> -> memref<64x128xf32, #tpu.memory_space<hbm>>
    tpu.wait_dma2 semaphore(%arg14 : memref<!tpu.dma_semaphore, #tpu.memory_space<semaphore_mem>>) src(%dma_wait3A_1261 : memref<64x128xf32, #tpu.memory_space<hbm>>) dst(%dma_wait3A_1258 : memref<64x128xf32, #tpu.memory_space<vmem>>)
    %and3A_1262 = arith.constant 127 : i32
    %and3A_1263 = arith.andi %squeeze3A_1249, %and3A_1262 : i32
    %broadcast_in_dim3A_1264 = vector.broadcast %and3A_1263 : i32 to vector<16xi32>
    %broadcast_in_dim3A_1265 = arith.constant 505 : i32
    %broadcast_in_dim3A_1266 = vector.broadcast %broadcast_in_dim3A_1265 : i32 to vector<16xi32>
    %add3A_1267 = arith.constant 64 : i32
    %add3A_1268 = vector.broadcast %add3A_1267 : i32 to vector<16xi32>
    %add3A_1269 = arith.addi %add3A_1268, %iota3A : vector<16xi32>
    %gather3A_1270 = tpu.vector_load_idx %arg11[%add3A_1269, %broadcast_in_dim3A_1264] : memref<512x128xf32, #tpu.memory_space<vmem>>[vector<16xi32>, vector<16xi32>], vector<16xf32>,
    %add3A_1271 = arith.constant 0 : i32
    %add3A_1272 = vector.broadcast %add3A_1271 : i32 to vector<16xi32>
    %add3A_1273 = arith.addi %add3A_1272, %iota3A : vector<16xi32>
    tpu.vector_store_idx %arg12[%add3A_1273, %broadcast_in_dim3A_1266], %gather3A_1270 : memref<64x512xf32, #tpu.memory_space<vmem>>[vector<16xi32>, vector<16xi32>], vector<16xf32>,
    %add3A_1274 = arith.constant 80 : i32
    %add3A_1275 = vector.broadcast %add3A_1274 : i32 to vector<16xi32>
    %add3A_1276 = arith.addi %add3A_1275, %iota3A : vector<16xi32>
    %gather3A_1277 = tpu.vector_load_idx %arg11[%add3A_1276, %broadcast_in_dim3A_1264] : memref<512x128xf32, #tpu.memory_space<vmem>>[vector<16xi32>, vector<16xi32>], vector<16xf32>,
    %add3A_1278 = arith.constant 16 : i32
    %add3A_1279 = vector.broadcast %add3A_1278 : i32 to vector<16xi32>
    %add3A_1280 = arith.addi %add3A_1279, %iota3A : vector<16xi32>
    tpu.vector_store_idx %arg12[%add3A_1280, %broadcast_in_dim3A_1266], %gather3A_1277 : memref<64x512xf32, #tpu.memory_space<vmem>>[vector<16xi32>, vector<16xi32>], vector<16xf32>,
    %add3A_1281 = arith.constant 96 : i32
    %add3A_1282 = vector.broadcast %add3A_1281 : i32 to vector<16xi32>
    %add3A_1283 = arith.addi %add3A_1282, %iota3A : vector<16xi32>
    %gather3A_1284 = tpu.vector_load_idx %arg11[%add3A_1283, %broadcast_in_dim3A_1264] : memref<512x128xf32, #tpu.memory_space<vmem>>[vector<16xi32>, vector<16xi32>], vector<16xf32>,
    %add3A_1285 = arith.constant 32 : i32
    %add3A_1286 = vector.broadcast %add3A_1285 : i32 to vector<16xi32>
    %add3A_1287 = arith.addi %add3A_1286, %iota3A : vector<16xi32>
    tpu.vector_store_idx %arg12[%add3A_1287, %broadcast_in_dim3A_1266], %gather3A_1284 : memref<64x512xf32, #tpu.memory_space<vmem>>[vector<16xi32>, vector<16xi32>], vector<16xf32>,
    %add3A_1288 = arith.constant 112 : i32
    %add3A_1289 = vector.broadcast %add3A_1288 : i32 to vector<16xi32>
    %add3A_1290 = arith.addi %add3A_1289, %iota3A : vector<16xi32>
    %gather3A_1291 = tpu.vector_load_idx %arg11[%add3A_1290, %broadcast_in_dim3A_1264] : memref<512x128xf32, #tpu.memory_space<vmem>>[vector<16xi32>, vector<16xi32>], vector<16xf32>,
    %add3A_1292 = arith.constant 48 : i32
    %add3A_1293 = vector.broadcast %add3A_1292 : i32 to vector<16xi32>
    %add3A_1294 = arith.addi %add3A_1293, %iota3A : vector<16xi32>
    tpu.vector_store_idx %arg12[%add3A_1294, %broadcast_in_dim3A_1266], %gather3A_1291 : memref<64x512xf32, #tpu.memory_space<vmem>>[vector<16xi32>, vector<16xi32>], vector<16xf32>,
    %slice3A_1295 = vector.extract_strided_slice %get3A_1200 {offsets = [10], sizes = [1], strides = [1]} : vector<16xi32> to vector<1xi32>
    %squeeze3A_1296 = vector.extract %slice3A_1295[0] : i32 from vector<1xi32>
    %dma_wait3A_1297 = arith.constant 128 : i32
    %dma_wait3A_1298 = arith.constant 0 : i32
    %dma_wait3A_1299 = tpu.memref_slice %arg11[%dma_wait3A_1297, %dma_wait3A_1298] : memref<512x128xf32, #tpu.memory_space<vmem>> -> memref<64x128xf32, #tpu.memory_space<vmem>>
    %dma_wait3A_1300 = arith.constant 0 : i32
    %dma_wait3A_1301 = arith.constant 0 : i32
    %dma_wait3A_1302 = tpu.memref_slice %arg6[%dma_wait3A_1300, %dma_wait3A_1301] : memref<64x1000000xf32, #tpu.memory_space<hbm>> -> memref<64x128xf32, #tpu.memory_space<hbm>>
    %dma_wait3A_1303 = arith.constant 128 : i32
    %dma_wait3A_1304 = arith.constant 0 : i32
    %dma_wait3A_1305 = tpu.memref_slice %arg11[%dma_wait3A_1303, %dma_wait3A_1304] : memref<512x128xf32, #tpu.memory_space<vmem>> -> memref<64x128xf32, #tpu.memory_space<vmem>>
    %dma_wait3A_1306 = arith.constant 0 : i32
    %dma_wait3A_1307 = arith.constant 0 : i32
    %dma_wait3A_1308 = tpu.memref_slice %arg6[%dma_wait3A_1306, %dma_wait3A_1307] : memref<64x1000000xf32, #tpu.memory_space<hbm>> -> memref<64x128xf32, #tpu.memory_space<hbm>>
    tpu.wait_dma2 semaphore(%arg15 : memref<!tpu.dma_semaphore, #tpu.memory_space<semaphore_mem>>) src(%dma_wait3A_1308 : memref<64x128xf32, #tpu.memory_space<hbm>>) dst(%dma_wait3A_1305 : memref<64x128xf32, #tpu.memory_space<vmem>>)
    %and3A_1309 = arith.constant 127 : i32
    %and3A_1310 = arith.andi %squeeze3A_1296, %and3A_1309 : i32
    %broadcast_in_dim3A_1311 = vector.broadcast %and3A_1310 : i32 to vector<16xi32>
    %broadcast_in_dim3A_1312 = arith.constant 506 : i32
    %broadcast_in_dim3A_1313 = vector.broadcast %broadcast_in_dim3A_1312 : i32 to vector<16xi32>
    %add3A_1314 = arith.constant 128 : i32
    %add3A_1315 = vector.broadcast %add3A_1314 : i32 to vector<16xi32>
    %add3A_1316 = arith.addi %add3A_1315, %iota3A : vector<16xi32>
    %gather3A_1317 = tpu.vector_load_idx %arg11[%add3A_1316, %broadcast_in_dim3A_1311] : memref<512x128xf32, #tpu.memory_space<vmem>>[vector<16xi32>, vector<16xi32>], vector<16xf32>,
    %add3A_1318 = arith.constant 0 : i32
    %add3A_1319 = vector.broadcast %add3A_1318 : i32 to vector<16xi32>
    %add3A_1320 = arith.addi %add3A_1319, %iota3A : vector<16xi32>
    tpu.vector_store_idx %arg12[%add3A_1320, %broadcast_in_dim3A_1313], %gather3A_1317 : memref<64x512xf32, #tpu.memory_space<vmem>>[vector<16xi32>, vector<16xi32>], vector<16xf32>,
    %add3A_1321 = arith.constant 144 : i32
    %add3A_1322 = vector.broadcast %add3A_1321 : i32 to vector<16xi32>
    %add3A_1323 = arith.addi %add3A_1322, %iota3A : vector<16xi32>
    %gather3A_1324 = tpu.vector_load_idx %arg11[%add3A_1323, %broadcast_in_dim3A_1311] : memref<512x128xf32, #tpu.memory_space<vmem>>[vector<16xi32>, vector<16xi32>], vector<16xf32>,
    %add3A_1325 = arith.constant 16 : i32
    %add3A_1326 = vector.broadcast %add3A_1325 : i32 to vector<16xi32>
    %add3A_1327 = arith.addi %add3A_1326, %iota3A : vector<16xi32>
    tpu.vector_store_idx %arg12[%add3A_1327, %broadcast_in_dim3A_1313], %gather3A_1324 : memref<64x512xf32, #tpu.memory_space<vmem>>[vector<16xi32>, vector<16xi32>], vector<16xf32>,
    %add3A_1328 = arith.constant 160 : i32
    %add3A_1329 = vector.broadcast %add3A_1328 : i32 to vector<16xi32>
    %add3A_1330 = arith.addi %add3A_1329, %iota3A : vector<16xi32>
    %gather3A_1331 = tpu.vector_load_idx %arg11[%add3A_1330, %broadcast_in_dim3A_1311] : memref<512x128xf32, #tpu.memory_space<vmem>>[vector<16xi32>, vector<16xi32>], vector<16xf32>,
    %add3A_1332 = arith.constant 32 : i32
    %add3A_1333 = vector.broadcast %add3A_1332 : i32 to vector<16xi32>
    %add3A_1334 = arith.addi %add3A_1333, %iota3A : vector<16xi32>
    tpu.vector_store_idx %arg12[%add3A_1334, %broadcast_in_dim3A_1313], %gather3A_1331 : memref<64x512xf32, #tpu.memory_space<vmem>>[vector<16xi32>, vector<16xi32>], vector<16xf32>,
    %add3A_1335 = arith.constant 176 : i32
    %add3A_1336 = vector.broadcast %add3A_1335 : i32 to vector<16xi32>
    %add3A_1337 = arith.addi %add3A_1336, %iota3A : vector<16xi32>
    %gather3A_1338 = tpu.vector_load_idx %arg11[%add3A_1337, %broadcast_in_dim3A_1311] : memref<512x128xf32, #tpu.memory_space<vmem>>[vector<16xi32>, vector<16xi32>], vector<16xf32>,
    %add3A_1339 = arith.constant 48 : i32
    %add3A_1340 = vector.broadcast %add3A_1339 : i32 to vector<16xi32>
    %add3A_1341 = arith.addi %add3A_1340, %iota3A : vector<16xi32>
    tpu.vector_store_idx %arg12[%add3A_1341, %broadcast_in_dim3A_1313], %gather3A_1338 : memref<64x512xf32, #tpu.memory_space<vmem>>[vector<16xi32>, vector<16xi32>], vector<16xf32>,
    %slice3A_1342 = vector.extract_strided_slice %get3A_1200 {offsets = [11], sizes = [1], strides = [1]} : vector<16xi32> to vector<1xi32>
    %squeeze3A_1343 = vector.extract %slice3A_1342[0] : i32 from vector<1xi32>
    %dma_wait3A_1344 = arith.constant 192 : i32
    %dma_wait3A_1345 = arith.constant 0 : i32
    %dma_wait3A_1346 = tpu.memref_slice %arg11[%dma_wait3A_1344, %dma_wait3A_1345] : memref<512x128xf32, #tpu.memory_space<vmem>> -> memref<64x128xf32, #tpu.memory_space<vmem>>
    %dma_wait3A_1347 = arith.constant 0 : i32
    %dma_wait3A_1348 = arith.constant 0 : i32
    %dma_wait3A_1349 = tpu.memref_slice %arg6[%dma_wait3A_1347, %dma_wait3A_1348] : memref<64x1000000xf32, #tpu.memory_space<hbm>> -> memref<64x128xf32, #tpu.memory_space<hbm>>
    %dma_wait3A_1350 = arith.constant 192 : i32
    %dma_wait3A_1351 = arith.constant 0 : i32
    %dma_wait3A_1352 = tpu.memref_slice %arg11[%dma_wait3A_1350, %dma_wait3A_1351] : memref<512x128xf32, #tpu.memory_space<vmem>> -> memref<64x128xf32, #tpu.memory_space<vmem>>
    %dma_wait3A_1353 = arith.constant 0 : i32
    %dma_wait3A_1354 = arith.constant 0 : i32
    %dma_wait3A_1355 = tpu.memref_slice %arg6[%dma_wait3A_1353, %dma_wait3A_1354] : memref<64x1000000xf32, #tpu.memory_space<hbm>> -> memref<64x128xf32, #tpu.memory_space<hbm>>
    tpu.wait_dma2 semaphore(%arg16 : memref<!tpu.dma_semaphore, #tpu.memory_space<semaphore_mem>>) src(%dma_wait3A_1355 : memref<64x128xf32, #tpu.memory_space<hbm>>) dst(%dma_wait3A_1352 : memref<64x128xf32, #tpu.memory_space<vmem>>)
    %and3A_1356 = arith.constant 127 : i32
    %and3A_1357 = arith.andi %squeeze3A_1343, %and3A_1356 : i32
    %broadcast_in_dim3A_1358 = vector.broadcast %and3A_1357 : i32 to vector<16xi32>
    %broadcast_in_dim3A_1359 = arith.constant 507 : i32
    %broadcast_in_dim3A_1360 = vector.broadcast %broadcast_in_dim3A_1359 : i32 to vector<16xi32>
    %add3A_1361 = arith.constant 192 : i32
    %add3A_1362 = vector.broadcast %add3A_1361 : i32 to vector<16xi32>
    %add3A_1363 = arith.addi %add3A_1362, %iota3A : vector<16xi32>
    %gather3A_1364 = tpu.vector_load_idx %arg11[%add3A_1363, %broadcast_in_dim3A_1358] : memref<512x128xf32, #tpu.memory_space<vmem>>[vector<16xi32>, vector<16xi32>], vector<16xf32>,
    %add3A_1365 = arith.constant 0 : i32
    %add3A_1366 = vector.broadcast %add3A_1365 : i32 to vector<16xi32>
    %add3A_1367 = arith.addi %add3A_1366, %iota3A : vector<16xi32>
    tpu.vector_store_idx %arg12[%add3A_1367, %broadcast_in_dim3A_1360], %gather3A_1364 : memref<64x512xf32, #tpu.memory_space<vmem>>[vector<16xi32>, vector<16xi32>], vector<16xf32>,
    %add3A_1368 = arith.constant 208 : i32
    %add3A_1369 = vector.broadcast %add3A_1368 : i32 to vector<16xi32>
    %add3A_1370 = arith.addi %add3A_1369, %iota3A : vector<16xi32>
    %gather3A_1371 = tpu.vector_load_idx %arg11[%add3A_1370, %broadcast_in_dim3A_1358] : memref<512x128xf32, #tpu.memory_space<vmem>>[vector<16xi32>, vector<16xi32>], vector<16xf32>,
    %add3A_1372 = arith.constant 16 : i32
    %add3A_1373 = vector.broadcast %add3A_1372 : i32 to vector<16xi32>
    %add3A_1374 = arith.addi %add3A_1373, %iota3A : vector<16xi32>
    tpu.vector_store_idx %arg12[%add3A_1374, %broadcast_in_dim3A_1360], %gather3A_1371 : memref<64x512xf32, #tpu.memory_space<vmem>>[vector<16xi32>, vector<16xi32>], vector<16xf32>,
    %add3A_1375 = arith.constant 224 : i32
    %add3A_1376 = vector.broadcast %add3A_1375 : i32 to vector<16xi32>
    %add3A_1377 = arith.addi %add3A_1376, %iota3A : vector<16xi32>
    %gather3A_1378 = tpu.vector_load_idx %arg11[%add3A_1377, %broadcast_in_dim3A_1358] : memref<512x128xf32, #tpu.memory_space<vmem>>[vector<16xi32>, vector<16xi32>], vector<16xf32>,
    %add3A_1379 = arith.constant 32 : i32
    %add3A_1380 = vector.broadcast %add3A_1379 : i32 to vector<16xi32>
    %add3A_1381 = arith.addi %add3A_1380, %iota3A : vector<16xi32>
    tpu.vector_store_idx %arg12[%add3A_1381, %broadcast_in_dim3A_1360], %gather3A_1378 : memref<64x512xf32, #tpu.memory_space<vmem>>[vector<16xi32>, vector<16xi32>], vector<16xf32>,
    %add3A_1382 = arith.constant 240 : i32
    %add3A_1383 = vector.broadcast %add3A_1382 : i32 to vector<16xi32>
    %add3A_1384 = arith.addi %add3A_1383, %iota3A : vector<16xi32>
    %gather3A_1385 = tpu.vector_load_idx %arg11[%add3A_1384, %broadcast_in_dim3A_1358] : memref<512x128xf32, #tpu.memory_space<vmem>>[vector<16xi32>, vector<16xi32>], vector<16xf32>,
    %add3A_1386 = arith.constant 48 : i32
    %add3A_1387 = vector.broadcast %add3A_1386 : i32 to vector<16xi32>
    %add3A_1388 = arith.addi %add3A_1387, %iota3A : vector<16xi32>
    tpu.vector_store_idx %arg12[%add3A_1388, %broadcast_in_dim3A_1360], %gather3A_1385 : memref<64x512xf32, #tpu.memory_space<vmem>>[vector<16xi32>, vector<16xi32>], vector<16xf32>,
    %slice3A_1389 = vector.extract_strided_slice %get3A_1200 {offsets = [12], sizes = [1], strides = [1]} : vector<16xi32> to vector<1xi32>
    %squeeze3A_1390 = vector.extract %slice3A_1389[0] : i32 from vector<1xi32>
    %dma_wait3A_1391 = arith.constant 256 : i32
    %dma_wait3A_1392 = arith.constant 0 : i32
    %dma_wait3A_1393 = tpu.memref_slice %arg11[%dma_wait3A_1391, %dma_wait3A_1392] : memref<512x128xf32, #tpu.memory_space<vmem>> -> memref<64x128xf32, #tpu.memory_space<vmem>>
    %dma_wait3A_1394 = arith.constant 0 : i32
    %dma_wait3A_1395 = arith.constant 0 : i32
    %dma_wait3A_1396 = tpu.memref_slice %arg6[%dma_wait3A_1394, %dma_wait3A_1395] : memref<64x1000000xf32, #tpu.memory_space<hbm>> -> memref<64x128xf32, #tpu.memory_space<hbm>>
    %dma_wait3A_1397 = arith.constant 256 : i32
    %dma_wait3A_1398 = arith.constant 0 : i32
    %dma_wait3A_1399 = tpu.memref_slice %arg11[%dma_wait3A_1397, %dma_wait3A_1398] : memref<512x128xf32, #tpu.memory_space<vmem>> -> memref<64x128xf32, #tpu.memory_space<vmem>>
    %dma_wait3A_1400 = arith.constant 0 : i32
    %dma_wait3A_1401 = arith.constant 0 : i32
    %dma_wait3A_1402 = tpu.memref_slice %arg6[%dma_wait3A_1400, %dma_wait3A_1401] : memref<64x1000000xf32, #tpu.memory_space<hbm>> -> memref<64x128xf32, #tpu.memory_space<hbm>>
    tpu.wait_dma2 semaphore(%arg17 : memref<!tpu.dma_semaphore, #tpu.memory_space<semaphore_mem>>) src(%dma_wait3A_1402 : memref<64x128xf32, #tpu.memory_space<hbm>>) dst(%dma_wait3A_1399 : memref<64x128xf32, #tpu.memory_space<vmem>>)
    %and3A_1403 = arith.constant 127 : i32
    %and3A_1404 = arith.andi %squeeze3A_1390, %and3A_1403 : i32
    %broadcast_in_dim3A_1405 = vector.broadcast %and3A_1404 : i32 to vector<16xi32>
    %broadcast_in_dim3A_1406 = arith.constant 508 : i32
    %broadcast_in_dim3A_1407 = vector.broadcast %broadcast_in_dim3A_1406 : i32 to vector<16xi32>
    %add3A_1408 = arith.constant 256 : i32
    %add3A_1409 = vector.broadcast %add3A_1408 : i32 to vector<16xi32>
    %add3A_1410 = arith.addi %add3A_1409, %iota3A : vector<16xi32>
    %gather3A_1411 = tpu.vector_load_idx %arg11[%add3A_1410, %broadcast_in_dim3A_1405] : memref<512x128xf32, #tpu.memory_space<vmem>>[vector<16xi32>, vector<16xi32>], vector<16xf32>,
    %add3A_1412 = arith.constant 0 : i32
    %add3A_1413 = vector.broadcast %add3A_1412 : i32 to vector<16xi32>
    %add3A_1414 = arith.addi %add3A_1413, %iota3A : vector<16xi32>
    tpu.vector_store_idx %arg12[%add3A_1414, %broadcast_in_dim3A_1407], %gather3A_1411 : memref<64x512xf32, #tpu.memory_space<vmem>>[vector<16xi32>, vector<16xi32>], vector<16xf32>,
    %add3A_1415 = arith.constant 272 : i32
    %add3A_1416 = vector.broadcast %add3A_1415 : i32 to vector<16xi32>
    %add3A_1417 = arith.addi %add3A_1416, %iota3A : vector<16xi32>
    %gather3A_1418 = tpu.vector_load_idx %arg11[%add3A_1417, %broadcast_in_dim3A_1405] : memref<512x128xf32, #tpu.memory_space<vmem>>[vector<16xi32>, vector<16xi32>], vector<16xf32>,
    %add3A_1419 = arith.constant 16 : i32
    %add3A_1420 = vector.broadcast %add3A_1419 : i32 to vector<16xi32>
    %add3A_1421 = arith.addi %add3A_1420, %iota3A : vector<16xi32>
    tpu.vector_store_idx %arg12[%add3A_1421, %broadcast_in_dim3A_1407], %gather3A_1418 : memref<64x512xf32, #tpu.memory_space<vmem>>[vector<16xi32>, vector<16xi32>], vector<16xf32>,
    %add3A_1422 = arith.constant 288 : i32
    %add3A_1423 = vector.broadcast %add3A_1422 : i32 to vector<16xi32>
    %add3A_1424 = arith.addi %add3A_1423, %iota3A : vector<16xi32>
    %gather3A_1425 = tpu.vector_load_idx %arg11[%add3A_1424, %broadcast_in_dim3A_1405] : memref<512x128xf32, #tpu.memory_space<vmem>>[vector<16xi32>, vector<16xi32>], vector<16xf32>,
    %add3A_1426 = arith.constant 32 : i32
    %add3A_1427 = vector.broadcast %add3A_1426 : i32 to vector<16xi32>
    %add3A_1428 = arith.addi %add3A_1427, %iota3A : vector<16xi32>
    tpu.vector_store_idx %arg12[%add3A_1428, %broadcast_in_dim3A_1407], %gather3A_1425 : memref<64x512xf32, #tpu.memory_space<vmem>>[vector<16xi32>, vector<16xi32>], vector<16xf32>,
    %add3A_1429 = arith.constant 304 : i32
    %add3A_1430 = vector.broadcast %add3A_1429 : i32 to vector<16xi32>
    %add3A_1431 = arith.addi %add3A_1430, %iota3A : vector<16xi32>
    %gather3A_1432 = tpu.vector_load_idx %arg11[%add3A_1431, %broadcast_in_dim3A_1405] : memref<512x128xf32, #tpu.memory_space<vmem>>[vector<16xi32>, vector<16xi32>], vector<16xf32>,
    %add3A_1433 = arith.constant 48 : i32
    %add3A_1434 = vector.broadcast %add3A_1433 : i32 to vector<16xi32>
    %add3A_1435 = arith.addi %add3A_1434, %iota3A : vector<16xi32>
    tpu.vector_store_idx %arg12[%add3A_1435, %broadcast_in_dim3A_1407], %gather3A_1432 : memref<64x512xf32, #tpu.memory_space<vmem>>[vector<16xi32>, vector<16xi32>], vector<16xf32>,
    %slice3A_1436 = vector.extract_strided_slice %get3A_1200 {offsets = [13], sizes = [1], strides = [1]} : vector<16xi32> to vector<1xi32>
    %squeeze3A_1437 = vector.extract %slice3A_1436[0] : i32 from vector<1xi32>
    %dma_wait3A_1438 = arith.constant 320 : i32
    %dma_wait3A_1439 = arith.constant 0 : i32
    %dma_wait3A_1440 = tpu.memref_slice %arg11[%dma_wait3A_1438, %dma_wait3A_1439] : memref<512x128xf32, #tpu.memory_space<vmem>> -> memref<64x128xf32, #tpu.memory_space<vmem>>
    %dma_wait3A_1441 = arith.constant 0 : i32
    %dma_wait3A_1442 = arith.constant 0 : i32
    %dma_wait3A_1443 = tpu.memref_slice %arg6[%dma_wait3A_1441, %dma_wait3A_1442] : memref<64x1000000xf32, #tpu.memory_space<hbm>> -> memref<64x128xf32, #tpu.memory_space<hbm>>
    %dma_wait3A_1444 = arith.constant 320 : i32
    %dma_wait3A_1445 = arith.constant 0 : i32
    %dma_wait3A_1446 = tpu.memref_slice %arg11[%dma_wait3A_1444, %dma_wait3A_1445] : memref<512x128xf32, #tpu.memory_space<vmem>> -> memref<64x128xf32, #tpu.memory_space<vmem>>
    %dma_wait3A_1447 = arith.constant 0 : i32
    %dma_wait3A_1448 = arith.constant 0 : i32
    %dma_wait3A_1449 = tpu.memref_slice %arg6[%dma_wait3A_1447, %dma_wait3A_1448] : memref<64x1000000xf32, #tpu.memory_space<hbm>> -> memref<64x128xf32, #tpu.memory_space<hbm>>
    tpu.wait_dma2 semaphore(%arg18 : memref<!tpu.dma_semaphore, #tpu.memory_space<semaphore_mem>>) src(%dma_wait3A_1449 : memref<64x128xf32, #tpu.memory_space<hbm>>) dst(%dma_wait3A_1446 : memref<64x128xf32, #tpu.memory_space<vmem>>)
    %and3A_1450 = arith.constant 127 : i32
    %and3A_1451 = arith.andi %squeeze3A_1437, %and3A_1450 : i32
    %broadcast_in_dim3A_1452 = vector.broadcast %and3A_1451 : i32 to vector<16xi32>
    %broadcast_in_dim3A_1453 = arith.constant 509 : i32
    %broadcast_in_dim3A_1454 = vector.broadcast %broadcast_in_dim3A_1453 : i32 to vector<16xi32>
    %add3A_1455 = arith.constant 320 : i32
    %add3A_1456 = vector.broadcast %add3A_1455 : i32 to vector<16xi32>
    %add3A_1457 = arith.addi %add3A_1456, %iota3A : vector<16xi32>
    %gather3A_1458 = tpu.vector_load_idx %arg11[%add3A_1457, %broadcast_in_dim3A_1452] : memref<512x128xf32, #tpu.memory_space<vmem>>[vector<16xi32>, vector<16xi32>], vector<16xf32>,
    %add3A_1459 = arith.constant 0 : i32
    %add3A_1460 = vector.broadcast %add3A_1459 : i32 to vector<16xi32>
    %add3A_1461 = arith.addi %add3A_1460, %iota3A : vector<16xi32>
    tpu.vector_store_idx %arg12[%add3A_1461, %broadcast_in_dim3A_1454], %gather3A_1458 : memref<64x512xf32, #tpu.memory_space<vmem>>[vector<16xi32>, vector<16xi32>], vector<16xf32>,
    %add3A_1462 = arith.constant 336 : i32
    %add3A_1463 = vector.broadcast %add3A_1462 : i32 to vector<16xi32>
    %add3A_1464 = arith.addi %add3A_1463, %iota3A : vector<16xi32>
    %gather3A_1465 = tpu.vector_load_idx %arg11[%add3A_1464, %broadcast_in_dim3A_1452] : memref<512x128xf32, #tpu.memory_space<vmem>>[vector<16xi32>, vector<16xi32>], vector<16xf32>,
    %add3A_1466 = arith.constant 16 : i32
    %add3A_1467 = vector.broadcast %add3A_1466 : i32 to vector<16xi32>
    %add3A_1468 = arith.addi %add3A_1467, %iota3A : vector<16xi32>
    tpu.vector_store_idx %arg12[%add3A_1468, %broadcast_in_dim3A_1454], %gather3A_1465 : memref<64x512xf32, #tpu.memory_space<vmem>>[vector<16xi32>, vector<16xi32>], vector<16xf32>,
    %add3A_1469 = arith.constant 352 : i32
    %add3A_1470 = vector.broadcast %add3A_1469 : i32 to vector<16xi32>
    %add3A_1471 = arith.addi %add3A_1470, %iota3A : vector<16xi32>
    %gather3A_1472 = tpu.vector_load_idx %arg11[%add3A_1471, %broadcast_in_dim3A_1452] : memref<512x128xf32, #tpu.memory_space<vmem>>[vector<16xi32>, vector<16xi32>], vector<16xf32>,
    %add3A_1473 = arith.constant 32 : i32
    %add3A_1474 = vector.broadcast %add3A_1473 : i32 to vector<16xi32>
    %add3A_1475 = arith.addi %add3A_1474, %iota3A : vector<16xi32>
    tpu.vector_store_idx %arg12[%add3A_1475, %broadcast_in_dim3A_1454], %gather3A_1472 : memref<64x512xf32, #tpu.memory_space<vmem>>[vector<16xi32>, vector<16xi32>], vector<16xf32>,
    %add3A_1476 = arith.constant 368 : i32
    %add3A_1477 = vector.broadcast %add3A_1476 : i32 to vector<16xi32>
    %add3A_1478 = arith.addi %add3A_1477, %iota3A : vector<16xi32>
    %gather3A_1479 = tpu.vector_load_idx %arg11[%add3A_1478, %broadcast_in_dim3A_1452] : memref<512x128xf32, #tpu.memory_space<vmem>>[vector<16xi32>, vector<16xi32>], vector<16xf32>,
    %add3A_1480 = arith.constant 48 : i32
    %add3A_1481 = vector.broadcast %add3A_1480 : i32 to vector<16xi32>
    %add3A_1482 = arith.addi %add3A_1481, %iota3A : vector<16xi32>
    tpu.vector_store_idx %arg12[%add3A_1482, %broadcast_in_dim3A_1454], %gather3A_1479 : memref<64x512xf32, #tpu.memory_space<vmem>>[vector<16xi32>, vector<16xi32>], vector<16xf32>,
    %slice3A_1483 = vector.extract_strided_slice %get3A_1200 {offsets = [14], sizes = [1], strides = [1]} : vector<16xi32> to vector<1xi32>
    %squeeze3A_1484 = vector.extract %slice3A_1483[0] : i32 from vector<1xi32>
    %dma_wait3A_1485 = arith.constant 384 : i32
    %dma_wait3A_1486 = arith.constant 0 : i32
    %dma_wait3A_1487 = tpu.memref_slice %arg11[%dma_wait3A_1485, %dma_wait3A_1486] : memref<512x128xf32, #tpu.memory_space<vmem>> -> memref<64x128xf32, #tpu.memory_space<vmem>>
    %dma_wait3A_1488 = arith.constant 0 : i32
    %dma_wait3A_1489 = arith.constant 0 : i32
    %dma_wait3A_1490 = tpu.memref_slice %arg6[%dma_wait3A_1488, %dma_wait3A_1489] : memref<64x1000000xf32, #tpu.memory_space<hbm>> -> memref<64x128xf32, #tpu.memory_space<hbm>>
    %dma_wait3A_1491 = arith.constant 384 : i32
    %dma_wait3A_1492 = arith.constant 0 : i32
    %dma_wait3A_1493 = tpu.memref_slice %arg11[%dma_wait3A_1491, %dma_wait3A_1492] : memref<512x128xf32, #tpu.memory_space<vmem>> -> memref<64x128xf32, #tpu.memory_space<vmem>>
    %dma_wait3A_1494 = arith.constant 0 : i32
    %dma_wait3A_1495 = arith.constant 0 : i32
    %dma_wait3A_1496 = tpu.memref_slice %arg6[%dma_wait3A_1494, %dma_wait3A_1495] : memref<64x1000000xf32, #tpu.memory_space<hbm>> -> memref<64x128xf32, #tpu.memory_space<hbm>>
    tpu.wait_dma2 semaphore(%arg19 : memref<!tpu.dma_semaphore, #tpu.memory_space<semaphore_mem>>) src(%dma_wait3A_1496 : memref<64x128xf32, #tpu.memory_space<hbm>>) dst(%dma_wait3A_1493 : memref<64x128xf32, #tpu.memory_space<vmem>>)
    %and3A_1497 = arith.constant 127 : i32
    %and3A_1498 = arith.andi %squeeze3A_1484, %and3A_1497 : i32
    %broadcast_in_dim3A_1499 = vector.broadcast %and3A_1498 : i32 to vector<16xi32>
    %broadcast_in_dim3A_1500 = arith.constant 510 : i32
    %broadcast_in_dim3A_1501 = vector.broadcast %broadcast_in_dim3A_1500 : i32 to vector<16xi32>
    %add3A_1502 = arith.constant 384 : i32
    %add3A_1503 = vector.broadcast %add3A_1502 : i32 to vector<16xi32>
    %add3A_1504 = arith.addi %add3A_1503, %iota3A : vector<16xi32>
    %gather3A_1505 = tpu.vector_load_idx %arg11[%add3A_1504, %broadcast_in_dim3A_1499] : memref<512x128xf32, #tpu.memory_space<vmem>>[vector<16xi32>, vector<16xi32>], vector<16xf32>,
    %add3A_1506 = arith.constant 0 : i32
    %add3A_1507 = vector.broadcast %add3A_1506 : i32 to vector<16xi32>
    %add3A_1508 = arith.addi %add3A_1507, %iota3A : vector<16xi32>
    tpu.vector_store_idx %arg12[%add3A_1508, %broadcast_in_dim3A_1501], %gather3A_1505 : memref<64x512xf32, #tpu.memory_space<vmem>>[vector<16xi32>, vector<16xi32>], vector<16xf32>,
    %add3A_1509 = arith.constant 400 : i32
    %add3A_1510 = vector.broadcast %add3A_1509 : i32 to vector<16xi32>
    %add3A_1511 = arith.addi %add3A_1510, %iota3A : vector<16xi32>
    %gather3A_1512 = tpu.vector_load_idx %arg11[%add3A_1511, %broadcast_in_dim3A_1499] : memref<512x128xf32, #tpu.memory_space<vmem>>[vector<16xi32>, vector<16xi32>], vector<16xf32>,
    %add3A_1513 = arith.constant 16 : i32
    %add3A_1514 = vector.broadcast %add3A_1513 : i32 to vector<16xi32>
    %add3A_1515 = arith.addi %add3A_1514, %iota3A : vector<16xi32>
    tpu.vector_store_idx %arg12[%add3A_1515, %broadcast_in_dim3A_1501], %gather3A_1512 : memref<64x512xf32, #tpu.memory_space<vmem>>[vector<16xi32>, vector<16xi32>], vector<16xf32>,
    %add3A_1516 = arith.constant 416 : i32
    %add3A_1517 = vector.broadcast %add3A_1516 : i32 to vector<16xi32>
    %add3A_1518 = arith.addi %add3A_1517, %iota3A : vector<16xi32>
    %gather3A_1519 = tpu.vector_load_idx %arg11[%add3A_1518, %broadcast_in_dim3A_1499] : memref<512x128xf32, #tpu.memory_space<vmem>>[vector<16xi32>, vector<16xi32>], vector<16xf32>,
    %add3A_1520 = arith.constant 32 : i32
    %add3A_1521 = vector.broadcast %add3A_1520 : i32 to vector<16xi32>
    %add3A_1522 = arith.addi %add3A_1521, %iota3A : vector<16xi32>
    tpu.vector_store_idx %arg12[%add3A_1522, %broadcast_in_dim3A_1501], %gather3A_1519 : memref<64x512xf32, #tpu.memory_space<vmem>>[vector<16xi32>, vector<16xi32>], vector<16xf32>,
    %add3A_1523 = arith.constant 432 : i32
    %add3A_1524 = vector.broadcast %add3A_1523 : i32 to vector<16xi32>
    %add3A_1525 = arith.addi %add3A_1524, %iota3A : vector<16xi32>
    %gather3A_1526 = tpu.vector_load_idx %arg11[%add3A_1525, %broadcast_in_dim3A_1499] : memref<512x128xf32, #tpu.memory_space<vmem>>[vector<16xi32>, vector<16xi32>], vector<16xf32>,
    %add3A_1527 = arith.constant 48 : i32
    %add3A_1528 = vector.broadcast %add3A_1527 : i32 to vector<16xi32>
    %add3A_1529 = arith.addi %add3A_1528, %iota3A : vector<16xi32>
    tpu.vector_store_idx %arg12[%add3A_1529, %broadcast_in_dim3A_1501], %gather3A_1526 : memref<64x512xf32, #tpu.memory_space<vmem>>[vector<16xi32>, vector<16xi32>], vector<16xf32>,
    %slice3A_1530 = vector.extract_strided_slice %get3A_1200 {offsets = [15], sizes = [1], strides = [1]} : vector<16xi32> to vector<1xi32>
    %squeeze3A_1531 = vector.extract %slice3A_1530[0] : i32 from vector<1xi32>
    %dma_wait3A_1532 = arith.constant 448 : i32
    %dma_wait3A_1533 = arith.constant 0 : i32
    %dma_wait3A_1534 = tpu.memref_slice %arg11[%dma_wait3A_1532, %dma_wait3A_1533] : memref<512x128xf32, #tpu.memory_space<vmem>> -> memref<64x128xf32, #tpu.memory_space<vmem>>
    %dma_wait3A_1535 = arith.constant 0 : i32
    %dma_wait3A_1536 = arith.constant 0 : i32
    %dma_wait3A_1537 = tpu.memref_slice %arg6[%dma_wait3A_1535, %dma_wait3A_1536] : memref<64x1000000xf32, #tpu.memory_space<hbm>> -> memref<64x128xf32, #tpu.memory_space<hbm>>
    %dma_wait3A_1538 = arith.constant 448 : i32
    %dma_wait3A_1539 = arith.constant 0 : i32
    %dma_wait3A_1540 = tpu.memref_slice %arg11[%dma_wait3A_1538, %dma_wait3A_1539] : memref<512x128xf32, #tpu.memory_space<vmem>> -> memref<64x128xf32, #tpu.memory_space<vmem>>
    %dma_wait3A_1541 = arith.constant 0 : i32
    %dma_wait3A_1542 = arith.constant 0 : i32
    %dma_wait3A_1543 = tpu.memref_slice %arg6[%dma_wait3A_1541, %dma_wait3A_1542] : memref<64x1000000xf32, #tpu.memory_space<hbm>> -> memref<64x128xf32, #tpu.memory_space<hbm>>
    tpu.wait_dma2 semaphore(%arg20 : memref<!tpu.dma_semaphore, #tpu.memory_space<semaphore_mem>>) src(%dma_wait3A_1543 : memref<64x128xf32, #tpu.memory_space<hbm>>) dst(%dma_wait3A_1540 : memref<64x128xf32, #tpu.memory_space<vmem>>)
    %and3A_1544 = arith.constant 127 : i32
    %and3A_1545 = arith.andi %squeeze3A_1531, %and3A_1544 : i32
    %broadcast_in_dim3A_1546 = vector.broadcast %and3A_1545 : i32 to vector<16xi32>
    %broadcast_in_dim3A_1547 = arith.constant 511 : i32
    %broadcast_in_dim3A_1548 = vector.broadcast %broadcast_in_dim3A_1547 : i32 to vector<16xi32>
    %add3A_1549 = arith.constant 448 : i32
    %add3A_1550 = vector.broadcast %add3A_1549 : i32 to vector<16xi32>
    %add3A_1551 = arith.addi %add3A_1550, %iota3A : vector<16xi32>
    %gather3A_1552 = tpu.vector_load_idx %arg11[%add3A_1551, %broadcast_in_dim3A_1546] : memref<512x128xf32, #tpu.memory_space<vmem>>[vector<16xi32>, vector<16xi32>], vector<16xf32>,
    %add3A_1553 = arith.constant 0 : i32
    %add3A_1554 = vector.broadcast %add3A_1553 : i32 to vector<16xi32>
    %add3A_1555 = arith.addi %add3A_1554, %iota3A : vector<16xi32>
    tpu.vector_store_idx %arg12[%add3A_1555, %broadcast_in_dim3A_1548], %gather3A_1552 : memref<64x512xf32, #tpu.memory_space<vmem>>[vector<16xi32>, vector<16xi32>], vector<16xf32>,
    %add3A_1556 = arith.constant 464 : i32
    %add3A_1557 = vector.broadcast %add3A_1556 : i32 to vector<16xi32>
    %add3A_1558 = arith.addi %add3A_1557, %iota3A : vector<16xi32>
    %gather3A_1559 = tpu.vector_load_idx %arg11[%add3A_1558, %broadcast_in_dim3A_1546] : memref<512x128xf32, #tpu.memory_space<vmem>>[vector<16xi32>, vector<16xi32>], vector<16xf32>,
    %add3A_1560 = arith.constant 16 : i32
    %add3A_1561 = vector.broadcast %add3A_1560 : i32 to vector<16xi32>
    %add3A_1562 = arith.addi %add3A_1561, %iota3A : vector<16xi32>
    tpu.vector_store_idx %arg12[%add3A_1562, %broadcast_in_dim3A_1548], %gather3A_1559 : memref<64x512xf32, #tpu.memory_space<vmem>>[vector<16xi32>, vector<16xi32>], vector<16xf32>,
    %add3A_1563 = arith.constant 480 : i32
    %add3A_1564 = vector.broadcast %add3A_1563 : i32 to vector<16xi32>
    %add3A_1565 = arith.addi %add3A_1564, %iota3A : vector<16xi32>
    %gather3A_1566 = tpu.vector_load_idx %arg11[%add3A_1565, %broadcast_in_dim3A_1546] : memref<512x128xf32, #tpu.memory_space<vmem>>[vector<16xi32>, vector<16xi32>], vector<16xf32>,
    %add3A_1567 = arith.constant 32 : i32
    %add3A_1568 = vector.broadcast %add3A_1567 : i32 to vector<16xi32>
    %add3A_1569 = arith.addi %add3A_1568, %iota3A : vector<16xi32>
    tpu.vector_store_idx %arg12[%add3A_1569, %broadcast_in_dim3A_1548], %gather3A_1566 : memref<64x512xf32, #tpu.memory_space<vmem>>[vector<16xi32>, vector<16xi32>], vector<16xf32>,
    %add3A_1570 = arith.constant 496 : i32
    %add3A_1571 = vector.broadcast %add3A_1570 : i32 to vector<16xi32>
    %add3A_1572 = arith.addi %add3A_1571, %iota3A : vector<16xi32>
    %gather3A_1573 = tpu.vector_load_idx %arg11[%add3A_1572, %broadcast_in_dim3A_1546] : memref<512x128xf32, #tpu.memory_space<vmem>>[vector<16xi32>, vector<16xi32>], vector<16xf32>,
    %add3A_1574 = arith.constant 48 : i32
    %add3A_1575 = vector.broadcast %add3A_1574 : i32 to vector<16xi32>
    %add3A_1576 = arith.addi %add3A_1575, %iota3A : vector<16xi32>
    tpu.vector_store_idx %arg12[%add3A_1576, %broadcast_in_dim3A_1548], %gather3A_1573 : memref<64x512xf32, #tpu.memory_space<vmem>>[vector<16xi32>, vector<16xi32>], vector<16xf32>,
    %dma_start3A_1577 = arith.constant 0 : i32
    %dma_start3A_1578 = tpu.memref_slice %arg9[%dma_start3A_1577, %mul3A_2] : memref<64x16384xf32, #tpu.memory_space<hbm>> -> memref<64x512xf32, #tpu.memory_space<hbm>>
    %dma_start3A_1579 = arith.constant 0 : i32
    %dma_start3A_1580 = tpu.memref_slice %arg9[%dma_start3A_1579, %mul3A_2] : memref<64x16384xf32, #tpu.memory_space<hbm>> -> memref<64x512xf32, #tpu.memory_space<hbm>>
    tpu.enqueue_dma source(%arg12 : memref<64x512xf32, #tpu.memory_space<vmem>>) target(%dma_start3A_1580 : memref<64x512xf32, #tpu.memory_space<hbm>>) target_semaphore(%arg21 : memref<!tpu.dma_semaphore, #tpu.memory_space<semaphore_mem>>)
    %dma_wait3A_1581 = arith.constant 0 : i32
    %dma_wait3A_1582 = tpu.memref_slice %arg9[%dma_wait3A_1581, %mul3A_2] : memref<64x16384xf32, #tpu.memory_space<hbm>> -> memref<64x512xf32, #tpu.memory_space<hbm>>
    %dma_wait3A_1583 = arith.constant 0 : i32
    %dma_wait3A_1584 = tpu.memref_slice %arg9[%dma_wait3A_1583, %mul3A_2] : memref<64x16384xf32, #tpu.memory_space<hbm>> -> memref<64x512xf32, #tpu.memory_space<hbm>>
    tpu.wait_dma2 semaphore(%arg21 : memref<!tpu.dma_semaphore, #tpu.memory_space<semaphore_mem>>) src(%arg12 : memref<64x512xf32, #tpu.memory_space<vmem>>) dst(%dma_wait3A_1584 : memref<64x512xf32, #tpu.memory_space<hbm>>)
    return
  }
}

</mosaic_0001>

<sc_bundles>
// kernel: kernel.3.cloned.1.call-start
scs
__scs_entry_jumppad:
0x0: {  	(pc) =	sbr.rel $0x88, $3  }
0x1: {  	(tag) =	ssettag $0x0;
	lr =	simm.s32 $0x1  }
0x2: {  	[smem:$0x3F9C] =	sst lr;
	_ =	strace $0xD0000000  }
0x3: {  	_ = 	snop  }
0x4: {  	_ = 	snop  }
0x5: {  	_ = 	snop  }
0x6: {  	_ = 	snop  }
0x7: {  	_ = 	snop  }
__scs_overlays_trampoline_lowered:
0x8: {  	[smem:$0x3FAB] =	sst s0  }
0x9: {  	[smem:$0x3FAC] =	sst s1  }
0xa: {  	[smem:$0x3FAD] =	sst s2  }
0xb: {  	[smem:$0x3FAE] =	sst s3  }
0xc: {  	[smem:$0x3FAF] =	sst s4  }
0xd: {  	[smem:$0x3FB0] =	sst s5  }
0xe: {  	[smem:$0x3FB1] =	sst s6  }
0xf: {  	[smem:$0x3FB2] =	sst s7  }
0x10: {  	[smem:$0x3FB3] =	sst s8  }
0x11: {  	[smem:$0x3FB4] =	sst s9;
	s0 =	simm.s32 @!p0 $0x0  }
0x12: {  	s1 =	sld [smem:$0x3F9A];
	s0 =	simm.s32 @p0 $0x1  }
0x13: {  	[smem:$0x3FB5] =	sst s0;
	s0 =	simm.s32 @!p1 $0x0  }
0x14: {  	s2 =	sld [smem:$0x3F99];
	s0 =	simm.s32 @p1 $0x1  }
0x15: {  	[smem:$0x3FB6] =	sst s0;
	s0 =	simm.s32 @!p2 $0x0  }
0x16: {  	s3 =	sld [smem:$0x3FDB];
	s0 =	simm.s32 @p2 $0x1  }
0x17: {  	s4 =	simm.s32 $0x1BF5;
	[smem:$0x3FB8] =	sst s0  }
0x18: {  	s0 =	sld [smem:$0x3F9B];
	_ =	swait.ge [sflag:s4], $0x0  }
0x19: {  	s7 =	sld [smem:$0x3F9C]  }
0x1a: {  	s8 =	sadd.s32 $0xFFFFE003, lr  }
0x1b: {  	s9 =	sadd.s32 $0xFFFFFEF7, lr;
	s5 =	simm.s32 $0xFFFFFFFF;
	p2 =	slt.u32 s8, $0xFFFFF086  }
0x1c: {  	p1 =	slt.u32 s9, $0xF7A;
	s5 =	simm.s32 @!p2 $0x0  }
0x1d: {  	s5 =	simm.s32 @p1 $0x1;
	p0 =	seq.s32 s7, s2  }
0x1e: {  	s7 =	smul.u32 @!p0 $0xF7A, s2;
	p2 =	seq.s32 @!p0 s5, $0x0  }
0x1f: {  	s9 =	smul.u32 $0xF7A, s1;
	s8 =	simm.s32 @!p0 $0x1BF5;
	p2 =	por !p2, p0  }
0x20: {  	[sflag:s8] =	ssyncset.s32 @!p0 $0xFFFFF086;
	s6 =	sadd.s32 @!p0 s3, s7;
	s7 =	simm.s32 @!p0 $0x108  }
0x21: {  	s3 =	sadd.s32 s3, s9;
	s6 =	sadd.s32 @!p0 $0x88, s6;
	s7 =	simm.s32 @p2 $0x1082  }
0x22: {  	[simem:s7], [sflag:s8] =	dma.local @!p0 [hbm:s6], $0xF7A  }
0x23: {  	s9 =	sor.u32 $0xD0000000, s2;
	s6 =	simm.s32 $0x108;
	_ =	swait.ge @!p0 [sflag:s8], $0x0  }
0x24: {  	s3 =	sadd.s32 $0x88, s3;
	s6 =	simm.s32 @!p1 $0x1082;
	[sflag:s4] =	ssyncset.s32 $0xFFFFF086  }
0x25: {  	[simem:s6], [sflag:s4] =	dma.local [hbm:s3], $0xF7A  }
0x26: {  	[smem:$0x3F9C] =	sst s1;
	(tag) =	ssettag s2;
	_ =	strace s9  }
0x27: {  	s1 =	sld [smem:$0x3FAC]  }
0x28: {  	s2 =	sld [smem:$0x3FAD]  }
0x29: {  	s4 =	sld [smem:$0x3FAF]  }
0x2a: {  	p0 =	seq.s32 s5, $0x0;
	s5 =	sld [smem:$0x3FB0]  }
0x2b: {  	s6 =	sld [smem:$0x3FB1]  }
0x2c: {  	s7 =	sld [smem:$0x3FB2]  }
0x2d: {  	s3 =	simm.s32 $0x108;
	s8 =	sld [smem:$0x3FB3]  }
0x2e: {  	s3 =	simm.s32 @!p0 $0x1082;
	s9 =	sld [smem:$0x3FB4]  }
0x2f: {  	lr =	sadd.s32 s0, s3;
	s0 =	sld [smem:$0x3FAB]  }
0x30: {  	s3 =	sld [smem:$0x3FAE]  }
0x31: {  	[smem:$0x3FB7] =	sst s10  }
0x32: {  	s10 =	sld [smem:$0x3FB5];
	_ =	sdelay $0x3  }
0x33: {  	p0 =	seq.s32 s10, $0x1;
	s10 =	sld [smem:$0x3FB7];
	_ =	sdelay $0x3  }
0x34: {  	[smem:$0x3FB7] =	sst s10  }
0x35: {  	s10 =	sld [smem:$0x3FB6];
	_ =	sdelay $0x3  }
0x36: {  	p1 =	seq.s32 s10, $0x1;
	s10 =	sld [smem:$0x3FB7];
	_ =	sdelay $0x3  }
0x37: {  	[smem:$0x3FB7] =	sst s10  }
0x38: {  	s10 =	sld [smem:$0x3FB8]  }
0x39: {  	_ = 	snop;
	(pc) =	sbr.ind lr, $3  }
0x3a: {  	_ = 	snop  }
0x3b: {  	_ = 	snop  }
0x3c: {  	p2 =	seq.s32 s10, $0x1;
	s10 =	sld [smem:$0x3FB7]  }
0x3d: {  	_ =	shalt  }
0x3e: {  	_ =	shalt  }
0x3f: {  	_ =	shalt  }
0x40: {  	_ =	shalt  }
0x41: {  	_ =	shalt  }
0x42: {  	_ =	shalt  }
0x43: {  	_ =	shalt  }
0x44: {  	_ =	shalt  }
0x45: {  	_ =	shalt  }
0x46: {  	_ =	shalt  }
0x47: {  	_ =	shalt  }
0x48: {  	_ =	shalt  }
0x49: {  	_ =	shalt  }
0x4a: {  	_ =	shalt  }
0x4b: {  	_ =	shalt  }
0x4c: {  	_ =	shalt  }
0x4d: {  	_ =	shalt  }
0x4e: {  	_ =	shalt  }
0x4f: {  	_ =	shalt  }
0x50: {  	_ =	shalt  }
0x51: {  	_ =	shalt  }
0x52: {  	_ =	shalt  }
0x53: {  	_ =	shalt  }
0x54: {  	_ =	shalt  }
0x55: {  	_ =	shalt  }
0x56: {  	_ =	shalt  }
0x57: {  	_ =	shalt  }
0x58: {  	_ =	shalt  }
0x59: {  	_ =	shalt  }
0x5a: {  	_ =	shalt  }
0x5b: {  	_ =	shalt  }
0x5c: {  	_ =	shalt  }
0x5d: {  	_ =	shalt  }
0x5e: {  	_ =	shalt  }
0x5f: {  	_ =	shalt  }
0x60: {  	_ =	shalt  }
0x61: {  	_ =	shalt  }
0x62: {  	_ =	shalt  }
0x63: {  	_ =	shalt  }
0x64: {  	_ =	shalt  }
0x65: {  	_ =	shalt  }
0x66: {  	_ =	shalt  }
0x67: {  	_ =	shalt  }
0x68: {  	_ =	shalt  }
0x69: {  	_ =	shalt  }
0x6a: {  	_ =	shalt  }
0x6b: {  	_ =	shalt  }
0x6c: {  	_ =	shalt  }
0x6d: {  	_ =	shalt  }
0x6e: {  	_ =	shalt  }
0x6f: {  	_ =	shalt  }
0x70: {  	_ =	shalt  }
0x71: {  	_ =	shalt  }
0x72: {  	_ =	shalt  }
0x73: {  	_ =	shalt  }
0x74: {  	_ =	shalt  }
0x75: {  	_ =	shalt  }
0x76: {  	_ =	shalt  }
0x77: {  	_ =	shalt  }
0x78: {  	_ =	shalt  }
0x79: {  	_ =	shalt  }
0x7a: {  	_ =	shalt  }
0x7b: {  	_ =	shalt  }
0x7c: {  	_ =	shalt  }
0x7d: {  	_ =	shalt  }
0x7e: {  	_ =	shalt  }
0x7f: {  	_ =	shalt  }
0x80: {  	_ =	shalt  }
0x81: {  	_ =	shalt  }
0x82: {  	_ =	shalt  }
0x83: {  	_ =	shalt  }
0x84: {  	_ =	shalt  }
0x85: {  	_ =	shalt  }
0x86: {  	_ =	shalt  }
0x87: {  	_ =	shalt  }
.Lfunc_end0:
.L_simem_size_0:
called_computation_lowered:
.L_overlay_start_0:
0x88: {  	s2 =	sld [smem:$0x3FD9]  }
0x89: {  	s3 =	sld [smem:$0x3FFE];
	_ =	sdelay $0x1  }
0x8a: {  	s1 =	srdreg.scid  }
0x8b: {  	s0 =	sand.u32 $0x1, s1  }
0x8c: {  	s15 =	sshll.u32 s0, $0xA;
	s2 =	sadd.s32 s3, s2  }
0x8d: {  	s2 =	sadd.s32 s2, s15  }
0x8e: {  	[smem:$0x3FC3] =	sst s2  }
0x8f: {  	_ = 	snop  }
0x90: {  	s2 =	sld [smem:$0x3FC9]  }
0x91: {  	s16 =	sld [smem:$0x3FC8]  }
0x92: {  	s4 =	sld [smem:$0x3FD0]  }
0x93: {  	s5 =	sld [smem:$0x3FC7]  }
0x94: {  	s6 =	sld [smem:$0x3FC6]  }
0x95: {  	s8 =	simm.s32 $0xA;
	s9 =	simm.s32 $0x10;
	s7 =	sld [smem:$0x3FC5]  }
0x96: {  	[smem:s9], [sflag:s8] =	dma.local [hbm:s4], $0x1  }
0x97: {  	_ =	swait.eq [sflag:s8], $0x1  }
0x98: {  	s17 =	sld [smem:$0x10];
	[sflag:s8] =	ssyncset.done $0x0  }
0x99: {  	s18 =	sld [smem:$0x11];
	[sflag:s8] =	ssyncadd.s32 $0xFFFFFFFF  }
0x9a: {  	s19 =	sld [smem:$0x12];
	(tm) =	ssettm $0x1  }
0x9b: {  	s10 =	sld [smem:$0x3FFB];
	_ =	sdelay $0x3  }
0x9c: {  	_ =	strace s10  }
0x9d: {  	s10 =	sld [smem:$0x3FFC];
	_ =	sdelay $0x3  }
0x9e: {  	_ =	strace s10  }
0x9f: {  	s10 =	sld [smem:$0x3FFD];
	_ =	sdelay $0x3  }
0xa0: {  	_ =	strace s10  }
0xa1: {  	_ =	strace $0x8FFFFFFF  }
0xa2: {  	s20 =	sld [smem:$0x3FDB];
	_ =	sdelay $0x1  }
0xa3: {  	s11 =	simm.s32 $_scs_section_size  }
0xa4: {  	s12 =	simm.s32 $_size__tile_overlayer_lowered;
	s13 =	simm.s32 $_tile_overlayer_lowered  }
0xa5: {  	s23 =	simm.s32 $0x1BFF;
	s22 =	sshll.u32 s13, $0x1;
	s10 =	sadd.s32 s11, s20  }
0xa6: {  	s14 =	simm.s32 $0x0;
	s21 =	sshll.u32 s12, $0x1;
	s12 =	sadd.s32 s22, s10  }
0xa7: {  	[timem:s14], [sflag:s23] =	dma.local [hbm:s12], s21  }
0xa8: {  	_ =	swait.ge [sflag:s23], s21  }
0xa9: {  	s11 =	ssub.s32 $0x0, s21;
	[sflag:s23] =	ssyncset.done $0x0  }
0xaa: {  	[sflag:s23] =	ssyncadd.s32 s11;
	_ =	sdelay $0x1  }
0xab: {  	s24 =	simm.s32 $0x1B8B  }
0xac: {  	_ =	swait.ge [sflag:s24], $0x1  }
0xad: {  	[sflag:s24] =	ssyncset.done $0x0  }
0xae: {  	s25 =	simm.s32 $0x1B8E;
	[sflag:s24] =	ssyncadd.s32 $0xFFFFFFFF  }
0xaf: {  	s26 =	simm.s32 $execute0_lowered;
	[smem:$0x3FD2] =	sst s25  }
0xb0: {  	s11 =	sshll.u32 s26, $0x1;
	_ =	strace $0x80000046;
	[dreg:$0x1] =	wrdreg $0xFFFFFFFF  }
0xb1: {  	s28 =	simm.s32 $_size_execute0_lowered;
	s10 =	sadd.s32 s10, s11;
	[dreg:$0x0] =	wrdreg $0x0  }
0xb2: {  	s11 =	sshll.u32 s28, $0x1;
	[dreg:$0x2] =	wrdreg s10  }
0xb3: {  	[dreg:$0x3] =	wrdreg s11  }
0xb4: {  	[dreg:$0x4] =	wrdreg $0xC0  }
0xb5: {  	_ =	task [dreg:s14], $0x5FFFF  }
0xb6: {  	[dreg:$0x1] =	wrdreg $0xFFFFFFFF  }
0xb7: {  	[dreg:$0x0] =	wrdreg $0x60  }
0xb8: {  	[dreg:$0x2] =	wrdreg s2  }
0xb9: {  	[dreg:$0x3] =	wrdreg s16  }
0xba: {  	[dreg:$0x4] =	wrdreg s5  }
0xbb: {  	[dreg:$0x5] =	wrdreg s6  }
0xbc: {  	[dreg:$0x6] =	wrdreg s7  }
0xbd: {  	[dreg:$0x7] =	wrdreg s17  }
0xbe: {  	[dreg:$0x8] =	wrdreg s18  }
0xbf: {  	[dreg:$0x9] =	wrdreg s19  }
0xc0: {  	[dreg:$0xa] =	wrdreg $0x9  }
0xc1: {  	_ =	task.clear_ibuf [dreg:s14], $0xBFFFF;
	_ =	strace $0x90000046  }
0xc2: {  	s29 =	simm.s32 $0x9;
	_ =	strace $0x80000048  }
0xc3: {  	_ =	swait.ge [sflag:s29], $0x1  }
0xc4: {  	[sflag:s29] =	ssyncadd.s32 $0xFFFFFFFF  }
0xc5: {  	_ =	strace $0x90000048  }
0xc6: {  	_ =	sfence  }
0xc7: {  	s30 =	sld [smem:$0x0];
	_ =	sdelay $0x2  }
0xc8: {  	s31 =	sshll.u32 s1, $0xD;
	s1 =	sshrl.u32 s1, $0x2  }
0xc9: {  	s3 =	sand.u32 $0x4000, s31;
	s1 =	sadd.s32 s1, s30  }
0xca: {  	s0 =	sor.u32 s3, s0;
	s1 =	sshll.u32 s1, $0x11  }
0xcb: {  	s0 =	sor.u32 s1, s0  }
0xcc: {  	s0 =	sadd.s32 $0x8F2B, s0  }
0xcd: {  	[sflag:s0] =	ssyncadd.remote.s32 $0x1  }
0xce: {  	_ =	sfence.sel $0xFFFF  }
0xcf: {  	[dreg:$0x0] =	wrdreg $0xFFFFFFFF;
	(pc) =	sbr.abs _section_cstart, $3  }
0xd0: {  	[dreg:$0x1] =	wrdreg $0xFFFFFFFF  }
0xd1: {  	_ =	task.clear_ibuf [dreg:s14], $0x2FFFF;
	_ =	strace $0x9FFFFFFF  }
0xd2: {  	(tm) =	ssettm $0x7FFFFFFF  }
0xd3: {  	_ =	shalt  }
tec
execute0_lowered:
.L_overlay_start_1:
0x0: {  	(tag) =	ssettag $0x1  }
0x1: {  	v0 =	vimm.s32 $0x1380;
	vm14 =	vcmask $0x300;
	vm13 =	vcmask $0x704  }
0x2: {  	vm12 =	vcmask $0xB08;
	vm11 =	vcmask $0xF0C;
	vm10 =	vcmask $0x1310  }
0x3: {  	vm9 =	vcmask $0x1714;
	vm8 =	vcmask $0x1B18;
	vm7 =	vcmask $0x1F1C  }
0x4: {  	vm6 =	vcmask $0x2320;
	vm5 =	vcmask $0x2724;
	vm4 =	vcmask $0x2B28  }
0x5: {  	vm3 =	vcmask $0x2F2C;
	v1 =	vlaneseq.u32;
	vm2 =	vcmask $0x3330  }
0x6: {  	vm1 =	vcmask $0x3734;
	vm0 =	vcmask $0x3B38;
	v3 =	vimm.s32 $0x3380  }
0x7: {  	v4 =	vimm.s32 $0x5380;
	v5 =	vimm.s32 $0x7380;
	v19 =	vimm.s32 $0x1FF8  }
0x8: {  	v20 =	vimm.s32 $0x3FF8;
	v47 =	vimm.s32 $0x5FF8;
	v48 =	vimm.s32 $0x7FF8  }
0x9: {  	v34 =	vimm.s32 $0x1FF9;
	v52 =	vimm.s32 $0x3FF9;
	v53 =	vimm.s32 $0x5FF9  }
0xa: {  	v54 =	vimm.s32 $0x7FF9;
	v58 =	vimm.s32 $0x1FFA;
	v59 =	vimm.s32 $0x3FFA  }
0xb: {  	v60 =	vimm.s32 $0x5FFA;
	v63 =	vimm.s32 $0x7FFA;
	v36 =	vimm.s32 $0x1FFB  }
0xc: {  	v37 =	vimm.s32 $0x3FFB;
	v0 =	vsel vm14, $0x0, v0;
	v3 =	vsel vm14, $0x2000, v3  }
0xd: {  	v4 =	vsel vm14, $0x4000, v4;
	v5 =	vsel vm14, $0x6000, v5;
	v21 =	vsel vm14, $0xC78, v19  }
0xe: {  	v20 =	vsel vm14, $0x2C78, v20;
	v34 =	vsel vm14, $0xC79, v34;
	v0 =	vsel vm13, $0x80, v0  }
0xf: {  	v3 =	vsel vm13, $0x2080, v3;
	v4 =	vsel vm13, $0x4080, v4;
	v5 =	vsel vm13, $0x6080, v5  }
0x10: {  	v21 =	vsel vm13, $0xCF8, v21;
	v22 =	vsel vm13, $0x2CF8, v20;
	v34 =	vsel vm13, $0xCF9, v34  }
0x11: {  	v0 =	vsel vm12, $0x100, v0;
	v3 =	vsel vm12, $0x2100, v3;
	v4 =	vsel vm12, $0x4100, v4  }
0x12: {  	v5 =	vsel vm12, $0x6100, v5;
	v23 =	vsel vm12, $0xD78, v21;
	v22 =	vsel vm12, $0x2D78, v22  }
0x13: {  	v34 =	vsel vm12, $0xD79, v34;
	v0 =	vsel vm11, $0x180, v0;
	v3 =	vsel vm11, $0x2180, v3  }
0x14: {  	v4 =	vsel vm11, $0x4180, v4;
	v5 =	vsel vm11, $0x6180, v5;
	v23 =	vsel vm11, $0xDF8, v23  }
0x15: {  	v24 =	vsel vm11, $0x2DF8, v22;
	v34 =	vsel vm11, $0xDF9, v34;
	v0 =	vsel vm10, $0x200, v0  }
0x16: {  	v3 =	vsel vm10, $0x2200, v3;
	v4 =	vsel vm10, $0x4200, v4;
	v5 =	vsel vm10, $0x6200, v5  }
0x17: {  	v25 =	vsel vm10, $0xE78, v23;
	v24 =	vsel vm10, $0x2E78, v24;
	v34 =	vsel vm10, $0xE79, v34  }
0x18: {  	v0 =	vsel vm9, $0x280, v0;
	v3 =	vsel vm9, $0x2280, v3;
	v4 =	vsel vm9, $0x4280, v4  }
0x19: {  	v5 =	vsel vm9, $0x6280, v5;
	v25 =	vsel vm9, $0xEF8, v25;
	v26 =	vsel vm9, $0x2EF8, v24  }
0x1a: {  	v34 =	vsel vm9, $0xEF9, v34;
	v0 =	vsel vm8, $0x300, v0;
	v3 =	vsel vm8, $0x2300, v3  }
0x1b: {  	v4 =	vsel vm8, $0x4300, v4;
	v5 =	vsel vm8, $0x6300, v5;
	v27 =	vsel vm8, $0xF78, v25  }
0x1c: {  	v26 =	vsel vm8, $0x2F78, v26;
	v34 =	vsel vm8, $0xF79, v34;
	v0 =	vsel vm7, $0x380, v0  }
0x1d: {  	v3 =	vsel vm7, $0x2380, v3;
	v4 =	vsel vm7, $0x4380, v4;
	v5 =	vsel vm7, $0x6380, v5  }
0x1e: {  	v27 =	vsel vm7, $0xFF8, v27;
	v28 =	vsel vm7, $0x2FF8, v26;
	v34 =	vsel vm7, $0xFF9, v34  }
0x1f: {  	v0 =	vsel vm6, $0x1000, v0;
	v3 =	vsel vm6, $0x3000, v3;
	v4 =	vsel vm6, $0x5000, v4  }
0x20: {  	v5 =	vsel vm6, $0x7000, v5;
	v29 =	vsel vm6, $0x1C78, v27;
	v28 =	vsel vm6, $0x3C78, v28  }
0x21: {  	v34 =	vsel vm6, $0x1C79, v34;
	v0 =	vsel vm5, $0x1080, v0;
	v3 =	vsel vm5, $0x3080, v3  }
0x22: {  	v4 =	vsel vm5, $0x5080, v4;
	v5 =	vsel vm5, $0x7080, v5;
	v29 =	vsel vm5, $0x1CF8, v29  }
0x23: {  	v30 =	vsel vm5, $0x3CF8, v28;
	v34 =	vsel vm5, $0x1CF9, v34;
	v0 =	vsel vm4, $0x1100, v0  }
0x24: {  	v3 =	vsel vm4, $0x3100, v3;
	v4 =	vsel vm4, $0x5100, v4;
	v5 =	vsel vm4, $0x7100, v5  }
0x25: {  	v31 =	vsel vm4, $0x1D78, v29;
	v30 =	vsel vm4, $0x3D78, v30;
	v34 =	vsel vm4, $0x1D79, v34  }
0x26: {  	v2 =	vsel vm3, $0x1180, v0;
	v0 =	vmul.u32 $0x80, v1;
	v3 =	vsel vm3, $0x3180, v3  }
0x27: {  	v4 =	vsel vm3, $0x5180, v4;
	v5 =	vsel vm3, $0x7180, v5;
	v31 =	vsel vm3, $0x1DF8, v31  }
0x28: {  	v32 =	vsel vm3, $0x3DF8, v30;
	v34 =	vsel vm3, $0x1DF9, v34;
	v1 =	vsel vm2, $0x1200, v2  }
0x29: {  	v3 =	vsel vm2, $0x3200, v3;
	v6 =	vsel vm2, $0x5200, v4;
	v5 =	vsel vm2, $0x7200, v5  }
0x2a: {  	v33 =	vsel vm2, $0x1E78, v31;
	v32 =	vsel vm2, $0x3E78, v32;
	v34 =	vsel vm2, $0x1E79, v34  }
0x2b: {  	v1 =	vsel vm1, $0x1280, v1;
	v2 =	vor.u32 $0x800, v0;
	v3 =	vsel vm1, $0x3280, v3  }
0x2c: {  	v4 =	vor.u32 $0x1000, v0;
	v6 =	vsel vm1, $0x5280, v6;
	v7 =	vsel vm1, $0x7280, v5  }
0x2d: {  	v8 =	vor.u32 $0x2000, v0;
	v9 =	vor.u32 $0x2800, v0;
	v10 =	vor.u32 $0x3000, v0  }
0x2e: {  	v11 =	vor.u32 $0x3800, v0;
	v12 =	vor.u32 $0x4000, v0;
	v13 =	vor.u32 $0x4800, v0  }
0x2f: {  	v14 =	vor.u32 $0x5000, v0;
	v15 =	vor.u32 $0x5800, v0;
	v16 =	vor.u32 $0x6000, v0  }
0x30: {  	v17 =	vor.u32 $0x6800, v0;
	v18 =	vor.u32 $0x7000, v0;
	v19 =	vor.u32 $0x7800, v0  }
0x31: {  	v20 =	vor.u32 $0x8000, v0;
	v21 =	vor.u32 $0x8800, v0;
	v22 =	vor.u32 $0x9000, v0  }
0x32: {  	v23 =	vor.u32 $0x9800, v0;
	v24 =	vor.u32 $0xA000, v0;
	v25 =	vor.u32 $0xA800, v0  }
0x33: {  	v26 =	vor.u32 $0xB000, v0;
	v27 =	vor.u32 $0xB800, v0;
	v28 =	vor.u32 $0xC000, v0  }
0x34: {  	v29 =	vor.u32 $0xC800, v0;
	v30 =	vor.u32 $0xD000, v0;
	v31 =	vor.u32 $0xD800, v0  }
0x35: {  	v33 =	vsel vm1, $0x1EF8, v33;
	v32 =	vsel vm1, $0x3EF8, v32;
	v50 =	vsel vm1, $0x1EF9, v34  }
0x36: {  	v34 =	vsel vm14, $0x6C79, v54;
	v54 =	vimm.s32 $0x5FFC;
	v35 =	vor.u32 $0xF800, v0  }
0x37: {  	v1 =	vsel vm0, $0x1300, v1;
	v3 =	vsel vm0, $0x3300, v3;
	v5 =	vsel vm0, $0x5300, v6  }
0x38: {  	v6 =	vor.u32 $0x1800, v0;
	v7 =	vsel vm0, $0x7300, v7;
	v33 =	vsel vm0, $0x1F78, v33  }
0x39: {  	v32 =	vsel vm0, $0x3F78, v32;
	v51 =	vsel vm0, $0x1F79, v50;
	v34 =	vsel vm13, $0x6CF9, v34;
	[tilespmem:$0x1FF80] =	vst v33  }
0x3a: {  	v50 =	vimm.s32 $0x1FFC;
	[tilespmem:$0x1FF90] =	vst v32;
	v32 =	vsel vm14, $0x4C78, v47;
	v33 =	vsel vm14, $0x6C78, v48  }
0x3b: {  	v34 =	vsel vm12, $0x6D79, v34;
	v48 =	vimm.s32 $0x5FFB;
	v32 =	vsel vm13, $0x4CF8, v32  }
0x3c: {  	v33 =	vsel vm13, $0x6CF8, v33;
	v34 =	vsel vm11, $0x6DF9, v34;
	v32 =	vsel vm12, $0x4D78, v32  }
0x3d: {  	v33 =	vsel vm12, $0x6D78, v33;
	v34 =	vsel vm10, $0x6E79, v34;
	v32 =	vsel vm11, $0x4DF8, v32  }
0x3e: {  	v33 =	vsel vm11, $0x6DF8, v33;
	v34 =	vsel vm9, $0x6EF9, v34;
	v32 =	vsel vm10, $0x4E78, v32  }
0x3f: {  	v33 =	vsel vm10, $0x6E78, v33;
	v34 =	vsel vm8, $0x6F79, v34;
	v32 =	vsel vm9, $0x4EF8, v32  }
0x40: {  	v33 =	vsel vm9, $0x6EF8, v33;
	v34 =	vsel vm7, $0x6FF9, v34;
	v32 =	vsel vm8, $0x4F78, v32  }
0x41: {  	v33 =	vsel vm8, $0x6F78, v33;
	v34 =	vsel vm6, $0x7C79, v34;
	v32 =	vsel vm7, $0x4FF8, v32  }
0x42: {  	v33 =	vsel vm7, $0x6FF8, v33;
	v34 =	vsel vm5, $0x7CF9, v34;
	v32 =	vsel vm6, $0x5C78, v32  }
0x43: {  	v33 =	vsel vm6, $0x7C78, v33;
	v34 =	vsel vm4, $0x7D79, v34;
	v32 =	vsel vm5, $0x5CF8, v32  }
0x44: {  	v33 =	vsel vm5, $0x7CF8, v33;
	v34 =	vsel vm3, $0x7DF9, v34;
	v32 =	vsel vm4, $0x5D78, v32  }
0x45: {  	v33 =	vsel vm4, $0x7D78, v33;
	v34 =	vsel vm2, $0x7E79, v34;
	v32 =	vsel vm3, $0x5DF8, v32  }
0x46: {  	v33 =	vsel vm3, $0x7DF8, v33;
	v56 =	vsel vm1, $0x7EF9, v34;
	v34 =	vsel vm14, $0x4C7A, v60  }
0x47: {  	v60 =	vimm.s32 $0x5FFD;
	v32 =	vsel vm2, $0x5E78, v32;
	v33 =	vsel vm2, $0x7E78, v33  }
0x48: {  	v57 =	vsel vm0, $0x7F79, v56;
	v34 =	vsel vm13, $0x4CFA, v34;
	v32 =	vsel vm1, $0x5EF8, v32  }
0x49: {  	v49 =	vsel vm1, $0x7EF8, v33;
	v33 =	vsel vm14, $0x4C79, v53;
	v34 =	vsel vm12, $0x4D7A, v34  }
0x4a: {  	v53 =	vimm.s32 $0x3FFC;
	v32 =	vsel vm0, $0x5F78, v32;
	v33 =	vsel vm13, $0x4CF9, v33  }
0x4b: {  	v34 =	vsel vm11, $0x4DFA, v34;
	[tilespmem:$0x1FFA0] =	vst v32;
	v32 =	vsel vm0, $0x7F78, v49;
	v33 =	vsel vm12, $0x4D79, v33  }
0x4c: {  	v34 =	vsel vm10, $0x4E7A, v34;
	v49 =	vimm.s32 $0x7FFB;
	[tilespmem:$0x1FFB0] =	vst v32;
	v32 =	vsel vm14, $0x2C79, v52  }
0x4d: {  	v33 =	vsel vm11, $0x4DF9, v33;
	v34 =	vsel vm9, $0x4EFA, v34;
	v32 =	vsel vm13, $0x2CF9, v32  }
0x4e: {  	v33 =	vsel vm10, $0x4E79, v33;
	v34 =	vsel vm8, $0x4F7A, v34;
	v32 =	vsel vm12, $0x2D79, v32  }
0x4f: {  	v33 =	vsel vm9, $0x4EF9, v33;
	v34 =	vsel vm7, $0x4FFA, v34;
	v32 =	vsel vm11, $0x2DF9, v32  }
0x50: {  	v33 =	vsel vm8, $0x4F79, v33;
	v34 =	vsel vm6, $0x5C7A, v34;
	v32 =	vsel vm10, $0x2E79, v32  }
0x51: {  	v33 =	vsel vm7, $0x4FF9, v33;
	v34 =	vsel vm5, $0x5CFA, v34;
	v32 =	vsel vm9, $0x2EF9, v32  }
0x52: {  	v33 =	vsel vm6, $0x5C79, v33;
	v34 =	vsel vm4, $0x5D7A, v34;
	v32 =	vsel vm8, $0x2F79, v32  }
0x53: {  	v33 =	vsel vm5, $0x5CF9, v33;
	v34 =	vsel vm3, $0x5DFA, v34;
	v32 =	vsel vm7, $0x2FF9, v32  }
0x54: {  	v33 =	vsel vm4, $0x5D79, v33;
	v34 =	vsel vm2, $0x5E7A, v34;
	v32 =	vsel vm6, $0x3C79, v32  }
0x55: {  	v33 =	vsel vm3, $0x5DF9, v33;
	v62 =	vsel vm1, $0x5EFA, v34;
	v34 =	vsel vm14, $0x2C7B, v37  }
0x56: {  	v37 =	vimm.s32 $0x3FFE;
	v32 =	vsel vm5, $0x3CF9, v32;
	v33 =	vsel vm2, $0x5E79, v33  }
0x57: {  	v42 =	vsel vm0, $0x5F7A, v62;
	v34 =	vsel vm13, $0x2CFB, v34;
	v32 =	vsel vm4, $0x3D79, v32  }
0x58: {  	v55 =	vsel vm1, $0x5EF9, v33;
	v33 =	vsel vm14, $0x2C7A, v59;
	v34 =	vsel vm12, $0x2D7B, v34  }
0x59: {  	v59 =	vimm.s32 $0x3FFD;
	v32 =	vsel vm3, $0x3DF9, v32;
	v33 =	vsel vm13, $0x2CFA, v33  }
0x5a: {  	v34 =	vsel vm11, $0x2DFB, v34;
	v32 =	vsel vm2, $0x3E79, v32;
	v33 =	vsel vm12, $0x2D7A, v33  }
0x5b: {  	v34 =	vsel vm10, $0x2E7B, v34;
	v32 =	vsel vm1, $0x3EF9, v32;
	v33 =	vsel vm11, $0x2DFA, v33  }
0x5c: {  	v34 =	vsel vm9, $0x2EFB, v34;
	v32 =	vsel vm0, $0x3F79, v32;
	v33 =	vsel vm10, $0x2E7A, v33  }
0x5d: {  	v34 =	vsel vm8, $0x2F7B, v34;
	[tilespmem:$0x1FFD0] =	vst v32;
	v32 =	vsel vm0, $0x5F79, v55;
	v33 =	vsel vm9, $0x2EFA, v33  }
0x5e: {  	v34 =	vsel vm7, $0x2FFB, v34;
	v55 =	vimm.s32 $0x7FFC;
	[tilespmem:$0x1FFE0] =	vst v32;
	v32 =	vsel vm14, $0xC7A, v58  }
0x5f: {  	v33 =	vsel vm8, $0x2F7A, v33;
	v34 =	vsel vm6, $0x3C7B, v34;
	v58 =	vimm.s32 $0x1FFD  }
0x60: {  	v32 =	vsel vm13, $0xCFA, v32;
	v33 =	vsel vm7, $0x2FFA, v33;
	v34 =	vsel vm5, $0x3CFB, v34  }
0x61: {  	v32 =	vsel vm12, $0xD7A, v32;
	v33 =	vsel vm6, $0x3C7A, v33;
	v34 =	vsel vm4, $0x3D7B, v34  }
0x62: {  	v32 =	vsel vm11, $0xDFA, v32;
	v33 =	vsel vm5, $0x3CFA, v33;
	v34 =	vsel vm3, $0x3DFB, v34  }
0x63: {  	v32 =	vsel vm10, $0xE7A, v32;
	v33 =	vsel vm4, $0x3D7A, v33;
	v34 =	vsel vm2, $0x3E7B, v34  }
0x64: {  	v32 =	vsel vm9, $0xEFA, v32;
	v33 =	vsel vm3, $0x3DFA, v33;
	v39 =	vsel vm1, $0x3EFB, v34  }
0x65: {  	v34 =	vsel vm14, $0xC7C, v50;
	v32 =	vsel vm8, $0xF7A, v32;
	v33 =	vsel vm2, $0x3E7A, v33  }
0x66: {  	v45 =	vsel vm0, $0x3F7B, v39;
	v34 =	vsel vm13, $0xCFC, v34;
	v32 =	vsel vm7, $0xFFA, v32  }
0x67: {  	v61 =	vsel vm1, $0x3EFA, v33;
	v33 =	vsel vm14, $0xC7B, v36;
	v34 =	vsel vm12, $0xD7C, v34  }
0x68: {  	v36 =	vimm.s32 $0x1FFE;
	v32 =	vsel vm6, $0x1C7A, v32;
	v41 =	vsel vm0, $0x3F7A, v61  }
0x69: {  	v33 =	vsel vm13, $0xCFB, v33;
	v34 =	vsel vm11, $0xDFC, v34;
	v32 =	vsel vm5, $0x1CFA, v32  }
0x6a: {  	v33 =	vsel vm12, $0xD7B, v33;
	v34 =	vsel vm10, $0xE7C, v34;
	v32 =	vsel vm4, $0x1D7A, v32  }
0x6b: {  	v33 =	vsel vm11, $0xDFB, v33;
	v34 =	vsel vm9, $0xEFC, v34;
	v32 =	vsel vm3, $0x1DFA, v32  }
0x6c: {  	v33 =	vsel vm10, $0xE7B, v33;
	v34 =	vsel vm8, $0xF7C, v34;
	v32 =	vsel vm2, $0x1E7A, v32  }
0x6d: {  	v33 =	vsel vm9, $0xEFB, v33;
	v34 =	vsel vm7, $0xFFC, v34;
	v32 =	vsel vm1, $0x1EFA, v32  }
0x6e: {  	v33 =	vsel vm8, $0xF7B, v33;
	v40 =	vsel vm0, $0x1F7A, v32;
	v32 =	vsel vm14, $0x6C7A, v63  }
0x6f: {  	v34 =	vsel vm6, $0x1C7C, v34;
	v33 =	vsel vm7, $0xFFB, v33;
	v32 =	vsel vm13, $0x6CFA, v32  }
0x70: {  	v34 =	vsel vm5, $0x1CFC, v34;
	v63 =	vimm.s32 $0x7FFD;
	v32 =	vsel vm12, $0x6D7A, v32  }
0x71: {  	v33 =	vsel vm6, $0x1C7B, v33;
	v34 =	vsel vm4, $0x1D7C, v34;
	v32 =	vsel vm11, $0x6DFA, v32  }
0x72: {  	v33 =	vsel vm5, $0x1CFB, v33;
	v34 =	vsel vm3, $0x1DFC, v34;
	v32 =	vsel vm10, $0x6E7A, v32  }
0x73: {  	v33 =	vsel vm4, $0x1D7B, v33;
	v34 =	vsel vm2, $0x1E7C, v34;
	v32 =	vsel vm9, $0x6EFA, v32  }
0x74: {  	v33 =	vsel vm3, $0x1DFB, v33;
	v52 =	vsel vm1, $0x1EFC, v34;
	v32 =	vsel vm8, $0x6F7A, v32  }
0x75: {  	v34 =	vsel vm14, $0x6C7C, v55;
	v33 =	vsel vm2, $0x1E7B, v33;
	v32 =	vsel vm7, $0x6FFA, v32  }
0x76: {  	v34 =	vsel vm13, $0x6CFC, v34;
	v38 =	vsel vm1, $0x1EFB, v33;
	v32 =	vsel vm6, $0x7C7A, v32  }
0x77: {  	v33 =	vsel vm14, $0x6C7B, v49;
	v34 =	vsel vm12, $0x6D7C, v34;
	v32 =	vsel vm5, $0x7CFA, v32  }
0x78: {  	v44 =	vsel vm0, $0x1F7B, v38;
	v33 =	vsel vm13, $0x6CFB, v33;
	v32 =	vsel vm4, $0x7D7A, v32  }
0x79: {  	v34 =	vsel vm11, $0x6DFC, v34;
	v33 =	vsel vm12, $0x6D7B, v33;
	v32 =	vsel vm3, $0x7DFA, v32  }
0x7a: {  	v34 =	vsel vm10, $0x6E7C, v34;
	v33 =	vsel vm11, $0x6DFB, v33;
	v32 =	vsel vm2, $0x7E7A, v32  }
0x7b: {  	v34 =	vsel vm9, $0x6EFC, v34;
	v33 =	vsel vm10, $0x6E7B, v33;
	v32 =	vsel vm1, $0x7EFA, v32  }
0x7c: {  	v34 =	vsel vm8, $0x6F7C, v34;
	v43 =	vsel vm0, $0x7F7A, v32;
	v32 =	vsel vm14, $0x4C7B, v48  }
0x7d: {  	v33 =	vsel vm9, $0x6EFB, v33;
	v34 =	vsel vm7, $0x6FFC, v34;
	v32 =	vsel vm13, $0x4CFB, v32  }
0x7e: {  	v33 =	vsel vm8, $0x6F7B, v33;
	v34 =	vsel vm6, $0x7C7C, v34;
	v32 =	vsel vm12, $0x4D7B, v32  }
0x7f: {  	v33 =	vsel vm7, $0x6FFB, v33;
	v34 =	vsel vm5, $0x7CFC, v34;
	v32 =	vsel vm11, $0x4DFB, v32  }
0x80: {  	v33 =	vsel vm6, $0x7C7B, v33;
	v48 =	vsel vm0, $0x1F7C, v52;
	v32 =	vsel vm10, $0x4E7B, v32  }
0x81: {  	v34 =	vsel vm4, $0x7D7C, v34;
	v33 =	vsel vm5, $0x7CFB, v33;
	v32 =	vsel vm9, $0x4EFB, v32  }
0x82: {  	v34 =	vsel vm3, $0x7DFC, v34;
	v33 =	vsel vm4, $0x7D7B, v33;
	v32 =	vsel vm8, $0x4F7B, v32  }
0x83: {  	v34 =	vsel vm2, $0x7E7C, v34;
	v33 =	vsel vm3, $0x7DFB, v33;
	v32 =	vsel vm7, $0x4FFB, v32  }
0x84: {  	[tilespmem:$0x1FFF0] =	vst v57;
	v57 =	vsel vm1, $0x7EFC, v34;
	v34 =	vsel vm14, $0x4C7D, v60;
	v32 =	vsel vm6, $0x5C7B, v32  }
0x85: {  	v60 =	vimm.s32 $0x1FFF;
	v33 =	vsel vm2, $0x7E7B, v33;
	v32 =	vsel vm5, $0x5CFB, v32  }
0x86: {  	[tilespmem:$0x1FFC0] =	vst v51;
	v34 =	vsel vm13, $0x4CFD, v34;
	v51 =	vsel vm1, $0x7EFB, v33;
	v32 =	vsel vm4, $0x5D7B, v32  }
0x87: {  	v33 =	vsel vm14, $0x4C7C, v54;
	v34 =	vsel vm12, $0x4D7D, v34;
	v32 =	vsel vm3, $0x5DFB, v32  }
0x88: {  	v47 =	vsel vm0, $0x7F7B, v51;
	v33 =	vsel vm13, $0x4CFC, v33;
	v32 =	vsel vm2, $0x5E7B, v32  }
0x89: {  	v51 =	vsel vm0, $0x7F7C, v57;
	v34 =	vsel vm11, $0x4DFD, v34;
	v32 =	vsel vm1, $0x5EFB, v32  }
0x8a: {  	v33 =	vsel vm12, $0x4D7C, v33;
	v46 =	vsel vm0, $0x5F7B, v32;
	v32 =	vsel vm14, $0x2C7C, v53  }
0x8b: {  	v34 =	vsel vm10, $0x4E7D, v34;
	v33 =	vsel vm11, $0x4DFC, v33;
	v32 =	vsel vm13, $0x2CFC, v32  }
0x8c: {  	v34 =	vsel vm9, $0x4EFD, v34;
	v33 =	vsel vm10, $0x4E7C, v33;
	v32 =	vsel vm12, $0x2D7C, v32  }
0x8d: {  	v34 =	vsel vm8, $0x4F7D, v34;
	v33 =	vsel vm9, $0x4EFC, v33;
	v32 =	vsel vm11, $0x2DFC, v32  }
0x8e: {  	v34 =	vsel vm7, $0x4FFD, v34;
	v33 =	vsel vm8, $0x4F7C, v33;
	v32 =	vsel vm10, $0x2E7C, v32  }
0x8f: {  	v34 =	vsel vm6, $0x5C7D, v34;
	v33 =	vsel vm7, $0x4FFC, v33;
	v32 =	vsel vm9, $0x2EFC, v32  }
0x90: {  	v34 =	vsel vm5, $0x5CFD, v34;
	v33 =	vsel vm6, $0x5C7C, v33;
	v32 =	vsel vm8, $0x2F7C, v32  }
0x91: {  	v34 =	vsel vm4, $0x5D7D, v34;
	v33 =	vsel vm5, $0x5CFC, v33;
	v32 =	vsel vm7, $0x2FFC, v32  }
0x92: {  	v34 =	vsel vm3, $0x5DFD, v34;
	v33 =	vsel vm4, $0x5D7C, v33;
	v32 =	vsel vm6, $0x3C7C, v32  }
0x93: {  	v34 =	vsel vm2, $0x5E7D, v34;
	v33 =	vsel vm3, $0x5DFC, v33;
	v32 =	vsel vm5, $0x3CFC, v32  }
0x94: {  	v62 =	vsel vm1, $0x5EFD, v34;
	v34 =	vsel vm14, $0x2C7E, v37;
	v32 =	vsel vm4, $0x3D7C, v32  }
0x95: {  	v37 =	vimm.s32 $0x7FFF;
	v33 =	vsel vm2, $0x5E7C, v33;
	v32 =	vsel vm3, $0x3DFC, v32  }
0x96: {  	v54 =	vsel vm0, $0x5F7D, v62;
	v34 =	vsel vm13, $0x2CFE, v34;
	v32 =	vsel vm2, $0x3E7C, v32  }
0x97: {  	v56 =	vsel vm1, $0x5EFC, v33;
	v33 =	vsel vm14, $0x2C7D, v59;
	v32 =	vsel vm1, $0x3EFC, v32  }
0x98: {  	v34 =	vsel vm12, $0x2D7E, v34;
	v49 =	vsel vm0, $0x3F7C, v32;
	v32 =	vsel vm14, $0xC7D, v58  }
0x99: {  	v59 =	vimm.s32 $0x7FFE;
	v33 =	vsel vm13, $0x2CFD, v33;
	v32 =	vsel vm13, $0xCFD, v32  }
0x9a: {  	v50 =	vsel vm0, $0x5F7C, v56;
	v33 =	vsel vm12, $0x2D7D, v33;
	v32 =	vsel vm12, $0xD7D, v32  }
0x9b: {  	v34 =	vsel vm11, $0x2DFE, v34;
	v33 =	vsel vm11, $0x2DFD, v33;
	v32 =	vsel vm11, $0xDFD, v32  }
0x9c: {  	v34 =	vsel vm10, $0x2E7E, v34;
	v33 =	vsel vm10, $0x2E7D, v33;
	v32 =	vsel vm10, $0xE7D, v32  }
0x9d: {  	v34 =	vsel vm9, $0x2EFE, v34;
	v33 =	vsel vm9, $0x2EFD, v33;
	v32 =	vsel vm9, $0xEFD, v32  }
0x9e: {  	v34 =	vsel vm8, $0x2F7E, v34;
	v33 =	vsel vm8, $0x2F7D, v33;
	v32 =	vsel vm8, $0xF7D, v32  }
0x9f: {  	v34 =	vsel vm7, $0x2FFE, v34;
	v33 =	vsel vm7, $0x2FFD, v33;
	v32 =	vsel vm7, $0xFFD, v32  }
0xa0: {  	v34 =	vsel vm6, $0x3C7E, v34;
	v33 =	vsel vm6, $0x3C7D, v33;
	v32 =	vsel vm6, $0x1C7D, v32  }
0xa1: {  	v34 =	vsel vm5, $0x3CFE, v34;
	v33 =	vsel vm5, $0x3CFD, v33;
	v32 =	vsel vm5, $0x1CFD, v32  }
0xa2: {  	v34 =	vsel vm4, $0x3D7E, v34;
	v33 =	vsel vm4, $0x3D7D, v33;
	v32 =	vsel vm4, $0x1D7D, v32  }
0xa3: {  	v34 =	vsel vm3, $0x3DFE, v34;
	v33 =	vsel vm3, $0x3DFD, v33;
	v32 =	vsel vm3, $0x1DFD, v32  }
0xa4: {  	v34 =	vsel vm2, $0x3E7E, v34;
	v33 =	vsel vm2, $0x3E7D, v33;
	v32 =	vsel vm2, $0x1E7D, v32  }
0xa5: {  	v58 =	vimm.s32 $0x5FFE;
	v61 =	vsel vm1, $0x3EFD, v33;
	v32 =	vsel vm1, $0x1EFD, v32  }
0xa6: {  	v33 =	vsel vm14, $0xC7E, v36;
	v52 =	vsel vm0, $0x1F7D, v32;
	v32 =	vsel vm14, $0x6C7D, v63  }
0xa7: {  	v39 =	vsel vm1, $0x3EFE, v34;
	v33 =	vsel vm13, $0xCFE, v33;
	v32 =	vsel vm13, $0x6CFD, v32  }
0xa8: {  	v34 =	vsel vm14, $0xC7F, v60;
	v33 =	vsel vm12, $0xD7E, v33;
	v32 =	vsel vm12, $0x6D7D, v32  }
0xa9: {  	v57 =	vsel vm0, $0x3F7E, v39;
	v33 =	vsel vm11, $0xDFE, v33;
	v32 =	vsel vm11, $0x6DFD, v32  }
0xaa: {  	v34 =	vsel vm13, $0xCFF, v34;
	v33 =	vsel vm10, $0xE7E, v33;
	v32 =	vsel vm10, $0x6E7D, v32  }
0xab: {  	v34 =	vsel vm12, $0xD7F, v34;
	v33 =	vsel vm9, $0xEFE, v33;
	v32 =	vsel vm9, $0x6EFD, v32  }
0xac: {  	v36 =	vimm.s32 $0x5FFF;
	v33 =	vsel vm8, $0xF7E, v33;
	v32 =	vsel vm8, $0x6F7D, v32  }
0xad: {  	v53 =	vsel vm0, $0x3F7D, v61;
	v33 =	vsel vm7, $0xFFE, v33;
	v32 =	vsel vm7, $0x6FFD, v32  }
0xae: {  	v34 =	vsel vm11, $0xDFF, v34;
	v33 =	vsel vm6, $0x1C7E, v33;
	v32 =	vsel vm6, $0x7C7D, v32  }
0xaf: {  	v34 =	vsel vm10, $0xE7F, v34;
	v33 =	vsel vm5, $0x1CFE, v33;
	v32 =	vsel vm5, $0x7CFD, v32  }
0xb0: {  	v34 =	vsel vm9, $0xEFF, v34;
	v33 =	vsel vm4, $0x1D7E, v33;
	v32 =	vsel vm4, $0x7D7D, v32  }
0xb1: {  	v34 =	vsel vm8, $0xF7F, v34;
	v33 =	vsel vm3, $0x1DFE, v33;
	v32 =	vsel vm3, $0x7DFD, v32  }
0xb2: {  	v34 =	vsel vm7, $0xFFF, v34;
	v33 =	vsel vm2, $0x1E7E, v33;
	v32 =	vsel vm2, $0x7E7D, v32  }
0xb3: {  	v34 =	vsel vm6, $0x1C7F, v34;
	v38 =	vsel vm1, $0x1EFE, v33;
	v32 =	vsel vm1, $0x7EFD, v32  }
0xb4: {  	v33 =	vsel vm14, $0x6C7E, v59;
	v55 =	vsel vm0, $0x7F7D, v32;
	v32 =	vsel vm14, $0x4C7E, v58  }
0xb5: {  	v34 =	vsel vm5, $0x1CFF, v34;
	v33 =	vsel vm13, $0x6CFE, v33;
	v32 =	vsel vm13, $0x4CFE, v32  }
0xb6: {  	v34 =	vsel vm4, $0x1D7F, v34;
	v33 =	vsel vm12, $0x6D7E, v33;
	v32 =	vsel vm12, $0x4D7E, v32  }
0xb7: {  	v34 =	vsel vm3, $0x1DFF, v34;
	v33 =	vsel vm11, $0x6DFE, v33;
	v32 =	vsel vm11, $0x4DFE, v32  }
0xb8: {  	v34 =	vsel vm2, $0x1E7F, v34;
	v33 =	vsel vm10, $0x6E7E, v33;
	v32 =	vsel vm10, $0x4E7E, v32  }
0xb9: {  	v62 =	vsel vm1, $0x1EFF, v34;
	v33 =	vsel vm9, $0x6EFE, v33;
	v32 =	vsel vm9, $0x4EFE, v32  }
0xba: {  	v63 =	vimm.s32 $0x3FFF;
	v33 =	vsel vm8, $0x6F7E, v33;
	v32 =	vsel vm8, $0x4F7E, v32  }
0xbb: {  	s0 =	rddreg [dreg:$0x0];
	v34 =	vsel vm14, $0x6C7F, v37;
	v33 =	vsel vm7, $0x6FFE, v33;
	v32 =	vsel vm7, $0x4FFE, v32  }
0xbc: {  	s2 =	rddreg [dreg:$0x1];
	v60 =	vsel vm0, $0x1F7F, v62;
	v33 =	vsel vm6, $0x7C7E, v33;
	v32 =	vsel vm6, $0x5C7E, v32  }
0xbd: {  	s3 =	rddreg [dreg:$0x2];
	v34 =	vsel vm13, $0x6CFF, v34;
	v33 =	vsel vm5, $0x7CFE, v33;
	v32 =	vsel vm5, $0x5CFE, v32  }
0xbe: {  	s25 =	rddreg [dreg:$0x3];
	v34 =	vsel vm12, $0x6D7F, v34;
	v33 =	vsel vm4, $0x7D7E, v33;
	v32 =	vsel vm4, $0x5D7E, v32  }
0xbf: {  	s1 =	rddreg [dreg:$0x4];
	v56 =	vsel vm0, $0x1F7E, v38;
	v33 =	vsel vm3, $0x7DFE, v33;
	v32 =	vsel vm3, $0x5DFE, v32  }
0xc0: {  	s4 =	rddreg [dreg:$0x5];
	v34 =	vsel vm11, $0x6DFF, v34;
	v33 =	vsel vm2, $0x7E7E, v33;
	v32 =	vsel vm2, $0x5E7E, v32  }
0xc1: {  	s5 =	rddreg [dreg:$0x6];
	v61 =	vsel vm1, $0x7EFE, v33;
	v33 =	vsel vm14, $0x4C7F, v36;
	v32 =	vsel vm1, $0x5EFE, v32  }
0xc2: {  	s6 =	srdreg.scid;
	s7 =	rddreg [dreg:$0x7];
	v33 =	vsel vm13, $0x4CFF, v33;
	v58 =	vsel vm0, $0x5F7E, v32;
	v32 =	vsel vm14, $0x2C7F, v63  }
0xc3: {  	s8 =	stileid.u32;
	s10 =	simm.s32 $0x0;
	s6 =	sand.u32 $0x1, s6;
	v34 =	vsel vm10, $0x6E7F, v34;
	v33 =	vsel vm12, $0x4D7F, v33;
	v32 =	vsel vm13, $0x2CFF, v32  }
0xc4: {  	s13 =	simm.s32 $0x400;
	s8 =	sshll.u32 s8, $0xA;
	s9 =	sshll.u32 s6, $0x9;
	v34 =	vsel vm9, $0x6EFF, v34;
	v33 =	vsel vm11, $0x4DFF, v33;
	v32 =	vsel vm12, $0x2D7F, v32  }
0xc5: {  	s14 =	simm.s32 $0x7A1400;
	s15 =	simm.s32 $0x200;
	s8 =	sor.u32 s9, s8;
	v34 =	vsel vm8, $0x6F7F, v34;
	v33 =	vsel vm10, $0x4E7F, v33;
	v32 =	vsel vm11, $0x2DFF, v32  }
0xc6: {  	s28 =	simm.s32 $0x4;
	s29 =	simm.s32 $0x5;
	s19 =	sshrl.u32 s8, $0x3;
	v34 =	vsel vm7, $0x6FFF, v34;
	v33 =	vsel vm9, $0x4EFF, v33;
	v32 =	vsel vm10, $0x2E7F, v32  }
0xc7: {  	s30 =	simm.s32 $0x6;
	[smem:$0x7FF] =	sst s10;
	s0 =	sadd.s32 s0, s19;
	v34 =	vsel vm6, $0x7C7F, v34;
	v33 =	vsel vm8, $0x4F7F, v33;
	v32 =	vsel vm9, $0x2EFF, v32  }
0xc8: {  	s20 =	sadd.s32 s4, s8;
	_ =	strace $0x80000047;
	[dreg:$0x9] =	wrdreg s0;
	v34 =	vsel vm5, $0x7CFF, v34;
	v33 =	vsel vm7, $0x4FFF, v33;
	v32 =	vsel vm8, $0x2F7F, v32  }
0xc9: {  	s31 =	simm.s32 $0x7;
	s21 =	sadd.s32 s2, s19;
	[dreg:$0xa] =	wrdreg s20;
	v34 =	vsel vm4, $0x7D7F, v34;
	v33 =	vsel vm6, $0x5C7F, v33;
	v32 =	vsel vm7, $0x2FFF, v32  }
0xca: {  	s6 =	ssub.s32 $0x2, s6;
	s22 =	sadd.s32 s5, s8;
	[dreg:$0xb] =	wrdreg s21;
	v34 =	vsel vm3, $0x7DFF, v34;
	v33 =	vsel vm5, $0x5CFF, v33;
	v32 =	vsel vm6, $0x3C7F, v32  }
0xcb: {  	s18 =	sshrl.u32 s6, $0x1;
	s23 =	sadd.s32 s3, s19;
	[dreg:$0xc] =	wrdreg s22;
	v34 =	vsel vm2, $0x7E7F, v34;
	v33 =	vsel vm4, $0x5D7F, v33;
	v32 =	vsel vm5, $0x3CFF, v32  }
0xcc: {  	s6 =	ssub.s32 s6, s18;
	s24 =	sadd.s32 s7, s8;
	[dreg:$0xd] =	wrdreg s23;
	v39 =	vsel vm1, $0x7EFF, v34;
	v33 =	vsel vm3, $0x5DFF, v33;
	v32 =	vsel vm4, $0x3D7F, v32  }
0xcd: {  	s4 =	simm.s32 $0x0;
	s26 =	smax.u32 s6, $0x1;
	[dreg:$0xe] =	wrdreg s24;
	v34 =	vor.u32 $0xF000, v0;
	v33 =	vsel vm2, $0x5E7F, v33;
	v32 =	vsel vm3, $0x3DFF, v32  }
0xce: {  	s19 =	simm.s32 $0xC200;
	s3 =	simm.s32 $0x8;
	[dreg:$0xf] =	wrdreg s26;
	v59 =	vsel vm0, $0x7F7E, v61;
	v38 =	vsel vm1, $0x5EFF, v33;
	v32 =	vsel vm2, $0x3E7F, v32  }
0xcf: {  	s20 =	simm.s32 $0x4200;
	s21 =	simm.s32 $0x6200;
	s22 =	simm.s32 $0x8200;
	v63 =	vsel vm0, $0x7F7F, v39;
	v33 =	vor.u32 $0xE800, v0;
	v32 =	vsel vm1, $0x3EFF, v32  }
0xd0: {  	s23 =	simm.s32 $0xA200;
	s24 =	simm.s32 $0x10200;
	s26 =	simm.s32 $0x3;
	v62 =	vsel vm0, $0x5F7F, v38;
	v61 =	vsel vm0, $0x3F7F, v32;
	v32 =	vor.u32 $0xE000, v0  }
.LBB2_1:
0xd1: {  	[dreg:$0x10] =	wrdreg s4  }
0xd2: {  	s2 =	simm.s32 $0x0;
	s0 =	rddreg [dreg:$0x9];
	s7 =	simm.s32 $0xA  }
0xd3: {  	[tilespmem:s2], [sflag:$0xA] =	stream.linear.gather [hbm4b:s0+s2], $0x200, $0x38;
	[tilespmem:$0x18200] =	vst v63  }
0xd4: {  	_ =	swait.ge [sflag:s7], $0x200  }
0xd5: {  	[sflag:s7] =	ssyncset.done $0x0  }
0xd6: {  	[sflag:s7] =	ssyncadd.s32 $0xFFFFFE00  }
0xd7: {  	v36 =	vld [tilespmem:$0x0];
	_ =	sdelay $0x4  }
0xd8: {  	(v2sf) =	vpush v36, $0x0;
	_ =	sdelay $0x1  }
0xd9: {  	(v2sf) =	vpush v36, $0x1;
	_ =	sdelay $0x2  }
0xda: {  	(v2sf) =	vpush v36, $0x2;
	_ =	sdelay $0x2  }
0xdb: {  	(v2sf) =	vpush v36, $0x3;
	_ =	sdelay $0x2  }
0xdc: {  	(v2sf) =	vpush v36, $0x4;
	_ =	sdelay $0x2  }
0xdd: {  	(v2sf) =	vpush v36, $0x5  }
0xde: {  	s8 =	spop (v2sf)  }
0xdf: {  	s0 =	sand.u32 $0xFFFFF80, s8  }
0xe0: {  	(v2sf) =	vpush v36, $0x6;
	s9 =	spop (v2sf);
	s0 =	sadd.s32 s25, s0  }
0xe1: {  	[tilespmem:s15], [sflag:$0x1] =	stream.strided.gather [hbm4b:s0+s13], $0x2000, s14, s13, $0x38;
	[tilespmem:$0x18200] =	vst v63  }
0xe2: {  	s0 =	sand.u32 $0xFFFFF80, s9  }
0xe3: {  	s10 =	simm.s32 $0x2200;
	(v2sf) =	vpush v36, $0x7;
	s11 =	spop (v2sf);
	s0 =	sadd.s32 s25, s0  }
0xe4: {  	[tilespmem:s10], [sflag:$0x2] =	stream.strided.gather [hbm4b:s0+s13], $0x2000, s14, s13, $0x38;
	[tilespmem:$0x18200] =	vst v63  }
0xe5: {  	s0 =	sand.u32 $0xFFFFF80, s11  }
0xe6: {  	s12 =	spop (v2sf);
	s0 =	sadd.s32 s25, s0  }
0xe7: {  	[tilespmem:s20], [sflag:$0x3] =	stream.strided.gather [hbm4b:s0+s13], $0x2000, s14, s13, $0x38;
	[tilespmem:$0x18200] =	vst v63  }
0xe8: {  	s0 =	sand.u32 $0xFFFFF80, s12  }
0xe9: {  	s16 =	spop (v2sf);
	s0 =	sadd.s32 s25, s0  }
0xea: {  	[tilespmem:s21], [sflag:$0x4] =	stream.strided.gather [hbm4b:s0+s13], $0x2000, s14, s13, $0x38;
	[tilespmem:$0x18200] =	vst v63  }
0xeb: {  	s0 =	sand.u32 $0xFFFFF80, s16  }
0xec: {  	s17 =	spop (v2sf);
	s0 =	sadd.s32 s25, s0  }
0xed: {  	[tilespmem:s22], [sflag:$0x5] =	stream.strided.gather [hbm4b:s0+s13], $0x2000, s14, s13, $0x38;
	[tilespmem:$0x18200] =	vst v63  }
0xee: {  	s0 =	sand.u32 $0xFFFFF80, s17  }
0xef: {  	s18 =	spop (v2sf);
	s0 =	sadd.s32 s25, s0  }
0xf0: {  	[tilespmem:s23], [sflag:$0x6] =	stream.strided.gather [hbm4b:s0+s13], $0x2000, s14, s13, $0x38;
	[tilespmem:$0x18200] =	vst v63  }
0xf1: {  	s0 =	sand.u32 $0xFFFFF80, s18  }
0xf2: {  	s4 =	spop (v2sf);
	s0 =	sadd.s32 s25, s0  }
0xf3: {  	[tilespmem:s19], [sflag:$0x7] =	stream.strided.gather [hbm4b:s0+s13], $0x2000, s14, s13, $0x38;
	[tilespmem:$0x18200] =	vst v63  }
0xf4: {  	s0 =	sand.u32 $0xFFFFF80, s4  }
0xf5: {  	s5 =	simm.s32 $0xE200;
	s0 =	sadd.s32 s25, s0  }
0xf6: {  	[tilespmem:s5], [sflag:$0x8] =	stream.strided.gather [hbm4b:s0+s13], $0x2000, s14, s13, $0x38;
	[tilespmem:$0x18200] =	vst v63  }
0xf7: {  	v36 =	vld [tilespmem:s2+$0x0];
	_ =	sdelay $0x4  }
0xf8: {  	(v2sf) =	vpush v36, $0x0  }
0xf9: {  	(v2sf) =	vpush v36, $0x8  }
0xfa: {  	(v2sf) =	vpush v36, $0x1  }
0xfb: {  	(v2sf) =	vpush v36, $0x9;
	_ =	sdelay $0x3  }
0xfc: {  	(v2sf) =	vpush v36, $0x2  }
0xfd: {  	(v2sf) =	vpush v36, $0xA  }
0xfe: {  	(v2sf) =	vpush v36, $0x3  }
0xff: {  	(v2sf) =	vpush v36, $0xB  }
0x100: {  	(v2sf) =	vpush v36, $0x4  }
0x101: {  	(v2sf) =	vpush v36, $0xC  }
0x102: {  	(v2sf) =	vpush v36, $0x5  }
0x103: {  	(v2sf) =	vpush v36, $0xD  }
0x104: {  	(v2sf) =	vpush v36, $0x6;
	s6 =	spop (v2sf)  }
0x105: {  	(v2sf) =	vpush v36, $0xE;
	s0 =	sand.u32 $0x7F, s6;
	s7 =	spop (v2sf)  }
0x106: {  	s5 =	simm.s32 $0x0;
	(v2sf) =	vpush v36, $0x7;
	v37 =	vor.u32 s0, v0;
	s4 =	spop (v2sf)  }
0x107: {  	s18 =	simm.s32 $0x1;
	(v2sf) =	vpush v36, $0xF;
	v36 =	vmov s5;
	s16 =	spop (v2sf)  }
0x108: {  	v38 =	vshll.u32 v36, $0x3;
	_ =	swait.ge [sflag:s18], $0x2000  }
0x109: {  	v36 =	vand.u32 $0x78, v36;
	v38 =	vand.u32 $0xC00, v38;
	[sflag:s18] =	ssyncset.done $0x0  }
0x10a: {  	v36 =	vor.u32 v36, v38;
	[sflag:s18] =	ssyncadd.s32 $0xFFFFE000  }
0x10b: {  	v38 =	vor.u32 v1, v36;
	v37 =	vld.idx.msk [tilespmem:v37+s15+$0x0], $0xffff  }
0x10c: {  	v39 =	vor.u32 s0, v2;
	_ =	sdelay $0x3  }
0x10d: {  	[tilespmem:v38+s24+$0x0] =	vst.idx.msk $0xffff, v37  }
0x10e: {  	v38 =	vor.u32 v3, v36;
	v37 =	vld.idx.msk [tilespmem:v39+s15+$0x0], $0xffff  }
0x10f: {  	v39 =	vor.u32 s0, v4;
	_ =	sdelay $0x3  }
0x110: {  	[tilespmem:v38+s24+$0x0] =	vst.idx.msk $0xffff, v37  }
0x111: {  	v38 =	vor.u32 v5, v36;
	v37 =	vld.idx.msk [tilespmem:v39+s15+$0x0], $0xffff  }
0x112: {  	s17 =	spop (v2sf);
	v39 =	vor.u32 s0, v6  }
0x113: {  	s5 =	spop (v2sf)  }
0x114: {  	s12 =	spop (v2sf)  }
0x115: {  	s10 =	spop (v2sf)  }
0x116: {  	s11 =	spop (v2sf);
	[tilespmem:v38+s24+$0x0] =	vst.idx.msk $0xffff, v37  }
0x117: {  	s8 =	spop (v2sf);
	v36 =	vor.u32 v7, v36;
	v37 =	vld.idx.msk [tilespmem:v39+s15+$0x0], $0xffff  }
0x118: {  	s9 =	spop (v2sf)  }
0x119: {  	s6 =	spop (v2sf)  }
0x11a: {  	s2 =	sand.u32 $0xFFFFF80, s7;
	s7 =	spop (v2sf)  }
0x11b: {  	s2 =	sadd.s32 s25, s2;
	s18 =	sand.u32 $0x7F, s4;
	s4 =	spop (v2sf)  }
0x11c: {  	[dreg:$0x11] =	wrdreg s4;
	s4 =	spop (v2sf);
	s0 =	simm.s32 $0x1;
	[tilespmem:v36+s24+$0x0] =	vst.idx.msk $0xffff, v37  }
0x11d: {  	v36 =	vor.u32 s18, v8;
	[tilespmem:s15], [sflag:$0x1] =	stream.strided.gather [hbm4b:s2+s13], $0x2000, s14, s13, $0x38;
	[tilespmem:$0x18200] =	vst v63  }
0x11e: {  	v37 =	vmov s0;
	s0 =	simm.s32 $0x2;
	s2 =	spop (v2sf)  }
0x11f: {  	v38 =	vshll.u32 v37, $0x3;
	_ =	swait.ge [sflag:s0], $0x2000  }
0x120: {  	v37 =	vand.u32 $0x79, v37;
	v38 =	vand.u32 $0xC00, v38;
	[sflag:s0] =	ssyncset.done $0x0  }
0x121: {  	v37 =	vor.u32 v37, v38;
	[sflag:s0] =	ssyncadd.s32 $0xFFFFE000  }
0x122: {  	v38 =	vor.u32 v1, v37;
	v36 =	vld.idx.msk [tilespmem:v36+s15+$0x0], $0xffff  }
0x123: {  	v39 =	vor.u32 s18, v9;
	_ =	sdelay $0x3  }
0x124: {  	[tilespmem:v38+s24+$0x0] =	vst.idx.msk $0xffff, v36  }
0x125: {  	v38 =	vor.u32 v3, v37;
	v36 =	vld.idx.msk [tilespmem:v39+s15+$0x0], $0xffff  }
0x126: {  	v39 =	vor.u32 s18, v10;
	_ =	sdelay $0x3  }
0x127: {  	[tilespmem:v38+s24+$0x0] =	vst.idx.msk $0xffff, v36  }
0x128: {  	v38 =	vor.u32 v5, v37;
	v36 =	vld.idx.msk [tilespmem:v39+s15+$0x0], $0xffff  }
0x129: {  	v39 =	vor.u32 s18, v11;
	_ =	sdelay $0x3  }
0x12a: {  	[tilespmem:v38+s24+$0x0] =	vst.idx.msk $0xffff, v36  }
0x12b: {  	v37 =	vor.u32 v7, v37;
	v36 =	vld.idx.msk [tilespmem:v39+s15+$0x0], $0xffff;
	_ =	sdelay $0x3  }
0x12c: {  	s16 =	sand.u32 $0xFFFFF80, s16;
	s17 =	sand.u32 $0x7F, s17  }
0x12d: {  	s16 =	sadd.s32 s25, s16;
	s0 =	simm.s32 $0x2200;
	s18 =	simm.s32 $0x2;
	[tilespmem:v37+s24+$0x0] =	vst.idx.msk $0xffff, v36;
	v36 =	vor.u32 s17, v12  }
0x12e: {  	v37 =	vmov s18;
	[tilespmem:s0], [sflag:$0x2] =	stream.strided.gather [hbm4b:s16+s13], $0x2000, s14, s13, $0x38;
	[tilespmem:$0x18200] =	vst v63  }
0x12f: {  	v38 =	vshll.u32 v37, $0x3;
	_ =	swait.ge [sflag:s26], $0x2000  }
0x130: {  	v37 =	vand.u32 $0x7A, v37;
	v38 =	vand.u32 $0xC00, v38;
	[sflag:s26] =	ssyncset.done $0x0  }
0x131: {  	v37 =	vor.u32 v37, v38;
	[sflag:s26] =	ssyncadd.s32 $0xFFFFE000  }
0x132: {  	v38 =	vor.u32 v1, v37;
	v36 =	vld.idx.msk [tilespmem:v36+s15+$0x0], $0xffff  }
0x133: {  	v39 =	vor.u32 s17, v13;
	_ =	sdelay $0x3  }
0x134: {  	[tilespmem:v38+s24+$0x0] =	vst.idx.msk $0xffff, v36  }
0x135: {  	v38 =	vor.u32 v3, v37;
	v36 =	vld.idx.msk [tilespmem:v39+s15+$0x0], $0xffff  }
0x136: {  	v39 =	vor.u32 s17, v14;
	_ =	sdelay $0x3  }
0x137: {  	[tilespmem:v38+s24+$0x0] =	vst.idx.msk $0xffff, v36  }
0x138: {  	v38 =	vor.u32 v5, v37;
	v36 =	vld.idx.msk [tilespmem:v39+s15+$0x0], $0xffff  }
0x139: {  	v39 =	vor.u32 s17, v15;
	_ =	sdelay $0x3  }
0x13a: {  	[tilespmem:v38+s24+$0x0] =	vst.idx.msk $0xffff, v36  }
0x13b: {  	v37 =	vor.u32 v7, v37;
	v36 =	vld.idx.msk [tilespmem:v39+s15+$0x0], $0xffff;
	_ =	sdelay $0x3  }
0x13c: {  	s12 =	sand.u32 $0x7F, s12;
	s17 =	sand.u32 $0xFFFFF80, s5  }
0x13d: {  	s18 =	simm.s32 $0x3;
	s0 =	sadd.s32 s25, s17;
	[tilespmem:v37+s24+$0x0] =	vst.idx.msk $0xffff, v36;
	v36 =	vor.u32 s12, v16  }
0x13e: {  	v37 =	vmov s18;
	[tilespmem:s20], [sflag:$0x3] =	stream.strided.gather [hbm4b:s0+s13], $0x2000, s14, s13, $0x38;
	[tilespmem:$0x18200] =	vst v63  }
0x13f: {  	v38 =	vshll.u32 v37, $0x3;
	_ =	swait.ge [sflag:s28], $0x2000  }
0x140: {  	v37 =	vand.u32 $0x7B, v37;
	v38 =	vand.u32 $0xC00, v38;
	[sflag:s28] =	ssyncset.done $0x0  }
0x141: {  	v37 =	vor.u32 v37, v38;
	[sflag:s28] =	ssyncadd.s32 $0xFFFFE000  }
0x142: {  	v38 =	vor.u32 v1, v37;
	v36 =	vld.idx.msk [tilespmem:v36+s15+$0x0], $0xffff  }
0x143: {  	v39 =	vor.u32 s12, v17;
	_ =	sdelay $0x3  }
0x144: {  	[tilespmem:v38+s24+$0x0] =	vst.idx.msk $0xffff, v36  }
0x145: {  	v38 =	vor.u32 v3, v37;
	v36 =	vld.idx.msk [tilespmem:v39+s15+$0x0], $0xffff  }
0x146: {  	v39 =	vor.u32 s12, v18;
	_ =	sdelay $0x3  }
0x147: {  	[tilespmem:v38+s24+$0x0] =	vst.idx.msk $0xffff, v36  }
0x148: {  	v38 =	vor.u32 v5, v37;
	v36 =	vld.idx.msk [tilespmem:v39+s15+$0x0], $0xffff  }
0x149: {  	v39 =	vor.u32 s12, v19;
	_ =	sdelay $0x3  }
0x14a: {  	[tilespmem:v38+s24+$0x0] =	vst.idx.msk $0xffff, v36  }
0x14b: {  	v37 =	vor.u32 v7, v37;
	v36 =	vld.idx.msk [tilespmem:v39+s15+$0x0], $0xffff;
	_ =	sdelay $0x3  }
0x14c: {  	s26 =	sand.u32 $0xFFFFF80, s10;
	s5 =	sand.u32 $0x7F, s11  }
0x14d: {  	s0 =	sadd.s32 s25, s26;
	s12 =	simm.s32 $0x4;
	[tilespmem:v37+s24+$0x0] =	vst.idx.msk $0xffff, v36;
	v36 =	vor.u32 s5, v20  }
0x14e: {  	v37 =	vmov s12;
	[tilespmem:s21], [sflag:$0x4] =	stream.strided.gather [hbm4b:s0+s13], $0x2000, s14, s13, $0x38;
	[tilespmem:$0x18200] =	vst v63  }
0x14f: {  	v38 =	vshll.u32 v37, $0x3;
	_ =	swait.ge [sflag:s29], $0x2000  }
0x150: {  	v37 =	vand.u32 $0x7C, v37;
	v38 =	vand.u32 $0xC00, v38;
	[sflag:s29] =	ssyncset.done $0x0  }
0x151: {  	v37 =	vor.u32 v37, v38;
	[sflag:s29] =	ssyncadd.s32 $0xFFFFE000  }
0x152: {  	v38 =	vor.u32 v1, v37;
	v36 =	vld.idx.msk [tilespmem:v36+s15+$0x0], $0xffff  }
0x153: {  	v39 =	vor.u32 s5, v21;
	_ =	sdelay $0x3  }
0x154: {  	[tilespmem:v38+s24+$0x0] =	vst.idx.msk $0xffff, v36  }
0x155: {  	v38 =	vor.u32 v3, v37;
	v36 =	vld.idx.msk [tilespmem:v39+s15+$0x0], $0xffff  }
0x156: {  	v39 =	vor.u32 s5, v22;
	_ =	sdelay $0x3  }
0x157: {  	[tilespmem:v38+s24+$0x0] =	vst.idx.msk $0xffff, v36  }
0x158: {  	v38 =	vor.u32 v5, v37;
	v36 =	vld.idx.msk [tilespmem:v39+s15+$0x0], $0xffff  }
0x159: {  	v39 =	vor.u32 s5, v23;
	_ =	sdelay $0x3  }
0x15a: {  	[tilespmem:v38+s24+$0x0] =	vst.idx.msk $0xffff, v36  }
0x15b: {  	v37 =	vor.u32 v7, v37;
	v36 =	vld.idx.msk [tilespmem:v39+s15+$0x0], $0xffff;
	_ =	sdelay $0x3  }
0x15c: {  	s16 =	sand.u32 $0xFFFFF80, s8;
	s17 =	sand.u32 $0x7F, s9  }
0x15d: {  	s18 =	simm.s32 $0x5;
	s0 =	sadd.s32 s25, s16;
	[tilespmem:v37+s24+$0x0] =	vst.idx.msk $0xffff, v36;
	v36 =	vor.u32 s17, v24  }
0x15e: {  	v37 =	vmov s18;
	[tilespmem:s22], [sflag:$0x5] =	stream.strided.gather [hbm4b:s0+s13], $0x2000, s14, s13, $0x38;
	[tilespmem:$0x18200] =	vst v63  }
0x15f: {  	v38 =	vshll.u32 v37, $0x3;
	_ =	swait.ge [sflag:s30], $0x2000  }
0x160: {  	v37 =	vand.u32 $0x7D, v37;
	v38 =	vand.u32 $0xC00, v38;
	[sflag:s30] =	ssyncset.done $0x0  }
0x161: {  	v37 =	vor.u32 v37, v38;
	[sflag:s30] =	ssyncadd.s32 $0xFFFFE000  }
0x162: {  	v38 =	vor.u32 v1, v37;
	v36 =	vld.idx.msk [tilespmem:v36+s15+$0x0], $0xffff  }
0x163: {  	v39 =	vor.u32 s17, v25;
	_ =	sdelay $0x3  }
0x164: {  	[tilespmem:v38+s24+$0x0] =	vst.idx.msk $0xffff, v36  }
0x165: {  	v38 =	vor.u32 v3, v37;
	v36 =	vld.idx.msk [tilespmem:v39+s15+$0x0], $0xffff  }
0x166: {  	v39 =	vor.u32 s17, v26;
	_ =	sdelay $0x3  }
0x167: {  	[tilespmem:v38+s24+$0x0] =	vst.idx.msk $0xffff, v36  }
0x168: {  	v38 =	vor.u32 v5, v37;
	v36 =	vld.idx.msk [tilespmem:v39+s15+$0x0], $0xffff  }
0x169: {  	v39 =	vor.u32 s17, v27;
	_ =	sdelay $0x3  }
0x16a: {  	[tilespmem:v38+s24+$0x0] =	vst.idx.msk $0xffff, v36  }
0x16b: {  	v37 =	vor.u32 v7, v37;
	v36 =	vld.idx.msk [tilespmem:v39+s15+$0x0], $0xffff;
	_ =	sdelay $0x3  }
0x16c: {  	s20 =	sand.u32 $0xFFFFF80, s6;
	s21 =	sand.u32 $0x7F, s7  }
0x16d: {  	s0 =	sadd.s32 s25, s20;
	s22 =	simm.s32 $0x6;
	[tilespmem:v37+s24+$0x0] =	vst.idx.msk $0xffff, v36;
	v36 =	vor.u32 s21, v28  }
0x16e: {  	v37 =	vmov s22;
	[tilespmem:s23], [sflag:$0x6] =	stream.strided.gather [hbm4b:s0+s13], $0x2000, s14, s13, $0x38;
	[tilespmem:$0x18200] =	vst v63  }
0x16f: {  	v38 =	vshll.u32 v37, $0x3;
	_ =	swait.ge [sflag:s31], $0x2000  }
0x170: {  	v37 =	vand.u32 $0x7E, v37;
	v38 =	vand.u32 $0xC00, v38;
	[sflag:s31] =	ssyncset.done $0x0  }
0x171: {  	v37 =	vor.u32 v37, v38;
	[sflag:s31] =	ssyncadd.s32 $0xFFFFE000  }
0x172: {  	v38 =	vor.u32 v1, v37;
	v36 =	vld.idx.msk [tilespmem:v36+s15+$0x0], $0xffff  }
0x173: {  	v39 =	vor.u32 s21, v29;
	_ =	sdelay $0x3  }
0x174: {  	[tilespmem:v38+s24+$0x0] =	vst.idx.msk $0xffff, v36  }
0x175: {  	v38 =	vor.u32 v3, v37;
	v36 =	vld.idx.msk [tilespmem:v39+s15+$0x0], $0xffff  }
0x176: {  	v39 =	vor.u32 s21, v30;
	_ =	sdelay $0x3  }
0x177: {  	[tilespmem:v38+s24+$0x0] =	vst.idx.msk $0xffff, v36  }
0x178: {  	v38 =	vor.u32 v5, v37;
	v36 =	vld.idx.msk [tilespmem:v39+s15+$0x0], $0xffff  }
0x179: {  	v39 =	vor.u32 s21, v31;
	_ =	sdelay $0x3  }
0x17a: {  	[tilespmem:v38+s24+$0x0] =	vst.idx.msk $0xffff, v36  }
0x17b: {  	v37 =	vor.u32 v7, v37;
	v36 =	vld.idx.msk [tilespmem:v39+s15+$0x0], $0xffff;
	_ =	sdelay $0x2  }
0x17c: {  	s23 =	rddreg [dreg:$0x11]  }
0x17d: {  	s4 =	sand.u32 $0x7F, s4;
	s0 =	sand.u32 $0xFFFFF80, s23  }
0x17e: {  	s0 =	sadd.s32 s25, s0;
	[tilespmem:v37+s24+$0x0] =	vst.idx.msk $0xffff, v36;
	v36 =	vor.u32 s4, v32  }
0x17f: {  	v37 =	vmov s31;
	[tilespmem:s19], [sflag:$0x7] =	stream.strided.gather [hbm4b:s0+s13], $0x2000, s14, s13, $0x38;
	[tilespmem:$0x18200] =	vst v63  }
0x180: {  	v38 =	vshll.u32 v37, $0x3;
	_ =	swait.ge [sflag:s3], $0x2000  }
0x181: {  	v37 =	vand.u32 $0x7F, v37;
	v38 =	vand.u32 $0xC00, v38;
	[sflag:s3] =	ssyncset.done $0x0  }
0x182: {  	v37 =	vor.u32 v37, v38;
	[sflag:s3] =	ssyncadd.s32 $0xFFFFE000  }
0x183: {  	v38 =	vor.u32 v1, v37;
	v36 =	vld.idx.msk [tilespmem:v36+s15+$0x0], $0xffff  }
0x184: {  	v39 =	vor.u32 s4, v33;
	_ =	sdelay $0x3  }
0x185: {  	[tilespmem:v38+s24+$0x0] =	vst.idx.msk $0xffff, v36  }
0x186: {  	v38 =	vor.u32 v3, v37;
	v36 =	vld.idx.msk [tilespmem:v39+s15+$0x0], $0xffff  }
0x187: {  	v39 =	vor.u32 s4, v34;
	_ =	sdelay $0x3  }
0x188: {  	[tilespmem:v38+s24+$0x0] =	vst.idx.msk $0xffff, v36  }
0x189: {  	v38 =	vor.u32 v5, v37;
	v36 =	vld.idx.msk [tilespmem:v39+s15+$0x0], $0xffff  }
0x18a: {  	v39 =	vor.u32 s4, v35;
	_ =	sdelay $0x3  }
0x18b: {  	[tilespmem:v38+s24+$0x0] =	vst.idx.msk $0xffff, v36  }
0x18c: {  	v37 =	vor.u32 v7, v37;
	v36 =	vld.idx.msk [tilespmem:v39+s15+$0x0], $0xffff;
	_ =	sdelay $0x3  }
0x18d: {  	s26 =	sand.u32 $0xFFFFF80, s2  }
0x18e: {  	s8 =	simm.s32 $0x8;
	s7 =	simm.s32 $0xF;
	s0 =	sadd.s32 s25, s26;
	[tilespmem:v37+s24+$0x0] =	vst.idx.msk $0xffff, v36  }
.LBB2_2:
0x18f: {  	s2 =	simm.s32 $0xE200  }
0x190: {  	[tilespmem:s2], [sflag:$0x8] =	stream.strided.gather [hbm4b:s0+s13], $0x2000, s14, s13, $0x38;
	[tilespmem:$0x18200] =	vst v63  }
0x191: {  	p0 =	sne.s32 s7, $0x1F7;
	s9 =	smov.u32 s7;
	s7 =	sadd.s32 $0x8, s7;
	v36 =	vld [tilespmem:s8+$0x0]  }
0x192: {  	_ =	sdelay $0x3  }
0x193: {  	(v2sf) =	vpush v36, $0x0  }
0x194: {  	(v2sf) =	vpush v36, $0x8  }
0x195: {  	(v2sf) =	vpush v36, $0x1  }
0x196: {  	(v2sf) =	vpush v36, $0x9  }
0x197: {  	(v2sf) =	vpush v36, $0x2  }
0x198: {  	(v2sf) =	vpush v36, $0xA  }
0x199: {  	(v2sf) =	vpush v36, $0x3  }
0x19a: {  	(v2sf) =	vpush v36, $0xB  }
0x19b: {  	(v2sf) =	vpush v36, $0x4  }
0x19c: {  	(v2sf) =	vpush v36, $0xC  }
0x19d: {  	(v2sf) =	vpush v36, $0x5  }
0x19e: {  	(v2sf) =	vpush v36, $0xD  }
0x19f: {  	(v2sf) =	vpush v36, $0x6  }
0x1a0: {  	(v2sf) =	vpush v36, $0xE  }
0x1a1: {  	(v2sf) =	vpush v36, $0x7  }
0x1a2: {  	s0 =	spop (v2sf);
	(v2sf) =	vpush v36, $0xF  }
0x1a3: {  	s23 =	sand.u32 $0x7F, s0;
	s0 =	spop (v2sf)  }
0x1a4: {  	s5 =	simm.s32 $0x1;
	v36 =	vor.u32 s23, v0;
	s0 =	sand.u32 $0xFFFFF80, s0;
	s2 =	spop (v2sf)  }
0x1a5: {  	s4 =	sadd.s32 $0xFFFFFFF9, s9;
	s22 =	sand.u32 $0x7F, s2;
	s2 =	spop (v2sf)  }
0x1a6: {  	_ =	swait.ge [sflag:s5], $0x2000  }
0x1a7: {  	v37 =	vmov s4;
	s21 =	sand.u32 $0xFFFFF80, s2;
	s2 =	spop (v2sf)  }
0x1a8: {  	v38 =	vshll.u32 v37, $0x3;
	[sflag:s5] =	ssyncset.done $0x0;
	s20 =	sand.u32 $0x7F, s2;
	s2 =	spop (v2sf)  }
0x1a9: {  	v37 =	vand.u32 $0x78, v37;
	v38 =	vand.u32 $0xC00, v38;
	[sflag:s5] =	ssyncadd.s32 $0xFFFFE000;
	s19 =	sand.u32 $0xFFFFF80, s2;
	s2 =	spop (v2sf)  }
0x1aa: {  	v37 =	vor.u32 v37, v38;
	v36 =	vld.idx.msk [tilespmem:v36+s15+$0x0], $0xffff;
	s18 =	sand.u32 $0x7F, s2;
	s2 =	spop (v2sf)  }
0x1ab: {  	v38 =	vor.u32 v1, v37;
	s17 =	sand.u32 $0xFFFFF80, s2;
	s2 =	spop (v2sf)  }
0x1ac: {  	v39 =	vor.u32 s23, v2;
	s16 =	sand.u32 $0x7F, s2;
	s2 =	spop (v2sf)  }
0x1ad: {  	s6 =	sand.u32 $0xFFFFF80, s2;
	s2 =	spop (v2sf)  }
0x1ae: {  	s5 =	sand.u32 $0x7F, s2;
	s2 =	spop (v2sf)  }
0x1af: {  	s11 =	sand.u32 $0xFFFFF80, s2;
	s2 =	spop (v2sf)  }
0x1b0: {  	[tilespmem:v38+s24+$0x0] =	vst.idx.msk $0xffff, v36;
	s4 =	sand.u32 $0x7F, s2;
	s2 =	spop (v2sf)  }
0x1b1: {  	v36 =	vld.idx.msk [tilespmem:v39+s15+$0x0], $0xffff;
	s2 =	sand.u32 $0xFFFFF80, s2;
	s10 =	spop (v2sf)  }
0x1b2: {  	v38 =	vor.u32 v3, v37;
	s12 =	sand.u32 $0x7F, s10;
	s10 =	spop (v2sf)  }
0x1b3: {  	v39 =	vor.u32 s23, v4;
	s10 =	sand.u32 $0xFFFFF80, s10;
	_ =	sdelay $0x3  }
0x1b4: {  	[tilespmem:v38+s24+$0x0] =	vst.idx.msk $0xffff, v36  }
0x1b5: {  	v36 =	vld.idx.msk [tilespmem:v39+s15+$0x0], $0xffff  }
0x1b6: {  	v38 =	vor.u32 v5, v37  }
0x1b7: {  	v39 =	vor.u32 s23, v6;
	_ =	sdelay $0x3  }
0x1b8: {  	[tilespmem:v38+s24+$0x0] =	vst.idx.msk $0xffff, v36  }
0x1b9: {  	v36 =	vld.idx.msk [tilespmem:v39+s15+$0x0], $0xffff  }
0x1ba: {  	v37 =	vor.u32 v7, v37;
	_ =	sdelay $0x4  }
0x1bb: {  	s0 =	sadd.s32 s25, s0;
	s23 =	sadd.s32 $0xFFFFFFFA, s9;
	[tilespmem:v37+s24+$0x0] =	vst.idx.msk $0xffff, v36;
	v36 =	vor.u32 s22, v8  }
0x1bc: {  	[tilespmem:s15], [sflag:$0x1] =	stream.strided.gather [hbm4b:s0+s13], $0x2000, s14, s13, $0x38;
	[tilespmem:$0x18200] =	vst v63  }
0x1bd: {  	v37 =	vmov s23;
	s23 =	simm.s32 $0xA200;
	s0 =	simm.s32 $0x2  }
0x1be: {  	v38 =	vshll.u32 v37, $0x3;
	_ =	swait.ge [sflag:s0], $0x2000  }
0x1bf: {  	v37 =	vand.u32 $0x79, v37;
	v38 =	vand.u32 $0xC00, v38;
	[sflag:s0] =	ssyncset.done $0x0  }
0x1c0: {  	v37 =	vor.u32 v37, v38;
	[sflag:s0] =	ssyncadd.s32 $0xFFFFE000  }
0x1c1: {  	v36 =	vld.idx.msk [tilespmem:v36+s15+$0x0], $0xffff  }
0x1c2: {  	v38 =	vor.u32 v1, v37  }
0x1c3: {  	v39 =	vor.u32 s22, v9;
	_ =	sdelay $0x3  }
0x1c4: {  	[tilespmem:v38+s24+$0x0] =	vst.idx.msk $0xffff, v36  }
0x1c5: {  	v36 =	vld.idx.msk [tilespmem:v39+s15+$0x0], $0xffff  }
0x1c6: {  	v38 =	vor.u32 v3, v37  }
0x1c7: {  	v39 =	vor.u32 s22, v10;
	_ =	sdelay $0x3  }
0x1c8: {  	[tilespmem:v38+s24+$0x0] =	vst.idx.msk $0xffff, v36  }
0x1c9: {  	v36 =	vld.idx.msk [tilespmem:v39+s15+$0x0], $0xffff  }
0x1ca: {  	v38 =	vor.u32 v5, v37  }
0x1cb: {  	v39 =	vor.u32 s22, v11;
	s22 =	simm.s32 $0x8200;
	_ =	sdelay $0x3  }
0x1cc: {  	[tilespmem:v38+s24+$0x0] =	vst.idx.msk $0xffff, v36  }
0x1cd: {  	v36 =	vld.idx.msk [tilespmem:v39+s15+$0x0], $0xffff  }
0x1ce: {  	v37 =	vor.u32 v7, v37;
	_ =	sdelay $0x4  }
0x1cf: {  	s26 =	simm.s32 $0x2200;
	s0 =	sadd.s32 s25, s21;
	s21 =	sadd.s32 $0xFFFFFFFB, s9;
	[tilespmem:v37+s24+$0x0] =	vst.idx.msk $0xffff, v36;
	v36 =	vor.u32 s20, v12  }
0x1d0: {  	[tilespmem:s26], [sflag:$0x2] =	stream.strided.gather [hbm4b:s0+s13], $0x2000, s14, s13, $0x38;
	[tilespmem:$0x18200] =	vst v63  }
0x1d1: {  	v37 =	vmov s21;
	s21 =	simm.s32 $0x6200;
	s26 =	simm.s32 $0x3  }
0x1d2: {  	v38 =	vshll.u32 v37, $0x3;
	_ =	swait.ge [sflag:s26], $0x2000  }
0x1d3: {  	v37 =	vand.u32 $0x7A, v37;
	v38 =	vand.u32 $0xC00, v38;
	[sflag:s26] =	ssyncset.done $0x0  }
0x1d4: {  	v37 =	vor.u32 v37, v38;
	[sflag:s26] =	ssyncadd.s32 $0xFFFFE000  }
0x1d5: {  	v36 =	vld.idx.msk [tilespmem:v36+s15+$0x0], $0xffff  }
0x1d6: {  	v38 =	vor.u32 v1, v37  }
0x1d7: {  	v39 =	vor.u32 s20, v13;
	_ =	sdelay $0x3  }
0x1d8: {  	[tilespmem:v38+s24+$0x0] =	vst.idx.msk $0xffff, v36  }
0x1d9: {  	v36 =	vld.idx.msk [tilespmem:v39+s15+$0x0], $0xffff  }
0x1da: {  	v38 =	vor.u32 v3, v37  }
0x1db: {  	v39 =	vor.u32 s20, v14;
	_ =	sdelay $0x3  }
0x1dc: {  	[tilespmem:v38+s24+$0x0] =	vst.idx.msk $0xffff, v36  }
0x1dd: {  	v36 =	vld.idx.msk [tilespmem:v39+s15+$0x0], $0xffff  }
0x1de: {  	v38 =	vor.u32 v5, v37  }
0x1df: {  	v39 =	vor.u32 s20, v15;
	s20 =	simm.s32 $0x4200;
	_ =	sdelay $0x3  }
0x1e0: {  	[tilespmem:v38+s24+$0x0] =	vst.idx.msk $0xffff, v36  }
0x1e1: {  	v36 =	vld.idx.msk [tilespmem:v39+s15+$0x0], $0xffff  }
0x1e2: {  	v37 =	vor.u32 v7, v37;
	_ =	sdelay $0x3  }
0x1e3: {  	s0 =	sadd.s32 s25, s19;
	s19 =	sadd.s32 $0xFFFFFFFC, s9  }
0x1e4: {  	[tilespmem:v37+s24+$0x0] =	vst.idx.msk $0xffff, v36;
	v36 =	vor.u32 s18, v16;
	v37 =	vmov s19;
	s19 =	simm.s32 $0xC200  }
0x1e5: {  	[tilespmem:s20], [sflag:$0x3] =	stream.strided.gather [hbm4b:s0+s13], $0x2000, s14, s13, $0x38;
	[tilespmem:$0x18200] =	vst v63  }
0x1e6: {  	v38 =	vshll.u32 v37, $0x3;
	_ =	swait.ge [sflag:s28], $0x2000  }
0x1e7: {  	v37 =	vand.u32 $0x7B, v37;
	v38 =	vand.u32 $0xC00, v38;
	[sflag:s28] =	ssyncset.done $0x0  }
0x1e8: {  	v37 =	vor.u32 v37, v38;
	[sflag:s28] =	ssyncadd.s32 $0xFFFFE000  }
0x1e9: {  	v36 =	vld.idx.msk [tilespmem:v36+s15+$0x0], $0xffff  }
0x1ea: {  	v38 =	vor.u32 v1, v37  }
0x1eb: {  	v39 =	vor.u32 s18, v17;
	_ =	sdelay $0x3  }
0x1ec: {  	[tilespmem:v38+s24+$0x0] =	vst.idx.msk $0xffff, v36  }
0x1ed: {  	v36 =	vld.idx.msk [tilespmem:v39+s15+$0x0], $0xffff  }
0x1ee: {  	v38 =	vor.u32 v3, v37  }
0x1ef: {  	v39 =	vor.u32 s18, v18;
	_ =	sdelay $0x3  }
0x1f0: {  	[tilespmem:v38+s24+$0x0] =	vst.idx.msk $0xffff, v36  }
0x1f1: {  	v36 =	vld.idx.msk [tilespmem:v39+s15+$0x0], $0xffff  }
0x1f2: {  	v38 =	vor.u32 v5, v37  }
0x1f3: {  	v39 =	vor.u32 s18, v19;
	_ =	sdelay $0x3  }
0x1f4: {  	[tilespmem:v38+s24+$0x0] =	vst.idx.msk $0xffff, v36  }
0x1f5: {  	v36 =	vld.idx.msk [tilespmem:v39+s15+$0x0], $0xffff  }
0x1f6: {  	v37 =	vor.u32 v7, v37;
	_ =	sdelay $0x4  }
0x1f7: {  	s0 =	sadd.s32 s25, s17;
	s17 =	sadd.s32 $0xFFFFFFFD, s9;
	[tilespmem:v37+s24+$0x0] =	vst.idx.msk $0xffff, v36;
	v36 =	vor.u32 s16, v20  }
0x1f8: {  	v37 =	vmov s17;
	[tilespmem:s21], [sflag:$0x4] =	stream.strided.gather [hbm4b:s0+s13], $0x2000, s14, s13, $0x38;
	[tilespmem:$0x18200] =	vst v63  }
0x1f9: {  	v38 =	vshll.u32 v37, $0x3;
	_ =	swait.ge [sflag:s29], $0x2000  }
0x1fa: {  	v37 =	vand.u32 $0x7C, v37;
	v38 =	vand.u32 $0xC00, v38;
	[sflag:s29] =	ssyncset.done $0x0  }
0x1fb: {  	v37 =	vor.u32 v37, v38;
	[sflag:s29] =	ssyncadd.s32 $0xFFFFE000  }
0x1fc: {  	v36 =	vld.idx.msk [tilespmem:v36+s15+$0x0], $0xffff  }
0x1fd: {  	v38 =	vor.u32 v1, v37  }
0x1fe: {  	v39 =	vor.u32 s16, v21;
	_ =	sdelay $0x3  }
0x1ff: {  	[tilespmem:v38+s24+$0x0] =	vst.idx.msk $0xffff, v36  }
0x200: {  	v36 =	vld.idx.msk [tilespmem:v39+s15+$0x0], $0xffff  }
0x201: {  	v38 =	vor.u32 v3, v37  }
0x202: {  	v39 =	vor.u32 s16, v22;
	_ =	sdelay $0x3  }
0x203: {  	[tilespmem:v38+s24+$0x0] =	vst.idx.msk $0xffff, v36  }
0x204: {  	v36 =	vld.idx.msk [tilespmem:v39+s15+$0x0], $0xffff  }
0x205: {  	v38 =	vor.u32 v5, v37  }
0x206: {  	v39 =	vor.u32 s16, v23;
	_ =	sdelay $0x3  }
0x207: {  	[tilespmem:v38+s24+$0x0] =	vst.idx.msk $0xffff, v36  }
0x208: {  	v36 =	vld.idx.msk [tilespmem:v39+s15+$0x0], $0xffff  }
0x209: {  	v37 =	vor.u32 v7, v37;
	_ =	sdelay $0x4  }
0x20a: {  	s0 =	sadd.s32 s25, s6;
	s6 =	sadd.s32 $0xFFFFFFFE, s9;
	[tilespmem:v37+s24+$0x0] =	vst.idx.msk $0xffff, v36;
	v36 =	vor.u32 s5, v24  }
0x20b: {  	v37 =	vmov s6;
	[tilespmem:s22], [sflag:$0x5] =	stream.strided.gather [hbm4b:s0+s13], $0x2000, s14, s13, $0x38;
	[tilespmem:$0x18200] =	vst v63  }
0x20c: {  	v38 =	vshll.u32 v37, $0x3;
	_ =	swait.ge [sflag:s30], $0x2000  }
0x20d: {  	v37 =	vand.u32 $0x7D, v37;
	v38 =	vand.u32 $0xC00, v38;
	[sflag:s30] =	ssyncset.done $0x0  }
0x20e: {  	v37 =	vor.u32 v37, v38;
	[sflag:s30] =	ssyncadd.s32 $0xFFFFE000  }
0x20f: {  	v36 =	vld.idx.msk [tilespmem:v36+s15+$0x0], $0xffff  }
0x210: {  	v38 =	vor.u32 v1, v37  }
0x211: {  	v39 =	vor.u32 s5, v25;
	_ =	sdelay $0x3  }
0x212: {  	[tilespmem:v38+s24+$0x0] =	vst.idx.msk $0xffff, v36  }
0x213: {  	v36 =	vld.idx.msk [tilespmem:v39+s15+$0x0], $0xffff  }
0x214: {  	v38 =	vor.u32 v3, v37  }
0x215: {  	v39 =	vor.u32 s5, v26;
	_ =	sdelay $0x3  }
0x216: {  	[tilespmem:v38+s24+$0x0] =	vst.idx.msk $0xffff, v36  }
0x217: {  	v36 =	vld.idx.msk [tilespmem:v39+s15+$0x0], $0xffff  }
0x218: {  	v38 =	vor.u32 v5, v37  }
0x219: {  	v39 =	vor.u32 s5, v27;
	_ =	sdelay $0x3  }
0x21a: {  	[tilespmem:v38+s24+$0x0] =	vst.idx.msk $0xffff, v36  }
0x21b: {  	v36 =	vld.idx.msk [tilespmem:v39+s15+$0x0], $0xffff  }
0x21c: {  	v37 =	vor.u32 v7, v37;
	_ =	sdelay $0x4  }
0x21d: {  	s0 =	sadd.s32 s25, s11;
	s5 =	sadd.s32 $0xFFFFFFFF, s9;
	[tilespmem:v37+s24+$0x0] =	vst.idx.msk $0xffff, v36;
	v36 =	vor.u32 s4, v28  }
0x21e: {  	v37 =	vmov s5;
	[tilespmem:s23], [sflag:$0x6] =	stream.strided.gather [hbm4b:s0+s13], $0x2000, s14, s13, $0x38;
	[tilespmem:$0x18200] =	vst v63  }
0x21f: {  	v38 =	vshll.u32 v37, $0x3;
	_ =	swait.ge [sflag:s31], $0x2000  }
0x220: {  	v37 =	vand.u32 $0x7E, v37;
	v38 =	vand.u32 $0xC00, v38;
	[sflag:s31] =	ssyncset.done $0x0  }
0x221: {  	v37 =	vor.u32 v37, v38;
	[sflag:s31] =	ssyncadd.s32 $0xFFFFE000  }
0x222: {  	v36 =	vld.idx.msk [tilespmem:v36+s15+$0x0], $0xffff  }
0x223: {  	v38 =	vor.u32 v1, v37  }
0x224: {  	v39 =	vor.u32 s4, v29;
	_ =	sdelay $0x3  }
0x225: {  	[tilespmem:v38+s24+$0x0] =	vst.idx.msk $0xffff, v36  }
0x226: {  	v36 =	vld.idx.msk [tilespmem:v39+s15+$0x0], $0xffff  }
0x227: {  	v38 =	vor.u32 v3, v37  }
0x228: {  	v39 =	vor.u32 s4, v30;
	_ =	sdelay $0x3  }
0x229: {  	[tilespmem:v38+s24+$0x0] =	vst.idx.msk $0xffff, v36  }
0x22a: {  	v36 =	vld.idx.msk [tilespmem:v39+s15+$0x0], $0xffff  }
0x22b: {  	v38 =	vor.u32 v5, v37  }
0x22c: {  	v39 =	vor.u32 s4, v31;
	_ =	sdelay $0x3  }
0x22d: {  	[tilespmem:v38+s24+$0x0] =	vst.idx.msk $0xffff, v36  }
0x22e: {  	v36 =	vld.idx.msk [tilespmem:v39+s15+$0x0], $0xffff  }
0x22f: {  	v37 =	vor.u32 v7, v37;
	_ =	sdelay $0x4  }
0x230: {  	s0 =	sadd.s32 s25, s2;
	[tilespmem:v37+s24+$0x0] =	vst.idx.msk $0xffff, v36;
	v36 =	vor.u32 s12, v32  }
0x231: {  	[tilespmem:s19], [sflag:$0x7] =	stream.strided.gather [hbm4b:s0+s13], $0x2000, s14, s13, $0x38;
	[tilespmem:$0x18200] =	vst v63  }
0x232: {  	v37 =	vmov s9;
	_ =	swait.ge [sflag:s3], $0x2000  }
0x233: {  	v38 =	vshll.u32 v37, $0x3;
	[sflag:s3] =	ssyncset.done $0x0  }
0x234: {  	v37 =	vand.u32 $0x7F, v37;
	v38 =	vand.u32 $0xC00, v38;
	[sflag:s3] =	ssyncadd.s32 $0xFFFFE000  }
0x235: {  	v37 =	vor.u32 v37, v38;
	v36 =	vld.idx.msk [tilespmem:v36+s15+$0x0], $0xffff  }
0x236: {  	v38 =	vor.u32 v1, v37  }
0x237: {  	v39 =	vor.u32 s12, v33;
	_ =	sdelay $0x3  }
0x238: {  	[tilespmem:v38+s24+$0x0] =	vst.idx.msk $0xffff, v36  }
0x239: {  	v36 =	vld.idx.msk [tilespmem:v39+s15+$0x0], $0xffff  }
0x23a: {  	v38 =	vor.u32 v3, v37  }
0x23b: {  	v39 =	vor.u32 s12, v34;
	_ =	sdelay $0x3  }
0x23c: {  	[tilespmem:v38+s24+$0x0] =	vst.idx.msk $0xffff, v36  }
0x23d: {  	v36 =	vld.idx.msk [tilespmem:v39+s15+$0x0], $0xffff  }
0x23e: {  	v38 =	vor.u32 v5, v37  }
0x23f: {  	v39 =	vor.u32 s12, v35;
	_ =	sdelay $0x3  }
0x240: {  	[tilespmem:v38+s24+$0x0] =	vst.idx.msk $0xffff, v36  }
0x241: {  	v36 =	vld.idx.msk [tilespmem:v39+s15+$0x0], $0xffff  }
0x242: {  	v37 =	vor.u32 v7, v37  }
.Ltmp0:
0x243: {  	(pc) =	sbr.rel @p0 .LBB2_2-.Ltmp0, $2  }
0x244: {  	_ =	sdelay $0x2  }
0x245: {  	s8 =	sadd.s32 $0x8, s8;
	s0 =	sadd.s32 s25, s10;
	[tilespmem:v37+s24+$0x0] =	vst.idx.msk $0xffff, v36  }
0x246: {  	s5 =	simm.s32 $0xE200  }
0x247: {  	[tilespmem:s5], [sflag:$0x8] =	stream.strided.gather [hbm4b:s0+s13], $0x2000, s14, s13, $0x38;
	[tilespmem:$0x18200] =	vst v63  }
0x248: {  	v36 =	vld [tilespmem:$0x1F0];
	_ =	sdelay $0x4  }
0x249: {  	(v2sf) =	vpush v36, $0x8;
	_ =	sdelay $0xe  }
0x24a: {  	s8 =	spop (v2sf)  }
0x24b: {  	s0 =	sand.u32 $0x7F, s8  }
0x24c: {  	s7 =	simm.s32 $0x1;
	v37 =	vor.u32 s0, v0  }
0x24d: {  	_ =	swait.ge [sflag:s7], $0x2000  }
0x24e: {  	v39 =	vld [tilespmem:$0x1FF80]  }
0x24f: {  	[sflag:s7] =	ssyncset.done $0x0  }
0x250: {  	[sflag:s7] =	ssyncadd.s32 $0xFFFFE000  }
0x251: {  	v37 =	vld.idx.msk [tilespmem:v37+s15+$0x0], $0xffff;
	_ =	sdelay $0x2  }
0x252: {  	v38 =	vor.u32 s0, v2;
	_ =	sdelay $0x1  }
0x253: {  	[tilespmem:v39+s24+$0x0] =	vst.idx.msk $0xffff, v37;
	v39 =	vld [tilespmem:$0x1FF90];
	_ =	sdelay $0x2  }
0x254: {  	v37 =	vld.idx.msk [tilespmem:v38+s15+$0x0], $0xffff;
	_ =	sdelay $0x2  }
0x255: {  	v38 =	vor.u32 s0, v4  }
0x256: {  	(v2sf) =	vpush v36, $0x9  }
0x257: {  	[tilespmem:v39+s24+$0x0] =	vst.idx.msk $0xffff, v37;
	v39 =	vld [tilespmem:$0x1FFA0];
	_ =	sdelay $0x2  }
0x258: {  	v37 =	vld.idx.msk [tilespmem:v38+s15+$0x0], $0xffff;
	_ =	sdelay $0x2  }
0x259: {  	v38 =	vor.u32 s0, v6;
	_ =	sdelay $0x1  }
0x25a: {  	[tilespmem:v39+s24+$0x0] =	vst.idx.msk $0xffff, v37;
	v39 =	vld [tilespmem:$0x1FFB0];
	_ =	sdelay $0x2  }
0x25b: {  	v37 =	vld.idx.msk [tilespmem:v38+s15+$0x0], $0xffff;
	_ =	sdelay $0x2  }
0x25c: {  	s9 =	spop (v2sf)  }
0x25d: {  	s0 =	sand.u32 $0x7F, s9  }
0x25e: {  	s25 =	simm.s32 $0x2;
	v38 =	vor.u32 s0, v8;
	[tilespmem:v39+s24+$0x0] =	vst.idx.msk $0xffff, v37  }
0x25f: {  	_ =	swait.ge [sflag:s25], $0x2000  }
0x260: {  	v39 =	vld [tilespmem:$0x1FFC0]  }
0x261: {  	[sflag:s25] =	ssyncset.done $0x0  }
0x262: {  	[sflag:s25] =	ssyncadd.s32 $0xFFFFE000  }
0x263: {  	v37 =	vld.idx.msk [tilespmem:v38+s15+$0x0], $0xffff;
	_ =	sdelay $0x2  }
0x264: {  	v38 =	vor.u32 s0, v9;
	_ =	sdelay $0x1  }
0x265: {  	[tilespmem:v39+s24+$0x0] =	vst.idx.msk $0xffff, v37;
	v39 =	vld [tilespmem:$0x1FFD0];
	_ =	sdelay $0x2  }
0x266: {  	v37 =	vld.idx.msk [tilespmem:v38+s15+$0x0], $0xffff;
	_ =	sdelay $0x2  }
0x267: {  	(v2sf) =	vpush v36, $0xA;
	v38 =	vor.u32 s0, v10;
	_ =	sdelay $0x1  }
0x268: {  	[tilespmem:v39+s24+$0x0] =	vst.idx.msk $0xffff, v37;
	v39 =	vld [tilespmem:$0x1FFE0];
	_ =	sdelay $0x2  }
0x269: {  	v37 =	vld.idx.msk [tilespmem:v38+s15+$0x0], $0xffff;
	_ =	sdelay $0x2  }
0x26a: {  	v38 =	vor.u32 s0, v11;
	_ =	sdelay $0x1  }
0x26b: {  	[tilespmem:v39+s24+$0x0] =	vst.idx.msk $0xffff, v37;
	v39 =	vld [tilespmem:$0x1FFF0];
	_ =	sdelay $0x2  }
0x26c: {  	v37 =	vld.idx.msk [tilespmem:v38+s15+$0x0], $0xffff;
	_ =	sdelay $0x1  }
0x26d: {  	s10 =	spop (v2sf)  }
0x26e: {  	s0 =	sand.u32 $0x7F, s10  }
0x26f: {  	v38 =	vor.u32 s0, v12  }
0x270: {  	[tilespmem:v39+s24+$0x0] =	vst.idx.msk $0xffff, v37  }
0x271: {  	_ =	swait.ge [sflag:s26], $0x2000  }
0x272: {  	[sflag:s26] =	ssyncset.done $0x0  }
0x273: {  	[sflag:s26] =	ssyncadd.s32 $0xFFFFE000  }
0x274: {  	v37 =	vld.idx.msk [tilespmem:v38+s15+$0x0], $0xffff  }
0x275: {  	v38 =	vor.u32 s0, v13;
	_ =	sdelay $0x3  }
0x276: {  	(v2sf) =	vpush v36, $0xB;
	[tilespmem:v40+s24+$0x0] =	vst.idx.msk $0xffff, v37  }
0x277: {  	v37 =	vld.idx.msk [tilespmem:v38+s15+$0x0], $0xffff  }
0x278: {  	v38 =	vor.u32 s0, v14;
	_ =	sdelay $0x3  }
0x279: {  	[tilespmem:v41+s24+$0x0] =	vst.idx.msk $0xffff, v37  }
0x27a: {  	v37 =	vld.idx.msk [tilespmem:v38+s15+$0x0], $0xffff  }
0x27b: {  	v38 =	vor.u32 s0, v15;
	_ =	sdelay $0x3  }
0x27c: {  	[tilespmem:v42+s24+$0x0] =	vst.idx.msk $0xffff, v37  }
0x27d: {  	v37 =	vld.idx.msk [tilespmem:v38+s15+$0x0], $0xffff;
	_ =	sdelay $0x1  }
0x27e: {  	s11 =	spop (v2sf)  }
0x27f: {  	s0 =	sand.u32 $0x7F, s11  }
0x280: {  	v38 =	vor.u32 s0, v16  }
0x281: {  	[tilespmem:v43+s24+$0x0] =	vst.idx.msk $0xffff, v37  }
0x282: {  	_ =	swait.ge [sflag:s28], $0x2000  }
0x283: {  	[sflag:s28] =	ssyncset.done $0x0  }
0x284: {  	[sflag:s28] =	ssyncadd.s32 $0xFFFFE000  }
0x285: {  	v37 =	vld.idx.msk [tilespmem:v38+s15+$0x0], $0xffff  }
0x286: {  	v38 =	vor.u32 s0, v17;
	_ =	sdelay $0x3  }
0x287: {  	(v2sf) =	vpush v36, $0xC;
	[tilespmem:v44+s24+$0x0] =	vst.idx.msk $0xffff, v37  }
0x288: {  	v37 =	vld.idx.msk [tilespmem:v38+s15+$0x0], $0xffff  }
0x289: {  	v38 =	vor.u32 s0, v18;
	_ =	sdelay $0x3  }
0x28a: {  	[tilespmem:v45+s24+$0x0] =	vst.idx.msk $0xffff, v37  }
0x28b: {  	v37 =	vld.idx.msk [tilespmem:v38+s15+$0x0], $0xffff  }
0x28c: {  	v38 =	vor.u32 s0, v19;
	_ =	sdelay $0x3  }
0x28d: {  	[tilespmem:v46+s24+$0x0] =	vst.idx.msk $0xffff, v37  }
0x28e: {  	v37 =	vld.idx.msk [tilespmem:v38+s15+$0x0], $0xffff;
	_ =	sdelay $0x1  }
0x28f: {  	s12 =	spop (v2sf)  }
0x290: {  	s0 =	sand.u32 $0x7F, s12  }
0x291: {  	v38 =	vor.u32 s0, v20  }
0x292: {  	[tilespmem:v47+s24+$0x0] =	vst.idx.msk $0xffff, v37  }
0x293: {  	_ =	swait.ge [sflag:s29], $0x2000  }
0x294: {  	[sflag:s29] =	ssyncset.done $0x0  }
0x295: {  	[sflag:s29] =	ssyncadd.s32 $0xFFFFE000  }
0x296: {  	v37 =	vld.idx.msk [tilespmem:v38+s15+$0x0], $0xffff  }
0x297: {  	v38 =	vor.u32 s0, v21;
	_ =	sdelay $0x3  }
0x298: {  	(v2sf) =	vpush v36, $0xD;
	[tilespmem:v48+s24+$0x0] =	vst.idx.msk $0xffff, v37  }
0x299: {  	v37 =	vld.idx.msk [tilespmem:v38+s15+$0x0], $0xffff  }
0x29a: {  	v38 =	vor.u32 s0, v22;
	_ =	sdelay $0x3  }
0x29b: {  	[tilespmem:v49+s24+$0x0] =	vst.idx.msk $0xffff, v37  }
0x29c: {  	v37 =	vld.idx.msk [tilespmem:v38+s15+$0x0], $0xffff  }
0x29d: {  	v38 =	vor.u32 s0, v23;
	_ =	sdelay $0x3  }
0x29e: {  	[tilespmem:v50+s24+$0x0] =	vst.idx.msk $0xffff, v37  }
0x29f: {  	v37 =	vld.idx.msk [tilespmem:v38+s15+$0x0], $0xffff;
	_ =	sdelay $0x1  }
0x2a0: {  	s16 =	spop (v2sf)  }
0x2a1: {  	s0 =	sand.u32 $0x7F, s16  }
0x2a2: {  	v38 =	vor.u32 s0, v24  }
0x2a3: {  	[tilespmem:v51+s24+$0x0] =	vst.idx.msk $0xffff, v37  }
0x2a4: {  	_ =	swait.ge [sflag:s30], $0x2000  }
0x2a5: {  	[sflag:s30] =	ssyncset.done $0x0  }
0x2a6: {  	[sflag:s30] =	ssyncadd.s32 $0xFFFFE000  }
0x2a7: {  	v37 =	vld.idx.msk [tilespmem:v38+s15+$0x0], $0xffff  }
0x2a8: {  	v38 =	vor.u32 s0, v25;
	_ =	sdelay $0x3  }
0x2a9: {  	(v2sf) =	vpush v36, $0xE;
	[tilespmem:v52+s24+$0x0] =	vst.idx.msk $0xffff, v37  }
0x2aa: {  	v37 =	vld.idx.msk [tilespmem:v38+s15+$0x0], $0xffff  }
0x2ab: {  	v38 =	vor.u32 s0, v26;
	_ =	sdelay $0x3  }
0x2ac: {  	[tilespmem:v53+s24+$0x0] =	vst.idx.msk $0xffff, v37  }
0x2ad: {  	v37 =	vld.idx.msk [tilespmem:v38+s15+$0x0], $0xffff  }
0x2ae: {  	v38 =	vor.u32 s0, v27;
	_ =	sdelay $0x3  }
0x2af: {  	[tilespmem:v54+s24+$0x0] =	vst.idx.msk $0xffff, v37  }
0x2b0: {  	v37 =	vld.idx.msk [tilespmem:v38+s15+$0x0], $0xffff;
	_ =	sdelay $0x1  }
0x2b1: {  	s17 =	spop (v2sf)  }
0x2b2: {  	s0 =	sand.u32 $0x7F, s17  }
0x2b3: {  	v38 =	vor.u32 s0, v28  }
0x2b4: {  	s2 =	simm.s32 $0x7;
	[tilespmem:v55+s24+$0x0] =	vst.idx.msk $0xffff, v37  }
0x2b5: {  	_ =	swait.ge [sflag:s2], $0x2000  }
0x2b6: {  	[sflag:s2] =	ssyncset.done $0x0  }
0x2b7: {  	[sflag:s2] =	ssyncadd.s32 $0xFFFFE000  }
0x2b8: {  	v37 =	vld.idx.msk [tilespmem:v38+s15+$0x0], $0xffff  }
0x2b9: {  	v38 =	vor.u32 s0, v29;
	_ =	sdelay $0x3  }
0x2ba: {  	(v2sf) =	vpush v36, $0xF;
	[tilespmem:v56+s24+$0x0] =	vst.idx.msk $0xffff, v37  }
0x2bb: {  	v36 =	vld.idx.msk [tilespmem:v38+s15+$0x0], $0xffff  }
0x2bc: {  	v37 =	vor.u32 s0, v30;
	_ =	sdelay $0x3  }
0x2bd: {  	[tilespmem:v57+s24+$0x0] =	vst.idx.msk $0xffff, v36  }
0x2be: {  	v36 =	vld.idx.msk [tilespmem:v37+s15+$0x0], $0xffff  }
0x2bf: {  	v37 =	vor.u32 s0, v31;
	_ =	sdelay $0x3  }
0x2c0: {  	[tilespmem:v58+s24+$0x0] =	vst.idx.msk $0xffff, v36  }
0x2c1: {  	v36 =	vld.idx.msk [tilespmem:v37+s15+$0x0], $0xffff;
	_ =	sdelay $0x1  }
0x2c2: {  	s18 =	spop (v2sf)  }
0x2c3: {  	s0 =	sand.u32 $0x7F, s18  }
0x2c4: {  	v37 =	vor.u32 s0, v32  }
0x2c5: {  	[tilespmem:v59+s24+$0x0] =	vst.idx.msk $0xffff, v36  }
0x2c6: {  	_ =	swait.ge [sflag:s3], $0x2000  }
0x2c7: {  	[sflag:s3] =	ssyncset.done $0x0  }
0x2c8: {  	[sflag:s3] =	ssyncadd.s32 $0xFFFFE000  }
0x2c9: {  	v36 =	vld.idx.msk [tilespmem:v37+s15+$0x0], $0xffff  }
0x2ca: {  	v37 =	vor.u32 s0, v33;
	_ =	sdelay $0x3  }
0x2cb: {  	[tilespmem:v60+s24+$0x0] =	vst.idx.msk $0xffff, v36  }
0x2cc: {  	v36 =	vld.idx.msk [tilespmem:v37+s15+$0x0], $0xffff  }
0x2cd: {  	v37 =	vor.u32 s0, v34;
	_ =	sdelay $0x3  }
0x2ce: {  	[tilespmem:v61+s24+$0x0] =	vst.idx.msk $0xffff, v36  }
0x2cf: {  	v36 =	vld.idx.msk [tilespmem:v37+s15+$0x0], $0xffff  }
0x2d0: {  	v37 =	vor.u32 s0, v35;
	_ =	sdelay $0x3  }
0x2d1: {  	[tilespmem:v62+s24+$0x0] =	vst.idx.msk $0xffff, v36  }
0x2d2: {  	v36 =	vld.idx.msk [tilespmem:v37+s15+$0x0], $0xffff;
	_ =	sdelay $0x4  }
0x2d3: {  	s4 =	simm.s32 $0x1000;
	s6 =	simm.s32 $0x20000;
	s2 =	rddreg [dreg:$0xa];
	[tilespmem:v63+s24+$0x0] =	vst.idx.msk $0xffff, v36  }
0x2d4: {  	[hbm4b:s2+s4] =	stream.strided.scatter [tilespmem:s24], [sflag:$0x9], $0x8000, s6, s4, $0x38;
	[tilespmem:$0x18200] =	vst v63  }
0x2d5: {  	s8 =	simm.s32 $0xA;
	s0 =	simm.s32 $0x0;
	s6 =	rddreg [dreg:$0xb]  }
0x2d6: {  	[tilespmem:s0], [sflag:$0xA] =	stream.linear.gather [hbm4b:s6+s0], $0x200, $0x38;
	[tilespmem:$0x18200] =	vst v63  }
0x2d7: {  	_ =	swait.ge [sflag:s8], $0x200  }
0x2d8: {  	[sflag:s8] =	ssyncset.done $0x0  }
0x2d9: {  	[sflag:s8] =	ssyncadd.s32 $0xFFFFFE00  }
0x2da: {  	v36 =	vld [tilespmem:$0x0];
	_ =	sdelay $0x4  }
0x2db: {  	(v2sf) =	vpush v36, $0x0;
	_ =	sdelay $0x1  }
0x2dc: {  	(v2sf) =	vpush v36, $0x1;
	_ =	sdelay $0x2  }
0x2dd: {  	(v2sf) =	vpush v36, $0x2;
	_ =	sdelay $0x2  }
0x2de: {  	(v2sf) =	vpush v36, $0x3;
	_ =	sdelay $0x2  }
0x2df: {  	(v2sf) =	vpush v36, $0x4;
	_ =	sdelay $0x2  }
0x2e0: {  	(v2sf) =	vpush v36, $0x5  }
0x2e1: {  	s9 =	spop (v2sf)  }
0x2e2: {  	s4 =	sand.u32 $0xFFFFF80, s9  }
0x2e3: {  	(v2sf) =	vpush v36, $0x6;
	s10 =	spop (v2sf);
	s4 =	sadd.s32 s1, s4  }
0x2e4: {  	[tilespmem:s15], [sflag:$0x1] =	stream.strided.gather [hbm4b:s4+s13], $0x2000, s14, s13, $0x38;
	[tilespmem:$0x18200] =	vst v63  }
0x2e5: {  	s4 =	sand.u32 $0xFFFFF80, s10  }
0x2e6: {  	s2 =	simm.s32 $0x2200;
	s11 =	spop (v2sf);
	s4 =	sadd.s32 s1, s4  }
0x2e7: {  	[tilespmem:s2], [sflag:$0x2] =	stream.strided.gather [hbm4b:s4+s13], $0x2000, s14, s13, $0x38;
	[tilespmem:$0x18200] =	vst v63  }
0x2e8: {  	(v2sf) =	vpush v36, $0x7;
	s4 =	sand.u32 $0xFFFFF80, s11  }
0x2e9: {  	s12 =	spop (v2sf);
	s4 =	sadd.s32 s1, s4  }
0x2ea: {  	[tilespmem:s20], [sflag:$0x3] =	stream.strided.gather [hbm4b:s4+s13], $0x2000, s14, s13, $0x38;
	[tilespmem:$0x18200] =	vst v63  }
0x2eb: {  	s4 =	sand.u32 $0xFFFFF80, s12  }
0x2ec: {  	s16 =	spop (v2sf);
	s4 =	sadd.s32 s1, s4  }
0x2ed: {  	[tilespmem:s21], [sflag:$0x4] =	stream.strided.gather [hbm4b:s4+s13], $0x2000, s14, s13, $0x38;
	[tilespmem:$0x18200] =	vst v63  }
0x2ee: {  	s4 =	sand.u32 $0xFFFFF80, s16  }
0x2ef: {  	s17 =	spop (v2sf);
	s4 =	sadd.s32 s1, s4  }
0x2f0: {  	[tilespmem:s22], [sflag:$0x5] =	stream.strided.gather [hbm4b:s4+s13], $0x2000, s14, s13, $0x38;
	[tilespmem:$0x18200] =	vst v63  }
0x2f1: {  	s4 =	sand.u32 $0xFFFFF80, s17  }
0x2f2: {  	s18 =	spop (v2sf);
	s4 =	sadd.s32 s1, s4  }
0x2f3: {  	[tilespmem:s23], [sflag:$0x6] =	stream.strided.gather [hbm4b:s4+s13], $0x2000, s14, s13, $0x38;
	[tilespmem:$0x18200] =	vst v63  }
0x2f4: {  	s4 =	sand.u32 $0xFFFFF80, s18  }
0x2f5: {  	s4 =	sadd.s32 s1, s4  }
0x2f6: {  	[tilespmem:s19], [sflag:$0x7] =	stream.strided.gather [hbm4b:s4+s13], $0x2000, s14, s13, $0x38;
	[tilespmem:$0x18200] =	vst v63  }
0x2f7: {  	s19 =	spop (v2sf)  }
0x2f8: {  	s4 =	sand.u32 $0xFFFFF80, s19  }
0x2f9: {  	s4 =	sadd.s32 s1, s4  }
0x2fa: {  	[tilespmem:s5], [sflag:$0x8] =	stream.strided.gather [hbm4b:s4+s13], $0x2000, s14, s13, $0x38;
	[tilespmem:$0x18200] =	vst v63  }
0x2fb: {  	s5 =	simm.s32 $0x9  }
0x2fc: {  	_ =	swait.ge [sflag:s5], $0x8000  }
0x2fd: {  	[sflag:s5] =	ssyncset.done $0x0  }
0x2fe: {  	[sflag:s5] =	ssyncadd.s32 $0xFFFF8000  }
0x2ff: {  	v36 =	vld [tilespmem:s0+$0x0];
	_ =	sdelay $0x4  }
0x300: {  	(v2sf) =	vpush v36, $0x0  }
0x301: {  	(v2sf) =	vpush v36, $0x8  }
0x302: {  	(v2sf) =	vpush v36, $0x1  }
0x303: {  	(v2sf) =	vpush v36, $0x9;
	_ =	sdelay $0x3  }
0x304: {  	(v2sf) =	vpush v36, $0x2  }
0x305: {  	(v2sf) =	vpush v36, $0xA  }
0x306: {  	(v2sf) =	vpush v36, $0x3  }
0x307: {  	(v2sf) =	vpush v36, $0xB  }
0x308: {  	(v2sf) =	vpush v36, $0x4  }
0x309: {  	(v2sf) =	vpush v36, $0xC  }
0x30a: {  	(v2sf) =	vpush v36, $0x5  }
0x30b: {  	(v2sf) =	vpush v36, $0xD  }
0x30c: {  	(v2sf) =	vpush v36, $0x6;
	s6 =	spop (v2sf)  }
0x30d: {  	(v2sf) =	vpush v36, $0xE;
	s0 =	sand.u32 $0x7F, s6;
	s8 =	spop (v2sf)  }
0x30e: {  	s19 =	simm.s32 $0x0;
	(v2sf) =	vpush v36, $0x7;
	v37 =	vor.u32 s0, v0;
	s5 =	spop (v2sf)  }
0x30f: {  	(v2sf) =	vpush v36, $0xF;
	v36 =	vmov s19;
	s17 =	spop (v2sf)  }
0x310: {  	v38 =	vshll.u32 v36, $0x3;
	_ =	swait.ge [sflag:s7], $0x2000  }
0x311: {  	v36 =	vand.u32 $0x78, v36;
	v38 =	vand.u32 $0xC00, v38;
	[sflag:s7] =	ssyncset.done $0x0  }
0x312: {  	v36 =	vor.u32 v36, v38;
	[sflag:s7] =	ssyncadd.s32 $0xFFFFE000  }
0x313: {  	v38 =	vor.u32 v1, v36;
	v37 =	vld.idx.msk [tilespmem:v37+s15+$0x0], $0xffff  }
0x314: {  	v39 =	vor.u32 s0, v2;
	_ =	sdelay $0x3  }
0x315: {  	[tilespmem:v38+s24+$0x0] =	vst.idx.msk $0xffff, v37  }
0x316: {  	v38 =	vor.u32 v3, v36;
	v37 =	vld.idx.msk [tilespmem:v39+s15+$0x0], $0xffff  }
0x317: {  	v39 =	vor.u32 s0, v4;
	_ =	sdelay $0x3  }
0x318: {  	[tilespmem:v38+s24+$0x0] =	vst.idx.msk $0xffff, v37  }
0x319: {  	v38 =	vor.u32 v5, v36;
	v37 =	vld.idx.msk [tilespmem:v39+s15+$0x0], $0xffff  }
0x31a: {  	v39 =	vor.u32 s0, v6  }
0x31b: {  	s18 =	spop (v2sf)  }
0x31c: {  	s0 =	spop (v2sf)  }
0x31d: {  	s16 =	spop (v2sf)  }
0x31e: {  	s11 =	spop (v2sf);
	[tilespmem:v38+s24+$0x0] =	vst.idx.msk $0xffff, v37  }
0x31f: {  	v36 =	vor.u32 v7, v36;
	s12 =	spop (v2sf);
	v37 =	vld.idx.msk [tilespmem:v39+s15+$0x0], $0xffff  }
0x320: {  	s9 =	spop (v2sf)  }
0x321: {  	s10 =	spop (v2sf)  }
0x322: {  	s7 =	spop (v2sf)  }
0x323: {  	s4 =	sand.u32 $0xFFFFF80, s8;
	s8 =	spop (v2sf)  }
0x324: {  	s19 =	sand.u32 $0x7F, s5;
	s4 =	sadd.s32 s1, s4;
	s5 =	spop (v2sf);
	[tilespmem:v36+s24+$0x0] =	vst.idx.msk $0xffff, v37  }
0x325: {  	[tilespmem:s15], [sflag:$0x1] =	stream.strided.gather [hbm4b:s4+s13], $0x2000, s14, s13, $0x38;
	[tilespmem:$0x18200] =	vst v63  }
0x326: {  	s6 =	spop (v2sf);
	v36 =	vor.u32 s19, v8;
	s4 =	simm.s32 $0x1  }
0x327: {  	v37 =	vmov s4;
	s4 =	spop (v2sf)  }
0x328: {  	_ =	swait.ge [sflag:s25], $0x2000;
	v38 =	vshll.u32 v37, $0x3  }
0x329: {  	v37 =	vand.u32 $0x79, v37;
	[sflag:s25] =	ssyncset.done $0x0;
	v38 =	vand.u32 $0xC00, v38  }
0x32a: {  	[sflag:s25] =	ssyncadd.s32 $0xFFFFE000;
	v37 =	vor.u32 v37, v38  }
0x32b: {  	v36 =	vld.idx.msk [tilespmem:v36+s15+$0x0], $0xffff;
	v38 =	vor.u32 v1, v37  }
0x32c: {  	v39 =	vor.u32 s19, v9;
	_ =	sdelay $0x3  }
0x32d: {  	[tilespmem:v38+s24+$0x0] =	vst.idx.msk $0xffff, v36  }
0x32e: {  	v38 =	vor.u32 v3, v37;
	v36 =	vld.idx.msk [tilespmem:v39+s15+$0x0], $0xffff  }
0x32f: {  	v39 =	vor.u32 s19, v10;
	_ =	sdelay $0x3  }
0x330: {  	[tilespmem:v38+s24+$0x0] =	vst.idx.msk $0xffff, v36  }
0x331: {  	v38 =	vor.u32 v5, v37;
	v36 =	vld.idx.msk [tilespmem:v39+s15+$0x0], $0xffff  }
0x332: {  	v39 =	vor.u32 s19, v11;
	_ =	sdelay $0x3  }
0x333: {  	[tilespmem:v38+s24+$0x0] =	vst.idx.msk $0xffff, v36  }
0x334: {  	v37 =	vor.u32 v7, v37;
	v36 =	vld.idx.msk [tilespmem:v39+s15+$0x0], $0xffff;
	_ =	sdelay $0x3  }
0x335: {  	s17 =	sand.u32 $0xFFFFF80, s17;
	s18 =	sand.u32 $0x7F, s18  }
0x336: {  	s17 =	sadd.s32 s1, s17;
	s25 =	simm.s32 $0x2;
	[tilespmem:v37+s24+$0x0] =	vst.idx.msk $0xffff, v36;
	v36 =	vor.u32 s18, v12  }
0x337: {  	v37 =	vmov s25;
	[tilespmem:s2], [sflag:$0x2] =	stream.strided.gather [hbm4b:s17+s13], $0x2000, s14, s13, $0x38;
	[tilespmem:$0x18200] =	vst v63  }
0x338: {  	v38 =	vshll.u32 v37, $0x3;
	_ =	swait.ge [sflag:s26], $0x2000  }
0x339: {  	v37 =	vand.u32 $0x7A, v37;
	v38 =	vand.u32 $0xC00, v38;
	[sflag:s26] =	ssyncset.done $0x0  }
0x33a: {  	v37 =	vor.u32 v37, v38;
	[sflag:s26] =	ssyncadd.s32 $0xFFFFE000  }
0x33b: {  	v38 =	vor.u32 v1, v37;
	v36 =	vld.idx.msk [tilespmem:v36+s15+$0x0], $0xffff  }
0x33c: {  	v39 =	vor.u32 s18, v13;
	_ =	sdelay $0x3  }
0x33d: {  	[tilespmem:v38+s24+$0x0] =	vst.idx.msk $0xffff, v36  }
0x33e: {  	v38 =	vor.u32 v3, v37;
	v36 =	vld.idx.msk [tilespmem:v39+s15+$0x0], $0xffff  }
0x33f: {  	v39 =	vor.u32 s18, v14;
	_ =	sdelay $0x3  }
0x340: {  	[tilespmem:v38+s24+$0x0] =	vst.idx.msk $0xffff, v36  }
0x341: {  	v38 =	vor.u32 v5, v37;
	v36 =	vld.idx.msk [tilespmem:v39+s15+$0x0], $0xffff  }
0x342: {  	v39 =	vor.u32 s18, v15;
	_ =	sdelay $0x3  }
0x343: {  	[tilespmem:v38+s24+$0x0] =	vst.idx.msk $0xffff, v36  }
0x344: {  	v37 =	vor.u32 v7, v37;
	v36 =	vld.idx.msk [tilespmem:v39+s15+$0x0], $0xffff;
	_ =	sdelay $0x3  }
0x345: {  	s0 =	sand.u32 $0xFFFFF80, s0;
	s16 =	sand.u32 $0x7F, s16  }
0x346: {  	s0 =	sadd.s32 s1, s0;
	s18 =	simm.s32 $0x3;
	[tilespmem:v37+s24+$0x0] =	vst.idx.msk $0xffff, v36;
	v36 =	vor.u32 s16, v16  }
0x347: {  	v37 =	vmov s18;
	[tilespmem:s20], [sflag:$0x3] =	stream.strided.gather [hbm4b:s0+s13], $0x2000, s14, s13, $0x38;
	[tilespmem:$0x18200] =	vst v63  }
0x348: {  	v38 =	vshll.u32 v37, $0x3;
	_ =	swait.ge [sflag:s28], $0x2000  }
0x349: {  	v37 =	vand.u32 $0x7B, v37;
	v38 =	vand.u32 $0xC00, v38;
	[sflag:s28] =	ssyncset.done $0x0  }
0x34a: {  	v37 =	vor.u32 v37, v38;
	[sflag:s28] =	ssyncadd.s32 $0xFFFFE000  }
0x34b: {  	v38 =	vor.u32 v1, v37;
	v36 =	vld.idx.msk [tilespmem:v36+s15+$0x0], $0xffff  }
0x34c: {  	v39 =	vor.u32 s16, v17;
	_ =	sdelay $0x3  }
0x34d: {  	[tilespmem:v38+s24+$0x0] =	vst.idx.msk $0xffff, v36  }
0x34e: {  	v38 =	vor.u32 v3, v37;
	v36 =	vld.idx.msk [tilespmem:v39+s15+$0x0], $0xffff  }
0x34f: {  	v39 =	vor.u32 s16, v18;
	_ =	sdelay $0x3  }
0x350: {  	[tilespmem:v38+s24+$0x0] =	vst.idx.msk $0xffff, v36  }
0x351: {  	v38 =	vor.u32 v5, v37;
	v36 =	vld.idx.msk [tilespmem:v39+s15+$0x0], $0xffff  }
0x352: {  	v39 =	vor.u32 s16, v19;
	_ =	sdelay $0x3  }
0x353: {  	[tilespmem:v38+s24+$0x0] =	vst.idx.msk $0xffff, v36  }
0x354: {  	v37 =	vor.u32 v7, v37;
	v36 =	vld.idx.msk [tilespmem:v39+s15+$0x0], $0xffff;
	_ =	sdelay $0x3  }
0x355: {  	s25 =	sand.u32 $0x7F, s12;
	s20 =	sand.u32 $0xFFFFF80, s11  }
0x356: {  	s2 =	simm.s32 $0x4;
	s0 =	sadd.s32 s1, s20;
	[tilespmem:v37+s24+$0x0] =	vst.idx.msk $0xffff, v36;
	v36 =	vor.u32 s25, v20  }
0x357: {  	v37 =	vmov s2;
	[tilespmem:s21], [sflag:$0x4] =	stream.strided.gather [hbm4b:s0+s13], $0x2000, s14, s13, $0x38;
	[tilespmem:$0x18200] =	vst v63  }
0x358: {  	v38 =	vshll.u32 v37, $0x3;
	_ =	swait.ge [sflag:s29], $0x2000  }
0x359: {  	v37 =	vand.u32 $0x7C, v37;
	v38 =	vand.u32 $0xC00, v38;
	[sflag:s29] =	ssyncset.done $0x0  }
0x35a: {  	v37 =	vor.u32 v37, v38;
	[sflag:s29] =	ssyncadd.s32 $0xFFFFE000  }
0x35b: {  	v38 =	vor.u32 v1, v37;
	v36 =	vld.idx.msk [tilespmem:v36+s15+$0x0], $0xffff  }
0x35c: {  	v39 =	vor.u32 s25, v21;
	_ =	sdelay $0x3  }
0x35d: {  	[tilespmem:v38+s24+$0x0] =	vst.idx.msk $0xffff, v36  }
0x35e: {  	v38 =	vor.u32 v3, v37;
	v36 =	vld.idx.msk [tilespmem:v39+s15+$0x0], $0xffff  }
0x35f: {  	v39 =	vor.u32 s25, v22;
	_ =	sdelay $0x3  }
0x360: {  	[tilespmem:v38+s24+$0x0] =	vst.idx.msk $0xffff, v36  }
0x361: {  	v38 =	vor.u32 v5, v37;
	v36 =	vld.idx.msk [tilespmem:v39+s15+$0x0], $0xffff  }
0x362: {  	v39 =	vor.u32 s25, v23;
	_ =	sdelay $0x3  }
0x363: {  	[tilespmem:v38+s24+$0x0] =	vst.idx.msk $0xffff, v36  }
0x364: {  	v37 =	vor.u32 v7, v37;
	v36 =	vld.idx.msk [tilespmem:v39+s15+$0x0], $0xffff;
	_ =	sdelay $0x3  }
0x365: {  	s12 =	sand.u32 $0x7F, s10;
	s11 =	sand.u32 $0xFFFFF80, s9  }
0x366: {  	s16 =	simm.s32 $0x5;
	s0 =	sadd.s32 s1, s11;
	[tilespmem:v37+s24+$0x0] =	vst.idx.msk $0xffff, v36;
	v36 =	vor.u32 s12, v24  }
0x367: {  	v37 =	vmov s16;
	[tilespmem:s22], [sflag:$0x5] =	stream.strided.gather [hbm4b:s0+s13], $0x2000, s14, s13, $0x38;
	[tilespmem:$0x18200] =	vst v63  }
0x368: {  	v38 =	vshll.u32 v37, $0x3;
	_ =	swait.ge [sflag:s30], $0x2000  }
0x369: {  	v37 =	vand.u32 $0x7D, v37;
	v38 =	vand.u32 $0xC00, v38;
	[sflag:s30] =	ssyncset.done $0x0  }
0x36a: {  	v37 =	vor.u32 v37, v38;
	[sflag:s30] =	ssyncadd.s32 $0xFFFFE000  }
0x36b: {  	v38 =	vor.u32 v1, v37;
	v36 =	vld.idx.msk [tilespmem:v36+s15+$0x0], $0xffff  }
0x36c: {  	v39 =	vor.u32 s12, v25;
	_ =	sdelay $0x3  }
0x36d: {  	[tilespmem:v38+s24+$0x0] =	vst.idx.msk $0xffff, v36  }
0x36e: {  	v38 =	vor.u32 v3, v37;
	v36 =	vld.idx.msk [tilespmem:v39+s15+$0x0], $0xffff  }
0x36f: {  	v39 =	vor.u32 s12, v26;
	_ =	sdelay $0x3  }
0x370: {  	[tilespmem:v38+s24+$0x0] =	vst.idx.msk $0xffff, v36  }
0x371: {  	v38 =	vor.u32 v5, v37;
	v36 =	vld.idx.msk [tilespmem:v39+s15+$0x0], $0xffff  }
0x372: {  	v39 =	vor.u32 s12, v27;
	_ =	sdelay $0x3  }
0x373: {  	[tilespmem:v38+s24+$0x0] =	vst.idx.msk $0xffff, v36  }
0x374: {  	v37 =	vor.u32 v7, v37;
	v36 =	vld.idx.msk [tilespmem:v39+s15+$0x0], $0xffff;
	_ =	sdelay $0x3  }
0x375: {  	s17 =	sand.u32 $0xFFFFF80, s7;
	s18 =	sand.u32 $0x7F, s8  }
0x376: {  	s20 =	simm.s32 $0x6;
	s0 =	sadd.s32 s1, s17;
	[tilespmem:v37+s24+$0x0] =	vst.idx.msk $0xffff, v36;
	v36 =	vor.u32 s18, v28  }
0x377: {  	v37 =	vmov s20;
	[tilespmem:s23], [sflag:$0x6] =	stream.strided.gather [hbm4b:s0+s13], $0x2000, s14, s13, $0x38;
	[tilespmem:$0x18200] =	vst v63  }
0x378: {  	v38 =	vshll.u32 v37, $0x3;
	_ =	swait.ge [sflag:s31], $0x2000  }
0x379: {  	v37 =	vand.u32 $0x7E, v37;
	v38 =	vand.u32 $0xC00, v38;
	[sflag:s31] =	ssyncset.done $0x0  }
0x37a: {  	v37 =	vor.u32 v37, v38;
	[sflag:s31] =	ssyncadd.s32 $0xFFFFE000  }
0x37b: {  	v38 =	vor.u32 v1, v37;
	v36 =	vld.idx.msk [tilespmem:v36+s15+$0x0], $0xffff  }
0x37c: {  	v39 =	vor.u32 s18, v29;
	_ =	sdelay $0x3  }
0x37d: {  	[tilespmem:v38+s24+$0x0] =	vst.idx.msk $0xffff, v36  }
0x37e: {  	v38 =	vor.u32 v3, v37;
	v36 =	vld.idx.msk [tilespmem:v39+s15+$0x0], $0xffff  }
0x37f: {  	v39 =	vor.u32 s18, v30;
	_ =	sdelay $0x3  }
0x380: {  	[tilespmem:v38+s24+$0x0] =	vst.idx.msk $0xffff, v36  }
0x381: {  	v38 =	vor.u32 v5, v37;
	v36 =	vld.idx.msk [tilespmem:v39+s15+$0x0], $0xffff  }
0x382: {  	v39 =	vor.u32 s18, v31;
	_ =	sdelay $0x3  }
0x383: {  	[tilespmem:v38+s24+$0x0] =	vst.idx.msk $0xffff, v36  }
0x384: {  	v37 =	vor.u32 v7, v37;
	v36 =	vld.idx.msk [tilespmem:v39+s15+$0x0], $0xffff;
	_ =	sdelay $0x3  }
0x385: {  	s21 =	sand.u32 $0xFFFFF80, s5;
	s22 =	sand.u32 $0x7F, s6  }
0x386: {  	s19 =	simm.s32 $0xC200;
	s0 =	sadd.s32 s1, s21;
	s23 =	simm.s32 $0x7;
	[tilespmem:v37+s24+$0x0] =	vst.idx.msk $0xffff, v36;
	v36 =	vor.u32 s22, v32  }
0x387: {  	v37 =	vmov s23;
	[tilespmem:s19], [sflag:$0x7] =	stream.strided.gather [hbm4b:s0+s13], $0x2000, s14, s13, $0x38;
	[tilespmem:$0x18200] =	vst v63  }
0x388: {  	v38 =	vshll.u32 v37, $0x3;
	_ =	swait.ge [sflag:s3], $0x2000  }
0x389: {  	v37 =	vand.u32 $0x7F, v37;
	v38 =	vand.u32 $0xC00, v38;
	[sflag:s3] =	ssyncset.done $0x0  }
0x38a: {  	v37 =	vor.u32 v37, v38;
	[sflag:s3] =	ssyncadd.s32 $0xFFFFE000  }
0x38b: {  	v38 =	vor.u32 v1, v37;
	v36 =	vld.idx.msk [tilespmem:v36+s15+$0x0], $0xffff  }
0x38c: {  	v39 =	vor.u32 s22, v33;
	_ =	sdelay $0x3  }
0x38d: {  	[tilespmem:v38+s24+$0x0] =	vst.idx.msk $0xffff, v36  }
0x38e: {  	v38 =	vor.u32 v3, v37;
	v36 =	vld.idx.msk [tilespmem:v39+s15+$0x0], $0xffff  }
0x38f: {  	v39 =	vor.u32 s22, v34;
	_ =	sdelay $0x3  }
0x390: {  	[tilespmem:v38+s24+$0x0] =	vst.idx.msk $0xffff, v36  }
0x391: {  	v38 =	vor.u32 v5, v37;
	v36 =	vld.idx.msk [tilespmem:v39+s15+$0x0], $0xffff  }
0x392: {  	v39 =	vor.u32 s22, v35;
	_ =	sdelay $0x3  }
0x393: {  	[tilespmem:v38+s24+$0x0] =	vst.idx.msk $0xffff, v36  }
0x394: {  	v37 =	vor.u32 v7, v37;
	v36 =	vld.idx.msk [tilespmem:v39+s15+$0x0], $0xffff;
	_ =	sdelay $0x3  }
0x395: {  	s7 =	simm.s32 $0xF;
	s25 =	sand.u32 $0xFFFFF80, s4  }
0x396: {  	s8 =	simm.s32 $0x8;
	s0 =	sadd.s32 s1, s25;
	s25 =	simm.s32 $0x2200;
	[tilespmem:v37+s24+$0x0] =	vst.idx.msk $0xffff, v36  }
.LBB2_4:
0x397: {  	s2 =	simm.s32 $0xE200  }
0x398: {  	[tilespmem:s2], [sflag:$0x8] =	stream.strided.gather [hbm4b:s0+s13], $0x2000, s14, s13, $0x38;
	[tilespmem:$0x18200] =	vst v63  }
0x399: {  	p0 =	sne.s32 s7, $0x1F7;
	s9 =	smov.u32 s7;
	s7 =	sadd.s32 $0x8, s7;
	v36 =	vld [tilespmem:s8+$0x0]  }
0x39a: {  	_ =	sdelay $0x3  }
0x39b: {  	(v2sf) =	vpush v36, $0x0  }
0x39c: {  	(v2sf) =	vpush v36, $0x8  }
0x39d: {  	(v2sf) =	vpush v36, $0x1  }
0x39e: {  	(v2sf) =	vpush v36, $0x9  }
0x39f: {  	(v2sf) =	vpush v36, $0x2  }
0x3a0: {  	(v2sf) =	vpush v36, $0xA  }
0x3a1: {  	(v2sf) =	vpush v36, $0x3  }
0x3a2: {  	(v2sf) =	vpush v36, $0xB  }
0x3a3: {  	(v2sf) =	vpush v36, $0x4  }
0x3a4: {  	(v2sf) =	vpush v36, $0xC  }
0x3a5: {  	(v2sf) =	vpush v36, $0x5  }
0x3a6: {  	(v2sf) =	vpush v36, $0xD  }
0x3a7: {  	(v2sf) =	vpush v36, $0x6  }
0x3a8: {  	(v2sf) =	vpush v36, $0xE  }
0x3a9: {  	(v2sf) =	vpush v36, $0x7  }
0x3aa: {  	s0 =	spop (v2sf);
	(v2sf) =	vpush v36, $0xF  }
0x3ab: {  	s23 =	sand.u32 $0x7F, s0;
	s0 =	spop (v2sf)  }
0x3ac: {  	s5 =	simm.s32 $0x1;
	v36 =	vor.u32 s23, v0;
	s0 =	sand.u32 $0xFFFFF80, s0;
	s2 =	spop (v2sf)  }
0x3ad: {  	s4 =	sadd.s32 $0xFFFFFFF9, s9;
	s22 =	sand.u32 $0x7F, s2;
	s2 =	spop (v2sf)  }
0x3ae: {  	_ =	swait.ge [sflag:s5], $0x2000  }
0x3af: {  	v37 =	vmov s4;
	s21 =	sand.u32 $0xFFFFF80, s2;
	s2 =	spop (v2sf)  }
0x3b0: {  	v38 =	vshll.u32 v37, $0x3;
	[sflag:s5] =	ssyncset.done $0x0;
	s20 =	sand.u32 $0x7F, s2;
	s2 =	spop (v2sf)  }
0x3b1: {  	v37 =	vand.u32 $0x78, v37;
	v38 =	vand.u32 $0xC00, v38;
	[sflag:s5] =	ssyncadd.s32 $0xFFFFE000;
	s19 =	sand.u32 $0xFFFFF80, s2;
	s2 =	spop (v2sf)  }
0x3b2: {  	v37 =	vor.u32 v37, v38;
	v36 =	vld.idx.msk [tilespmem:v36+s15+$0x0], $0xffff;
	s18 =	sand.u32 $0x7F, s2;
	s2 =	spop (v2sf)  }
0x3b3: {  	v38 =	vor.u32 v1, v37;
	s17 =	sand.u32 $0xFFFFF80, s2;
	s2 =	spop (v2sf)  }
0x3b4: {  	v39 =	vor.u32 s23, v2;
	s16 =	sand.u32 $0x7F, s2;
	s2 =	spop (v2sf)  }
0x3b5: {  	s6 =	sand.u32 $0xFFFFF80, s2;
	s2 =	spop (v2sf)  }
0x3b6: {  	s5 =	sand.u32 $0x7F, s2;
	s2 =	spop (v2sf)  }
0x3b7: {  	s11 =	sand.u32 $0xFFFFF80, s2;
	s2 =	spop (v2sf)  }
0x3b8: {  	[tilespmem:v38+s24+$0x0] =	vst.idx.msk $0xffff, v36;
	s4 =	sand.u32 $0x7F, s2;
	s2 =	spop (v2sf)  }
0x3b9: {  	v36 =	vld.idx.msk [tilespmem:v39+s15+$0x0], $0xffff;
	s2 =	sand.u32 $0xFFFFF80, s2;
	s10 =	spop (v2sf)  }
0x3ba: {  	v38 =	vor.u32 v3, v37;
	s12 =	sand.u32 $0x7F, s10;
	s10 =	spop (v2sf)  }
0x3bb: {  	v39 =	vor.u32 s23, v4;
	s10 =	sand.u32 $0xFFFFF80, s10;
	_ =	sdelay $0x3  }
0x3bc: {  	[tilespmem:v38+s24+$0x0] =	vst.idx.msk $0xffff, v36  }
0x3bd: {  	v36 =	vld.idx.msk [tilespmem:v39+s15+$0x0], $0xffff  }
0x3be: {  	v38 =	vor.u32 v5, v37  }
0x3bf: {  	v39 =	vor.u32 s23, v6;
	_ =	sdelay $0x3  }
0x3c0: {  	[tilespmem:v38+s24+$0x0] =	vst.idx.msk $0xffff, v36  }
0x3c1: {  	v36 =	vld.idx.msk [tilespmem:v39+s15+$0x0], $0xffff  }
0x3c2: {  	v37 =	vor.u32 v7, v37;
	_ =	sdelay $0x4  }
0x3c3: {  	s0 =	sadd.s32 s1, s0;
	s23 =	sadd.s32 $0xFFFFFFFA, s9;
	[tilespmem:v37+s24+$0x0] =	vst.idx.msk $0xffff, v36;
	v36 =	vor.u32 s22, v8  }
0x3c4: {  	[tilespmem:s15], [sflag:$0x1] =	stream.strided.gather [hbm4b:s0+s13], $0x2000, s14, s13, $0x38;
	[tilespmem:$0x18200] =	vst v63  }
0x3c5: {  	v37 =	vmov s23;
	s23 =	simm.s32 $0xA200;
	s0 =	simm.s32 $0x2  }
0x3c6: {  	v38 =	vshll.u32 v37, $0x3;
	_ =	swait.ge [sflag:s0], $0x2000  }
0x3c7: {  	v37 =	vand.u32 $0x79, v37;
	v38 =	vand.u32 $0xC00, v38;
	[sflag:s0] =	ssyncset.done $0x0  }
0x3c8: {  	v37 =	vor.u32 v37, v38;
	[sflag:s0] =	ssyncadd.s32 $0xFFFFE000  }
0x3c9: {  	v36 =	vld.idx.msk [tilespmem:v36+s15+$0x0], $0xffff  }
0x3ca: {  	v38 =	vor.u32 v1, v37  }
0x3cb: {  	v39 =	vor.u32 s22, v9;
	_ =	sdelay $0x3  }
0x3cc: {  	[tilespmem:v38+s24+$0x0] =	vst.idx.msk $0xffff, v36  }
0x3cd: {  	v36 =	vld.idx.msk [tilespmem:v39+s15+$0x0], $0xffff  }
0x3ce: {  	v38 =	vor.u32 v3, v37  }
0x3cf: {  	v39 =	vor.u32 s22, v10;
	_ =	sdelay $0x3  }
0x3d0: {  	[tilespmem:v38+s24+$0x0] =	vst.idx.msk $0xffff, v36  }
0x3d1: {  	v36 =	vld.idx.msk [tilespmem:v39+s15+$0x0], $0xffff  }
0x3d2: {  	v38 =	vor.u32 v5, v37  }
0x3d3: {  	v39 =	vor.u32 s22, v11;
	s22 =	simm.s32 $0x8200;
	_ =	sdelay $0x3  }
0x3d4: {  	[tilespmem:v38+s24+$0x0] =	vst.idx.msk $0xffff, v36  }
0x3d5: {  	v36 =	vld.idx.msk [tilespmem:v39+s15+$0x0], $0xffff  }
0x3d6: {  	v37 =	vor.u32 v7, v37;
	_ =	sdelay $0x3  }
0x3d7: {  	s0 =	sadd.s32 s1, s21;
	s21 =	sadd.s32 $0xFFFFFFFB, s9  }
0x3d8: {  	[tilespmem:v37+s24+$0x0] =	vst.idx.msk $0xffff, v36;
	v36 =	vor.u32 s20, v12;
	v37 =	vmov s21;
	s21 =	simm.s32 $0x6200  }
0x3d9: {  	[tilespmem:s25], [sflag:$0x2] =	stream.strided.gather [hbm4b:s0+s13], $0x2000, s14, s13, $0x38;
	[tilespmem:$0x18200] =	vst v63  }
0x3da: {  	v38 =	vshll.u32 v37, $0x3;
	_ =	swait.ge [sflag:s26], $0x2000  }
0x3db: {  	v37 =	vand.u32 $0x7A, v37;
	v38 =	vand.u32 $0xC00, v38;
	[sflag:s26] =	ssyncset.done $0x0  }
0x3dc: {  	v37 =	vor.u32 v37, v38;
	[sflag:s26] =	ssyncadd.s32 $0xFFFFE000  }
0x3dd: {  	v36 =	vld.idx.msk [tilespmem:v36+s15+$0x0], $0xffff  }
0x3de: {  	v38 =	vor.u32 v1, v37  }
0x3df: {  	v39 =	vor.u32 s20, v13;
	_ =	sdelay $0x3  }
0x3e0: {  	[tilespmem:v38+s24+$0x0] =	vst.idx.msk $0xffff, v36  }
0x3e1: {  	v36 =	vld.idx.msk [tilespmem:v39+s15+$0x0], $0xffff  }
0x3e2: {  	v38 =	vor.u32 v3, v37  }
0x3e3: {  	v39 =	vor.u32 s20, v14;
	_ =	sdelay $0x3  }
0x3e4: {  	[tilespmem:v38+s24+$0x0] =	vst.idx.msk $0xffff, v36  }
0x3e5: {  	v36 =	vld.idx.msk [tilespmem:v39+s15+$0x0], $0xffff  }
0x3e6: {  	v38 =	vor.u32 v5, v37  }
0x3e7: {  	v39 =	vor.u32 s20, v15;
	s20 =	simm.s32 $0x4200;
	_ =	sdelay $0x3  }
0x3e8: {  	[tilespmem:v38+s24+$0x0] =	vst.idx.msk $0xffff, v36  }
0x3e9: {  	v36 =	vld.idx.msk [tilespmem:v39+s15+$0x0], $0xffff  }
0x3ea: {  	v37 =	vor.u32 v7, v37;
	_ =	sdelay $0x3  }
0x3eb: {  	s0 =	sadd.s32 s1, s19;
	s19 =	sadd.s32 $0xFFFFFFFC, s9  }
0x3ec: {  	[tilespmem:v37+s24+$0x0] =	vst.idx.msk $0xffff, v36;
	v36 =	vor.u32 s18, v16;
	v37 =	vmov s19;
	s19 =	simm.s32 $0xC200  }
0x3ed: {  	[tilespmem:s20], [sflag:$0x3] =	stream.strided.gather [hbm4b:s0+s13], $0x2000, s14, s13, $0x38;
	[tilespmem:$0x18200] =	vst v63  }
0x3ee: {  	v38 =	vshll.u32 v37, $0x3;
	_ =	swait.ge [sflag:s28], $0x2000  }
0x3ef: {  	v37 =	vand.u32 $0x7B, v37;
	v38 =	vand.u32 $0xC00, v38;
	[sflag:s28] =	ssyncset.done $0x0  }
0x3f0: {  	v37 =	vor.u32 v37, v38;
	[sflag:s28] =	ssyncadd.s32 $0xFFFFE000  }
0x3f1: {  	v36 =	vld.idx.msk [tilespmem:v36+s15+$0x0], $0xffff  }
0x3f2: {  	v38 =	vor.u32 v1, v37  }
0x3f3: {  	v39 =	vor.u32 s18, v17;
	_ =	sdelay $0x3  }
0x3f4: {  	[tilespmem:v38+s24+$0x0] =	vst.idx.msk $0xffff, v36  }
0x3f5: {  	v36 =	vld.idx.msk [tilespmem:v39+s15+$0x0], $0xffff  }
0x3f6: {  	v38 =	vor.u32 v3, v37  }
0x3f7: {  	v39 =	vor.u32 s18, v18;
	_ =	sdelay $0x3  }
0x3f8: {  	[tilespmem:v38+s24+$0x0] =	vst.idx.msk $0xffff, v36  }
0x3f9: {  	v36 =	vld.idx.msk [tilespmem:v39+s15+$0x0], $0xffff  }
0x3fa: {  	v38 =	vor.u32 v5, v37  }
0x3fb: {  	v39 =	vor.u32 s18, v19;
	_ =	sdelay $0x3  }
0x3fc: {  	[tilespmem:v38+s24+$0x0] =	vst.idx.msk $0xffff, v36  }
0x3fd: {  	v36 =	vld.idx.msk [tilespmem:v39+s15+$0x0], $0xffff  }
0x3fe: {  	v37 =	vor.u32 v7, v37;
	_ =	sdelay $0x4  }
0x3ff: {  	s0 =	sadd.s32 s1, s17;
	s17 =	sadd.s32 $0xFFFFFFFD, s9;
	[tilespmem:v37+s24+$0x0] =	vst.idx.msk $0xffff, v36;
	v36 =	vor.u32 s16, v20  }
0x400: {  	v37 =	vmov s17;
	[tilespmem:s21], [sflag:$0x4] =	stream.strided.gather [hbm4b:s0+s13], $0x2000, s14, s13, $0x38;
	[tilespmem:$0x18200] =	vst v63  }
0x401: {  	v38 =	vshll.u32 v37, $0x3;
	_ =	swait.ge [sflag:s29], $0x2000  }
0x402: {  	v37 =	vand.u32 $0x7C, v37;
	v38 =	vand.u32 $0xC00, v38;
	[sflag:s29] =	ssyncset.done $0x0  }
0x403: {  	v37 =	vor.u32 v37, v38;
	[sflag:s29] =	ssyncadd.s32 $0xFFFFE000  }
0x404: {  	v36 =	vld.idx.msk [tilespmem:v36+s15+$0x0], $0xffff  }
0x405: {  	v38 =	vor.u32 v1, v37  }
0x406: {  	v39 =	vor.u32 s16, v21;
	_ =	sdelay $0x3  }
0x407: {  	[tilespmem:v38+s24+$0x0] =	vst.idx.msk $0xffff, v36  }
0x408: {  	v36 =	vld.idx.msk [tilespmem:v39+s15+$0x0], $0xffff  }
0x409: {  	v38 =	vor.u32 v3, v37  }
0x40a: {  	v39 =	vor.u32 s16, v22;
	_ =	sdelay $0x3  }
0x40b: {  	[tilespmem:v38+s24+$0x0] =	vst.idx.msk $0xffff, v36  }
0x40c: {  	v36 =	vld.idx.msk [tilespmem:v39+s15+$0x0], $0xffff  }
0x40d: {  	v38 =	vor.u32 v5, v37  }
0x40e: {  	v39 =	vor.u32 s16, v23;
	_ =	sdelay $0x3  }
0x40f: {  	[tilespmem:v38+s24+$0x0] =	vst.idx.msk $0xffff, v36  }
0x410: {  	v36 =	vld.idx.msk [tilespmem:v39+s15+$0x0], $0xffff  }
0x411: {  	v37 =	vor.u32 v7, v37;
	_ =	sdelay $0x4  }
0x412: {  	s0 =	sadd.s32 s1, s6;
	s6 =	sadd.s32 $0xFFFFFFFE, s9;
	[tilespmem:v37+s24+$0x0] =	vst.idx.msk $0xffff, v36;
	v36 =	vor.u32 s5, v24  }
0x413: {  	v37 =	vmov s6;
	[tilespmem:s22], [sflag:$0x5] =	stream.strided.gather [hbm4b:s0+s13], $0x2000, s14, s13, $0x38;
	[tilespmem:$0x18200] =	vst v63  }
0x414: {  	v38 =	vshll.u32 v37, $0x3;
	_ =	swait.ge [sflag:s30], $0x2000  }
0x415: {  	v37 =	vand.u32 $0x7D, v37;
	v38 =	vand.u32 $0xC00, v38;
	[sflag:s30] =	ssyncset.done $0x0  }
0x416: {  	v37 =	vor.u32 v37, v38;
	[sflag:s30] =	ssyncadd.s32 $0xFFFFE000  }
0x417: {  	v36 =	vld.idx.msk [tilespmem:v36+s15+$0x0], $0xffff  }
0x418: {  	v38 =	vor.u32 v1, v37  }
0x419: {  	v39 =	vor.u32 s5, v25;
	_ =	sdelay $0x3  }
0x41a: {  	[tilespmem:v38+s24+$0x0] =	vst.idx.msk $0xffff, v36  }
0x41b: {  	v36 =	vld.idx.msk [tilespmem:v39+s15+$0x0], $0xffff  }
0x41c: {  	v38 =	vor.u32 v3, v37  }
0x41d: {  	v39 =	vor.u32 s5, v26;
	_ =	sdelay $0x3  }
0x41e: {  	[tilespmem:v38+s24+$0x0] =	vst.idx.msk $0xffff, v36  }
0x41f: {  	v36 =	vld.idx.msk [tilespmem:v39+s15+$0x0], $0xffff  }
0x420: {  	v38 =	vor.u32 v5, v37  }
0x421: {  	v39 =	vor.u32 s5, v27;
	_ =	sdelay $0x3  }
0x422: {  	[tilespmem:v38+s24+$0x0] =	vst.idx.msk $0xffff, v36  }
0x423: {  	v36 =	vld.idx.msk [tilespmem:v39+s15+$0x0], $0xffff  }
0x424: {  	v37 =	vor.u32 v7, v37;
	_ =	sdelay $0x4  }
0x425: {  	s0 =	sadd.s32 s1, s11;
	s5 =	sadd.s32 $0xFFFFFFFF, s9;
	[tilespmem:v37+s24+$0x0] =	vst.idx.msk $0xffff, v36;
	v36 =	vor.u32 s4, v28  }
0x426: {  	v37 =	vmov s5;
	[tilespmem:s23], [sflag:$0x6] =	stream.strided.gather [hbm4b:s0+s13], $0x2000, s14, s13, $0x38;
	[tilespmem:$0x18200] =	vst v63  }
0x427: {  	v38 =	vshll.u32 v37, $0x3;
	_ =	swait.ge [sflag:s31], $0x2000  }
0x428: {  	v37 =	vand.u32 $0x7E, v37;
	v38 =	vand.u32 $0xC00, v38;
	[sflag:s31] =	ssyncset.done $0x0  }
0x429: {  	v37 =	vor.u32 v37, v38;
	[sflag:s31] =	ssyncadd.s32 $0xFFFFE000  }
0x42a: {  	v36 =	vld.idx.msk [tilespmem:v36+s15+$0x0], $0xffff  }
0x42b: {  	v38 =	vor.u32 v1, v37  }
0x42c: {  	v39 =	vor.u32 s4, v29;
	_ =	sdelay $0x3  }
0x42d: {  	[tilespmem:v38+s24+$0x0] =	vst.idx.msk $0xffff, v36  }
0x42e: {  	v36 =	vld.idx.msk [tilespmem:v39+s15+$0x0], $0xffff  }
0x42f: {  	v38 =	vor.u32 v3, v37  }
0x430: {  	v39 =	vor.u32 s4, v30;
	_ =	sdelay $0x3  }
0x431: {  	[tilespmem:v38+s24+$0x0] =	vst.idx.msk $0xffff, v36  }
0x432: {  	v36 =	vld.idx.msk [tilespmem:v39+s15+$0x0], $0xffff  }
0x433: {  	v38 =	vor.u32 v5, v37  }
0x434: {  	v39 =	vor.u32 s4, v31;
	_ =	sdelay $0x3  }
0x435: {  	[tilespmem:v38+s24+$0x0] =	vst.idx.msk $0xffff, v36  }
0x436: {  	v36 =	vld.idx.msk [tilespmem:v39+s15+$0x0], $0xffff  }
0x437: {  	v37 =	vor.u32 v7, v37;
	_ =	sdelay $0x4  }
0x438: {  	s0 =	sadd.s32 s1, s2;
	[tilespmem:v37+s24+$0x0] =	vst.idx.msk $0xffff, v36;
	v36 =	vor.u32 s12, v32  }
0x439: {  	[tilespmem:s19], [sflag:$0x7] =	stream.strided.gather [hbm4b:s0+s13], $0x2000, s14, s13, $0x38;
	[tilespmem:$0x18200] =	vst v63  }
0x43a: {  	v37 =	vmov s9;
	_ =	swait.ge [sflag:s3], $0x2000  }
0x43b: {  	v38 =	vshll.u32 v37, $0x3;
	[sflag:s3] =	ssyncset.done $0x0  }
0x43c: {  	v37 =	vand.u32 $0x7F, v37;
	v38 =	vand.u32 $0xC00, v38;
	[sflag:s3] =	ssyncadd.s32 $0xFFFFE000  }
0x43d: {  	v37 =	vor.u32 v37, v38;
	v36 =	vld.idx.msk [tilespmem:v36+s15+$0x0], $0xffff  }
0x43e: {  	v38 =	vor.u32 v1, v37  }
0x43f: {  	v39 =	vor.u32 s12, v33;
	_ =	sdelay $0x3  }
0x440: {  	[tilespmem:v38+s24+$0x0] =	vst.idx.msk $0xffff, v36  }
0x441: {  	v36 =	vld.idx.msk [tilespmem:v39+s15+$0x0], $0xffff  }
0x442: {  	v38 =	vor.u32 v3, v37  }
0x443: {  	v39 =	vor.u32 s12, v34;
	_ =	sdelay $0x3  }
0x444: {  	[tilespmem:v38+s24+$0x0] =	vst.idx.msk $0xffff, v36  }
0x445: {  	v36 =	vld.idx.msk [tilespmem:v39+s15+$0x0], $0xffff  }
0x446: {  	v38 =	vor.u32 v5, v37  }
0x447: {  	v39 =	vor.u32 s12, v35;
	_ =	sdelay $0x3  }
0x448: {  	[tilespmem:v38+s24+$0x0] =	vst.idx.msk $0xffff, v36  }
0x449: {  	v36 =	vld.idx.msk [tilespmem:v39+s15+$0x0], $0xffff  }
0x44a: {  	v37 =	vor.u32 v7, v37  }
.Ltmp1:
0x44b: {  	(pc) =	sbr.rel @p0 .LBB2_4-.Ltmp1, $2  }
0x44c: {  	_ =	sdelay $0x2  }
0x44d: {  	s8 =	sadd.s32 $0x8, s8;
	s0 =	sadd.s32 s1, s10;
	[tilespmem:v37+s24+$0x0] =	vst.idx.msk $0xffff, v36  }
0x44e: {  	s5 =	simm.s32 $0xE200  }
0x44f: {  	[tilespmem:s5], [sflag:$0x8] =	stream.strided.gather [hbm4b:s0+s13], $0x2000, s14, s13, $0x38;
	[tilespmem:$0x18200] =	vst v63  }
0x450: {  	v36 =	vld [tilespmem:$0x1F0];
	_ =	sdelay $0x4  }
0x451: {  	(v2sf) =	vpush v36, $0x8;
	_ =	sdelay $0xe  }
0x452: {  	s4 =	spop (v2sf)  }
0x453: {  	s0 =	sand.u32 $0x7F, s4  }
0x454: {  	s7 =	simm.s32 $0x1;
	v37 =	vor.u32 s0, v0  }
0x455: {  	_ =	swait.ge [sflag:s7], $0x2000  }
0x456: {  	v39 =	vld [tilespmem:$0x1FF80]  }
0x457: {  	[sflag:s7] =	ssyncset.done $0x0  }
0x458: {  	[sflag:s7] =	ssyncadd.s32 $0xFFFFE000  }
0x459: {  	v37 =	vld.idx.msk [tilespmem:v37+s15+$0x0], $0xffff;
	_ =	sdelay $0x2  }
0x45a: {  	v38 =	vor.u32 s0, v2;
	_ =	sdelay $0x1  }
0x45b: {  	[tilespmem:v39+s24+$0x0] =	vst.idx.msk $0xffff, v37;
	v39 =	vld [tilespmem:$0x1FF90];
	_ =	sdelay $0x2  }
0x45c: {  	v37 =	vld.idx.msk [tilespmem:v38+s15+$0x0], $0xffff;
	_ =	sdelay $0x2  }
0x45d: {  	v38 =	vor.u32 s0, v4  }
0x45e: {  	(v2sf) =	vpush v36, $0x9  }
0x45f: {  	[tilespmem:v39+s24+$0x0] =	vst.idx.msk $0xffff, v37;
	v39 =	vld [tilespmem:$0x1FFA0];
	_ =	sdelay $0x2  }
0x460: {  	v37 =	vld.idx.msk [tilespmem:v38+s15+$0x0], $0xffff;
	_ =	sdelay $0x2  }
0x461: {  	v38 =	vor.u32 s0, v6;
	_ =	sdelay $0x1  }
0x462: {  	[tilespmem:v39+s24+$0x0] =	vst.idx.msk $0xffff, v37;
	v39 =	vld [tilespmem:$0x1FFB0];
	_ =	sdelay $0x2  }
0x463: {  	v37 =	vld.idx.msk [tilespmem:v38+s15+$0x0], $0xffff;
	_ =	sdelay $0x2  }
0x464: {  	s6 =	spop (v2sf)  }
0x465: {  	s0 =	sand.u32 $0x7F, s6  }
0x466: {  	s2 =	simm.s32 $0x2;
	v38 =	vor.u32 s0, v8;
	[tilespmem:v39+s24+$0x0] =	vst.idx.msk $0xffff, v37  }
0x467: {  	_ =	swait.ge [sflag:s2], $0x2000  }
0x468: {  	v39 =	vld [tilespmem:$0x1FFC0]  }
0x469: {  	[sflag:s2] =	ssyncset.done $0x0  }
0x46a: {  	[sflag:s2] =	ssyncadd.s32 $0xFFFFE000  }
0x46b: {  	v37 =	vld.idx.msk [tilespmem:v38+s15+$0x0], $0xffff;
	_ =	sdelay $0x2  }
0x46c: {  	v38 =	vor.u32 s0, v9;
	_ =	sdelay $0x1  }
0x46d: {  	[tilespmem:v39+s24+$0x0] =	vst.idx.msk $0xffff, v37;
	v39 =	vld [tilespmem:$0x1FFD0];
	_ =	sdelay $0x2  }
0x46e: {  	v37 =	vld.idx.msk [tilespmem:v38+s15+$0x0], $0xffff;
	_ =	sdelay $0x2  }
0x46f: {  	(v2sf) =	vpush v36, $0xA;
	v38 =	vor.u32 s0, v10;
	_ =	sdelay $0x1  }
0x470: {  	[tilespmem:v39+s24+$0x0] =	vst.idx.msk $0xffff, v37;
	v39 =	vld [tilespmem:$0x1FFE0];
	_ =	sdelay $0x2  }
0x471: {  	v37 =	vld.idx.msk [tilespmem:v38+s15+$0x0], $0xffff;
	_ =	sdelay $0x2  }
0x472: {  	v38 =	vor.u32 s0, v11;
	_ =	sdelay $0x1  }
0x473: {  	[tilespmem:v39+s24+$0x0] =	vst.idx.msk $0xffff, v37;
	v39 =	vld [tilespmem:$0x1FFF0];
	_ =	sdelay $0x2  }
0x474: {  	v37 =	vld.idx.msk [tilespmem:v38+s15+$0x0], $0xffff;
	_ =	sdelay $0x1  }
0x475: {  	s8 =	spop (v2sf)  }
0x476: {  	s0 =	sand.u32 $0x7F, s8  }
0x477: {  	v38 =	vor.u32 s0, v12  }
0x478: {  	[tilespmem:v39+s24+$0x0] =	vst.idx.msk $0xffff, v37  }
0x479: {  	_ =	swait.ge [sflag:s26], $0x2000  }
0x47a: {  	[sflag:s26] =	ssyncset.done $0x0  }
0x47b: {  	[sflag:s26] =	ssyncadd.s32 $0xFFFFE000  }
0x47c: {  	v37 =	vld.idx.msk [tilespmem:v38+s15+$0x0], $0xffff  }
0x47d: {  	v38 =	vor.u32 s0, v13;
	_ =	sdelay $0x3  }
0x47e: {  	(v2sf) =	vpush v36, $0xB;
	[tilespmem:v40+s24+$0x0] =	vst.idx.msk $0xffff, v37  }
0x47f: {  	v37 =	vld.idx.msk [tilespmem:v38+s15+$0x0], $0xffff  }
0x480: {  	v38 =	vor.u32 s0, v14;
	_ =	sdelay $0x3  }
0x481: {  	[tilespmem:v41+s24+$0x0] =	vst.idx.msk $0xffff, v37  }
0x482: {  	v37 =	vld.idx.msk [tilespmem:v38+s15+$0x0], $0xffff  }
0x483: {  	v38 =	vor.u32 s0, v15;
	_ =	sdelay $0x3  }
0x484: {  	[tilespmem:v42+s24+$0x0] =	vst.idx.msk $0xffff, v37  }
0x485: {  	v37 =	vld.idx.msk [tilespmem:v38+s15+$0x0], $0xffff;
	_ =	sdelay $0x1  }
0x486: {  	s9 =	spop (v2sf)  }
0x487: {  	s0 =	sand.u32 $0x7F, s9  }
0x488: {  	v38 =	vor.u32 s0, v16  }
0x489: {  	[tilespmem:v43+s24+$0x0] =	vst.idx.msk $0xffff, v37  }
0x48a: {  	_ =	swait.ge [sflag:s28], $0x2000  }
0x48b: {  	[sflag:s28] =	ssyncset.done $0x0  }
0x48c: {  	[sflag:s28] =	ssyncadd.s32 $0xFFFFE000  }
0x48d: {  	v37 =	vld.idx.msk [tilespmem:v38+s15+$0x0], $0xffff  }
0x48e: {  	v38 =	vor.u32 s0, v17;
	_ =	sdelay $0x3  }
0x48f: {  	(v2sf) =	vpush v36, $0xC;
	[tilespmem:v44+s24+$0x0] =	vst.idx.msk $0xffff, v37  }
0x490: {  	v37 =	vld.idx.msk [tilespmem:v38+s15+$0x0], $0xffff  }
0x491: {  	v38 =	vor.u32 s0, v18;
	_ =	sdelay $0x3  }
0x492: {  	[tilespmem:v45+s24+$0x0] =	vst.idx.msk $0xffff, v37  }
0x493: {  	v37 =	vld.idx.msk [tilespmem:v38+s15+$0x0], $0xffff  }
0x494: {  	v38 =	vor.u32 s0, v19;
	_ =	sdelay $0x3  }
0x495: {  	[tilespmem:v46+s24+$0x0] =	vst.idx.msk $0xffff, v37  }
0x496: {  	v37 =	vld.idx.msk [tilespmem:v38+s15+$0x0], $0xffff;
	_ =	sdelay $0x1  }
0x497: {  	s10 =	spop (v2sf)  }
0x498: {  	s0 =	sand.u32 $0x7F, s10  }
0x499: {  	v38 =	vor.u32 s0, v20  }
0x49a: {  	[tilespmem:v47+s24+$0x0] =	vst.idx.msk $0xffff, v37  }
0x49b: {  	_ =	swait.ge [sflag:s29], $0x2000  }
0x49c: {  	[sflag:s29] =	ssyncset.done $0x0  }
0x49d: {  	[sflag:s29] =	ssyncadd.s32 $0xFFFFE000  }
0x49e: {  	v37 =	vld.idx.msk [tilespmem:v38+s15+$0x0], $0xffff  }
0x49f: {  	v38 =	vor.u32 s0, v21;
	_ =	sdelay $0x3  }
0x4a0: {  	(v2sf) =	vpush v36, $0xD;
	[tilespmem:v48+s24+$0x0] =	vst.idx.msk $0xffff, v37  }
0x4a1: {  	v37 =	vld.idx.msk [tilespmem:v38+s15+$0x0], $0xffff  }
0x4a2: {  	v38 =	vor.u32 s0, v22;
	_ =	sdelay $0x3  }
0x4a3: {  	[tilespmem:v49+s24+$0x0] =	vst.idx.msk $0xffff, v37  }
0x4a4: {  	v37 =	vld.idx.msk [tilespmem:v38+s15+$0x0], $0xffff  }
0x4a5: {  	v38 =	vor.u32 s0, v23;
	_ =	sdelay $0x3  }
0x4a6: {  	[tilespmem:v50+s24+$0x0] =	vst.idx.msk $0xffff, v37  }
0x4a7: {  	v37 =	vld.idx.msk [tilespmem:v38+s15+$0x0], $0xffff;
	_ =	sdelay $0x1  }
0x4a8: {  	s11 =	spop (v2sf)  }
0x4a9: {  	s0 =	sand.u32 $0x7F, s11  }
0x4aa: {  	v38 =	vor.u32 s0, v24  }
0x4ab: {  	[tilespmem:v51+s24+$0x0] =	vst.idx.msk $0xffff, v37  }
0x4ac: {  	_ =	swait.ge [sflag:s30], $0x2000  }
0x4ad: {  	[sflag:s30] =	ssyncset.done $0x0  }
0x4ae: {  	[sflag:s30] =	ssyncadd.s32 $0xFFFFE000  }
0x4af: {  	v37 =	vld.idx.msk [tilespmem:v38+s15+$0x0], $0xffff  }
0x4b0: {  	v38 =	vor.u32 s0, v25;
	_ =	sdelay $0x3  }
0x4b1: {  	(v2sf) =	vpush v36, $0xE;
	[tilespmem:v52+s24+$0x0] =	vst.idx.msk $0xffff, v37  }
0x4b2: {  	v37 =	vld.idx.msk [tilespmem:v38+s15+$0x0], $0xffff  }
0x4b3: {  	v38 =	vor.u32 s0, v26;
	_ =	sdelay $0x3  }
0x4b4: {  	[tilespmem:v53+s24+$0x0] =	vst.idx.msk $0xffff, v37  }
0x4b5: {  	v37 =	vld.idx.msk [tilespmem:v38+s15+$0x0], $0xffff  }
0x4b6: {  	v38 =	vor.u32 s0, v27;
	_ =	sdelay $0x3  }
0x4b7: {  	[tilespmem:v54+s24+$0x0] =	vst.idx.msk $0xffff, v37  }
0x4b8: {  	v37 =	vld.idx.msk [tilespmem:v38+s15+$0x0], $0xffff;
	_ =	sdelay $0x1  }
0x4b9: {  	s12 =	spop (v2sf)  }
0x4ba: {  	s0 =	sand.u32 $0x7F, s12  }
0x4bb: {  	v38 =	vor.u32 s0, v28  }
0x4bc: {  	s4 =	simm.s32 $0x7;
	[tilespmem:v55+s24+$0x0] =	vst.idx.msk $0xffff, v37  }
0x4bd: {  	_ =	swait.ge [sflag:s4], $0x2000  }
0x4be: {  	[sflag:s4] =	ssyncset.done $0x0  }
0x4bf: {  	[sflag:s4] =	ssyncadd.s32 $0xFFFFE000  }
0x4c0: {  	v37 =	vld.idx.msk [tilespmem:v38+s15+$0x0], $0xffff  }
0x4c1: {  	v38 =	vor.u32 s0, v29;
	_ =	sdelay $0x3  }
0x4c2: {  	(v2sf) =	vpush v36, $0xF;
	[tilespmem:v56+s24+$0x0] =	vst.idx.msk $0xffff, v37  }
0x4c3: {  	v36 =	vld.idx.msk [tilespmem:v38+s15+$0x0], $0xffff  }
0x4c4: {  	v37 =	vor.u32 s0, v30;
	_ =	sdelay $0x3  }
0x4c5: {  	[tilespmem:v57+s24+$0x0] =	vst.idx.msk $0xffff, v36  }
0x4c6: {  	v36 =	vld.idx.msk [tilespmem:v37+s15+$0x0], $0xffff  }
0x4c7: {  	v37 =	vor.u32 s0, v31;
	_ =	sdelay $0x3  }
0x4c8: {  	[tilespmem:v58+s24+$0x0] =	vst.idx.msk $0xffff, v36  }
0x4c9: {  	v36 =	vld.idx.msk [tilespmem:v37+s15+$0x0], $0xffff;
	_ =	sdelay $0x1  }
0x4ca: {  	s16 =	spop (v2sf)  }
0x4cb: {  	s0 =	sand.u32 $0x7F, s16  }
0x4cc: {  	v37 =	vor.u32 s0, v32  }
0x4cd: {  	[tilespmem:v59+s24+$0x0] =	vst.idx.msk $0xffff, v36  }
0x4ce: {  	_ =	swait.ge [sflag:s3], $0x2000  }
0x4cf: {  	[sflag:s3] =	ssyncset.done $0x0  }
0x4d0: {  	[sflag:s3] =	ssyncadd.s32 $0xFFFFE000  }
0x4d1: {  	v36 =	vld.idx.msk [tilespmem:v37+s15+$0x0], $0xffff  }
0x4d2: {  	v37 =	vor.u32 s0, v33;
	_ =	sdelay $0x3  }
0x4d3: {  	[tilespmem:v60+s24+$0x0] =	vst.idx.msk $0xffff, v36  }
0x4d4: {  	v36 =	vld.idx.msk [tilespmem:v37+s15+$0x0], $0xffff  }
0x4d5: {  	v37 =	vor.u32 s0, v34;
	_ =	sdelay $0x3  }
0x4d6: {  	[tilespmem:v61+s24+$0x0] =	vst.idx.msk $0xffff, v36  }
0x4d7: {  	v36 =	vld.idx.msk [tilespmem:v37+s15+$0x0], $0xffff  }
0x4d8: {  	v37 =	vor.u32 s0, v35;
	_ =	sdelay $0x3  }
0x4d9: {  	[tilespmem:v62+s24+$0x0] =	vst.idx.msk $0xffff, v36  }
0x4da: {  	v36 =	vld.idx.msk [tilespmem:v37+s15+$0x0], $0xffff;
	_ =	sdelay $0x4  }
0x4db: {  	s18 =	simm.s32 $0x1000;
	s6 =	simm.s32 $0x20000;
	s17 =	rddreg [dreg:$0xc];
	[tilespmem:v63+s24+$0x0] =	vst.idx.msk $0xffff, v36  }
0x4dc: {  	[hbm4b:s17+s18] =	stream.strided.scatter [tilespmem:s24], [sflag:$0x9], $0x8000, s6, s18, $0x38;
	[tilespmem:$0x18200] =	vst v63  }
0x4dd: {  	s8 =	simm.s32 $0xA;
	s0 =	simm.s32 $0x0;
	s6 =	rddreg [dreg:$0xd]  }
0x4de: {  	[tilespmem:s0], [sflag:$0xA] =	stream.linear.gather [hbm4b:s6+s0], $0x200, $0x38;
	[tilespmem:$0x18200] =	vst v63  }
0x4df: {  	_ =	swait.ge [sflag:s8], $0x200  }
0x4e0: {  	[sflag:s8] =	ssyncset.done $0x0  }
0x4e1: {  	[sflag:s8] =	ssyncadd.s32 $0xFFFFFE00  }
0x4e2: {  	v36 =	vld [tilespmem:$0x0];
	_ =	sdelay $0x4  }
0x4e3: {  	(v2sf) =	vpush v36, $0x0;
	_ =	sdelay $0x1  }
0x4e4: {  	(v2sf) =	vpush v36, $0x1;
	_ =	sdelay $0x2  }
0x4e5: {  	(v2sf) =	vpush v36, $0x2;
	_ =	sdelay $0x2  }
0x4e6: {  	(v2sf) =	vpush v36, $0x3;
	_ =	sdelay $0x2  }
0x4e7: {  	(v2sf) =	vpush v36, $0x4;
	_ =	sdelay $0x2  }
0x4e8: {  	(v2sf) =	vpush v36, $0x5  }
0x4e9: {  	s9 =	spop (v2sf)  }
0x4ea: {  	s4 =	sand.u32 $0xFFFFF80, s9  }
0x4eb: {  	(v2sf) =	vpush v36, $0x6;
	s10 =	spop (v2sf);
	s4 =	sadd.s32 s1, s4  }
0x4ec: {  	[tilespmem:s15], [sflag:$0x1] =	stream.strided.gather [hbm4b:s4+s13], $0x2000, s14, s13, $0x38;
	[tilespmem:$0x18200] =	vst v63  }
0x4ed: {  	s4 =	sand.u32 $0xFFFFF80, s10  }
0x4ee: {  	s11 =	spop (v2sf);
	s4 =	sadd.s32 s1, s4  }
0x4ef: {  	[tilespmem:s25], [sflag:$0x2] =	stream.strided.gather [hbm4b:s4+s13], $0x2000, s14, s13, $0x38;
	[tilespmem:$0x18200] =	vst v63  }
0x4f0: {  	(v2sf) =	vpush v36, $0x7;
	s4 =	sand.u32 $0xFFFFF80, s11  }
0x4f1: {  	s12 =	spop (v2sf);
	s4 =	sadd.s32 s1, s4  }
0x4f2: {  	[tilespmem:s20], [sflag:$0x3] =	stream.strided.gather [hbm4b:s4+s13], $0x2000, s14, s13, $0x38;
	[tilespmem:$0x18200] =	vst v63  }
0x4f3: {  	s4 =	sand.u32 $0xFFFFF80, s12  }
0x4f4: {  	s16 =	spop (v2sf);
	s4 =	sadd.s32 s1, s4  }
0x4f5: {  	[tilespmem:s21], [sflag:$0x4] =	stream.strided.gather [hbm4b:s4+s13], $0x2000, s14, s13, $0x38;
	[tilespmem:$0x18200] =	vst v63  }
0x4f6: {  	s4 =	sand.u32 $0xFFFFF80, s16  }
0x4f7: {  	s17 =	spop (v2sf);
	s4 =	sadd.s32 s1, s4  }
0x4f8: {  	[tilespmem:s22], [sflag:$0x5] =	stream.strided.gather [hbm4b:s4+s13], $0x2000, s14, s13, $0x38;
	[tilespmem:$0x18200] =	vst v63  }
0x4f9: {  	s4 =	sand.u32 $0xFFFFF80, s17  }
0x4fa: {  	s18 =	spop (v2sf);
	s4 =	sadd.s32 s1, s4  }
0x4fb: {  	[tilespmem:s23], [sflag:$0x6] =	stream.strided.gather [hbm4b:s4+s13], $0x2000, s14, s13, $0x38;
	[tilespmem:$0x18200] =	vst v63  }
0x4fc: {  	s4 =	sand.u32 $0xFFFFF80, s18  }
0x4fd: {  	s4 =	sadd.s32 s1, s4  }
0x4fe: {  	[tilespmem:s19], [sflag:$0x7] =	stream.strided.gather [hbm4b:s4+s13], $0x2000, s14, s13, $0x38;
	[tilespmem:$0x18200] =	vst v63  }
0x4ff: {  	s19 =	spop (v2sf)  }
0x500: {  	s4 =	sand.u32 $0xFFFFF80, s19  }
0x501: {  	s4 =	sadd.s32 s1, s4  }
0x502: {  	[tilespmem:s5], [sflag:$0x8] =	stream.strided.gather [hbm4b:s4+s13], $0x2000, s14, s13, $0x38;
	[tilespmem:$0x18200] =	vst v63  }
0x503: {  	s5 =	simm.s32 $0x9  }
0x504: {  	_ =	swait.ge [sflag:s5], $0x8000  }
0x505: {  	[sflag:s5] =	ssyncset.done $0x0  }
0x506: {  	[sflag:s5] =	ssyncadd.s32 $0xFFFF8000  }
0x507: {  	v36 =	vld [tilespmem:s0+$0x0];
	_ =	sdelay $0x4  }
0x508: {  	(v2sf) =	vpush v36, $0x0  }
0x509: {  	(v2sf) =	vpush v36, $0x8  }
0x50a: {  	(v2sf) =	vpush v36, $0x1  }
0x50b: {  	(v2sf) =	vpush v36, $0x9;
	_ =	sdelay $0x3  }
0x50c: {  	(v2sf) =	vpush v36, $0x2  }
0x50d: {  	(v2sf) =	vpush v36, $0xA  }
0x50e: {  	(v2sf) =	vpush v36, $0x3  }
0x50f: {  	(v2sf) =	vpush v36, $0xB  }
0x510: {  	(v2sf) =	vpush v36, $0x4  }
0x511: {  	(v2sf) =	vpush v36, $0xC  }
0x512: {  	(v2sf) =	vpush v36, $0x5  }
0x513: {  	(v2sf) =	vpush v36, $0xD  }
0x514: {  	(v2sf) =	vpush v36, $0x6;
	s6 =	spop (v2sf)  }
0x515: {  	(v2sf) =	vpush v36, $0xE;
	s0 =	sand.u32 $0x7F, s6;
	s8 =	spop (v2sf)  }
0x516: {  	s19 =	simm.s32 $0x0;
	(v2sf) =	vpush v36, $0x7;
	v37 =	vor.u32 s0, v0;
	s5 =	spop (v2sf)  }
0x517: {  	(v2sf) =	vpush v36, $0xF;
	v36 =	vmov s19;
	s17 =	spop (v2sf)  }
0x518: {  	v38 =	vshll.u32 v36, $0x3;
	_ =	swait.ge [sflag:s7], $0x2000  }
0x519: {  	v36 =	vand.u32 $0x78, v36;
	v38 =	vand.u32 $0xC00, v38;
	[sflag:s7] =	ssyncset.done $0x0  }
0x51a: {  	v36 =	vor.u32 v36, v38;
	[sflag:s7] =	ssyncadd.s32 $0xFFFFE000  }
0x51b: {  	v38 =	vor.u32 v1, v36;
	v37 =	vld.idx.msk [tilespmem:v37+s15+$0x0], $0xffff  }
0x51c: {  	v39 =	vor.u32 s0, v2;
	_ =	sdelay $0x3  }
0x51d: {  	[tilespmem:v38+s24+$0x0] =	vst.idx.msk $0xffff, v37  }
0x51e: {  	v38 =	vor.u32 v3, v36;
	v37 =	vld.idx.msk [tilespmem:v39+s15+$0x0], $0xffff  }
0x51f: {  	v39 =	vor.u32 s0, v4;
	_ =	sdelay $0x3  }
0x520: {  	[tilespmem:v38+s24+$0x0] =	vst.idx.msk $0xffff, v37  }
0x521: {  	v38 =	vor.u32 v5, v36;
	v37 =	vld.idx.msk [tilespmem:v39+s15+$0x0], $0xffff  }
0x522: {  	v39 =	vor.u32 s0, v6  }
0x523: {  	s18 =	spop (v2sf)  }
0x524: {  	s0 =	spop (v2sf)  }
0x525: {  	s16 =	spop (v2sf)  }
0x526: {  	s11 =	spop (v2sf);
	[tilespmem:v38+s24+$0x0] =	vst.idx.msk $0xffff, v37  }
0x527: {  	v36 =	vor.u32 v7, v36;
	s12 =	spop (v2sf);
	v37 =	vld.idx.msk [tilespmem:v39+s15+$0x0], $0xffff  }
0x528: {  	s9 =	spop (v2sf)  }
0x529: {  	s10 =	spop (v2sf)  }
0x52a: {  	s7 =	spop (v2sf)  }
0x52b: {  	s4 =	sand.u32 $0xFFFFF80, s8;
	s8 =	spop (v2sf)  }
0x52c: {  	s19 =	sand.u32 $0x7F, s5;
	s4 =	sadd.s32 s1, s4;
	s5 =	spop (v2sf);
	[tilespmem:v36+s24+$0x0] =	vst.idx.msk $0xffff, v37  }
0x52d: {  	[tilespmem:s15], [sflag:$0x1] =	stream.strided.gather [hbm4b:s4+s13], $0x2000, s14, s13, $0x38;
	[tilespmem:$0x18200] =	vst v63  }
0x52e: {  	s6 =	spop (v2sf);
	v36 =	vor.u32 s19, v8;
	s4 =	simm.s32 $0x1  }
0x52f: {  	v37 =	vmov s4;
	s4 =	spop (v2sf)  }
0x530: {  	_ =	swait.ge [sflag:s2], $0x2000;
	v38 =	vshll.u32 v37, $0x3  }
0x531: {  	v37 =	vand.u32 $0x79, v37;
	[sflag:s2] =	ssyncset.done $0x0;
	v38 =	vand.u32 $0xC00, v38  }
0x532: {  	[sflag:s2] =	ssyncadd.s32 $0xFFFFE000;
	v37 =	vor.u32 v37, v38  }
0x533: {  	v36 =	vld.idx.msk [tilespmem:v36+s15+$0x0], $0xffff;
	v38 =	vor.u32 v1, v37  }
0x534: {  	v39 =	vor.u32 s19, v9;
	_ =	sdelay $0x3  }
0x535: {  	[tilespmem:v38+s24+$0x0] =	vst.idx.msk $0xffff, v36  }
0x536: {  	v38 =	vor.u32 v3, v37;
	v36 =	vld.idx.msk [tilespmem:v39+s15+$0x0], $0xffff  }
0x537: {  	v39 =	vor.u32 s19, v10;
	_ =	sdelay $0x3  }
0x538: {  	[tilespmem:v38+s24+$0x0] =	vst.idx.msk $0xffff, v36  }
0x539: {  	v38 =	vor.u32 v5, v37;
	v36 =	vld.idx.msk [tilespmem:v39+s15+$0x0], $0xffff  }
0x53a: {  	v39 =	vor.u32 s19, v11;
	_ =	sdelay $0x3  }
0x53b: {  	[tilespmem:v38+s24+$0x0] =	vst.idx.msk $0xffff, v36  }
0x53c: {  	v37 =	vor.u32 v7, v37;
	v36 =	vld.idx.msk [tilespmem:v39+s15+$0x0], $0xffff;
	_ =	sdelay $0x3  }
0x53d: {  	s17 =	sand.u32 $0xFFFFF80, s17;
	s18 =	sand.u32 $0x7F, s18  }
0x53e: {  	s17 =	sadd.s32 s1, s17;
	s2 =	simm.s32 $0x2;
	[tilespmem:v37+s24+$0x0] =	vst.idx.msk $0xffff, v36;
	v36 =	vor.u32 s18, v12  }
0x53f: {  	v37 =	vmov s2;
	[tilespmem:s25], [sflag:$0x2] =	stream.strided.gather [hbm4b:s17+s13], $0x2000, s14, s13, $0x38;
	[tilespmem:$0x18200] =	vst v63  }
0x540: {  	v38 =	vshll.u32 v37, $0x3;
	_ =	swait.ge [sflag:s26], $0x2000  }
0x541: {  	v37 =	vand.u32 $0x7A, v37;
	v38 =	vand.u32 $0xC00, v38;
	[sflag:s26] =	ssyncset.done $0x0  }
0x542: {  	v37 =	vor.u32 v37, v38;
	[sflag:s26] =	ssyncadd.s32 $0xFFFFE000  }
0x543: {  	v38 =	vor.u32 v1, v37;
	v36 =	vld.idx.msk [tilespmem:v36+s15+$0x0], $0xffff  }
0x544: {  	v39 =	vor.u32 s18, v13;
	_ =	sdelay $0x3  }
0x545: {  	[tilespmem:v38+s24+$0x0] =	vst.idx.msk $0xffff, v36  }
0x546: {  	v38 =	vor.u32 v3, v37;
	v36 =	vld.idx.msk [tilespmem:v39+s15+$0x0], $0xffff  }
0x547: {  	v39 =	vor.u32 s18, v14;
	_ =	sdelay $0x3  }
0x548: {  	[tilespmem:v38+s24+$0x0] =	vst.idx.msk $0xffff, v36  }
0x549: {  	v38 =	vor.u32 v5, v37;
	v36 =	vld.idx.msk [tilespmem:v39+s15+$0x0], $0xffff  }
0x54a: {  	v39 =	vor.u32 s18, v15;
	_ =	sdelay $0x3  }
0x54b: {  	[tilespmem:v38+s24+$0x0] =	vst.idx.msk $0xffff, v36  }
0x54c: {  	v37 =	vor.u32 v7, v37;
	v36 =	vld.idx.msk [tilespmem:v39+s15+$0x0], $0xffff;
	_ =	sdelay $0x3  }
0x54d: {  	s0 =	sand.u32 $0xFFFFF80, s0;
	s16 =	sand.u32 $0x7F, s16  }
0x54e: {  	s0 =	sadd.s32 s1, s0;
	s2 =	simm.s32 $0x3;
	[tilespmem:v37+s24+$0x0] =	vst.idx.msk $0xffff, v36;
	v36 =	vor.u32 s16, v16  }
0x54f: {  	v37 =	vmov s2;
	[tilespmem:s20], [sflag:$0x3] =	stream.strided.gather [hbm4b:s0+s13], $0x2000, s14, s13, $0x38;
	[tilespmem:$0x18200] =	vst v63  }
0x550: {  	v38 =	vshll.u32 v37, $0x3;
	_ =	swait.ge [sflag:s28], $0x2000  }
0x551: {  	v37 =	vand.u32 $0x7B, v37;
	v38 =	vand.u32 $0xC00, v38;
	[sflag:s28] =	ssyncset.done $0x0  }
0x552: {  	v37 =	vor.u32 v37, v38;
	[sflag:s28] =	ssyncadd.s32 $0xFFFFE000  }
0x553: {  	v38 =	vor.u32 v1, v37;
	v36 =	vld.idx.msk [tilespmem:v36+s15+$0x0], $0xffff  }
0x554: {  	v39 =	vor.u32 s16, v17;
	_ =	sdelay $0x3  }
0x555: {  	[tilespmem:v38+s24+$0x0] =	vst.idx.msk $0xffff, v36  }
0x556: {  	v38 =	vor.u32 v3, v37;
	v36 =	vld.idx.msk [tilespmem:v39+s15+$0x0], $0xffff  }
0x557: {  	v39 =	vor.u32 s16, v18;
	_ =	sdelay $0x3  }
0x558: {  	[tilespmem:v38+s24+$0x0] =	vst.idx.msk $0xffff, v36  }
0x559: {  	v38 =	vor.u32 v5, v37;
	v36 =	vld.idx.msk [tilespmem:v39+s15+$0x0], $0xffff  }
0x55a: {  	v39 =	vor.u32 s16, v19;
	_ =	sdelay $0x3  }
0x55b: {  	[tilespmem:v38+s24+$0x0] =	vst.idx.msk $0xffff, v36  }
0x55c: {  	v37 =	vor.u32 v7, v37;
	v36 =	vld.idx.msk [tilespmem:v39+s15+$0x0], $0xffff;
	_ =	sdelay $0x3  }
0x55d: {  	s18 =	sand.u32 $0xFFFFF80, s11;
	s20 =	sand.u32 $0x7F, s12  }
0x55e: {  	s2 =	simm.s32 $0x4;
	s0 =	sadd.s32 s1, s18;
	[tilespmem:v37+s24+$0x0] =	vst.idx.msk $0xffff, v36;
	v36 =	vor.u32 s20, v20  }
0x55f: {  	v37 =	vmov s2;
	[tilespmem:s21], [sflag:$0x4] =	stream.strided.gather [hbm4b:s0+s13], $0x2000, s14, s13, $0x38;
	[tilespmem:$0x18200] =	vst v63  }
0x560: {  	v38 =	vshll.u32 v37, $0x3;
	_ =	swait.ge [sflag:s29], $0x2000  }
0x561: {  	v37 =	vand.u32 $0x7C, v37;
	v38 =	vand.u32 $0xC00, v38;
	[sflag:s29] =	ssyncset.done $0x0  }
0x562: {  	v37 =	vor.u32 v37, v38;
	[sflag:s29] =	ssyncadd.s32 $0xFFFFE000  }
0x563: {  	v38 =	vor.u32 v1, v37;
	v36 =	vld.idx.msk [tilespmem:v36+s15+$0x0], $0xffff  }
0x564: {  	v39 =	vor.u32 s20, v21;
	_ =	sdelay $0x3  }
0x565: {  	[tilespmem:v38+s24+$0x0] =	vst.idx.msk $0xffff, v36  }
0x566: {  	v38 =	vor.u32 v3, v37;
	v36 =	vld.idx.msk [tilespmem:v39+s15+$0x0], $0xffff  }
0x567: {  	v39 =	vor.u32 s20, v22;
	_ =	sdelay $0x3  }
0x568: {  	[tilespmem:v38+s24+$0x0] =	vst.idx.msk $0xffff, v36  }
0x569: {  	v38 =	vor.u32 v5, v37;
	v36 =	vld.idx.msk [tilespmem:v39+s15+$0x0], $0xffff  }
0x56a: {  	v39 =	vor.u32 s20, v23;
	_ =	sdelay $0x3  }
0x56b: {  	[tilespmem:v38+s24+$0x0] =	vst.idx.msk $0xffff, v36  }
0x56c: {  	v37 =	vor.u32 v7, v37;
	v36 =	vld.idx.msk [tilespmem:v39+s15+$0x0], $0xffff;
	_ =	sdelay $0x3  }
0x56d: {  	s9 =	sand.u32 $0xFFFFF80, s9;
	s11 =	sand.u32 $0x7F, s10  }
0x56e: {  	s12 =	simm.s32 $0x5;
	s0 =	sadd.s32 s1, s9;
	[tilespmem:v37+s24+$0x0] =	vst.idx.msk $0xffff, v36;
	v36 =	vor.u32 s11, v24  }
0x56f: {  	v37 =	vmov s12;
	[tilespmem:s22], [sflag:$0x5] =	stream.strided.gather [hbm4b:s0+s13], $0x2000, s14, s13, $0x38;
	[tilespmem:$0x18200] =	vst v63  }
0x570: {  	v38 =	vshll.u32 v37, $0x3;
	_ =	swait.ge [sflag:s30], $0x2000  }
0x571: {  	v37 =	vand.u32 $0x7D, v37;
	v38 =	vand.u32 $0xC00, v38;
	[sflag:s30] =	ssyncset.done $0x0  }
0x572: {  	v37 =	vor.u32 v37, v38;
	[sflag:s30] =	ssyncadd.s32 $0xFFFFE000  }
0x573: {  	v38 =	vor.u32 v1, v37;
	v36 =	vld.idx.msk [tilespmem:v36+s15+$0x0], $0xffff  }
0x574: {  	v39 =	vor.u32 s11, v25;
	_ =	sdelay $0x3  }
0x575: {  	[tilespmem:v38+s24+$0x0] =	vst.idx.msk $0xffff, v36  }
0x576: {  	v38 =	vor.u32 v3, v37;
	v36 =	vld.idx.msk [tilespmem:v39+s15+$0x0], $0xffff  }
0x577: {  	v39 =	vor.u32 s11, v26;
	_ =	sdelay $0x3  }
0x578: {  	[tilespmem:v38+s24+$0x0] =	vst.idx.msk $0xffff, v36  }
0x579: {  	v38 =	vor.u32 v5, v37;
	v36 =	vld.idx.msk [tilespmem:v39+s15+$0x0], $0xffff  }
0x57a: {  	v39 =	vor.u32 s11, v27;
	_ =	sdelay $0x3  }
0x57b: {  	[tilespmem:v38+s24+$0x0] =	vst.idx.msk $0xffff, v36  }
0x57c: {  	v37 =	vor.u32 v7, v37;
	v36 =	vld.idx.msk [tilespmem:v39+s15+$0x0], $0xffff;
	_ =	sdelay $0x3  }
0x57d: {  	s17 =	sand.u32 $0x7F, s8;
	s16 =	sand.u32 $0xFFFFF80, s7  }
0x57e: {  	s18 =	simm.s32 $0x6;
	s0 =	sadd.s32 s1, s16;
	[tilespmem:v37+s24+$0x0] =	vst.idx.msk $0xffff, v36;
	v36 =	vor.u32 s17, v28  }
0x57f: {  	v37 =	vmov s18;
	[tilespmem:s23], [sflag:$0x6] =	stream.strided.gather [hbm4b:s0+s13], $0x2000, s14, s13, $0x38;
	[tilespmem:$0x18200] =	vst v63  }
0x580: {  	v38 =	vshll.u32 v37, $0x3;
	_ =	swait.ge [sflag:s31], $0x2000  }
0x581: {  	v37 =	vand.u32 $0x7E, v37;
	v38 =	vand.u32 $0xC00, v38;
	[sflag:s31] =	ssyncset.done $0x0  }
0x582: {  	v37 =	vor.u32 v37, v38;
	[sflag:s31] =	ssyncadd.s32 $0xFFFFE000  }
0x583: {  	v38 =	vor.u32 v1, v37;
	v36 =	vld.idx.msk [tilespmem:v36+s15+$0x0], $0xffff  }
0x584: {  	v39 =	vor.u32 s17, v29;
	_ =	sdelay $0x3  }
0x585: {  	[tilespmem:v38+s24+$0x0] =	vst.idx.msk $0xffff, v36  }
0x586: {  	v38 =	vor.u32 v3, v37;
	v36 =	vld.idx.msk [tilespmem:v39+s15+$0x0], $0xffff  }
0x587: {  	v39 =	vor.u32 s17, v30;
	_ =	sdelay $0x3  }
0x588: {  	[tilespmem:v38+s24+$0x0] =	vst.idx.msk $0xffff, v36  }
0x589: {  	v38 =	vor.u32 v5, v37;
	v36 =	vld.idx.msk [tilespmem:v39+s15+$0x0], $0xffff  }
0x58a: {  	v39 =	vor.u32 s17, v31;
	_ =	sdelay $0x3  }
0x58b: {  	[tilespmem:v38+s24+$0x0] =	vst.idx.msk $0xffff, v36  }
0x58c: {  	v37 =	vor.u32 v7, v37;
	v36 =	vld.idx.msk [tilespmem:v39+s15+$0x0], $0xffff;
	_ =	sdelay $0x3  }
0x58d: {  	s21 =	sand.u32 $0x7F, s6;
	s20 =	sand.u32 $0xFFFFF80, s5  }
0x58e: {  	s19 =	simm.s32 $0xC200;
	s22 =	simm.s32 $0x7;
	s0 =	sadd.s32 s1, s20;
	[tilespmem:v37+s24+$0x0] =	vst.idx.msk $0xffff, v36;
	v36 =	vor.u32 s21, v32  }
0x58f: {  	v37 =	vmov s22;
	[tilespmem:s19], [sflag:$0x7] =	stream.strided.gather [hbm4b:s0+s13], $0x2000, s14, s13, $0x38;
	[tilespmem:$0x18200] =	vst v63  }
0x590: {  	v38 =	vshll.u32 v37, $0x3;
	_ =	swait.ge [sflag:s3], $0x2000  }
0x591: {  	v37 =	vand.u32 $0x7F, v37;
	v38 =	vand.u32 $0xC00, v38;
	[sflag:s3] =	ssyncset.done $0x0  }
0x592: {  	v37 =	vor.u32 v37, v38;
	[sflag:s3] =	ssyncadd.s32 $0xFFFFE000  }
0x593: {  	v38 =	vor.u32 v1, v37;
	v36 =	vld.idx.msk [tilespmem:v36+s15+$0x0], $0xffff  }
0x594: {  	v39 =	vor.u32 s21, v33;
	_ =	sdelay $0x3  }
0x595: {  	[tilespmem:v38+s24+$0x0] =	vst.idx.msk $0xffff, v36  }
0x596: {  	v38 =	vor.u32 v3, v37;
	v36 =	vld.idx.msk [tilespmem:v39+s15+$0x0], $0xffff  }
0x597: {  	v39 =	vor.u32 s21, v34;
	_ =	sdelay $0x3  }
0x598: {  	[tilespmem:v38+s24+$0x0] =	vst.idx.msk $0xffff, v36  }
0x599: {  	v38 =	vor.u32 v5, v37;
	v36 =	vld.idx.msk [tilespmem:v39+s15+$0x0], $0xffff  }
0x59a: {  	v39 =	vor.u32 s21, v35;
	_ =	sdelay $0x3  }
0x59b: {  	[tilespmem:v38+s24+$0x0] =	vst.idx.msk $0xffff, v36  }
0x59c: {  	v37 =	vor.u32 v7, v37;
	v36 =	vld.idx.msk [tilespmem:v39+s15+$0x0], $0xffff;
	_ =	sdelay $0x3  }
0x59d: {  	s23 =	sand.u32 $0xFFFFF80, s4  }
0x59e: {  	s8 =	simm.s32 $0x8;
	s7 =	simm.s32 $0xF;
	s0 =	sadd.s32 s1, s23;
	[tilespmem:v37+s24+$0x0] =	vst.idx.msk $0xffff, v36  }
.LBB2_6:
0x59f: {  	s2 =	simm.s32 $0xE200  }
0x5a0: {  	[tilespmem:s2], [sflag:$0x8] =	stream.strided.gather [hbm4b:s0+s13], $0x2000, s14, s13, $0x38;
	[tilespmem:$0x18200] =	vst v63  }
0x5a1: {  	p0 =	sne.s32 s7, $0x1F7;
	s9 =	smov.u32 s7;
	s7 =	sadd.s32 $0x8, s7;
	v36 =	vld [tilespmem:s8+$0x0]  }
0x5a2: {  	_ =	sdelay $0x3  }
0x5a3: {  	(v2sf) =	vpush v36, $0x0  }
0x5a4: {  	(v2sf) =	vpush v36, $0x8  }
0x5a5: {  	(v2sf) =	vpush v36, $0x1  }
0x5a6: {  	(v2sf) =	vpush v36, $0x9  }
0x5a7: {  	(v2sf) =	vpush v36, $0x2  }
0x5a8: {  	(v2sf) =	vpush v36, $0xA  }
0x5a9: {  	(v2sf) =	vpush v36, $0x3  }
0x5aa: {  	(v2sf) =	vpush v36, $0xB  }
0x5ab: {  	(v2sf) =	vpush v36, $0x4  }
0x5ac: {  	(v2sf) =	vpush v36, $0xC  }
0x5ad: {  	(v2sf) =	vpush v36, $0x5  }
0x5ae: {  	(v2sf) =	vpush v36, $0xD  }
0x5af: {  	(v2sf) =	vpush v36, $0x6  }
0x5b0: {  	(v2sf) =	vpush v36, $0xE  }
0x5b1: {  	(v2sf) =	vpush v36, $0x7  }
0x5b2: {  	s0 =	spop (v2sf);
	(v2sf) =	vpush v36, $0xF  }
0x5b3: {  	s23 =	sand.u32 $0x7F, s0;
	s0 =	spop (v2sf)  }
0x5b4: {  	s5 =	simm.s32 $0x1;
	v36 =	vor.u32 s23, v0;
	s0 =	sand.u32 $0xFFFFF80, s0;
	s2 =	spop (v2sf)  }
0x5b5: {  	s4 =	sadd.s32 $0xFFFFFFF9, s9;
	s22 =	sand.u32 $0x7F, s2;
	s2 =	spop (v2sf)  }
0x5b6: {  	_ =	swait.ge [sflag:s5], $0x2000  }
0x5b7: {  	v37 =	vmov s4;
	s21 =	sand.u32 $0xFFFFF80, s2;
	s2 =	spop (v2sf)  }
0x5b8: {  	v38 =	vshll.u32 v37, $0x3;
	[sflag:s5] =	ssyncset.done $0x0;
	s20 =	sand.u32 $0x7F, s2;
	s2 =	spop (v2sf)  }
0x5b9: {  	v37 =	vand.u32 $0x78, v37;
	v38 =	vand.u32 $0xC00, v38;
	[sflag:s5] =	ssyncadd.s32 $0xFFFFE000;
	s19 =	sand.u32 $0xFFFFF80, s2;
	s2 =	spop (v2sf)  }
0x5ba: {  	v37 =	vor.u32 v37, v38;
	v36 =	vld.idx.msk [tilespmem:v36+s15+$0x0], $0xffff;
	s18 =	sand.u32 $0x7F, s2;
	s2 =	spop (v2sf)  }
0x5bb: {  	v38 =	vor.u32 v1, v37;
	s17 =	sand.u32 $0xFFFFF80, s2;
	s2 =	spop (v2sf)  }
0x5bc: {  	v39 =	vor.u32 s23, v2;
	s16 =	sand.u32 $0x7F, s2;
	s2 =	spop (v2sf)  }
0x5bd: {  	s6 =	sand.u32 $0xFFFFF80, s2;
	s2 =	spop (v2sf)  }
0x5be: {  	s5 =	sand.u32 $0x7F, s2;
	s2 =	spop (v2sf)  }
0x5bf: {  	s11 =	sand.u32 $0xFFFFF80, s2;
	s2 =	spop (v2sf)  }
0x5c0: {  	[tilespmem:v38+s24+$0x0] =	vst.idx.msk $0xffff, v36;
	s4 =	sand.u32 $0x7F, s2;
	s2 =	spop (v2sf)  }
0x5c1: {  	v36 =	vld.idx.msk [tilespmem:v39+s15+$0x0], $0xffff;
	s2 =	sand.u32 $0xFFFFF80, s2;
	s10 =	spop (v2sf)  }
0x5c2: {  	v38 =	vor.u32 v3, v37;
	s12 =	sand.u32 $0x7F, s10;
	s10 =	spop (v2sf)  }
0x5c3: {  	v39 =	vor.u32 s23, v4;
	s10 =	sand.u32 $0xFFFFF80, s10;
	_ =	sdelay $0x3  }
0x5c4: {  	[tilespmem:v38+s24+$0x0] =	vst.idx.msk $0xffff, v36  }
0x5c5: {  	v36 =	vld.idx.msk [tilespmem:v39+s15+$0x0], $0xffff  }
0x5c6: {  	v38 =	vor.u32 v5, v37  }
0x5c7: {  	v39 =	vor.u32 s23, v6;
	_ =	sdelay $0x3  }
0x5c8: {  	[tilespmem:v38+s24+$0x0] =	vst.idx.msk $0xffff, v36  }
0x5c9: {  	v36 =	vld.idx.msk [tilespmem:v39+s15+$0x0], $0xffff  }
0x5ca: {  	v37 =	vor.u32 v7, v37;
	_ =	sdelay $0x4  }
0x5cb: {  	s0 =	sadd.s32 s1, s0;
	s23 =	sadd.s32 $0xFFFFFFFA, s9;
	[tilespmem:v37+s24+$0x0] =	vst.idx.msk $0xffff, v36;
	v36 =	vor.u32 s22, v8  }
0x5cc: {  	[tilespmem:s15], [sflag:$0x1] =	stream.strided.gather [hbm4b:s0+s13], $0x2000, s14, s13, $0x38;
	[tilespmem:$0x18200] =	vst v63  }
0x5cd: {  	v37 =	vmov s23;
	s23 =	simm.s32 $0xA200;
	s0 =	simm.s32 $0x2  }
0x5ce: {  	v38 =	vshll.u32 v37, $0x3;
	_ =	swait.ge [sflag:s0], $0x2000  }
0x5cf: {  	v37 =	vand.u32 $0x79, v37;
	v38 =	vand.u32 $0xC00, v38;
	[sflag:s0] =	ssyncset.done $0x0  }
0x5d0: {  	v37 =	vor.u32 v37, v38;
	[sflag:s0] =	ssyncadd.s32 $0xFFFFE000  }
0x5d1: {  	v36 =	vld.idx.msk [tilespmem:v36+s15+$0x0], $0xffff  }
0x5d2: {  	v38 =	vor.u32 v1, v37  }
0x5d3: {  	v39 =	vor.u32 s22, v9;
	_ =	sdelay $0x3  }
0x5d4: {  	[tilespmem:v38+s24+$0x0] =	vst.idx.msk $0xffff, v36  }
0x5d5: {  	v36 =	vld.idx.msk [tilespmem:v39+s15+$0x0], $0xffff  }
0x5d6: {  	v38 =	vor.u32 v3, v37  }
0x5d7: {  	v39 =	vor.u32 s22, v10;
	_ =	sdelay $0x3  }
0x5d8: {  	[tilespmem:v38+s24+$0x0] =	vst.idx.msk $0xffff, v36  }
0x5d9: {  	v36 =	vld.idx.msk [tilespmem:v39+s15+$0x0], $0xffff  }
0x5da: {  	v38 =	vor.u32 v5, v37  }
0x5db: {  	v39 =	vor.u32 s22, v11;
	s22 =	simm.s32 $0x8200;
	_ =	sdelay $0x3  }
0x5dc: {  	[tilespmem:v38+s24+$0x0] =	vst.idx.msk $0xffff, v36  }
0x5dd: {  	v36 =	vld.idx.msk [tilespmem:v39+s15+$0x0], $0xffff  }
0x5de: {  	v37 =	vor.u32 v7, v37;
	_ =	sdelay $0x3  }
0x5df: {  	s0 =	sadd.s32 s1, s21;
	s21 =	sadd.s32 $0xFFFFFFFB, s9  }
0x5e0: {  	[tilespmem:v37+s24+$0x0] =	vst.idx.msk $0xffff, v36;
	v36 =	vor.u32 s20, v12;
	v37 =	vmov s21;
	s21 =	simm.s32 $0x6200  }
0x5e1: {  	[tilespmem:s25], [sflag:$0x2] =	stream.strided.gather [hbm4b:s0+s13], $0x2000, s14, s13, $0x38;
	[tilespmem:$0x18200] =	vst v63  }
0x5e2: {  	v38 =	vshll.u32 v37, $0x3;
	_ =	swait.ge [sflag:s26], $0x2000  }
0x5e3: {  	v37 =	vand.u32 $0x7A, v37;
	v38 =	vand.u32 $0xC00, v38;
	[sflag:s26] =	ssyncset.done $0x0  }
0x5e4: {  	v37 =	vor.u32 v37, v38;
	[sflag:s26] =	ssyncadd.s32 $0xFFFFE000  }
0x5e5: {  	v36 =	vld.idx.msk [tilespmem:v36+s15+$0x0], $0xffff  }
0x5e6: {  	v38 =	vor.u32 v1, v37  }
0x5e7: {  	v39 =	vor.u32 s20, v13;
	_ =	sdelay $0x3  }
0x5e8: {  	[tilespmem:v38+s24+$0x0] =	vst.idx.msk $0xffff, v36  }
0x5e9: {  	v36 =	vld.idx.msk [tilespmem:v39+s15+$0x0], $0xffff  }
0x5ea: {  	v38 =	vor.u32 v3, v37  }
0x5eb: {  	v39 =	vor.u32 s20, v14;
	_ =	sdelay $0x3  }
0x5ec: {  	[tilespmem:v38+s24+$0x0] =	vst.idx.msk $0xffff, v36  }
0x5ed: {  	v36 =	vld.idx.msk [tilespmem:v39+s15+$0x0], $0xffff  }
0x5ee: {  	v38 =	vor.u32 v5, v37  }
0x5ef: {  	v39 =	vor.u32 s20, v15;
	s20 =	simm.s32 $0x4200;
	_ =	sdelay $0x3  }
0x5f0: {  	[tilespmem:v38+s24+$0x0] =	vst.idx.msk $0xffff, v36  }
0x5f1: {  	v36 =	vld.idx.msk [tilespmem:v39+s15+$0x0], $0xffff  }
0x5f2: {  	v37 =	vor.u32 v7, v37;
	_ =	sdelay $0x3  }
0x5f3: {  	s0 =	sadd.s32 s1, s19;
	s19 =	sadd.s32 $0xFFFFFFFC, s9  }
0x5f4: {  	[tilespmem:v37+s24+$0x0] =	vst.idx.msk $0xffff, v36;
	v36 =	vor.u32 s18, v16;
	v37 =	vmov s19;
	s19 =	simm.s32 $0xC200  }
0x5f5: {  	[tilespmem:s20], [sflag:$0x3] =	stream.strided.gather [hbm4b:s0+s13], $0x2000, s14, s13, $0x38;
	[tilespmem:$0x18200] =	vst v63  }
0x5f6: {  	v38 =	vshll.u32 v37, $0x3;
	_ =	swait.ge [sflag:s28], $0x2000  }
0x5f7: {  	v37 =	vand.u32 $0x7B, v37;
	v38 =	vand.u32 $0xC00, v38;
	[sflag:s28] =	ssyncset.done $0x0  }
0x5f8: {  	v37 =	vor.u32 v37, v38;
	[sflag:s28] =	ssyncadd.s32 $0xFFFFE000  }
0x5f9: {  	v36 =	vld.idx.msk [tilespmem:v36+s15+$0x0], $0xffff  }
0x5fa: {  	v38 =	vor.u32 v1, v37  }
0x5fb: {  	v39 =	vor.u32 s18, v17;
	_ =	sdelay $0x3  }
0x5fc: {  	[tilespmem:v38+s24+$0x0] =	vst.idx.msk $0xffff, v36  }
0x5fd: {  	v36 =	vld.idx.msk [tilespmem:v39+s15+$0x0], $0xffff  }
0x5fe: {  	v38 =	vor.u32 v3, v37  }
0x5ff: {  	v39 =	vor.u32 s18, v18;
	_ =	sdelay $0x3  }
0x600: {  	[tilespmem:v38+s24+$0x0] =	vst.idx.msk $0xffff, v36  }
0x601: {  	v36 =	vld.idx.msk [tilespmem:v39+s15+$0x0], $0xffff  }
0x602: {  	v38 =	vor.u32 v5, v37  }
0x603: {  	v39 =	vor.u32 s18, v19;
	_ =	sdelay $0x3  }
0x604: {  	[tilespmem:v38+s24+$0x0] =	vst.idx.msk $0xffff, v36  }
0x605: {  	v36 =	vld.idx.msk [tilespmem:v39+s15+$0x0], $0xffff  }
0x606: {  	v37 =	vor.u32 v7, v37;
	_ =	sdelay $0x4  }
0x607: {  	s0 =	sadd.s32 s1, s17;
	s17 =	sadd.s32 $0xFFFFFFFD, s9;
	[tilespmem:v37+s24+$0x0] =	vst.idx.msk $0xffff, v36;
	v36 =	vor.u32 s16, v20  }
0x608: {  	v37 =	vmov s17;
	[tilespmem:s21], [sflag:$0x4] =	stream.strided.gather [hbm4b:s0+s13], $0x2000, s14, s13, $0x38;
	[tilespmem:$0x18200] =	vst v63  }
0x609: {  	v38 =	vshll.u32 v37, $0x3;
	_ =	swait.ge [sflag:s29], $0x2000  }
0x60a: {  	v37 =	vand.u32 $0x7C, v37;
	v38 =	vand.u32 $0xC00, v38;
	[sflag:s29] =	ssyncset.done $0x0  }
0x60b: {  	v37 =	vor.u32 v37, v38;
	[sflag:s29] =	ssyncadd.s32 $0xFFFFE000  }
0x60c: {  	v36 =	vld.idx.msk [tilespmem:v36+s15+$0x0], $0xffff  }
0x60d: {  	v38 =	vor.u32 v1, v37  }
0x60e: {  	v39 =	vor.u32 s16, v21;
	_ =	sdelay $0x3  }
0x60f: {  	[tilespmem:v38+s24+$0x0] =	vst.idx.msk $0xffff, v36  }
0x610: {  	v36 =	vld.idx.msk [tilespmem:v39+s15+$0x0], $0xffff  }
0x611: {  	v38 =	vor.u32 v3, v37  }
0x612: {  	v39 =	vor.u32 s16, v22;
	_ =	sdelay $0x3  }
0x613: {  	[tilespmem:v38+s24+$0x0] =	vst.idx.msk $0xffff, v36  }
0x614: {  	v36 =	vld.idx.msk [tilespmem:v39+s15+$0x0], $0xffff  }
0x615: {  	v38 =	vor.u32 v5, v37  }
0x616: {  	v39 =	vor.u32 s16, v23;
	_ =	sdelay $0x3  }
0x617: {  	[tilespmem:v38+s24+$0x0] =	vst.idx.msk $0xffff, v36  }
0x618: {  	v36 =	vld.idx.msk [tilespmem:v39+s15+$0x0], $0xffff  }
0x619: {  	v37 =	vor.u32 v7, v37;
	_ =	sdelay $0x4  }
0x61a: {  	s0 =	sadd.s32 s1, s6;
	s6 =	sadd.s32 $0xFFFFFFFE, s9;
	[tilespmem:v37+s24+$0x0] =	vst.idx.msk $0xffff, v36;
	v36 =	vor.u32 s5, v24  }
0x61b: {  	v37 =	vmov s6;
	[tilespmem:s22], [sflag:$0x5] =	stream.strided.gather [hbm4b:s0+s13], $0x2000, s14, s13, $0x38;
	[tilespmem:$0x18200] =	vst v63  }
0x61c: {  	v38 =	vshll.u32 v37, $0x3;
	_ =	swait.ge [sflag:s30], $0x2000  }
0x61d: {  	v37 =	vand.u32 $0x7D, v37;
	v38 =	vand.u32 $0xC00, v38;
	[sflag:s30] =	ssyncset.done $0x0  }
0x61e: {  	v37 =	vor.u32 v37, v38;
	[sflag:s30] =	ssyncadd.s32 $0xFFFFE000  }
0x61f: {  	v36 =	vld.idx.msk [tilespmem:v36+s15+$0x0], $0xffff  }
0x620: {  	v38 =	vor.u32 v1, v37  }
0x621: {  	v39 =	vor.u32 s5, v25;
	_ =	sdelay $0x3  }
0x622: {  	[tilespmem:v38+s24+$0x0] =	vst.idx.msk $0xffff, v36  }
0x623: {  	v36 =	vld.idx.msk [tilespmem:v39+s15+$0x0], $0xffff  }
0x624: {  	v38 =	vor.u32 v3, v37  }
0x625: {  	v39 =	vor.u32 s5, v26;
	_ =	sdelay $0x3  }
0x626: {  	[tilespmem:v38+s24+$0x0] =	vst.idx.msk $0xffff, v36  }
0x627: {  	v36 =	vld.idx.msk [tilespmem:v39+s15+$0x0], $0xffff  }
0x628: {  	v38 =	vor.u32 v5, v37  }
0x629: {  	v39 =	vor.u32 s5, v27;
	_ =	sdelay $0x3  }
0x62a: {  	[tilespmem:v38+s24+$0x0] =	vst.idx.msk $0xffff, v36  }
0x62b: {  	v36 =	vld.idx.msk [tilespmem:v39+s15+$0x0], $0xffff  }
0x62c: {  	v37 =	vor.u32 v7, v37;
	_ =	sdelay $0x4  }
0x62d: {  	s0 =	sadd.s32 s1, s11;
	s5 =	sadd.s32 $0xFFFFFFFF, s9;
	[tilespmem:v37+s24+$0x0] =	vst.idx.msk $0xffff, v36;
	v36 =	vor.u32 s4, v28  }
0x62e: {  	v37 =	vmov s5;
	[tilespmem:s23], [sflag:$0x6] =	stream.strided.gather [hbm4b:s0+s13], $0x2000, s14, s13, $0x38;
	[tilespmem:$0x18200] =	vst v63  }
0x62f: {  	v38 =	vshll.u32 v37, $0x3;
	_ =	swait.ge [sflag:s31], $0x2000  }
0x630: {  	v37 =	vand.u32 $0x7E, v37;
	v38 =	vand.u32 $0xC00, v38;
	[sflag:s31] =	ssyncset.done $0x0  }
0x631: {  	v37 =	vor.u32 v37, v38;
	[sflag:s31] =	ssyncadd.s32 $0xFFFFE000  }
0x632: {  	v36 =	vld.idx.msk [tilespmem:v36+s15+$0x0], $0xffff  }
0x633: {  	v38 =	vor.u32 v1, v37  }
0x634: {  	v39 =	vor.u32 s4, v29;
	_ =	sdelay $0x3  }
0x635: {  	[tilespmem:v38+s24+$0x0] =	vst.idx.msk $0xffff, v36  }
0x636: {  	v36 =	vld.idx.msk [tilespmem:v39+s15+$0x0], $0xffff  }
0x637: {  	v38 =	vor.u32 v3, v37  }
0x638: {  	v39 =	vor.u32 s4, v30;
	_ =	sdelay $0x3  }
0x639: {  	[tilespmem:v38+s24+$0x0] =	vst.idx.msk $0xffff, v36  }
0x63a: {  	v36 =	vld.idx.msk [tilespmem:v39+s15+$0x0], $0xffff  }
0x63b: {  	v38 =	vor.u32 v5, v37  }
0x63c: {  	v39 =	vor.u32 s4, v31;
	_ =	sdelay $0x3  }
0x63d: {  	[tilespmem:v38+s24+$0x0] =	vst.idx.msk $0xffff, v36  }
0x63e: {  	v36 =	vld.idx.msk [tilespmem:v39+s15+$0x0], $0xffff  }
0x63f: {  	v37 =	vor.u32 v7, v37;
	_ =	sdelay $0x4  }
0x640: {  	s0 =	sadd.s32 s1, s2;
	[tilespmem:v37+s24+$0x0] =	vst.idx.msk $0xffff, v36;
	v36 =	vor.u32 s12, v32  }
0x641: {  	[tilespmem:s19], [sflag:$0x7] =	stream.strided.gather [hbm4b:s0+s13], $0x2000, s14, s13, $0x38;
	[tilespmem:$0x18200] =	vst v63  }
0x642: {  	v37 =	vmov s9;
	_ =	swait.ge [sflag:s3], $0x2000  }
0x643: {  	v38 =	vshll.u32 v37, $0x3;
	[sflag:s3] =	ssyncset.done $0x0  }
0x644: {  	v37 =	vand.u32 $0x7F, v37;
	v38 =	vand.u32 $0xC00, v38;
	[sflag:s3] =	ssyncadd.s32 $0xFFFFE000  }
0x645: {  	v37 =	vor.u32 v37, v38;
	v36 =	vld.idx.msk [tilespmem:v36+s15+$0x0], $0xffff  }
0x646: {  	v38 =	vor.u32 v1, v37  }
0x647: {  	v39 =	vor.u32 s12, v33;
	_ =	sdelay $0x3  }
0x648: {  	[tilespmem:v38+s24+$0x0] =	vst.idx.msk $0xffff, v36  }
0x649: {  	v36 =	vld.idx.msk [tilespmem:v39+s15+$0x0], $0xffff  }
0x64a: {  	v38 =	vor.u32 v3, v37  }
0x64b: {  	v39 =	vor.u32 s12, v34;
	_ =	sdelay $0x3  }
0x64c: {  	[tilespmem:v38+s24+$0x0] =	vst.idx.msk $0xffff, v36  }
0x64d: {  	v36 =	vld.idx.msk [tilespmem:v39+s15+$0x0], $0xffff  }
0x64e: {  	v38 =	vor.u32 v5, v37  }
0x64f: {  	v39 =	vor.u32 s12, v35;
	_ =	sdelay $0x3  }
0x650: {  	[tilespmem:v38+s24+$0x0] =	vst.idx.msk $0xffff, v36  }
0x651: {  	v36 =	vld.idx.msk [tilespmem:v39+s15+$0x0], $0xffff  }
0x652: {  	v37 =	vor.u32 v7, v37  }
.Ltmp2:
0x653: {  	(pc) =	sbr.rel @p0 .LBB2_6-.Ltmp2, $2  }
0x654: {  	_ =	sdelay $0x2  }
0x655: {  	s8 =	sadd.s32 $0x8, s8;
	s0 =	sadd.s32 s1, s10;
	[tilespmem:v37+s24+$0x0] =	vst.idx.msk $0xffff, v36  }
0x656: {  	s2 =	simm.s32 $0xE200  }
0x657: {  	[tilespmem:s2], [sflag:$0x8] =	stream.strided.gather [hbm4b:s0+s13], $0x2000, s14, s13, $0x38;
	[tilespmem:$0x18200] =	vst v63  }
0x658: {  	v36 =	vld [tilespmem:$0x1F0];
	_ =	sdelay $0x4  }
0x659: {  	(v2sf) =	vpush v36, $0x8;
	_ =	sdelay $0xe  }
0x65a: {  	s18 =	spop (v2sf)  }
0x65b: {  	s0 =	sand.u32 $0x7F, s18  }
0x65c: {  	s25 =	simm.s32 $0x1;
	v37 =	vor.u32 s0, v0  }
0x65d: {  	_ =	swait.ge [sflag:s25], $0x2000  }
0x65e: {  	v39 =	vld [tilespmem:$0x1FF80]  }
0x65f: {  	[sflag:s25] =	ssyncset.done $0x0  }
0x660: {  	[sflag:s25] =	ssyncadd.s32 $0xFFFFE000  }
0x661: {  	v37 =	vld.idx.msk [tilespmem:v37+s15+$0x0], $0xffff;
	_ =	sdelay $0x2  }
0x662: {  	v38 =	vor.u32 s0, v2;
	_ =	sdelay $0x1  }
0x663: {  	[tilespmem:v39+s24+$0x0] =	vst.idx.msk $0xffff, v37;
	v39 =	vld [tilespmem:$0x1FF90];
	_ =	sdelay $0x2  }
0x664: {  	v37 =	vld.idx.msk [tilespmem:v38+s15+$0x0], $0xffff;
	_ =	sdelay $0x2  }
0x665: {  	v38 =	vor.u32 s0, v4  }
0x666: {  	(v2sf) =	vpush v36, $0x9  }
0x667: {  	[tilespmem:v39+s24+$0x0] =	vst.idx.msk $0xffff, v37;
	v39 =	vld [tilespmem:$0x1FFA0];
	_ =	sdelay $0x2  }
0x668: {  	v37 =	vld.idx.msk [tilespmem:v38+s15+$0x0], $0xffff;
	_ =	sdelay $0x2  }
0x669: {  	v38 =	vor.u32 s0, v6;
	_ =	sdelay $0x1  }
0x66a: {  	[tilespmem:v39+s24+$0x0] =	vst.idx.msk $0xffff, v37;
	v39 =	vld [tilespmem:$0x1FFB0];
	_ =	sdelay $0x2  }
0x66b: {  	v37 =	vld.idx.msk [tilespmem:v38+s15+$0x0], $0xffff;
	_ =	sdelay $0x2  }
0x66c: {  	s4 =	spop (v2sf)  }
0x66d: {  	s0 =	sand.u32 $0x7F, s4  }
0x66e: {  	s5 =	simm.s32 $0x2;
	v38 =	vor.u32 s0, v8;
	[tilespmem:v39+s24+$0x0] =	vst.idx.msk $0xffff, v37  }
0x66f: {  	_ =	swait.ge [sflag:s5], $0x2000  }
0x670: {  	v39 =	vld [tilespmem:$0x1FFC0]  }
0x671: {  	[sflag:s5] =	ssyncset.done $0x0  }
0x672: {  	[sflag:s5] =	ssyncadd.s32 $0xFFFFE000  }
0x673: {  	v37 =	vld.idx.msk [tilespmem:v38+s15+$0x0], $0xffff;
	_ =	sdelay $0x2  }
0x674: {  	v38 =	vor.u32 s0, v9;
	_ =	sdelay $0x1  }
0x675: {  	[tilespmem:v39+s24+$0x0] =	vst.idx.msk $0xffff, v37;
	v39 =	vld [tilespmem:$0x1FFD0];
	_ =	sdelay $0x2  }
0x676: {  	v37 =	vld.idx.msk [tilespmem:v38+s15+$0x0], $0xffff;
	_ =	sdelay $0x2  }
0x677: {  	(v2sf) =	vpush v36, $0xA;
	v38 =	vor.u32 s0, v10;
	_ =	sdelay $0x1  }
0x678: {  	[tilespmem:v39+s24+$0x0] =	vst.idx.msk $0xffff, v37;
	v39 =	vld [tilespmem:$0x1FFE0];
	_ =	sdelay $0x2  }
0x679: {  	v37 =	vld.idx.msk [tilespmem:v38+s15+$0x0], $0xffff;
	_ =	sdelay $0x2  }
0x67a: {  	v38 =	vor.u32 s0, v11;
	_ =	sdelay $0x1  }
0x67b: {  	[tilespmem:v39+s24+$0x0] =	vst.idx.msk $0xffff, v37;
	v39 =	vld [tilespmem:$0x1FFF0];
	_ =	sdelay $0x2  }
0x67c: {  	v37 =	vld.idx.msk [tilespmem:v38+s15+$0x0], $0xffff;
	_ =	sdelay $0x1  }
0x67d: {  	s6 =	spop (v2sf)  }
0x67e: {  	s0 =	sand.u32 $0x7F, s6  }
0x67f: {  	v38 =	vor.u32 s0, v12  }
0x680: {  	[tilespmem:v39+s24+$0x0] =	vst.idx.msk $0xffff, v37  }
0x681: {  	_ =	swait.ge [sflag:s26], $0x2000  }
0x682: {  	[sflag:s26] =	ssyncset.done $0x0  }
0x683: {  	[sflag:s26] =	ssyncadd.s32 $0xFFFFE000  }
0x684: {  	v37 =	vld.idx.msk [tilespmem:v38+s15+$0x0], $0xffff  }
0x685: {  	v38 =	vor.u32 s0, v13;
	_ =	sdelay $0x3  }
0x686: {  	(v2sf) =	vpush v36, $0xB;
	[tilespmem:v40+s24+$0x0] =	vst.idx.msk $0xffff, v37  }
0x687: {  	v37 =	vld.idx.msk [tilespmem:v38+s15+$0x0], $0xffff  }
0x688: {  	v38 =	vor.u32 s0, v14;
	_ =	sdelay $0x3  }
0x689: {  	[tilespmem:v41+s24+$0x0] =	vst.idx.msk $0xffff, v37  }
0x68a: {  	v37 =	vld.idx.msk [tilespmem:v38+s15+$0x0], $0xffff  }
0x68b: {  	v38 =	vor.u32 s0, v15;
	_ =	sdelay $0x3  }
0x68c: {  	[tilespmem:v42+s24+$0x0] =	vst.idx.msk $0xffff, v37  }
0x68d: {  	v37 =	vld.idx.msk [tilespmem:v38+s15+$0x0], $0xffff;
	_ =	sdelay $0x1  }
0x68e: {  	s7 =	spop (v2sf)  }
0x68f: {  	s0 =	sand.u32 $0x7F, s7  }
0x690: {  	v38 =	vor.u32 s0, v16  }
0x691: {  	[tilespmem:v43+s24+$0x0] =	vst.idx.msk $0xffff, v37  }
0x692: {  	_ =	swait.ge [sflag:s28], $0x2000  }
0x693: {  	[sflag:s28] =	ssyncset.done $0x0  }
0x694: {  	[sflag:s28] =	ssyncadd.s32 $0xFFFFE000  }
0x695: {  	v37 =	vld.idx.msk [tilespmem:v38+s15+$0x0], $0xffff  }
0x696: {  	v38 =	vor.u32 s0, v17;
	_ =	sdelay $0x3  }
0x697: {  	(v2sf) =	vpush v36, $0xC;
	[tilespmem:v44+s24+$0x0] =	vst.idx.msk $0xffff, v37  }
0x698: {  	v37 =	vld.idx.msk [tilespmem:v38+s15+$0x0], $0xffff  }
0x699: {  	v38 =	vor.u32 s0, v18;
	_ =	sdelay $0x3  }
0x69a: {  	[tilespmem:v45+s24+$0x0] =	vst.idx.msk $0xffff, v37  }
0x69b: {  	v37 =	vld.idx.msk [tilespmem:v38+s15+$0x0], $0xffff  }
0x69c: {  	v38 =	vor.u32 s0, v19;
	_ =	sdelay $0x3  }
0x69d: {  	[tilespmem:v46+s24+$0x0] =	vst.idx.msk $0xffff, v37  }
0x69e: {  	v37 =	vld.idx.msk [tilespmem:v38+s15+$0x0], $0xffff;
	_ =	sdelay $0x1  }
0x69f: {  	s8 =	spop (v2sf)  }
0x6a0: {  	s0 =	sand.u32 $0x7F, s8  }
0x6a1: {  	v38 =	vor.u32 s0, v20  }
0x6a2: {  	[tilespmem:v47+s24+$0x0] =	vst.idx.msk $0xffff, v37  }
0x6a3: {  	_ =	swait.ge [sflag:s29], $0x2000  }
0x6a4: {  	[sflag:s29] =	ssyncset.done $0x0  }
0x6a5: {  	[sflag:s29] =	ssyncadd.s32 $0xFFFFE000  }
0x6a6: {  	v37 =	vld.idx.msk [tilespmem:v38+s15+$0x0], $0xffff  }
0x6a7: {  	v38 =	vor.u32 s0, v21;
	_ =	sdelay $0x3  }
0x6a8: {  	(v2sf) =	vpush v36, $0xD;
	[tilespmem:v48+s24+$0x0] =	vst.idx.msk $0xffff, v37  }
0x6a9: {  	v37 =	vld.idx.msk [tilespmem:v38+s15+$0x0], $0xffff  }
0x6aa: {  	v38 =	vor.u32 s0, v22;
	_ =	sdelay $0x3  }
0x6ab: {  	[tilespmem:v49+s24+$0x0] =	vst.idx.msk $0xffff, v37  }
0x6ac: {  	v37 =	vld.idx.msk [tilespmem:v38+s15+$0x0], $0xffff  }
0x6ad: {  	v38 =	vor.u32 s0, v23;
	_ =	sdelay $0x3  }
0x6ae: {  	[tilespmem:v50+s24+$0x0] =	vst.idx.msk $0xffff, v37  }
0x6af: {  	v37 =	vld.idx.msk [tilespmem:v38+s15+$0x0], $0xffff;
	_ =	sdelay $0x1  }
0x6b0: {  	s9 =	spop (v2sf)  }
0x6b1: {  	s0 =	sand.u32 $0x7F, s9  }
0x6b2: {  	v38 =	vor.u32 s0, v24  }
0x6b3: {  	[tilespmem:v51+s24+$0x0] =	vst.idx.msk $0xffff, v37  }
0x6b4: {  	_ =	swait.ge [sflag:s30], $0x2000  }
0x6b5: {  	[sflag:s30] =	ssyncset.done $0x0  }
0x6b6: {  	[sflag:s30] =	ssyncadd.s32 $0xFFFFE000  }
0x6b7: {  	v37 =	vld.idx.msk [tilespmem:v38+s15+$0x0], $0xffff  }
0x6b8: {  	v38 =	vor.u32 s0, v25;
	_ =	sdelay $0x3  }
0x6b9: {  	(v2sf) =	vpush v36, $0xE;
	[tilespmem:v52+s24+$0x0] =	vst.idx.msk $0xffff, v37  }
0x6ba: {  	v37 =	vld.idx.msk [tilespmem:v38+s15+$0x0], $0xffff  }
0x6bb: {  	v38 =	vor.u32 s0, v26;
	_ =	sdelay $0x3  }
0x6bc: {  	[tilespmem:v53+s24+$0x0] =	vst.idx.msk $0xffff, v37  }
0x6bd: {  	v37 =	vld.idx.msk [tilespmem:v38+s15+$0x0], $0xffff  }
0x6be: {  	v38 =	vor.u32 s0, v27;
	_ =	sdelay $0x3  }
0x6bf: {  	[tilespmem:v54+s24+$0x0] =	vst.idx.msk $0xffff, v37  }
0x6c0: {  	v37 =	vld.idx.msk [tilespmem:v38+s15+$0x0], $0xffff;
	_ =	sdelay $0x1  }
0x6c1: {  	s10 =	spop (v2sf)  }
0x6c2: {  	s0 =	sand.u32 $0x7F, s10  }
0x6c3: {  	v38 =	vor.u32 s0, v28  }
0x6c4: {  	[tilespmem:v55+s24+$0x0] =	vst.idx.msk $0xffff, v37  }
0x6c5: {  	_ =	swait.ge [sflag:s31], $0x2000  }
0x6c6: {  	[sflag:s31] =	ssyncset.done $0x0  }
0x6c7: {  	[sflag:s31] =	ssyncadd.s32 $0xFFFFE000  }
0x6c8: {  	v37 =	vld.idx.msk [tilespmem:v38+s15+$0x0], $0xffff  }
0x6c9: {  	v38 =	vor.u32 s0, v29;
	_ =	sdelay $0x3  }
0x6ca: {  	(v2sf) =	vpush v36, $0xF;
	[tilespmem:v56+s24+$0x0] =	vst.idx.msk $0xffff, v37  }
0x6cb: {  	v36 =	vld.idx.msk [tilespmem:v38+s15+$0x0], $0xffff  }
0x6cc: {  	v37 =	vor.u32 s0, v30;
	_ =	sdelay $0x3  }
0x6cd: {  	[tilespmem:v57+s24+$0x0] =	vst.idx.msk $0xffff, v36  }
0x6ce: {  	v36 =	vld.idx.msk [tilespmem:v37+s15+$0x0], $0xffff  }
0x6cf: {  	v37 =	vor.u32 s0, v31;
	_ =	sdelay $0x3  }
0x6d0: {  	[tilespmem:v58+s24+$0x0] =	vst.idx.msk $0xffff, v36  }
0x6d1: {  	v36 =	vld.idx.msk [tilespmem:v37+s15+$0x0], $0xffff;
	_ =	sdelay $0x1  }
0x6d2: {  	s11 =	spop (v2sf)  }
0x6d3: {  	s0 =	sand.u32 $0x7F, s11  }
0x6d4: {  	v37 =	vor.u32 s0, v32  }
0x6d5: {  	[tilespmem:v59+s24+$0x0] =	vst.idx.msk $0xffff, v36  }
0x6d6: {  	_ =	swait.ge [sflag:s3], $0x2000  }
0x6d7: {  	[sflag:s3] =	ssyncset.done $0x0  }
0x6d8: {  	[sflag:s3] =	ssyncadd.s32 $0xFFFFE000  }
0x6d9: {  	v36 =	vld.idx.msk [tilespmem:v37+s15+$0x0], $0xffff  }
0x6da: {  	v37 =	vor.u32 s0, v33;
	_ =	sdelay $0x3  }
0x6db: {  	[tilespmem:v60+s24+$0x0] =	vst.idx.msk $0xffff, v36  }
0x6dc: {  	v36 =	vld.idx.msk [tilespmem:v37+s15+$0x0], $0xffff  }
0x6dd: {  	v37 =	vor.u32 s0, v34;
	_ =	sdelay $0x3  }
0x6de: {  	[tilespmem:v61+s24+$0x0] =	vst.idx.msk $0xffff, v36  }
0x6df: {  	v36 =	vld.idx.msk [tilespmem:v37+s15+$0x0], $0xffff  }
0x6e0: {  	v37 =	vor.u32 s0, v35;
	_ =	sdelay $0x3  }
0x6e1: {  	[tilespmem:v62+s24+$0x0] =	vst.idx.msk $0xffff, v36  }
0x6e2: {  	v36 =	vld.idx.msk [tilespmem:v37+s15+$0x0], $0xffff;
	_ =	sdelay $0x3  }
0x6e3: {  	s16 =	simm.s32 $0x1000  }
0x6e4: {  	s17 =	simm.s32 $0x9;
	s4 =	simm.s32 $0x20000;
	s12 =	rddreg [dreg:$0xe];
	[tilespmem:v63+s24+$0x0] =	vst.idx.msk $0xffff, v36  }
0x6e5: {  	[hbm4b:s12+s16] =	stream.strided.scatter [tilespmem:s24], [sflag:$0x9], $0x8000, s4, s16, $0x38;
	[tilespmem:$0x18200] =	vst v63  }
0x6e6: {  	_ =	swait.ge [sflag:s17], $0x8000  }
0x6e7: {  	s18 =	rddreg [dreg:$0x10]  }
0x6e8: {  	s25 =	rddreg [dreg:$0xf];
	s4 =	sadd.s32 $0x1, s18  }
0x6e9: {  	p0 =	sne.s32 s4, s25  }
.Ltmp3:
0x6ea: {  	_ = 	snop;
	(pc) =	sbr.rel @p0 .LBB2_1-.Ltmp3, $4  }
0x6eb: {  	_ = 	snop  }
0x6ec: {  	[sflag:s17] =	ssyncset.done $0x0  }
0x6ed: {  	[sflag:s17] =	ssyncadd.s32 $0xFFFF8000  }
0x6ee: {  	s25 =	rddreg [dreg:$0x3]  }
0x6ef: {  	_ =	sfence.sel $0x180000  }
0x6f0: {  	[bflag:$0x0] =	sbarrier.arrive $0xFFFF  }
0x6f1: {  	_ =	strace $0x90000047  }
0x6f2: {  	s0 =	stileid.u32;
	[bflag:$0x2] =	sbarrier.arrive $0xFFFF  }
0x6f3: {  	p0 =	sne.s32 s0, $0x0;
	s0 =	rddreg [dreg:$0x8]  }
0x6f4: {  	s0 =	sadd.s32 @!p0 $0x100000, s0  }
0x6f5: {  	[sflag:s0] =	ssyncadd.tile.s32 @!p0 $0x1;
	_ =	shalt  }
.Lfunc_end2:
_tile_overlayer_lowered:
.L_overlay_start_2:
0x6f6: {  	(tag) =	ssettag $0x2  }
0x6f7: {  	s0 =	rddreg [dreg:$0x0];
	s2 =	stileid.u32  }
0x6f8: {  	s1 =	rddreg [dreg:$0x1];
	p0 =	sne.s32 s2, $0x0  }
0x6f9: {  	s3 =	rddreg [dreg:$0x2];
	[bflag:$0x3] =	sbarrier.arrive $0xFFFF;
	s2 =	simm.s32 @!p0 $0x1C0A  }
0x6fa: {  	[timem:s3], [sflag:s2] =	dma.local @!p0 [hbm:s0], s1  }
0x6fb: {  	s0 =	simm.s32 @!p0 $0xA  }
0x6fc: {  	_ =	swait.ge @!p0 [sflag:s0], s1  }
0x6fd: {  	s1 =	ssub.s32 @!p0 $0x0, s1;
	[sflag:s0] =	ssyncset.done @!p0 $0x0  }
0x6fe: {  	[sflag:s0] =	ssyncadd.s32 @!p0 s1  }
0x6ff: {  	[bflag:$0x3] =	sbarrier.arrive $0xFFFF  }
0x700: {  	_ =	shalt  }

</sc_bundles>
